<compile_context>
chip_gen: v7x
topology: tpu7x:2x2x1
jax: 0.10.2.dev20260603
libtpu: 0.0.44.dev20260713+nightly
codegen_flags: <defaults>
</compile_context>

<pallas_src>
import functools

import jax
import jax.numpy as jnp
from jax import lax
from jax.experimental import pallas as pl
from jax.experimental.pallas import tpu as pltpu
from jax.experimental.pallas import tpu_sc as plsc

N_NODES = 10000
N_EDGES = 320000
IN_DIM = 128
HID = 64

NC, NS, LANES = 2, 16, 16
NW = NC * NS
EPB = 128
BPT = 80
EPT = EPB * BPT
ETOT = EPT * NW
NPAD = 10240
RPT = NPAD // NS

_MESH = plsc.VectorSubcoreMesh(core_axis_name="c", subcore_axis_name="s")


def _sc_degree_body(dst_hbm, out_hbm, idx_v, ones_v, zrow_v, acc_sh, sem):
    cid = lax.axis_index("c")
    sid = lax.axis_index("s")
    wid = cid * NS + sid
    base = sid * RPT

    def fill(i, _):
        zrow_v[i] = jnp.zeros((LANES,), jnp.float32)
        ones_v[i] = jnp.ones((LANES,), jnp.float32)
        return 0

    lax.fori_loop(0, EPB, fill, 0)
    for k in range(RPT // EPB):
        pltpu.sync_copy(zrow_v, acc_sh.at[pl.ds(base + k * EPB, EPB)])
    pltpu.sync_copy(dst_hbm.at[pl.ds(wid * BPT, BPT)], idx_v)
    plsc.subcore_barrier()

    def fire(j, _):
        pltpu.async_copy(ones_v, acc_sh.at[idx_v.at[j]], sem, add=True)
        return 0

    def drain(j, _):
        pltpu.make_async_copy(ones_v, acc_sh.at[idx_v.at[j]], sem).wait()
        return 0

    lax.fori_loop(0, BPT, fire, 0)
    lax.fori_loop(0, BPT, drain, 0)
    plsc.subcore_barrier()
    pltpu.sync_copy(acc_sh.at[pl.ds(base, RPT)],
                    out_hbm.at[cid, pl.ds(base, RPT)])


_NJ = BPT


def _sc_spmm_body(tbl_hbm, src_hbm, dst_hbm, out_hbm,
                  sidx_v, didx_v, rows_v, acc_sh, tbl_sh,
                  gsem, ssem, isem):
    cid = lax.axis_index("c")
    sid = lax.axis_index("s")
    wid = cid * NS + sid
    base = sid * RPT

    def g_src(j):
        return tbl_sh.at[sidx_v.at[j]]

    def buf(slot):
        return rows_v.at[pl.ds(slot * EPB, EPB)]

    def s_dst(j):
        return acc_sh.at[didx_v.at[j]]

    pltpu.async_copy(src_hbm.at[pl.ds(wid * BPT, BPT)], sidx_v, isem.at[0])
    pltpu.async_copy(dst_hbm.at[pl.ds(wid * BPT, BPT)], didx_v, isem.at[1])

    def fill(i, _):
        for k in range(HID // LANES):
            rows_v[i, pl.ds(k * LANES, LANES)] = jnp.zeros((LANES,), jnp.float32)
        return 0

    lax.fori_loop(0, EPB, fill, 0)
    pltpu.sync_copy(tbl_hbm.at[pl.ds(base, RPT)], tbl_sh.at[pl.ds(base, RPT)])
    for k in range(RPT // EPB):
        pltpu.sync_copy(buf(0), acc_sh.at[pl.ds(base + k * EPB, EPB)])

    pltpu.make_async_copy(src_hbm.at[pl.ds(wid * BPT, BPT)], sidx_v,
                          isem.at[0]).wait()
    pltpu.make_async_copy(dst_hbm.at[pl.ds(wid * BPT, BPT)], didx_v,
                          isem.at[1]).wait()
    plsc.subcore_barrier()
    pltpu.async_copy(g_src(0), buf(0), gsem.at[0])
    pltpu.async_copy(g_src(1), buf(1), gsem.at[1])

    def body(t, _):
        j0 = 2 * t
        pltpu.make_async_copy(g_src(j0), buf(0), gsem.at[0]).wait()
        pltpu.async_copy(buf(0), s_dst(j0), ssem.at[0], add=True)

        @pl.when(t > 0)
        def _():
            pltpu.make_async_copy(buf(1), s_dst(j0 - 1), ssem.at[1]).wait()
            pltpu.async_copy(g_src(j0 + 1), buf(1), gsem.at[1])

        j1 = 2 * t + 1
        pltpu.make_async_copy(g_src(j1), buf(1), gsem.at[1]).wait()
        pltpu.async_copy(buf(1), s_dst(j1), ssem.at[1], add=True)
        pltpu.make_async_copy(buf(0), s_dst(j0), ssem.at[0]).wait()

        @pl.when(t < _NJ // 2 - 1)
        def _():
            pltpu.async_copy(g_src(j1 + 1), buf(0), gsem.at[0])
        return 0

    lax.fori_loop(0, _NJ // 2, body, 0)
    pltpu.make_async_copy(buf(1), s_dst(_NJ - 1), ssem.at[1]).wait()
    plsc.subcore_barrier()
    pltpu.sync_copy(acc_sh.at[pl.ds(base, RPT)],
                    out_hbm.at[cid, pl.ds(base, RPT)])


_SC_PARAMS = pltpu.CompilerParams(use_tc_tiling_on_sc=False)

_deg_call = pl.kernel(
    _sc_degree_body,
    out_type=jax.ShapeDtypeStruct((NC, NPAD, LANES), jnp.float32),
    mesh=_MESH,
    compiler_params=_SC_PARAMS,
    scratch_types=[
        pltpu.VMEM((BPT, EPB), jnp.int32),
        pltpu.VMEM((EPB, LANES), jnp.float32),
        pltpu.VMEM((EPB, LANES), jnp.float32),
        pltpu.VMEM_SHARED((NPAD, LANES), jnp.float32),
        pltpu.SemaphoreType.DMA,
    ],
)

_spmm_call = pl.kernel(
    _sc_spmm_body,
    out_type=jax.ShapeDtypeStruct((NC, NPAD, HID), jnp.float32),
    mesh=_MESH,
    compiler_params=_SC_PARAMS,
    scratch_types=[
        pltpu.VMEM((BPT, EPB), jnp.int32),
        pltpu.VMEM((BPT, EPB), jnp.int32),
        pltpu.VMEM((2 * EPB, HID), jnp.float32),
        pltpu.VMEM_SHARED((NPAD, HID), jnp.float32),
        pltpu.VMEM_SHARED((NPAD, HID), jnp.float32),
        pltpu.SemaphoreType.DMA((2,)),
        pltpu.SemaphoreType.DMA((2,)),
        pltpu.SemaphoreType.DMA((2,)),
    ],
)

_BM = 512
_GRID = NPAD // _BM


def _mm1_body(x_ref, w1_ref, t1_ref):
    t1_ref[...] = jnp.dot(x_ref[...], w1_ref[...],
                          preferred_element_type=jnp.float32)


def _head_body(t1_ref, degp_ref, dinv_ref, u1_ref):
    deg = degp_ref[0, :, 0:1] + degp_ref[1, :, 0:1] + 1.0
    dinv = lax.rsqrt(deg)
    dinv_ref[...] = dinv
    u1_ref[...] = dinv * t1_ref[...]


def _combine_body(n_mats, relu, pre_bias, post_scale, post_bias, *refs):
    i = 0
    acc_ref = refs[i]; i += 1
    u_ref = refs[i]; i += 1
    dinv_ref = refs[i]; i += 1
    b_ref = None
    if pre_bias:
        b_ref = refs[i]; i += 1
    w_refs = refs[i:i + n_mats]; i += n_mats
    pb_ref = None
    if post_bias:
        pb_ref = refs[i]; i += 1
    out_refs = refs[i:]

    dinv = dinv_ref[...]
    z = dinv * (acc_ref[0] + acc_ref[1] + u_ref[...])
    if pre_bias:
        z = z + b_ref[...]
    if relu:
        z = jnp.maximum(z, 0.0)
    if n_mats == 0:
        out_refs[0][...] = dinv * z if post_scale else z
    else:
        for w_ref, o_ref in zip(w_refs, out_refs):
            t = jnp.dot(z, w_ref[...], preferred_element_type=jnp.float32)
            if post_scale:
                t = dinv * t
            if post_bias:
                t = t + pb_ref[...]
            o_ref[...] = t


def _gram_body(a_ref, b_ref, o_ref):
    res = lax.dot_general(
        a_ref[...], b_ref[...], (((1,), (1,)), ((), ())),
        preferred_element_type=jnp.float32)
    o_ref[...] = res[:, :N_NODES]


def _row_spec(width):
    return pl.BlockSpec((_BM, width), lambda i: (i, 0))


def _full_spec(r, c):
    return pl.BlockSpec((r, c), lambda i: (0, 0))


_ACC_SPEC = pl.BlockSpec((NC, _BM, HID), lambda i: (0, i, 0))

_mm1_call = pl.pallas_call(
    _mm1_body,
    grid=(_GRID,),
    in_specs=[_row_spec(IN_DIM), _full_spec(IN_DIM, HID)],
    out_specs=_row_spec(HID),
    out_shape=jax.ShapeDtypeStruct((NPAD, HID), jnp.float32),
)

_head_call = pl.pallas_call(
    _head_body,
    grid=(_GRID,),
    in_specs=[_row_spec(HID),
              pl.BlockSpec((NC, _BM, LANES), lambda i: (0, i, 0))],
    out_specs=[_row_spec(1), _row_spec(HID)],
    out_shape=[jax.ShapeDtypeStruct((NPAD, 1), jnp.float32),
               jax.ShapeDtypeStruct((NPAD, HID), jnp.float32)],
)


def _make_combine(n_mats, relu, pre_bias, post_scale, post_bias,
                  out_widths, out_rows):
    in_specs = [_ACC_SPEC, _row_spec(HID), _row_spec(1)]
    if pre_bias:
        in_specs.append(_full_spec(1, HID))
    for _ in range(n_mats):
        in_specs.append(_full_spec(HID, out_widths[0]))
    if post_bias:
        in_specs.append(_full_spec(1, out_widths[0]))
    return pl.pallas_call(
        functools.partial(_combine_body, n_mats, relu, pre_bias,
                          post_scale, post_bias),
        grid=(_GRID,),
        in_specs=in_specs,
        out_specs=[_row_spec(w) for w in out_widths],
        out_shape=[jax.ShapeDtypeStruct((out_rows, w), jnp.float32)
                   for w in out_widths],
    )


_s1_call = _make_combine(1, True, True, True, False, [HID], NPAD)
_s2p_call = _make_combine(0, False, True, True, False, [HID], NPAD)
_s4_call = _make_combine(1, False, False, False, True, [IN_DIM], N_NODES)

def _dec_body(acc_ref, u_ref, dinv_ref, w5_ref, b5_ref, w3_ref, b3_ref,
              h3_ref, u4_ref):
    dinv = dinv_ref[...]
    g = dinv * (acc_ref[0] + acc_ref[1] + u_ref[...])
    h3f = jnp.dot(g, w5_ref[...],
                  preferred_element_type=jnp.float32) + b5_ref[...]
    h3_ref[...] = h3f.astype(jnp.bfloat16)
    h2 = jnp.maximum(jnp.dot(g, w3_ref[...],
                             preferred_element_type=jnp.float32) + b3_ref[...],
                     0.0)
    u4_ref[...] = dinv * h2


_dec_call = pl.pallas_call(
    _dec_body,
    grid=(_GRID,),
    in_specs=[_ACC_SPEC, _row_spec(HID), _row_spec(1),
              _full_spec(HID, HID), _full_spec(1, HID),
              _full_spec(HID, HID), _full_spec(1, HID)],
    out_specs=[_row_spec(HID), _row_spec(HID)],
    out_shape=[jax.ShapeDtypeStruct((NPAD, HID), jnp.bfloat16),
               jax.ShapeDtypeStruct((NPAD, HID), jnp.float32)],
)

_GB = 256
_gram_call = pl.pallas_call(
    _gram_body,
    grid=(pl.cdiv(N_NODES, _GB),),
    in_specs=[pl.BlockSpec((_GB, HID), lambda i: (i, 0)),
              pl.BlockSpec((NPAD, HID), lambda i: (0, 0))],
    out_specs=pl.BlockSpec((_GB, N_NODES), lambda i: (i, 0)),
    out_shape=jax.ShapeDtypeStruct((N_NODES, N_NODES), jnp.float32),
)


def kernel(x, edge_index, W1, b1, W2, b2, W3, b3, W4, b4, W5, b5):
    ei = edge_index.astype(jnp.int32)
    pad = jnp.full((ETOT - N_EDGES,), N_NODES, jnp.int32)
    srcp = jnp.concatenate([ei[0], pad]).reshape(NW * BPT, EPB)
    dstp = jnp.concatenate([ei[1], pad]).reshape(NW * BPT, EPB)

    b1r = b1.reshape(1, HID)
    b2r = b2.reshape(1, HID)
    b3r = b3.reshape(1, HID)
    b4r = b4.reshape(1, IN_DIM)
    b5r = b5.reshape(1, HID)

    degp = _deg_call(dstp)
    t1 = _mm1_call(x, W1)
    dinv, u1 = _head_call(t1, degp)

    acc1 = _spmm_call(u1, srcp, dstp)
    (u2,) = _s1_call(acc1, u1, dinv, b1r, W2)

    acc2 = _spmm_call(u2, srcp, dstp)
    (ue,) = _s2p_call(acc2, u2, dinv, b2r)

    acce = _spmm_call(ue, srcp, dstp)
    h3, u4 = _dec_call(acce, ue, dinv, W5, b5r, W3, b3r)

    acc4 = _spmm_call(u4, srcp, dstp)
    (x_,) = _s4_call(acc4, u4, dinv, W4, b4r)

    s_ = _gram_call(h3, h3)
    return (x_, s_)

# --- scband reference (transcript-rebuilt; emitter-appended) ---
"""Pipeline reference for scband-dominantbase-5712306504164 (READ-ONLY COPY).

The authoritative reference and input builder live on the scoring server;
editing this copy changes nothing except your own understanding.
"""

import jax, jax.numpy as jnp
import numpy as np

N = 10000
E = 320000
IN_DIM = 128
HID = 64


def setup_inputs(seed: int = 0) -> dict:
    key = jax.random.key(seed)
    ks = [jax.random.fold_in(key, i) for i in range(16)]
    x = jax.random.normal(ks[0], (N, IN_DIM), dtype=jnp.float32)
    edge_index = jax.random.randint(ks[1], (2, E), 0, N, dtype=jnp.int64)
    s = 0.05
    # shared encoder (2 GCN layers): in->hid, hid->hid
    W1 = jax.random.normal(ks[2], (IN_DIM, HID), dtype=jnp.float32) * s
    b1 = jnp.zeros((HID,), dtype=jnp.float32)
    W2 = jax.random.normal(ks[3], (HID, HID), dtype=jnp.float32) * s
    b2 = jnp.zeros((HID,), dtype=jnp.float32)
    # attr decoder (2 GCN layers): hid->hid, hid->in
    W3 = jax.random.normal(ks[4], (HID, HID), dtype=jnp.float32) * s
    b3 = jnp.zeros((HID,), dtype=jnp.float32)
    W4 = jax.random.normal(ks[5], (HID, IN_DIM), dtype=jnp.float32) * s
    b4 = jnp.zeros((IN_DIM,), dtype=jnp.float32)
    # struct decoder backbone (1 GCN layer): hid->hid
    W5 = jax.random.normal(ks[6], (HID, HID), dtype=jnp.float32) * s
    b5 = jnp.zeros((HID,), dtype=jnp.float32)
    return {"x": x, "edge_index": edge_index, "W1": W1, "b1": b1, "W2": W2, "b2": b2, "W3": W3, "b3": b3, "W4": W4, "b4": b4, "W5": W5, "b5": b5}


def reference(x, edge_index, W1, b1, W2, b2, W3, b3, W4, b4, W5, b5):
    n = x.shape[0]
    # GCN symmetric normalization with self-loops (PyG gcn_norm)
    loop = jnp.arange(n, dtype=edge_index.dtype)
    src = jnp.concatenate([edge_index[0], loop])
    dst = jnp.concatenate([edge_index[1], loop])
    deg = jax.ops.segment_sum(jnp.ones_like(dst, dtype=x.dtype), dst, num_segments=n)
    dinv = jnp.where(deg > 0, jax.lax.rsqrt(jnp.maximum(deg, 1e-12)), 0.0)
    norm = dinv[src] * dinv[dst]

    def gcn_conv(h, W, b):
        h = h @ W
        msg = h[src] * norm[:, None]
        out = jax.ops.segment_sum(msg, dst, num_segments=n)
        return out + b

    # shared encoder (act between layers, dropout=0)
    h = jax.nn.relu(gcn_conv(x, W1, b1))
    emb = gcn_conv(h, W2, b2)
    # attribute decoder
    h2 = jax.nn.relu(gcn_conv(emb, W3, b3))
    x_ = gcn_conv(h2, W4, b4)
    # structure decoder: GCN then dot-product (sigmoid_s=False)
    h3 = gcn_conv(emb, W5, b5)
    s_ = h3 @ h3.T
    return (x_, s_)

if __name__ == "__main__":
    import jax
    _d = setup_inputs()
    print(jax.jit(kernel)(*tuple(_d.values())))

</pallas_src>

<mosaic_0001>
#map = affine_map<(d0, d1) -> (0, 0)>
#map1 = affine_map<(d0, d1) -> (0, 0, 0)>
module attributes {stable_mosaic.version = 14 : i64} {
  func.func @_sc_spmm_body(%arg0: i32, %arg1: i32, %arg2: memref<10240x64xf32, #tpu.memory_space<hbm>>, %arg3: memref<2560x128xi32, #tpu.memory_space<hbm>>, %arg4: memref<2560x128xi32, #tpu.memory_space<hbm>>, %arg5: memref<2x10240x64xf32, #tpu.memory_space<hbm>>, %arg6: memref<80x128xi32, #tpu.memory_space<vmem>>, %arg7: memref<80x128xi32, #tpu.memory_space<vmem>>, %arg8: memref<256x64xf32, #tpu.memory_space<vmem>>, %arg9: memref<10240x64xf32, #tpu.memory_space<vmem_shared>>, %arg10: memref<10240x64xf32, #tpu.memory_space<vmem_shared>>, %arg11: memref<2x!tpu.dma_semaphore, #tpu.memory_space<semaphore_mem>>, %arg12: memref<2x!tpu.dma_semaphore, #tpu.memory_space<semaphore_mem>>, %arg13: memref<2x!tpu.dma_semaphore, #tpu.memory_space<semaphore_mem>>) attributes {dimension_semantics = [#tpu.dimension_semantics<core_parallel>, #tpu.dimension_semantics<subcore_parallel>], iteration_bounds = array<i64: 2, 16>, scalar_prefetch = 0 : i64, scratch_operands = 8 : i64, tpu.core_type = #tpu.core_type<sc_vector_subcore>, window_params = [{transform_indices = #map}, {transform_indices = #map}, {transform_indices = #map}, {transform_indices = #map1}]} {
    %mul3A = arith.constant 16 : i32
    %mul3A_0 = arith.muli %arg0, %mul3A : i32
    %add3A = arith.addi %mul3A_0, %arg1 : i32
    %mul3A_1 = arith.constant 640 : i32
    %mul3A_2 = arith.muli %arg1, %mul3A_1 : i32
    %mul3A_3 = arith.constant 80 : i32
    %mul3A_4 = arith.muli %add3A, %mul3A_3 : i32
    %dma_start3A = arith.constant 0 : i32
    %dma_start3A_5 = arith.constant 0 : i32
    %dma_start3A_6 = tpu.memref_slice %arg3[%mul3A_4, %dma_start3A_5] : memref<2560x128xi32, #tpu.memory_space<hbm>> -> memref<80x128xi32, #tpu.memory_space<hbm>>
    %dma_start3A_7 = tpu.memref_slice %arg13[%dma_start3A] : memref<2x!tpu.dma_semaphore, #tpu.memory_space<semaphore_mem>> -> memref<1x!tpu.dma_semaphore, #tpu.memory_space<semaphore_mem>>
    %dma_start3A_8 = tpu.memref_squeeze %dma_start3A_7 : memref<1x!tpu.dma_semaphore, #tpu.memory_space<semaphore_mem>> -> memref<!tpu.dma_semaphore, #tpu.memory_space<semaphore_mem>>
    %dma_start3A_9 = arith.constant 0 : i32
    %dma_start3A_10 = tpu.memref_slice %arg3[%mul3A_4, %dma_start3A_9] : memref<2560x128xi32, #tpu.memory_space<hbm>> -> memref<80x128xi32, #tpu.memory_space<hbm>>
    tpu.enqueue_dma source(%dma_start3A_10 : memref<80x128xi32, #tpu.memory_space<hbm>>) target(%arg6 : memref<80x128xi32, #tpu.memory_space<vmem>>) target_semaphore(%dma_start3A_8 : memref<!tpu.dma_semaphore, #tpu.memory_space<semaphore_mem>>)
    %mul3A_11 = arith.constant 80 : i32
    %mul3A_12 = arith.muli %add3A, %mul3A_11 : i32
    %dma_start3A_13 = arith.constant 1 : i32
    %dma_start3A_14 = arith.constant 0 : i32
    %dma_start3A_15 = tpu.memref_slice %arg4[%mul3A_12, %dma_start3A_14] : memref<2560x128xi32, #tpu.memory_space<hbm>> -> memref<80x128xi32, #tpu.memory_space<hbm>>
    %dma_start3A_16 = tpu.memref_slice %arg13[%dma_start3A_13] : memref<2x!tpu.dma_semaphore, #tpu.memory_space<semaphore_mem>> -> memref<1x!tpu.dma_semaphore, #tpu.memory_space<semaphore_mem>>
    %dma_start3A_17 = tpu.memref_squeeze %dma_start3A_16 : memref<1x!tpu.dma_semaphore, #tpu.memory_space<semaphore_mem>> -> memref<!tpu.dma_semaphore, #tpu.memory_space<semaphore_mem>>
    %dma_start3A_18 = arith.constant 0 : i32
    %dma_start3A_19 = tpu.memref_slice %arg4[%mul3A_12, %dma_start3A_18] : memref<2560x128xi32, #tpu.memory_space<hbm>> -> memref<80x128xi32, #tpu.memory_space<hbm>>
    tpu.enqueue_dma source(%dma_start3A_19 : memref<80x128xi32, #tpu.memory_space<hbm>>) target(%arg7 : memref<80x128xi32, #tpu.memory_space<vmem>>) target_semaphore(%dma_start3A_17 : memref<!tpu.dma_semaphore, #tpu.memory_space<semaphore_mem>>)
    %scan3A = arith.constant 0 : i32
    %scan3A_20 = arith.constant 0 : i32
    %scan3A_21 = arith.constant 128 : i32
    %scan3A_22 = arith.addi %scan3A_20, %scan3A_21 : i32
    %scan3A_23 = arith.constant 1 : i32
    %scan3A_24 = scf.for %scan3A_100 = %scan3A_20 to %scan3A_22 step %scan3A_23 iter_args(%scan3A_101 = %scan3A) -> (i32)  : i32 {
      %broadcast_in_dim3A = arith.constant 0.000000e+00 : f32
      %broadcast_in_dim3A_102 = vector.broadcast %broadcast_in_dim3A : f32 to vector<16xf32>
      %swap3A = arith.index_cast %scan3A_100 : i32 to index
      %swap3A_103 = arith.constant 0 : index
      %swap3A_104 = tpu.vector_load %arg8[%swap3A, %swap3A_103] {strides = array<i32>} : memref<256x64xf32, #tpu.memory_space<vmem>>, vector<1x16xf32>,
      %swap3A_105 = vector.shape_cast %swap3A_104 : vector<1x16xf32> to vector<16xf32>
      %swap3A_106 = vector.shape_cast %broadcast_in_dim3A_102 : vector<16xf32> to vector<1x16xf32>
      tpu.vector_store %arg8[%swap3A, %swap3A_103], %swap3A_106 {strides = array<i32>} : memref<256x64xf32, #tpu.memory_space<vmem>>, vector<1x16xf32>,
      %broadcast_in_dim3A_107 = arith.constant 0.000000e+00 : f32
      %broadcast_in_dim3A_108 = vector.broadcast %broadcast_in_dim3A_107 : f32 to vector<16xf32>
      %swap3A_109 = arith.index_cast %scan3A_100 : i32 to index
      %swap3A_110 = arith.constant 16 : index
      %swap3A_111 = tpu.vector_load %arg8[%swap3A_109, %swap3A_110] {strides = array<i32>} : memref<256x64xf32, #tpu.memory_space<vmem>>, vector<1x16xf32>,
      %swap3A_112 = vector.shape_cast %swap3A_111 : vector<1x16xf32> to vector<16xf32>
      %swap3A_113 = vector.shape_cast %broadcast_in_dim3A_108 : vector<16xf32> to vector<1x16xf32>
      tpu.vector_store %arg8[%swap3A_109, %swap3A_110], %swap3A_113 {strides = array<i32>} : memref<256x64xf32, #tpu.memory_space<vmem>>, vector<1x16xf32>,
      %broadcast_in_dim3A_114 = arith.constant 0.000000e+00 : f32
      %broadcast_in_dim3A_115 = vector.broadcast %broadcast_in_dim3A_114 : f32 to vector<16xf32>
      %swap3A_116 = arith.index_cast %scan3A_100 : i32 to index
      %swap3A_117 = arith.constant 32 : index
      %swap3A_118 = tpu.vector_load %arg8[%swap3A_116, %swap3A_117] {strides = array<i32>} : memref<256x64xf32, #tpu.memory_space<vmem>>, vector<1x16xf32>,
      %swap3A_119 = vector.shape_cast %swap3A_118 : vector<1x16xf32> to vector<16xf32>
      %swap3A_120 = vector.shape_cast %broadcast_in_dim3A_115 : vector<16xf32> to vector<1x16xf32>
      tpu.vector_store %arg8[%swap3A_116, %swap3A_117], %swap3A_120 {strides = array<i32>} : memref<256x64xf32, #tpu.memory_space<vmem>>, vector<1x16xf32>,
      %broadcast_in_dim3A_121 = arith.constant 0.000000e+00 : f32
      %broadcast_in_dim3A_122 = vector.broadcast %broadcast_in_dim3A_121 : f32 to vector<16xf32>
      %swap3A_123 = arith.index_cast %scan3A_100 : i32 to index
      %swap3A_124 = arith.constant 48 : index
      %swap3A_125 = tpu.vector_load %arg8[%swap3A_123, %swap3A_124] {strides = array<i32>} : memref<256x64xf32, #tpu.memory_space<vmem>>, vector<1x16xf32>,
      %swap3A_126 = vector.shape_cast %swap3A_125 : vector<1x16xf32> to vector<16xf32>
      %swap3A_127 = vector.shape_cast %broadcast_in_dim3A_122 : vector<16xf32> to vector<1x16xf32>
      tpu.vector_store %arg8[%swap3A_123, %swap3A_124], %swap3A_127 {strides = array<i32>} : memref<256x64xf32, #tpu.memory_space<vmem>>, vector<1x16xf32>,
      %scan3A_128 = arith.constant 0 : i32
      scf.yield %scan3A_128 : i32
    }
    %scan3A_25 = arith.constant 128 : i32
    "tpu.region"() ({
      %run_scoped3A = tpu.sem_alloc : memref<!tpu.dma_semaphore, #tpu.memory_space<semaphore_mem>>
      %dma_start3A_100 = arith.constant 0 : i32
      %dma_start3A_101 = tpu.memref_slice %arg10[%mul3A_2, %dma_start3A_100] : memref<10240x64xf32, #tpu.memory_space<vmem_shared>> -> memref<640x64xf32, #tpu.memory_space<vmem_shared>>
      %dma_start3A_102 = arith.constant 0 : i32
      %dma_start3A_103 = tpu.memref_slice %arg2[%mul3A_2, %dma_start3A_102] : memref<10240x64xf32, #tpu.memory_space<hbm>> -> memref<640x64xf32, #tpu.memory_space<hbm>>
      tpu.enqueue_dma source(%dma_start3A_103 : memref<640x64xf32, #tpu.memory_space<hbm>>) target(%dma_start3A_101 : memref<640x64xf32, #tpu.memory_space<vmem_shared>>) target_semaphore(%run_scoped3A : memref<!tpu.dma_semaphore, #tpu.memory_space<semaphore_mem>>)
      %dma_wait3A_104 = arith.constant 0 : i32
      %dma_wait3A_105 = tpu.memref_slice %arg10[%mul3A_2, %dma_wait3A_104] : memref<10240x64xf32, #tpu.memory_space<vmem_shared>> -> memref<640x64xf32, #tpu.memory_space<vmem_shared>>
      %dma_wait3A_106 = arith.constant 0 : i32
      %dma_wait3A_107 = tpu.memref_slice %arg2[%mul3A_2, %dma_wait3A_106] : memref<10240x64xf32, #tpu.memory_space<hbm>> -> memref<640x64xf32, #tpu.memory_space<hbm>>
      tpu.wait_dma2 semaphore(%run_scoped3A : memref<!tpu.dma_semaphore, #tpu.memory_space<semaphore_mem>>) src(%dma_wait3A_107 : memref<640x64xf32, #tpu.memory_space<hbm>>) dst(%dma_wait3A_105 : memref<640x64xf32, #tpu.memory_space<vmem_shared>>)
      tpu.yield
    }) : () -> ()
    %add3A_26 = arith.constant 0 : i32
    %add3A_27 = arith.addi %mul3A_2, %add3A_26 : i32
    "tpu.region"() ({
      %run_scoped3A = tpu.sem_alloc : memref<!tpu.dma_semaphore, #tpu.memory_space<semaphore_mem>>
      %dma_start3A_100 = arith.constant 0 : i32
      %dma_start3A_101 = arith.constant 0 : i32
      %dma_start3A_102 = tpu.memref_slice %arg8[%dma_start3A_100, %dma_start3A_101] : memref<256x64xf32, #tpu.memory_space<vmem>> -> memref<128x64xf32, #tpu.memory_space<vmem>>
      %dma_start3A_103 = arith.constant 0 : i32
      %dma_start3A_104 = tpu.memref_slice %arg9[%add3A_27, %dma_start3A_103] : memref<10240x64xf32, #tpu.memory_space<vmem_shared>> -> memref<128x64xf32, #tpu.memory_space<vmem_shared>>
      %dma_start3A_105 = arith.constant 0 : i32
      %dma_start3A_106 = tpu.memref_slice %arg9[%add3A_27, %dma_start3A_105] : memref<10240x64xf32, #tpu.memory_space<vmem_shared>> -> memref<128x64xf32, #tpu.memory_space<vmem_shared>>
      %dma_start3A_107 = arith.constant 0 : i32
      %dma_start3A_108 = arith.constant 0 : i32
      %dma_start3A_109 = tpu.memref_slice %arg8[%dma_start3A_107, %dma_start3A_108] : memref<256x64xf32, #tpu.memory_space<vmem>> -> memref<128x64xf32, #tpu.memory_space<vmem>>
      tpu.enqueue_dma source(%dma_start3A_109 : memref<128x64xf32, #tpu.memory_space<vmem>>) target(%dma_start3A_106 : memref<128x64xf32, #tpu.memory_space<vmem_shared>>) target_semaphore(%run_scoped3A : memref<!tpu.dma_semaphore, #tpu.memory_space<semaphore_mem>>)
      %dma_wait3A_110 = arith.constant 0 : i32
      %dma_wait3A_111 = arith.constant 0 : i32
      %dma_wait3A_112 = tpu.memref_slice %arg8[%dma_wait3A_110, %dma_wait3A_111] : memref<256x64xf32, #tpu.memory_space<vmem>> -> memref<128x64xf32, #tpu.memory_space<vmem>>
      %dma_wait3A_113 = arith.constant 0 : i32
      %dma_wait3A_114 = tpu.memref_slice %arg9[%add3A_27, %dma_wait3A_113] : memref<10240x64xf32, #tpu.memory_space<vmem_shared>> -> memref<128x64xf32, #tpu.memory_space<vmem_shared>>
      %dma_wait3A_115 = arith.constant 0 : i32
      %dma_wait3A_116 = tpu.memref_slice %arg9[%add3A_27, %dma_wait3A_115] : memref<10240x64xf32, #tpu.memory_space<vmem_shared>> -> memref<128x64xf32, #tpu.memory_space<vmem_shared>>
      %dma_wait3A_117 = arith.constant 0 : i32
      %dma_wait3A_118 = arith.constant 0 : i32
      %dma_wait3A_119 = tpu.memref_slice %arg8[%dma_wait3A_117, %dma_wait3A_118] : memref<256x64xf32, #tpu.memory_space<vmem>> -> memref<128x64xf32, #tpu.memory_space<vmem>>
      tpu.wait_dma2 semaphore(%run_scoped3A : memref<!tpu.dma_semaphore, #tpu.memory_space<semaphore_mem>>) src(%dma_wait3A_119 : memref<128x64xf32, #tpu.memory_space<vmem>>) dst(%dma_wait3A_116 : memref<128x64xf32, #tpu.memory_space<vmem_shared>>)
      tpu.yield
    }) : () -> ()
    %add3A_28 = arith.constant 128 : i32
    %add3A_29 = arith.addi %mul3A_2, %add3A_28 : i32
    "tpu.region"() ({
      %run_scoped3A = tpu.sem_alloc : memref<!tpu.dma_semaphore, #tpu.memory_space<semaphore_mem>>
      %dma_start3A_100 = arith.constant 0 : i32
      %dma_start3A_101 = arith.constant 0 : i32
      %dma_start3A_102 = tpu.memref_slice %arg8[%dma_start3A_100, %dma_start3A_101] : memref<256x64xf32, #tpu.memory_space<vmem>> -> memref<128x64xf32, #tpu.memory_space<vmem>>
      %dma_start3A_103 = arith.constant 0 : i32
      %dma_start3A_104 = tpu.memref_slice %arg9[%add3A_29, %dma_start3A_103] : memref<10240x64xf32, #tpu.memory_space<vmem_shared>> -> memref<128x64xf32, #tpu.memory_space<vmem_shared>>
      %dma_start3A_105 = arith.constant 0 : i32
      %dma_start3A_106 = tpu.memref_slice %arg9[%add3A_29, %dma_start3A_105] : memref<10240x64xf32, #tpu.memory_space<vmem_shared>> -> memref<128x64xf32, #tpu.memory_space<vmem_shared>>
      %dma_start3A_107 = arith.constant 0 : i32
      %dma_start3A_108 = arith.constant 0 : i32
      %dma_start3A_109 = tpu.memref_slice %arg8[%dma_start3A_107, %dma_start3A_108] : memref<256x64xf32, #tpu.memory_space<vmem>> -> memref<128x64xf32, #tpu.memory_space<vmem>>
      tpu.enqueue_dma source(%dma_start3A_109 : memref<128x64xf32, #tpu.memory_space<vmem>>) target(%dma_start3A_106 : memref<128x64xf32, #tpu.memory_space<vmem_shared>>) target_semaphore(%run_scoped3A : memref<!tpu.dma_semaphore, #tpu.memory_space<semaphore_mem>>)
      %dma_wait3A_110 = arith.constant 0 : i32
      %dma_wait3A_111 = arith.constant 0 : i32
      %dma_wait3A_112 = tpu.memref_slice %arg8[%dma_wait3A_110, %dma_wait3A_111] : memref<256x64xf32, #tpu.memory_space<vmem>> -> memref<128x64xf32, #tpu.memory_space<vmem>>
      %dma_wait3A_113 = arith.constant 0 : i32
      %dma_wait3A_114 = tpu.memref_slice %arg9[%add3A_29, %dma_wait3A_113] : memref<10240x64xf32, #tpu.memory_space<vmem_shared>> -> memref<128x64xf32, #tpu.memory_space<vmem_shared>>
      %dma_wait3A_115 = arith.constant 0 : i32
      %dma_wait3A_116 = tpu.memref_slice %arg9[%add3A_29, %dma_wait3A_115] : memref<10240x64xf32, #tpu.memory_space<vmem_shared>> -> memref<128x64xf32, #tpu.memory_space<vmem_shared>>
      %dma_wait3A_117 = arith.constant 0 : i32
      %dma_wait3A_118 = arith.constant 0 : i32
      %dma_wait3A_119 = tpu.memref_slice %arg8[%dma_wait3A_117, %dma_wait3A_118] : memref<256x64xf32, #tpu.memory_space<vmem>> -> memref<128x64xf32, #tpu.memory_space<vmem>>
      tpu.wait_dma2 semaphore(%run_scoped3A : memref<!tpu.dma_semaphore, #tpu.memory_space<semaphore_mem>>) src(%dma_wait3A_119 : memref<128x64xf32, #tpu.memory_space<vmem>>) dst(%dma_wait3A_116 : memref<128x64xf32, #tpu.memory_space<vmem_shared>>)
      tpu.yield
    }) : () -> ()
    %add3A_30 = arith.constant 256 : i32
    %add3A_31 = arith.addi %mul3A_2, %add3A_30 : i32
    "tpu.region"() ({
      %run_scoped3A = tpu.sem_alloc : memref<!tpu.dma_semaphore, #tpu.memory_space<semaphore_mem>>
      %dma_start3A_100 = arith.constant 0 : i32
      %dma_start3A_101 = arith.constant 0 : i32
      %dma_start3A_102 = tpu.memref_slice %arg8[%dma_start3A_100, %dma_start3A_101] : memref<256x64xf32, #tpu.memory_space<vmem>> -> memref<128x64xf32, #tpu.memory_space<vmem>>
      %dma_start3A_103 = arith.constant 0 : i32
      %dma_start3A_104 = tpu.memref_slice %arg9[%add3A_31, %dma_start3A_103] : memref<10240x64xf32, #tpu.memory_space<vmem_shared>> -> memref<128x64xf32, #tpu.memory_space<vmem_shared>>
      %dma_start3A_105 = arith.constant 0 : i32
      %dma_start3A_106 = tpu.memref_slice %arg9[%add3A_31, %dma_start3A_105] : memref<10240x64xf32, #tpu.memory_space<vmem_shared>> -> memref<128x64xf32, #tpu.memory_space<vmem_shared>>
      %dma_start3A_107 = arith.constant 0 : i32
      %dma_start3A_108 = arith.constant 0 : i32
      %dma_start3A_109 = tpu.memref_slice %arg8[%dma_start3A_107, %dma_start3A_108] : memref<256x64xf32, #tpu.memory_space<vmem>> -> memref<128x64xf32, #tpu.memory_space<vmem>>
      tpu.enqueue_dma source(%dma_start3A_109 : memref<128x64xf32, #tpu.memory_space<vmem>>) target(%dma_start3A_106 : memref<128x64xf32, #tpu.memory_space<vmem_shared>>) target_semaphore(%run_scoped3A : memref<!tpu.dma_semaphore, #tpu.memory_space<semaphore_mem>>)
      %dma_wait3A_110 = arith.constant 0 : i32
      %dma_wait3A_111 = arith.constant 0 : i32
      %dma_wait3A_112 = tpu.memref_slice %arg8[%dma_wait3A_110, %dma_wait3A_111] : memref<256x64xf32, #tpu.memory_space<vmem>> -> memref<128x64xf32, #tpu.memory_space<vmem>>
      %dma_wait3A_113 = arith.constant 0 : i32
      %dma_wait3A_114 = tpu.memref_slice %arg9[%add3A_31, %dma_wait3A_113] : memref<10240x64xf32, #tpu.memory_space<vmem_shared>> -> memref<128x64xf32, #tpu.memory_space<vmem_shared>>
      %dma_wait3A_115 = arith.constant 0 : i32
      %dma_wait3A_116 = tpu.memref_slice %arg9[%add3A_31, %dma_wait3A_115] : memref<10240x64xf32, #tpu.memory_space<vmem_shared>> -> memref<128x64xf32, #tpu.memory_space<vmem_shared>>
      %dma_wait3A_117 = arith.constant 0 : i32
      %dma_wait3A_118 = arith.constant 0 : i32
      %dma_wait3A_119 = tpu.memref_slice %arg8[%dma_wait3A_117, %dma_wait3A_118] : memref<256x64xf32, #tpu.memory_space<vmem>> -> memref<128x64xf32, #tpu.memory_space<vmem>>
      tpu.wait_dma2 semaphore(%run_scoped3A : memref<!tpu.dma_semaphore, #tpu.memory_space<semaphore_mem>>) src(%dma_wait3A_119 : memref<128x64xf32, #tpu.memory_space<vmem>>) dst(%dma_wait3A_116 : memref<128x64xf32, #tpu.memory_space<vmem_shared>>)
      tpu.yield
    }) : () -> ()
    %add3A_32 = arith.constant 384 : i32
    %add3A_33 = arith.addi %mul3A_2, %add3A_32 : i32
    "tpu.region"() ({
      %run_scoped3A = tpu.sem_alloc : memref<!tpu.dma_semaphore, #tpu.memory_space<semaphore_mem>>
      %dma_start3A_100 = arith.constant 0 : i32
      %dma_start3A_101 = arith.constant 0 : i32
      %dma_start3A_102 = tpu.memref_slice %arg8[%dma_start3A_100, %dma_start3A_101] : memref<256x64xf32, #tpu.memory_space<vmem>> -> memref<128x64xf32, #tpu.memory_space<vmem>>
      %dma_start3A_103 = arith.constant 0 : i32
      %dma_start3A_104 = tpu.memref_slice %arg9[%add3A_33, %dma_start3A_103] : memref<10240x64xf32, #tpu.memory_space<vmem_shared>> -> memref<128x64xf32, #tpu.memory_space<vmem_shared>>
      %dma_start3A_105 = arith.constant 0 : i32
      %dma_start3A_106 = tpu.memref_slice %arg9[%add3A_33, %dma_start3A_105] : memref<10240x64xf32, #tpu.memory_space<vmem_shared>> -> memref<128x64xf32, #tpu.memory_space<vmem_shared>>
      %dma_start3A_107 = arith.constant 0 : i32
      %dma_start3A_108 = arith.constant 0 : i32
      %dma_start3A_109 = tpu.memref_slice %arg8[%dma_start3A_107, %dma_start3A_108] : memref<256x64xf32, #tpu.memory_space<vmem>> -> memref<128x64xf32, #tpu.memory_space<vmem>>
      tpu.enqueue_dma source(%dma_start3A_109 : memref<128x64xf32, #tpu.memory_space<vmem>>) target(%dma_start3A_106 : memref<128x64xf32, #tpu.memory_space<vmem_shared>>) target_semaphore(%run_scoped3A : memref<!tpu.dma_semaphore, #tpu.memory_space<semaphore_mem>>)
      %dma_wait3A_110 = arith.constant 0 : i32
      %dma_wait3A_111 = arith.constant 0 : i32
      %dma_wait3A_112 = tpu.memref_slice %arg8[%dma_wait3A_110, %dma_wait3A_111] : memref<256x64xf32, #tpu.memory_space<vmem>> -> memref<128x64xf32, #tpu.memory_space<vmem>>
      %dma_wait3A_113 = arith.constant 0 : i32
      %dma_wait3A_114 = tpu.memref_slice %arg9[%add3A_33, %dma_wait3A_113] : memref<10240x64xf32, #tpu.memory_space<vmem_shared>> -> memref<128x64xf32, #tpu.memory_space<vmem_shared>>
      %dma_wait3A_115 = arith.constant 0 : i32
      %dma_wait3A_116 = tpu.memref_slice %arg9[%add3A_33, %dma_wait3A_115] : memref<10240x64xf32, #tpu.memory_space<vmem_shared>> -> memref<128x64xf32, #tpu.memory_space<vmem_shared>>
      %dma_wait3A_117 = arith.constant 0 : i32
      %dma_wait3A_118 = arith.constant 0 : i32
      %dma_wait3A_119 = tpu.memref_slice %arg8[%dma_wait3A_117, %dma_wait3A_118] : memref<256x64xf32, #tpu.memory_space<vmem>> -> memref<128x64xf32, #tpu.memory_space<vmem>>
      tpu.wait_dma2 semaphore(%run_scoped3A : memref<!tpu.dma_semaphore, #tpu.memory_space<semaphore_mem>>) src(%dma_wait3A_119 : memref<128x64xf32, #tpu.memory_space<vmem>>) dst(%dma_wait3A_116 : memref<128x64xf32, #tpu.memory_space<vmem_shared>>)
      tpu.yield
    }) : () -> ()
    %add3A_34 = arith.constant 512 : i32
    %add3A_35 = arith.addi %mul3A_2, %add3A_34 : i32
    "tpu.region"() ({
      %run_scoped3A = tpu.sem_alloc : memref<!tpu.dma_semaphore, #tpu.memory_space<semaphore_mem>>
      %dma_start3A_100 = arith.constant 0 : i32
      %dma_start3A_101 = arith.constant 0 : i32
      %dma_start3A_102 = tpu.memref_slice %arg8[%dma_start3A_100, %dma_start3A_101] : memref<256x64xf32, #tpu.memory_space<vmem>> -> memref<128x64xf32, #tpu.memory_space<vmem>>
      %dma_start3A_103 = arith.constant 0 : i32
      %dma_start3A_104 = tpu.memref_slice %arg9[%add3A_35, %dma_start3A_103] : memref<10240x64xf32, #tpu.memory_space<vmem_shared>> -> memref<128x64xf32, #tpu.memory_space<vmem_shared>>
      %dma_start3A_105 = arith.constant 0 : i32
      %dma_start3A_106 = tpu.memref_slice %arg9[%add3A_35, %dma_start3A_105] : memref<10240x64xf32, #tpu.memory_space<vmem_shared>> -> memref<128x64xf32, #tpu.memory_space<vmem_shared>>
      %dma_start3A_107 = arith.constant 0 : i32
      %dma_start3A_108 = arith.constant 0 : i32
      %dma_start3A_109 = tpu.memref_slice %arg8[%dma_start3A_107, %dma_start3A_108] : memref<256x64xf32, #tpu.memory_space<vmem>> -> memref<128x64xf32, #tpu.memory_space<vmem>>
      tpu.enqueue_dma source(%dma_start3A_109 : memref<128x64xf32, #tpu.memory_space<vmem>>) target(%dma_start3A_106 : memref<128x64xf32, #tpu.memory_space<vmem_shared>>) target_semaphore(%run_scoped3A : memref<!tpu.dma_semaphore, #tpu.memory_space<semaphore_mem>>)
      %dma_wait3A_110 = arith.constant 0 : i32
      %dma_wait3A_111 = arith.constant 0 : i32
      %dma_wait3A_112 = tpu.memref_slice %arg8[%dma_wait3A_110, %dma_wait3A_111] : memref<256x64xf32, #tpu.memory_space<vmem>> -> memref<128x64xf32, #tpu.memory_space<vmem>>
      %dma_wait3A_113 = arith.constant 0 : i32
      %dma_wait3A_114 = tpu.memref_slice %arg9[%add3A_35, %dma_wait3A_113] : memref<10240x64xf32, #tpu.memory_space<vmem_shared>> -> memref<128x64xf32, #tpu.memory_space<vmem_shared>>
      %dma_wait3A_115 = arith.constant 0 : i32
      %dma_wait3A_116 = tpu.memref_slice %arg9[%add3A_35, %dma_wait3A_115] : memref<10240x64xf32, #tpu.memory_space<vmem_shared>> -> memref<128x64xf32, #tpu.memory_space<vmem_shared>>
      %dma_wait3A_117 = arith.constant 0 : i32
      %dma_wait3A_118 = arith.constant 0 : i32
      %dma_wait3A_119 = tpu.memref_slice %arg8[%dma_wait3A_117, %dma_wait3A_118] : memref<256x64xf32, #tpu.memory_space<vmem>> -> memref<128x64xf32, #tpu.memory_space<vmem>>
      tpu.wait_dma2 semaphore(%run_scoped3A : memref<!tpu.dma_semaphore, #tpu.memory_space<semaphore_mem>>) src(%dma_wait3A_119 : memref<128x64xf32, #tpu.memory_space<vmem>>) dst(%dma_wait3A_116 : memref<128x64xf32, #tpu.memory_space<vmem_shared>>)
      tpu.yield
    }) : () -> ()
    %mul3A_36 = arith.constant 80 : i32
    %mul3A_37 = arith.muli %add3A, %mul3A_36 : i32
    %dma_wait3A = arith.constant 0 : i32
    %dma_wait3A_38 = arith.constant 0 : i32
    %dma_wait3A_39 = tpu.memref_slice %arg3[%mul3A_37, %dma_wait3A_38] : memref<2560x128xi32, #tpu.memory_space<hbm>> -> memref<80x128xi32, #tpu.memory_space<hbm>>
    %dma_wait3A_40 = tpu.memref_slice %arg13[%dma_wait3A] : memref<2x!tpu.dma_semaphore, #tpu.memory_space<semaphore_mem>> -> memref<1x!tpu.dma_semaphore, #tpu.memory_space<semaphore_mem>>
    %dma_wait3A_41 = tpu.memref_squeeze %dma_wait3A_40 : memref<1x!tpu.dma_semaphore, #tpu.memory_space<semaphore_mem>> -> memref<!tpu.dma_semaphore, #tpu.memory_space<semaphore_mem>>
    %dma_wait3A_42 = arith.constant 0 : i32
    %dma_wait3A_43 = tpu.memref_slice %arg3[%mul3A_37, %dma_wait3A_42] : memref<2560x128xi32, #tpu.memory_space<hbm>> -> memref<80x128xi32, #tpu.memory_space<hbm>>
    tpu.wait_dma2 semaphore(%dma_wait3A_41 : memref<!tpu.dma_semaphore, #tpu.memory_space<semaphore_mem>>) src(%dma_wait3A_43 : memref<80x128xi32, #tpu.memory_space<hbm>>) dst(%arg6 : memref<80x128xi32, #tpu.memory_space<vmem>>)
    %mul3A_44 = arith.constant 80 : i32
    %mul3A_45 = arith.muli %add3A, %mul3A_44 : i32
    %dma_wait3A_46 = arith.constant 1 : i32
    %dma_wait3A_47 = arith.constant 0 : i32
    %dma_wait3A_48 = tpu.memref_slice %arg4[%mul3A_45, %dma_wait3A_47] : memref<2560x128xi32, #tpu.memory_space<hbm>> -> memref<80x128xi32, #tpu.memory_space<hbm>>
    %dma_wait3A_49 = tpu.memref_slice %arg13[%dma_wait3A_46] : memref<2x!tpu.dma_semaphore, #tpu.memory_space<semaphore_mem>> -> memref<1x!tpu.dma_semaphore, #tpu.memory_space<semaphore_mem>>
    %dma_wait3A_50 = tpu.memref_squeeze %dma_wait3A_49 : memref<1x!tpu.dma_semaphore, #tpu.memory_space<semaphore_mem>> -> memref<!tpu.dma_semaphore, #tpu.memory_space<semaphore_mem>>
    %dma_wait3A_51 = arith.constant 0 : i32
    %dma_wait3A_52 = tpu.memref_slice %arg4[%mul3A_45, %dma_wait3A_51] : memref<2560x128xi32, #tpu.memory_space<hbm>> -> memref<80x128xi32, #tpu.memory_space<hbm>>
    tpu.wait_dma2 semaphore(%dma_wait3A_50 : memref<!tpu.dma_semaphore, #tpu.memory_space<semaphore_mem>>) src(%dma_wait3A_52 : memref<80x128xi32, #tpu.memory_space<hbm>>) dst(%arg7 : memref<80x128xi32, #tpu.memory_space<vmem>>)
    %barrier3A = arith.constant 0 : index
    tpu.barrier barrier_id(%barrier3A)
    %dma_start3A_53 = arith.constant 0 : i32
    %dma_start3A_54 = arith.constant 0 : i32
    %dma_start3A_55 = arith.constant 0 : i32
    %dma_start3A_56 = arith.constant 0 : i32
    %dma_start3A_57 = tpu.memref_slice %arg8[%dma_start3A_55, %dma_start3A_56] : memref<256x64xf32, #tpu.memory_space<vmem>> -> memref<128x64xf32, #tpu.memory_space<vmem>>
    %dma_start3A_58 = arith.constant 0 : i32
    %dma_start3A_59 = tpu.memref_slice %arg6[%dma_start3A_53, %dma_start3A_58] : memref<80x128xi32, #tpu.memory_space<vmem>> -> memref<1x128xi32, #tpu.memory_space<vmem>>
    %dma_start3A_60 = tpu.memref_squeeze %dma_start3A_59 : memref<1x128xi32, #tpu.memory_space<vmem>> -> memref<128xi32, #tpu.memory_space<vmem>>
    %dma_start3A_61 = arith.constant 0 : i32
    %dma_start3A_62 = arith.constant 0 : i32
    %dma_start3A_63 = tpu.memref_slice %arg10[%dma_start3A_61, %dma_start3A_62] : memref<10240x64xf32, #tpu.memory_space<vmem_shared>> -> memref<10240x64xf32, #tpu.memory_space<vmem_shared>>
    %dma_start3A_64 = tpu.memref_slice %arg11[%dma_start3A_54] : memref<2x!tpu.dma_semaphore, #tpu.memory_space<semaphore_mem>> -> memref<1x!tpu.dma_semaphore, #tpu.memory_space<semaphore_mem>>
    %dma_start3A_65 = tpu.memref_squeeze %dma_start3A_64 : memref<1x!tpu.dma_semaphore, #tpu.memory_space<semaphore_mem>> -> memref<!tpu.dma_semaphore, #tpu.memory_space<semaphore_mem>>
    tpu.enqueue_indirect_dma source(%dma_start3A_63 : memref<10240x64xf32, #tpu.memory_space<vmem_shared>>) target(%dma_start3A_57 : memref<128x64xf32, #tpu.memory_space<vmem>>) offsets(%dma_start3A_60 : memref<128xi32, #tpu.memory_space<vmem>>) semaphore(%dma_start3A_65 : memref<!tpu.dma_semaphore, #tpu.memory_space<semaphore_mem>>)
    %dma_start3A_66 = arith.constant 1 : i32
    %dma_start3A_67 = arith.constant 1 : i32
    %dma_start3A_68 = arith.constant 128 : i32
    %dma_start3A_69 = arith.constant 0 : i32
    %dma_start3A_70 = tpu.memref_slice %arg8[%dma_start3A_68, %dma_start3A_69] : memref<256x64xf32, #tpu.memory_space<vmem>> -> memref<128x64xf32, #tpu.memory_space<vmem>>
    %dma_start3A_71 = arith.constant 0 : i32
    %dma_start3A_72 = tpu.memref_slice %arg6[%dma_start3A_66, %dma_start3A_71] : memref<80x128xi32, #tpu.memory_space<vmem>> -> memref<1x128xi32, #tpu.memory_space<vmem>>
    %dma_start3A_73 = tpu.memref_squeeze %dma_start3A_72 : memref<1x128xi32, #tpu.memory_space<vmem>> -> memref<128xi32, #tpu.memory_space<vmem>>
    %dma_start3A_74 = arith.constant 0 : i32
    %dma_start3A_75 = arith.constant 0 : i32
    %dma_start3A_76 = tpu.memref_slice %arg10[%dma_start3A_74, %dma_start3A_75] : memref<10240x64xf32, #tpu.memory_space<vmem_shared>> -> memref<10240x64xf32, #tpu.memory_space<vmem_shared>>
    %dma_start3A_77 = tpu.memref_slice %arg11[%dma_start3A_67] : memref<2x!tpu.dma_semaphore, #tpu.memory_space<semaphore_mem>> -> memref<1x!tpu.dma_semaphore, #tpu.memory_space<semaphore_mem>>
    %dma_start3A_78 = tpu.memref_squeeze %dma_start3A_77 : memref<1x!tpu.dma_semaphore, #tpu.memory_space<semaphore_mem>> -> memref<!tpu.dma_semaphore, #tpu.memory_space<semaphore_mem>>
    tpu.enqueue_indirect_dma source(%dma_start3A_76 : memref<10240x64xf32, #tpu.memory_space<vmem_shared>>) target(%dma_start3A_70 : memref<128x64xf32, #tpu.memory_space<vmem>>) offsets(%dma_start3A_73 : memref<128xi32, #tpu.memory_space<vmem>>) semaphore(%dma_start3A_78 : memref<!tpu.dma_semaphore, #tpu.memory_space<semaphore_mem>>)
    %scan3A_79 = arith.constant 0 : i32
    %scan3A_80 = arith.constant 0 : i32
    %scan3A_81 = arith.constant 40 : i32
    %scan3A_82 = arith.addi %scan3A_80, %scan3A_81 : i32
    %scan3A_83 = arith.constant 1 : i32
    %scan3A_84 = scf.for %scan3A_100 = %scan3A_80 to %scan3A_82 step %scan3A_83 iter_args(%scan3A_101 = %scan3A_79) -> (i32)  : i32 {
      %mul3A_102 = arith.constant 2 : i32
      %mul3A_103 = arith.muli %mul3A_102, %scan3A_100 : i32
      %dma_wait3A_104 = arith.constant 0 : i32
      %dma_wait3A_105 = arith.constant 0 : i32
      %dma_wait3A_106 = arith.constant 0 : i32
      %dma_wait3A_107 = tpu.memref_slice %arg8[%dma_wait3A_105, %dma_wait3A_106] : memref<256x64xf32, #tpu.memory_space<vmem>> -> memref<128x64xf32, #tpu.memory_space<vmem>>
      %dma_wait3A_108 = arith.constant 0 : i32
      %dma_wait3A_109 = tpu.memref_slice %arg6[%mul3A_103, %dma_wait3A_108] : memref<80x128xi32, #tpu.memory_space<vmem>> -> memref<1x128xi32, #tpu.memory_space<vmem>>
      %dma_wait3A_110 = tpu.memref_squeeze %dma_wait3A_109 : memref<1x128xi32, #tpu.memory_space<vmem>> -> memref<128xi32, #tpu.memory_space<vmem>>
      %dma_wait3A_111 = arith.constant 0 : i32
      %dma_wait3A_112 = arith.constant 0 : i32
      %dma_wait3A_113 = tpu.memref_slice %arg10[%dma_wait3A_111, %dma_wait3A_112] : memref<10240x64xf32, #tpu.memory_space<vmem_shared>> -> memref<10240x64xf32, #tpu.memory_space<vmem_shared>>
      %dma_wait3A_114 = tpu.memref_slice %arg11[%dma_wait3A_104] : memref<2x!tpu.dma_semaphore, #tpu.memory_space<semaphore_mem>> -> memref<1x!tpu.dma_semaphore, #tpu.memory_space<semaphore_mem>>
      %dma_wait3A_115 = tpu.memref_squeeze %dma_wait3A_114 : memref<1x!tpu.dma_semaphore, #tpu.memory_space<semaphore_mem>> -> memref<!tpu.dma_semaphore, #tpu.memory_space<semaphore_mem>>
      tpu.wait_indirect_dma semaphore(%dma_wait3A_115 : memref<!tpu.dma_semaphore, #tpu.memory_space<semaphore_mem>>) src(%dma_wait3A_113 : memref<10240x64xf32, #tpu.memory_space<vmem_shared>>) dst(%dma_wait3A_107 : memref<128x64xf32, #tpu.memory_space<vmem>>)
      %dma_start3A_116 = arith.constant 0 : i32
      %dma_start3A_117 = arith.constant 0 : i32
      %dma_start3A_118 = arith.constant 0 : i32
      %dma_start3A_119 = tpu.memref_slice %arg8[%dma_start3A_117, %dma_start3A_118] : memref<256x64xf32, #tpu.memory_space<vmem>> -> memref<128x64xf32, #tpu.memory_space<vmem>>
      %dma_start3A_120 = arith.constant 0 : i32
      %dma_start3A_121 = tpu.memref_slice %arg7[%mul3A_103, %dma_start3A_120] : memref<80x128xi32, #tpu.memory_space<vmem>> -> memref<1x128xi32, #tpu.memory_space<vmem>>
      %dma_start3A_122 = tpu.memref_squeeze %dma_start3A_121 : memref<1x128xi32, #tpu.memory_space<vmem>> -> memref<128xi32, #tpu.memory_space<vmem>>
      %dma_start3A_123 = arith.constant 0 : i32
      %dma_start3A_124 = arith.constant 0 : i32
      %dma_start3A_125 = tpu.memref_slice %arg9[%dma_start3A_123, %dma_start3A_124] : memref<10240x64xf32, #tpu.memory_space<vmem_shared>> -> memref<10240x64xf32, #tpu.memory_space<vmem_shared>>
      %dma_start3A_126 = tpu.memref_slice %arg12[%dma_start3A_116] : memref<2x!tpu.dma_semaphore, #tpu.memory_space<semaphore_mem>> -> memref<1x!tpu.dma_semaphore, #tpu.memory_space<semaphore_mem>>
      %dma_start3A_127 = tpu.memref_squeeze %dma_start3A_126 : memref<1x!tpu.dma_semaphore, #tpu.memory_space<semaphore_mem>> -> memref<!tpu.dma_semaphore, #tpu.memory_space<semaphore_mem>>
      tpu.enqueue_indirect_dma source(%dma_start3A_119 : memref<128x64xf32, #tpu.memory_space<vmem>>) target(%dma_start3A_125 : memref<10240x64xf32, #tpu.memory_space<vmem_shared>>) offsets(%dma_start3A_122 : memref<128xi32, #tpu.memory_space<vmem>>) semaphore(%dma_start3A_127 : memref<!tpu.dma_semaphore, #tpu.memory_space<semaphore_mem>>) {add = true}
      %gt3A = arith.constant 0 : i32
      %gt3A_128 = arith.cmpi sgt, %scan3A_100, %gt3A : i32
      %convert_element_type3A = arith.extui %gt3A_128 : i1 to i32
      %cond3A = arith.constant 0 : i32
      %cond3A_129 = arith.cmpi ne, %convert_element_type3A, %cond3A : i32
      scf.if %cond3A_129 {
        %sub3A = arith.constant 1 : i32
        %sub3A_175 = arith.subi %mul3A_103, %sub3A : i32
        %dma_wait3A_176 = arith.constant 1 : i32
        %dma_wait3A_177 = arith.constant 128 : i32
        %dma_wait3A_178 = arith.constant 0 : i32
        %dma_wait3A_179 = tpu.memref_slice %arg8[%dma_wait3A_177, %dma_wait3A_178] : memref<256x64xf32, #tpu.memory_space<vmem>> -> memref<128x64xf32, #tpu.memory_space<vmem>>
        %dma_wait3A_180 = arith.constant 0 : i32
        %dma_wait3A_181 = tpu.memref_slice %arg7[%sub3A_175, %dma_wait3A_180] : memref<80x128xi32, #tpu.memory_space<vmem>> -> memref<1x128xi32, #tpu.memory_space<vmem>>
        %dma_wait3A_182 = tpu.memref_squeeze %dma_wait3A_181 : memref<1x128xi32, #tpu.memory_space<vmem>> -> memref<128xi32, #tpu.memory_space<vmem>>
        %dma_wait3A_183 = arith.constant 0 : i32
        %dma_wait3A_184 = arith.constant 0 : i32
        %dma_wait3A_185 = tpu.memref_slice %arg9[%dma_wait3A_183, %dma_wait3A_184] : memref<10240x64xf32, #tpu.memory_space<vmem_shared>> -> memref<10240x64xf32, #tpu.memory_space<vmem_shared>>
        %dma_wait3A_186 = tpu.memref_slice %arg12[%dma_wait3A_176] : memref<2x!tpu.dma_semaphore, #tpu.memory_space<semaphore_mem>> -> memref<1x!tpu.dma_semaphore, #tpu.memory_space<semaphore_mem>>
        %dma_wait3A_187 = tpu.memref_squeeze %dma_wait3A_186 : memref<1x!tpu.dma_semaphore, #tpu.memory_space<semaphore_mem>> -> memref<!tpu.dma_semaphore, #tpu.memory_space<semaphore_mem>>
        tpu.wait_indirect_dma semaphore(%dma_wait3A_187 : memref<!tpu.dma_semaphore, #tpu.memory_space<semaphore_mem>>) src(%dma_wait3A_179 : memref<128x64xf32, #tpu.memory_space<vmem>>) dst(%dma_wait3A_185 : memref<10240x64xf32, #tpu.memory_space<vmem_shared>>)
        %add3A_188 = arith.constant 1 : i32
        %add3A_189 = arith.addi %mul3A_103, %add3A_188 : i32
        %dma_start3A_190 = arith.constant 1 : i32
        %dma_start3A_191 = arith.constant 128 : i32
        %dma_start3A_192 = arith.constant 0 : i32
        %dma_start3A_193 = tpu.memref_slice %arg8[%dma_start3A_191, %dma_start3A_192] : memref<256x64xf32, #tpu.memory_space<vmem>> -> memref<128x64xf32, #tpu.memory_space<vmem>>
        %dma_start3A_194 = arith.constant 0 : i32
        %dma_start3A_195 = tpu.memref_slice %arg6[%add3A_189, %dma_start3A_194] : memref<80x128xi32, #tpu.memory_space<vmem>> -> memref<1x128xi32, #tpu.memory_space<vmem>>
        %dma_start3A_196 = tpu.memref_squeeze %dma_start3A_195 : memref<1x128xi32, #tpu.memory_space<vmem>> -> memref<128xi32, #tpu.memory_space<vmem>>
        %dma_start3A_197 = arith.constant 0 : i32
        %dma_start3A_198 = arith.constant 0 : i32
        %dma_start3A_199 = tpu.memref_slice %arg10[%dma_start3A_197, %dma_start3A_198] : memref<10240x64xf32, #tpu.memory_space<vmem_shared>> -> memref<10240x64xf32, #tpu.memory_space<vmem_shared>>
        %dma_start3A_200 = tpu.memref_slice %arg11[%dma_start3A_190] : memref<2x!tpu.dma_semaphore, #tpu.memory_space<semaphore_mem>> -> memref<1x!tpu.dma_semaphore, #tpu.memory_space<semaphore_mem>>
        %dma_start3A_201 = tpu.memref_squeeze %dma_start3A_200 : memref<1x!tpu.dma_semaphore, #tpu.memory_space<semaphore_mem>> -> memref<!tpu.dma_semaphore, #tpu.memory_space<semaphore_mem>>
        tpu.enqueue_indirect_dma source(%dma_start3A_199 : memref<10240x64xf32, #tpu.memory_space<vmem_shared>>) target(%dma_start3A_193 : memref<128x64xf32, #tpu.memory_space<vmem>>) offsets(%dma_start3A_196 : memref<128xi32, #tpu.memory_space<vmem>>) semaphore(%dma_start3A_201 : memref<!tpu.dma_semaphore, #tpu.memory_space<semaphore_mem>>)
      } else {
      }
      %mul3A_130 = arith.constant 2 : i32
      %mul3A_131 = arith.muli %mul3A_130, %scan3A_100 : i32
      %add3A_132 = arith.constant 1 : i32
      %add3A_133 = arith.addi %mul3A_131, %add3A_132 : i32
      %dma_wait3A_134 = arith.constant 1 : i32
      %dma_wait3A_135 = arith.constant 128 : i32
      %dma_wait3A_136 = arith.constant 0 : i32
      %dma_wait3A_137 = tpu.memref_slice %arg8[%dma_wait3A_135, %dma_wait3A_136] : memref<256x64xf32, #tpu.memory_space<vmem>> -> memref<128x64xf32, #tpu.memory_space<vmem>>
      %dma_wait3A_138 = arith.constant 0 : i32
      %dma_wait3A_139 = tpu.memref_slice %arg6[%add3A_133, %dma_wait3A_138] : memref<80x128xi32, #tpu.memory_space<vmem>> -> memref<1x128xi32, #tpu.memory_space<vmem>>
      %dma_wait3A_140 = tpu.memref_squeeze %dma_wait3A_139 : memref<1x128xi32, #tpu.memory_space<vmem>> -> memref<128xi32, #tpu.memory_space<vmem>>
      %dma_wait3A_141 = arith.constant 0 : i32
      %dma_wait3A_142 = arith.constant 0 : i32
      %dma_wait3A_143 = tpu.memref_slice %arg10[%dma_wait3A_141, %dma_wait3A_142] : memref<10240x64xf32, #tpu.memory_space<vmem_shared>> -> memref<10240x64xf32, #tpu.memory_space<vmem_shared>>
      %dma_wait3A_144 = tpu.memref_slice %arg11[%dma_wait3A_134] : memref<2x!tpu.dma_semaphore, #tpu.memory_space<semaphore_mem>> -> memref<1x!tpu.dma_semaphore, #tpu.memory_space<semaphore_mem>>
      %dma_wait3A_145 = tpu.memref_squeeze %dma_wait3A_144 : memref<1x!tpu.dma_semaphore, #tpu.memory_space<semaphore_mem>> -> memref<!tpu.dma_semaphore, #tpu.memory_space<semaphore_mem>>
      tpu.wait_indirect_dma semaphore(%dma_wait3A_145 : memref<!tpu.dma_semaphore, #tpu.memory_space<semaphore_mem>>) src(%dma_wait3A_143 : memref<10240x64xf32, #tpu.memory_space<vmem_shared>>) dst(%dma_wait3A_137 : memref<128x64xf32, #tpu.memory_space<vmem>>)
      %dma_start3A_146 = arith.constant 1 : i32
      %dma_start3A_147 = arith.constant 128 : i32
      %dma_start3A_148 = arith.constant 0 : i32
      %dma_start3A_149 = tpu.memref_slice %arg8[%dma_start3A_147, %dma_start3A_148] : memref<256x64xf32, #tpu.memory_space<vmem>> -> memref<128x64xf32, #tpu.memory_space<vmem>>
      %dma_start3A_150 = arith.constant 0 : i32
      %dma_start3A_151 = tpu.memref_slice %arg7[%add3A_133, %dma_start3A_150] : memref<80x128xi32, #tpu.memory_space<vmem>> -> memref<1x128xi32, #tpu.memory_space<vmem>>
      %dma_start3A_152 = tpu.memref_squeeze %dma_start3A_151 : memref<1x128xi32, #tpu.memory_space<vmem>> -> memref<128xi32, #tpu.memory_space<vmem>>
      %dma_start3A_153 = arith.constant 0 : i32
      %dma_start3A_154 = arith.constant 0 : i32
      %dma_start3A_155 = tpu.memref_slice %arg9[%dma_start3A_153, %dma_start3A_154] : memref<10240x64xf32, #tpu.memory_space<vmem_shared>> -> memref<10240x64xf32, #tpu.memory_space<vmem_shared>>
      %dma_start3A_156 = tpu.memref_slice %arg12[%dma_start3A_146] : memref<2x!tpu.dma_semaphore, #tpu.memory_space<semaphore_mem>> -> memref<1x!tpu.dma_semaphore, #tpu.memory_space<semaphore_mem>>
      %dma_start3A_157 = tpu.memref_squeeze %dma_start3A_156 : memref<1x!tpu.dma_semaphore, #tpu.memory_space<semaphore_mem>> -> memref<!tpu.dma_semaphore, #tpu.memory_space<semaphore_mem>>
      tpu.enqueue_indirect_dma source(%dma_start3A_149 : memref<128x64xf32, #tpu.memory_space<vmem>>) target(%dma_start3A_155 : memref<10240x64xf32, #tpu.memory_space<vmem_shared>>) offsets(%dma_start3A_152 : memref<128xi32, #tpu.memory_space<vmem>>) semaphore(%dma_start3A_157 : memref<!tpu.dma_semaphore, #tpu.memory_space<semaphore_mem>>) {add = true}
      %dma_wait3A_158 = arith.constant 0 : i32
      %dma_wait3A_159 = arith.constant 0 : i32
      %dma_wait3A_160 = arith.constant 0 : i32
      %dma_wait3A_161 = tpu.memref_slice %arg8[%dma_wait3A_159, %dma_wait3A_160] : memref<256x64xf32, #tpu.memory_space<vmem>> -> memref<128x64xf32, #tpu.memory_space<vmem>>
      %dma_wait3A_162 = arith.constant 0 : i32
      %dma_wait3A_163 = tpu.memref_slice %arg7[%mul3A_103, %dma_wait3A_162] : memref<80x128xi32, #tpu.memory_space<vmem>> -> memref<1x128xi32, #tpu.memory_space<vmem>>
      %dma_wait3A_164 = tpu.memref_squeeze %dma_wait3A_163 : memref<1x128xi32, #tpu.memory_space<vmem>> -> memref<128xi32, #tpu.memory_space<vmem>>
      %dma_wait3A_165 = arith.constant 0 : i32
      %dma_wait3A_166 = arith.constant 0 : i32
      %dma_wait3A_167 = tpu.memref_slice %arg9[%dma_wait3A_165, %dma_wait3A_166] : memref<10240x64xf32, #tpu.memory_space<vmem_shared>> -> memref<10240x64xf32, #tpu.memory_space<vmem_shared>>
      %dma_wait3A_168 = tpu.memref_slice %arg12[%dma_wait3A_158] : memref<2x!tpu.dma_semaphore, #tpu.memory_space<semaphore_mem>> -> memref<1x!tpu.dma_semaphore, #tpu.memory_space<semaphore_mem>>
      %dma_wait3A_169 = tpu.memref_squeeze %dma_wait3A_168 : memref<1x!tpu.dma_semaphore, #tpu.memory_space<semaphore_mem>> -> memref<!tpu.dma_semaphore, #tpu.memory_space<semaphore_mem>>
      tpu.wait_indirect_dma semaphore(%dma_wait3A_169 : memref<!tpu.dma_semaphore, #tpu.memory_space<semaphore_mem>>) src(%dma_wait3A_161 : memref<128x64xf32, #tpu.memory_space<vmem>>) dst(%dma_wait3A_167 : memref<10240x64xf32, #tpu.memory_space<vmem_shared>>)
      %lt3A = arith.constant 39 : i32
      %lt3A_170 = arith.cmpi slt, %scan3A_100, %lt3A : i32
      %convert_element_type3A_171 = arith.extui %lt3A_170 : i1 to i32
      %cond3A_172 = arith.constant 0 : i32
      %cond3A_173 = arith.cmpi ne, %convert_element_type3A_171, %cond3A_172 : i32
      scf.if %cond3A_173 {
        %add3A_175 = arith.constant 1 : i32
        %add3A_176 = arith.addi %add3A_133, %add3A_175 : i32
        %dma_start3A_177 = arith.constant 0 : i32
        %dma_start3A_178 = arith.constant 0 : i32
        %dma_start3A_179 = arith.constant 0 : i32
        %dma_start3A_180 = tpu.memref_slice %arg8[%dma_start3A_178, %dma_start3A_179] : memref<256x64xf32, #tpu.memory_space<vmem>> -> memref<128x64xf32, #tpu.memory_space<vmem>>
        %dma_start3A_181 = arith.constant 0 : i32
        %dma_start3A_182 = tpu.memref_slice %arg6[%add3A_176, %dma_start3A_181] : memref<80x128xi32, #tpu.memory_space<vmem>> -> memref<1x128xi32, #tpu.memory_space<vmem>>
        %dma_start3A_183 = tpu.memref_squeeze %dma_start3A_182 : memref<1x128xi32, #tpu.memory_space<vmem>> -> memref<128xi32, #tpu.memory_space<vmem>>
        %dma_start3A_184 = arith.constant 0 : i32
        %dma_start3A_185 = arith.constant 0 : i32
        %dma_start3A_186 = tpu.memref_slice %arg10[%dma_start3A_184, %dma_start3A_185] : memref<10240x64xf32, #tpu.memory_space<vmem_shared>> -> memref<10240x64xf32, #tpu.memory_space<vmem_shared>>
        %dma_start3A_187 = tpu.memref_slice %arg11[%dma_start3A_177] : memref<2x!tpu.dma_semaphore, #tpu.memory_space<semaphore_mem>> -> memref<1x!tpu.dma_semaphore, #tpu.memory_space<semaphore_mem>>
        %dma_start3A_188 = tpu.memref_squeeze %dma_start3A_187 : memref<1x!tpu.dma_semaphore, #tpu.memory_space<semaphore_mem>> -> memref<!tpu.dma_semaphore, #tpu.memory_space<semaphore_mem>>
        tpu.enqueue_indirect_dma source(%dma_start3A_186 : memref<10240x64xf32, #tpu.memory_space<vmem_shared>>) target(%dma_start3A_180 : memref<128x64xf32, #tpu.memory_space<vmem>>) offsets(%dma_start3A_183 : memref<128xi32, #tpu.memory_space<vmem>>) semaphore(%dma_start3A_188 : memref<!tpu.dma_semaphore, #tpu.memory_space<semaphore_mem>>)
      } else {
      }
      %scan3A_174 = arith.constant 0 : i32
      scf.yield %scan3A_174 : i32
    }
    %scan3A_85 = arith.constant 40 : i32
    %dma_wait3A_86 = arith.constant 79 : i32
    %dma_wait3A_87 = arith.constant 1 : i32
    %dma_wait3A_88 = arith.constant 128 : i32
    %dma_wait3A_89 = arith.constant 0 : i32
    %dma_wait3A_90 = tpu.memref_slice %arg8[%dma_wait3A_88, %dma_wait3A_89] : memref<256x64xf32, #tpu.memory_space<vmem>> -> memref<128x64xf32, #tpu.memory_space<vmem>>
    %dma_wait3A_91 = arith.constant 0 : i32
    %dma_wait3A_92 = tpu.memref_slice %arg7[%dma_wait3A_86, %dma_wait3A_91] : memref<80x128xi32, #tpu.memory_space<vmem>> -> memref<1x128xi32, #tpu.memory_space<vmem>>
    %dma_wait3A_93 = tpu.memref_squeeze %dma_wait3A_92 : memref<1x128xi32, #tpu.memory_space<vmem>> -> memref<128xi32, #tpu.memory_space<vmem>>
    %dma_wait3A_94 = arith.constant 0 : i32
    %dma_wait3A_95 = arith.constant 0 : i32
    %dma_wait3A_96 = tpu.memref_slice %arg9[%dma_wait3A_94, %dma_wait3A_95] : memref<10240x64xf32, #tpu.memory_space<vmem_shared>> -> memref<10240x64xf32, #tpu.memory_space<vmem_shared>>
    %dma_wait3A_97 = tpu.memref_slice %arg12[%dma_wait3A_87] : memref<2x!tpu.dma_semaphore, #tpu.memory_space<semaphore_mem>> -> memref<1x!tpu.dma_semaphore, #tpu.memory_space<semaphore_mem>>
    %dma_wait3A_98 = tpu.memref_squeeze %dma_wait3A_97 : memref<1x!tpu.dma_semaphore, #tpu.memory_space<semaphore_mem>> -> memref<!tpu.dma_semaphore, #tpu.memory_space<semaphore_mem>>
    tpu.wait_indirect_dma semaphore(%dma_wait3A_98 : memref<!tpu.dma_semaphore, #tpu.memory_space<semaphore_mem>>) src(%dma_wait3A_90 : memref<128x64xf32, #tpu.memory_space<vmem>>) dst(%dma_wait3A_96 : memref<10240x64xf32, #tpu.memory_space<vmem_shared>>)
    %barrier3A_99 = arith.constant 0 : index
    tpu.barrier barrier_id(%barrier3A_99)
    "tpu.region"() ({
      %run_scoped3A = tpu.sem_alloc : memref<!tpu.dma_semaphore, #tpu.memory_space<semaphore_mem>>
      %dma_start3A_100 = arith.constant 0 : i32
      %dma_start3A_101 = tpu.memref_slice %arg5[%arg0, %mul3A_2, %dma_start3A_100] : memref<2x10240x64xf32, #tpu.memory_space<hbm>> -> memref<1x640x64xf32, #tpu.memory_space<hbm>>
      %dma_start3A_102 = tpu.memref_squeeze %dma_start3A_101 : memref<1x640x64xf32, #tpu.memory_space<hbm>> -> memref<640x64xf32, #tpu.memory_space<hbm>>
      %dma_start3A_103 = arith.constant 0 : i32
      %dma_start3A_104 = tpu.memref_slice %arg9[%mul3A_2, %dma_start3A_103] : memref<10240x64xf32, #tpu.memory_space<vmem_shared>> -> memref<640x64xf32, #tpu.memory_space<vmem_shared>>
      tpu.enqueue_dma source(%dma_start3A_104 : memref<640x64xf32, #tpu.memory_space<vmem_shared>>) target(%dma_start3A_102 : memref<640x64xf32, #tpu.memory_space<hbm>>) target_semaphore(%run_scoped3A : memref<!tpu.dma_semaphore, #tpu.memory_space<semaphore_mem>>)
      %dma_wait3A_105 = arith.constant 0 : i32
      %dma_wait3A_106 = tpu.memref_slice %arg5[%arg0, %mul3A_2, %dma_wait3A_105] : memref<2x10240x64xf32, #tpu.memory_space<hbm>> -> memref<1x640x64xf32, #tpu.memory_space<hbm>>
      %dma_wait3A_107 = tpu.memref_squeeze %dma_wait3A_106 : memref<1x640x64xf32, #tpu.memory_space<hbm>> -> memref<640x64xf32, #tpu.memory_space<hbm>>
      %dma_wait3A_108 = arith.constant 0 : i32
      %dma_wait3A_109 = tpu.memref_slice %arg9[%mul3A_2, %dma_wait3A_108] : memref<10240x64xf32, #tpu.memory_space<vmem_shared>> -> memref<640x64xf32, #tpu.memory_space<vmem_shared>>
      tpu.wait_dma2 semaphore(%run_scoped3A : memref<!tpu.dma_semaphore, #tpu.memory_space<semaphore_mem>>) src(%dma_wait3A_109 : memref<640x64xf32, #tpu.memory_space<vmem_shared>>) dst(%dma_wait3A_107 : memref<640x64xf32, #tpu.memory_space<hbm>>)
      tpu.yield
    }) : () -> ()
    return
  }
}

#map = affine_map<(d0, d1) -> (0, 0)>
#map1 = affine_map<(d0, d1) -> (0, 0, 0)>
module attributes {stable_mosaic.version = 14 : i64} {
  func.func @_sc_spmm_body(%arg0: i32, %arg1: i32, %arg2: memref<10240x64xf32, #tpu.memory_space<hbm>>, %arg3: memref<2560x128xi32, #tpu.memory_space<hbm>>, %arg4: memref<2560x128xi32, #tpu.memory_space<hbm>>, %arg5: memref<2x10240x64xf32, #tpu.memory_space<hbm>>, %arg6: memref<80x128xi32, #tpu.memory_space<vmem>>, %arg7: memref<80x128xi32, #tpu.memory_space<vmem>>, %arg8: memref<256x64xf32, #tpu.memory_space<vmem>>, %arg9: memref<10240x64xf32, #tpu.memory_space<vmem_shared>>, %arg10: memref<10240x64xf32, #tpu.memory_space<vmem_shared>>, %arg11: memref<2x!tpu.dma_semaphore, #tpu.memory_space<semaphore_mem>>, %arg12: memref<2x!tpu.dma_semaphore, #tpu.memory_space<semaphore_mem>>, %arg13: memref<2x!tpu.dma_semaphore, #tpu.memory_space<semaphore_mem>>) attributes {dimension_semantics = [#tpu.dimension_semantics<core_parallel>, #tpu.dimension_semantics<subcore_parallel>], iteration_bounds = array<i64: 2, 16>, scalar_prefetch = 0 : i64, scratch_operands = 8 : i64, tpu.core_type = #tpu.core_type<sc_vector_subcore>, window_params = [{transform_indices = #map}, {transform_indices = #map}, {transform_indices = #map}, {transform_indices = #map1}]} {
    %mul3A = arith.constant 16 : i32
    %mul3A_0 = arith.muli %arg0, %mul3A : i32
    %add3A = arith.addi %mul3A_0, %arg1 : i32
    %mul3A_1 = arith.constant 640 : i32
    %mul3A_2 = arith.muli %arg1, %mul3A_1 : i32
    %mul3A_3 = arith.constant 80 : i32
    %mul3A_4 = arith.muli %add3A, %mul3A_3 : i32
    %dma_start3A = arith.constant 0 : i32
    %dma_start3A_5 = arith.constant 0 : i32
    %dma_start3A_6 = tpu.memref_slice %arg3[%mul3A_4, %dma_start3A_5] : memref<2560x128xi32, #tpu.memory_space<hbm>> -> memref<80x128xi32, #tpu.memory_space<hbm>>
    %dma_start3A_7 = tpu.memref_slice %arg13[%dma_start3A] : memref<2x!tpu.dma_semaphore, #tpu.memory_space<semaphore_mem>> -> memref<1x!tpu.dma_semaphore, #tpu.memory_space<semaphore_mem>>
    %dma_start3A_8 = tpu.memref_squeeze %dma_start3A_7 : memref<1x!tpu.dma_semaphore, #tpu.memory_space<semaphore_mem>> -> memref<!tpu.dma_semaphore, #tpu.memory_space<semaphore_mem>>
    %dma_start3A_9 = arith.constant 0 : i32
    %dma_start3A_10 = tpu.memref_slice %arg3[%mul3A_4, %dma_start3A_9] : memref<2560x128xi32, #tpu.memory_space<hbm>> -> memref<80x128xi32, #tpu.memory_space<hbm>>
    tpu.enqueue_dma source(%dma_start3A_10 : memref<80x128xi32, #tpu.memory_space<hbm>>) target(%arg6 : memref<80x128xi32, #tpu.memory_space<vmem>>) target_semaphore(%dma_start3A_8 : memref<!tpu.dma_semaphore, #tpu.memory_space<semaphore_mem>>)
    %mul3A_11 = arith.constant 80 : i32
    %mul3A_12 = arith.muli %add3A, %mul3A_11 : i32
    %dma_start3A_13 = arith.constant 1 : i32
    %dma_start3A_14 = arith.constant 0 : i32
    %dma_start3A_15 = tpu.memref_slice %arg4[%mul3A_12, %dma_start3A_14] : memref<2560x128xi32, #tpu.memory_space<hbm>> -> memref<80x128xi32, #tpu.memory_space<hbm>>
    %dma_start3A_16 = tpu.memref_slice %arg13[%dma_start3A_13] : memref<2x!tpu.dma_semaphore, #tpu.memory_space<semaphore_mem>> -> memref<1x!tpu.dma_semaphore, #tpu.memory_space<semaphore_mem>>
    %dma_start3A_17 = tpu.memref_squeeze %dma_start3A_16 : memref<1x!tpu.dma_semaphore, #tpu.memory_space<semaphore_mem>> -> memref<!tpu.dma_semaphore, #tpu.memory_space<semaphore_mem>>
    %dma_start3A_18 = arith.constant 0 : i32
    %dma_start3A_19 = tpu.memref_slice %arg4[%mul3A_12, %dma_start3A_18] : memref<2560x128xi32, #tpu.memory_space<hbm>> -> memref<80x128xi32, #tpu.memory_space<hbm>>
    tpu.enqueue_dma source(%dma_start3A_19 : memref<80x128xi32, #tpu.memory_space<hbm>>) target(%arg7 : memref<80x128xi32, #tpu.memory_space<vmem>>) target_semaphore(%dma_start3A_17 : memref<!tpu.dma_semaphore, #tpu.memory_space<semaphore_mem>>)
    %scan3A = arith.constant 0 : i32
    %scan3A_20 = arith.constant 0 : i32
    %scan3A_21 = arith.constant 128 : i32
    %scan3A_22 = arith.addi %scan3A_20, %scan3A_21 : i32
    %scan3A_23 = arith.constant 1 : i32
    %scan3A_24 = scf.for %scan3A_100 = %scan3A_20 to %scan3A_22 step %scan3A_23 iter_args(%scan3A_101 = %scan3A) -> (i32)  : i32 {
      %broadcast_in_dim3A = arith.constant 0.000000e+00 : f32
      %broadcast_in_dim3A_102 = vector.broadcast %broadcast_in_dim3A : f32 to vector<16xf32>
      %swap3A = arith.index_cast %scan3A_100 : i32 to index
      %swap3A_103 = arith.constant 0 : index
      %swap3A_104 = tpu.vector_load %arg8[%swap3A, %swap3A_103] {strides = array<i32>} : memref<256x64xf32, #tpu.memory_space<vmem>>, vector<1x16xf32>,
      %swap3A_105 = vector.shape_cast %swap3A_104 : vector<1x16xf32> to vector<16xf32>
      %swap3A_106 = vector.shape_cast %broadcast_in_dim3A_102 : vector<16xf32> to vector<1x16xf32>
      tpu.vector_store %arg8[%swap3A, %swap3A_103], %swap3A_106 {strides = array<i32>} : memref<256x64xf32, #tpu.memory_space<vmem>>, vector<1x16xf32>,
      %broadcast_in_dim3A_107 = arith.constant 0.000000e+00 : f32
      %broadcast_in_dim3A_108 = vector.broadcast %broadcast_in_dim3A_107 : f32 to vector<16xf32>
      %swap3A_109 = arith.index_cast %scan3A_100 : i32 to index
      %swap3A_110 = arith.constant 16 : index
      %swap3A_111 = tpu.vector_load %arg8[%swap3A_109, %swap3A_110] {strides = array<i32>} : memref<256x64xf32, #tpu.memory_space<vmem>>, vector<1x16xf32>,
      %swap3A_112 = vector.shape_cast %swap3A_111 : vector<1x16xf32> to vector<16xf32>
      %swap3A_113 = vector.shape_cast %broadcast_in_dim3A_108 : vector<16xf32> to vector<1x16xf32>
      tpu.vector_store %arg8[%swap3A_109, %swap3A_110], %swap3A_113 {strides = array<i32>} : memref<256x64xf32, #tpu.memory_space<vmem>>, vector<1x16xf32>,
      %broadcast_in_dim3A_114 = arith.constant 0.000000e+00 : f32
      %broadcast_in_dim3A_115 = vector.broadcast %broadcast_in_dim3A_114 : f32 to vector<16xf32>
      %swap3A_116 = arith.index_cast %scan3A_100 : i32 to index
      %swap3A_117 = arith.constant 32 : index
      %swap3A_118 = tpu.vector_load %arg8[%swap3A_116, %swap3A_117] {strides = array<i32>} : memref<256x64xf32, #tpu.memory_space<vmem>>, vector<1x16xf32>,
      %swap3A_119 = vector.shape_cast %swap3A_118 : vector<1x16xf32> to vector<16xf32>
      %swap3A_120 = vector.shape_cast %broadcast_in_dim3A_115 : vector<16xf32> to vector<1x16xf32>
      tpu.vector_store %arg8[%swap3A_116, %swap3A_117], %swap3A_120 {strides = array<i32>} : memref<256x64xf32, #tpu.memory_space<vmem>>, vector<1x16xf32>,
      %broadcast_in_dim3A_121 = arith.constant 0.000000e+00 : f32
      %broadcast_in_dim3A_122 = vector.broadcast %broadcast_in_dim3A_121 : f32 to vector<16xf32>
      %swap3A_123 = arith.index_cast %scan3A_100 : i32 to index
      %swap3A_124 = arith.constant 48 : index
      %swap3A_125 = tpu.vector_load %arg8[%swap3A_123, %swap3A_124] {strides = array<i32>} : memref<256x64xf32, #tpu.memory_space<vmem>>, vector<1x16xf32>,
      %swap3A_126 = vector.shape_cast %swap3A_125 : vector<1x16xf32> to vector<16xf32>
      %swap3A_127 = vector.shape_cast %broadcast_in_dim3A_122 : vector<16xf32> to vector<1x16xf32>
      tpu.vector_store %arg8[%swap3A_123, %swap3A_124], %swap3A_127 {strides = array<i32>} : memref<256x64xf32, #tpu.memory_space<vmem>>, vector<1x16xf32>,
      %scan3A_128 = arith.constant 0 : i32
      scf.yield %scan3A_128 : i32
    }
    %scan3A_25 = arith.constant 128 : i32
    "tpu.region"() ({
      %run_scoped3A = tpu.sem_alloc : memref<!tpu.dma_semaphore, #tpu.memory_space<semaphore_mem>>
      %dma_start3A_100 = arith.constant 0 : i32
      %dma_start3A_101 = tpu.memref_slice %arg10[%mul3A_2, %dma_start3A_100] : memref<10240x64xf32, #tpu.memory_space<vmem_shared>> -> memref<640x64xf32, #tpu.memory_space<vmem_shared>>
      %dma_start3A_102 = arith.constant 0 : i32
      %dma_start3A_103 = tpu.memref_slice %arg2[%mul3A_2, %dma_start3A_102] : memref<10240x64xf32, #tpu.memory_space<hbm>> -> memref<640x64xf32, #tpu.memory_space<hbm>>
      tpu.enqueue_dma source(%dma_start3A_103 : memref<640x64xf32, #tpu.memory_space<hbm>>) target(%dma_start3A_101 : memref<640x64xf32, #tpu.memory_space<vmem_shared>>) target_semaphore(%run_scoped3A : memref<!tpu.dma_semaphore, #tpu.memory_space<semaphore_mem>>)
      %dma_wait3A_104 = arith.constant 0 : i32
      %dma_wait3A_105 = tpu.memref_slice %arg10[%mul3A_2, %dma_wait3A_104] : memref<10240x64xf32, #tpu.memory_space<vmem_shared>> -> memref<640x64xf32, #tpu.memory_space<vmem_shared>>
      %dma_wait3A_106 = arith.constant 0 : i32
      %dma_wait3A_107 = tpu.memref_slice %arg2[%mul3A_2, %dma_wait3A_106] : memref<10240x64xf32, #tpu.memory_space<hbm>> -> memref<640x64xf32, #tpu.memory_space<hbm>>
      tpu.wait_dma2 semaphore(%run_scoped3A : memref<!tpu.dma_semaphore, #tpu.memory_space<semaphore_mem>>) src(%dma_wait3A_107 : memref<640x64xf32, #tpu.memory_space<hbm>>) dst(%dma_wait3A_105 : memref<640x64xf32, #tpu.memory_space<vmem_shared>>)
      tpu.yield
    }) : () -> ()
    %add3A_26 = arith.constant 0 : i32
    %add3A_27 = arith.addi %mul3A_2, %add3A_26 : i32
    "tpu.region"() ({
      %run_scoped3A = tpu.sem_alloc : memref<!tpu.dma_semaphore, #tpu.memory_space<semaphore_mem>>
      %dma_start3A_100 = arith.constant 0 : i32
      %dma_start3A_101 = arith.constant 0 : i32
      %dma_start3A_102 = tpu.memref_slice %arg8[%dma_start3A_100, %dma_start3A_101] : memref<256x64xf32, #tpu.memory_space<vmem>> -> memref<128x64xf32, #tpu.memory_space<vmem>>
      %dma_start3A_103 = arith.constant 0 : i32
      %dma_start3A_104 = tpu.memref_slice %arg9[%add3A_27, %dma_start3A_103] : memref<10240x64xf32, #tpu.memory_space<vmem_shared>> -> memref<128x64xf32, #tpu.memory_space<vmem_shared>>
      %dma_start3A_105 = arith.constant 0 : i32
      %dma_start3A_106 = tpu.memref_slice %arg9[%add3A_27, %dma_start3A_105] : memref<10240x64xf32, #tpu.memory_space<vmem_shared>> -> memref<128x64xf32, #tpu.memory_space<vmem_shared>>
      %dma_start3A_107 = arith.constant 0 : i32
      %dma_start3A_108 = arith.constant 0 : i32
      %dma_start3A_109 = tpu.memref_slice %arg8[%dma_start3A_107, %dma_start3A_108] : memref<256x64xf32, #tpu.memory_space<vmem>> -> memref<128x64xf32, #tpu.memory_space<vmem>>
      tpu.enqueue_dma source(%dma_start3A_109 : memref<128x64xf32, #tpu.memory_space<vmem>>) target(%dma_start3A_106 : memref<128x64xf32, #tpu.memory_space<vmem_shared>>) target_semaphore(%run_scoped3A : memref<!tpu.dma_semaphore, #tpu.memory_space<semaphore_mem>>)
      %dma_wait3A_110 = arith.constant 0 : i32
      %dma_wait3A_111 = arith.constant 0 : i32
      %dma_wait3A_112 = tpu.memref_slice %arg8[%dma_wait3A_110, %dma_wait3A_111] : memref<256x64xf32, #tpu.memory_space<vmem>> -> memref<128x64xf32, #tpu.memory_space<vmem>>
      %dma_wait3A_113 = arith.constant 0 : i32
      %dma_wait3A_114 = tpu.memref_slice %arg9[%add3A_27, %dma_wait3A_113] : memref<10240x64xf32, #tpu.memory_space<vmem_shared>> -> memref<128x64xf32, #tpu.memory_space<vmem_shared>>
      %dma_wait3A_115 = arith.constant 0 : i32
      %dma_wait3A_116 = tpu.memref_slice %arg9[%add3A_27, %dma_wait3A_115] : memref<10240x64xf32, #tpu.memory_space<vmem_shared>> -> memref<128x64xf32, #tpu.memory_space<vmem_shared>>
      %dma_wait3A_117 = arith.constant 0 : i32
      %dma_wait3A_118 = arith.constant 0 : i32
      %dma_wait3A_119 = tpu.memref_slice %arg8[%dma_wait3A_117, %dma_wait3A_118] : memref<256x64xf32, #tpu.memory_space<vmem>> -> memref<128x64xf32, #tpu.memory_space<vmem>>
      tpu.wait_dma2 semaphore(%run_scoped3A : memref<!tpu.dma_semaphore, #tpu.memory_space<semaphore_mem>>) src(%dma_wait3A_119 : memref<128x64xf32, #tpu.memory_space<vmem>>) dst(%dma_wait3A_116 : memref<128x64xf32, #tpu.memory_space<vmem_shared>>)
      tpu.yield
    }) : () -> ()
    %add3A_28 = arith.constant 128 : i32
    %add3A_29 = arith.addi %mul3A_2, %add3A_28 : i32
    "tpu.region"() ({
      %run_scoped3A = tpu.sem_alloc : memref<!tpu.dma_semaphore, #tpu.memory_space<semaphore_mem>>
      %dma_start3A_100 = arith.constant 0 : i32
      %dma_start3A_101 = arith.constant 0 : i32
      %dma_start3A_102 = tpu.memref_slice %arg8[%dma_start3A_100, %dma_start3A_101] : memref<256x64xf32, #tpu.memory_space<vmem>> -> memref<128x64xf32, #tpu.memory_space<vmem>>
      %dma_start3A_103 = arith.constant 0 : i32
      %dma_start3A_104 = tpu.memref_slice %arg9[%add3A_29, %dma_start3A_103] : memref<10240x64xf32, #tpu.memory_space<vmem_shared>> -> memref<128x64xf32, #tpu.memory_space<vmem_shared>>
      %dma_start3A_105 = arith.constant 0 : i32
      %dma_start3A_106 = tpu.memref_slice %arg9[%add3A_29, %dma_start3A_105] : memref<10240x64xf32, #tpu.memory_space<vmem_shared>> -> memref<128x64xf32, #tpu.memory_space<vmem_shared>>
      %dma_start3A_107 = arith.constant 0 : i32
      %dma_start3A_108 = arith.constant 0 : i32
      %dma_start3A_109 = tpu.memref_slice %arg8[%dma_start3A_107, %dma_start3A_108] : memref<256x64xf32, #tpu.memory_space<vmem>> -> memref<128x64xf32, #tpu.memory_space<vmem>>
      tpu.enqueue_dma source(%dma_start3A_109 : memref<128x64xf32, #tpu.memory_space<vmem>>) target(%dma_start3A_106 : memref<128x64xf32, #tpu.memory_space<vmem_shared>>) target_semaphore(%run_scoped3A : memref<!tpu.dma_semaphore, #tpu.memory_space<semaphore_mem>>)
      %dma_wait3A_110 = arith.constant 0 : i32
      %dma_wait3A_111 = arith.constant 0 : i32
      %dma_wait3A_112 = tpu.memref_slice %arg8[%dma_wait3A_110, %dma_wait3A_111] : memref<256x64xf32, #tpu.memory_space<vmem>> -> memref<128x64xf32, #tpu.memory_space<vmem>>
      %dma_wait3A_113 = arith.constant 0 : i32
      %dma_wait3A_114 = tpu.memref_slice %arg9[%add3A_29, %dma_wait3A_113] : memref<10240x64xf32, #tpu.memory_space<vmem_shared>> -> memref<128x64xf32, #tpu.memory_space<vmem_shared>>
      %dma_wait3A_115 = arith.constant 0 : i32
      %dma_wait3A_116 = tpu.memref_slice %arg9[%add3A_29, %dma_wait3A_115] : memref<10240x64xf32, #tpu.memory_space<vmem_shared>> -> memref<128x64xf32, #tpu.memory_space<vmem_shared>>
      %dma_wait3A_117 = arith.constant 0 : i32
      %dma_wait3A_118 = arith.constant 0 : i32
      %dma_wait3A_119 = tpu.memref_slice %arg8[%dma_wait3A_117, %dma_wait3A_118] : memref<256x64xf32, #tpu.memory_space<vmem>> -> memref<128x64xf32, #tpu.memory_space<vmem>>
      tpu.wait_dma2 semaphore(%run_scoped3A : memref<!tpu.dma_semaphore, #tpu.memory_space<semaphore_mem>>) src(%dma_wait3A_119 : memref<128x64xf32, #tpu.memory_space<vmem>>) dst(%dma_wait3A_116 : memref<128x64xf32, #tpu.memory_space<vmem_shared>>)
      tpu.yield
    }) : () -> ()
    %add3A_30 = arith.constant 256 : i32
    %add3A_31 = arith.addi %mul3A_2, %add3A_30 : i32
    "tpu.region"() ({
      %run_scoped3A = tpu.sem_alloc : memref<!tpu.dma_semaphore, #tpu.memory_space<semaphore_mem>>
      %dma_start3A_100 = arith.constant 0 : i32
      %dma_start3A_101 = arith.constant 0 : i32
      %dma_start3A_102 = tpu.memref_slice %arg8[%dma_start3A_100, %dma_start3A_101] : memref<256x64xf32, #tpu.memory_space<vmem>> -> memref<128x64xf32, #tpu.memory_space<vmem>>
      %dma_start3A_103 = arith.constant 0 : i32
      %dma_start3A_104 = tpu.memref_slice %arg9[%add3A_31, %dma_start3A_103] : memref<10240x64xf32, #tpu.memory_space<vmem_shared>> -> memref<128x64xf32, #tpu.memory_space<vmem_shared>>
      %dma_start3A_105 = arith.constant 0 : i32
      %dma_start3A_106 = tpu.memref_slice %arg9[%add3A_31, %dma_start3A_105] : memref<10240x64xf32, #tpu.memory_space<vmem_shared>> -> memref<128x64xf32, #tpu.memory_space<vmem_shared>>
      %dma_start3A_107 = arith.constant 0 : i32
      %dma_start3A_108 = arith.constant 0 : i32
      %dma_start3A_109 = tpu.memref_slice %arg8[%dma_start3A_107, %dma_start3A_108] : memref<256x64xf32, #tpu.memory_space<vmem>> -> memref<128x64xf32, #tpu.memory_space<vmem>>
      tpu.enqueue_dma source(%dma_start3A_109 : memref<128x64xf32, #tpu.memory_space<vmem>>) target(%dma_start3A_106 : memref<128x64xf32, #tpu.memory_space<vmem_shared>>) target_semaphore(%run_scoped3A : memref<!tpu.dma_semaphore, #tpu.memory_space<semaphore_mem>>)
      %dma_wait3A_110 = arith.constant 0 : i32
      %dma_wait3A_111 = arith.constant 0 : i32
      %dma_wait3A_112 = tpu.memref_slice %arg8[%dma_wait3A_110, %dma_wait3A_111] : memref<256x64xf32, #tpu.memory_space<vmem>> -> memref<128x64xf32, #tpu.memory_space<vmem>>
      %dma_wait3A_113 = arith.constant 0 : i32
      %dma_wait3A_114 = tpu.memref_slice %arg9[%add3A_31, %dma_wait3A_113] : memref<10240x64xf32, #tpu.memory_space<vmem_shared>> -> memref<128x64xf32, #tpu.memory_space<vmem_shared>>
      %dma_wait3A_115 = arith.constant 0 : i32
      %dma_wait3A_116 = tpu.memref_slice %arg9[%add3A_31, %dma_wait3A_115] : memref<10240x64xf32, #tpu.memory_space<vmem_shared>> -> memref<128x64xf32, #tpu.memory_space<vmem_shared>>
      %dma_wait3A_117 = arith.constant 0 : i32
      %dma_wait3A_118 = arith.constant 0 : i32
      %dma_wait3A_119 = tpu.memref_slice %arg8[%dma_wait3A_117, %dma_wait3A_118] : memref<256x64xf32, #tpu.memory_space<vmem>> -> memref<128x64xf32, #tpu.memory_space<vmem>>
      tpu.wait_dma2 semaphore(%run_scoped3A : memref<!tpu.dma_semaphore, #tpu.memory_space<semaphore_mem>>) src(%dma_wait3A_119 : memref<128x64xf32, #tpu.memory_space<vmem>>) dst(%dma_wait3A_116 : memref<128x64xf32, #tpu.memory_space<vmem_shared>>)
      tpu.yield
    }) : () -> ()
    %add3A_32 = arith.constant 384 : i32
    %add3A_33 = arith.addi %mul3A_2, %add3A_32 : i32
    "tpu.region"() ({
      %run_scoped3A = tpu.sem_alloc : memref<!tpu.dma_semaphore, #tpu.memory_space<semaphore_mem>>
      %dma_start3A_100 = arith.constant 0 : i32
      %dma_start3A_101 = arith.constant 0 : i32
      %dma_start3A_102 = tpu.memref_slice %arg8[%dma_start3A_100, %dma_start3A_101] : memref<256x64xf32, #tpu.memory_space<vmem>> -> memref<128x64xf32, #tpu.memory_space<vmem>>
      %dma_start3A_103 = arith.constant 0 : i32
      %dma_start3A_104 = tpu.memref_slice %arg9[%add3A_33, %dma_start3A_103] : memref<10240x64xf32, #tpu.memory_space<vmem_shared>> -> memref<128x64xf32, #tpu.memory_space<vmem_shared>>
      %dma_start3A_105 = arith.constant 0 : i32
      %dma_start3A_106 = tpu.memref_slice %arg9[%add3A_33, %dma_start3A_105] : memref<10240x64xf32, #tpu.memory_space<vmem_shared>> -> memref<128x64xf32, #tpu.memory_space<vmem_shared>>
      %dma_start3A_107 = arith.constant 0 : i32
      %dma_start3A_108 = arith.constant 0 : i32
      %dma_start3A_109 = tpu.memref_slice %arg8[%dma_start3A_107, %dma_start3A_108] : memref<256x64xf32, #tpu.memory_space<vmem>> -> memref<128x64xf32, #tpu.memory_space<vmem>>
      tpu.enqueue_dma source(%dma_start3A_109 : memref<128x64xf32, #tpu.memory_space<vmem>>) target(%dma_start3A_106 : memref<128x64xf32, #tpu.memory_space<vmem_shared>>) target_semaphore(%run_scoped3A : memref<!tpu.dma_semaphore, #tpu.memory_space<semaphore_mem>>)
      %dma_wait3A_110 = arith.constant 0 : i32
      %dma_wait3A_111 = arith.constant 0 : i32
      %dma_wait3A_112 = tpu.memref_slice %arg8[%dma_wait3A_110, %dma_wait3A_111] : memref<256x64xf32, #tpu.memory_space<vmem>> -> memref<128x64xf32, #tpu.memory_space<vmem>>
      %dma_wait3A_113 = arith.constant 0 : i32
      %dma_wait3A_114 = tpu.memref_slice %arg9[%add3A_33, %dma_wait3A_113] : memref<10240x64xf32, #tpu.memory_space<vmem_shared>> -> memref<128x64xf32, #tpu.memory_space<vmem_shared>>
      %dma_wait3A_115 = arith.constant 0 : i32
      %dma_wait3A_116 = tpu.memref_slice %arg9[%add3A_33, %dma_wait3A_115] : memref<10240x64xf32, #tpu.memory_space<vmem_shared>> -> memref<128x64xf32, #tpu.memory_space<vmem_shared>>
      %dma_wait3A_117 = arith.constant 0 : i32
      %dma_wait3A_118 = arith.constant 0 : i32
      %dma_wait3A_119 = tpu.memref_slice %arg8[%dma_wait3A_117, %dma_wait3A_118] : memref<256x64xf32, #tpu.memory_space<vmem>> -> memref<128x64xf32, #tpu.memory_space<vmem>>
      tpu.wait_dma2 semaphore(%run_scoped3A : memref<!tpu.dma_semaphore, #tpu.memory_space<semaphore_mem>>) src(%dma_wait3A_119 : memref<128x64xf32, #tpu.memory_space<vmem>>) dst(%dma_wait3A_116 : memref<128x64xf32, #tpu.memory_space<vmem_shared>>)
      tpu.yield
    }) : () -> ()
    %add3A_34 = arith.constant 512 : i32
    %add3A_35 = arith.addi %mul3A_2, %add3A_34 : i32
    "tpu.region"() ({
      %run_scoped3A = tpu.sem_alloc : memref<!tpu.dma_semaphore, #tpu.memory_space<semaphore_mem>>
      %dma_start3A_100 = arith.constant 0 : i32
      %dma_start3A_101 = arith.constant 0 : i32
      %dma_start3A_102 = tpu.memref_slice %arg8[%dma_start3A_100, %dma_start3A_101] : memref<256x64xf32, #tpu.memory_space<vmem>> -> memref<128x64xf32, #tpu.memory_space<vmem>>
      %dma_start3A_103 = arith.constant 0 : i32
      %dma_start3A_104 = tpu.memref_slice %arg9[%add3A_35, %dma_start3A_103] : memref<10240x64xf32, #tpu.memory_space<vmem_shared>> -> memref<128x64xf32, #tpu.memory_space<vmem_shared>>
      %dma_start3A_105 = arith.constant 0 : i32
      %dma_start3A_106 = tpu.memref_slice %arg9[%add3A_35, %dma_start3A_105] : memref<10240x64xf32, #tpu.memory_space<vmem_shared>> -> memref<128x64xf32, #tpu.memory_space<vmem_shared>>
      %dma_start3A_107 = arith.constant 0 : i32
      %dma_start3A_108 = arith.constant 0 : i32
      %dma_start3A_109 = tpu.memref_slice %arg8[%dma_start3A_107, %dma_start3A_108] : memref<256x64xf32, #tpu.memory_space<vmem>> -> memref<128x64xf32, #tpu.memory_space<vmem>>
      tpu.enqueue_dma source(%dma_start3A_109 : memref<128x64xf32, #tpu.memory_space<vmem>>) target(%dma_start3A_106 : memref<128x64xf32, #tpu.memory_space<vmem_shared>>) target_semaphore(%run_scoped3A : memref<!tpu.dma_semaphore, #tpu.memory_space<semaphore_mem>>)
      %dma_wait3A_110 = arith.constant 0 : i32
      %dma_wait3A_111 = arith.constant 0 : i32
      %dma_wait3A_112 = tpu.memref_slice %arg8[%dma_wait3A_110, %dma_wait3A_111] : memref<256x64xf32, #tpu.memory_space<vmem>> -> memref<128x64xf32, #tpu.memory_space<vmem>>
      %dma_wait3A_113 = arith.constant 0 : i32
      %dma_wait3A_114 = tpu.memref_slice %arg9[%add3A_35, %dma_wait3A_113] : memref<10240x64xf32, #tpu.memory_space<vmem_shared>> -> memref<128x64xf32, #tpu.memory_space<vmem_shared>>
      %dma_wait3A_115 = arith.constant 0 : i32
      %dma_wait3A_116 = tpu.memref_slice %arg9[%add3A_35, %dma_wait3A_115] : memref<10240x64xf32, #tpu.memory_space<vmem_shared>> -> memref<128x64xf32, #tpu.memory_space<vmem_shared>>
      %dma_wait3A_117 = arith.constant 0 : i32
      %dma_wait3A_118 = arith.constant 0 : i32
      %dma_wait3A_119 = tpu.memref_slice %arg8[%dma_wait3A_117, %dma_wait3A_118] : memref<256x64xf32, #tpu.memory_space<vmem>> -> memref<128x64xf32, #tpu.memory_space<vmem>>
      tpu.wait_dma2 semaphore(%run_scoped3A : memref<!tpu.dma_semaphore, #tpu.memory_space<semaphore_mem>>) src(%dma_wait3A_119 : memref<128x64xf32, #tpu.memory_space<vmem>>) dst(%dma_wait3A_116 : memref<128x64xf32, #tpu.memory_space<vmem_shared>>)
      tpu.yield
    }) : () -> ()
    %mul3A_36 = arith.constant 80 : i32
    %mul3A_37 = arith.muli %add3A, %mul3A_36 : i32
    %dma_wait3A = arith.constant 0 : i32
    %dma_wait3A_38 = arith.constant 0 : i32
    %dma_wait3A_39 = tpu.memref_slice %arg3[%mul3A_37, %dma_wait3A_38] : memref<2560x128xi32, #tpu.memory_space<hbm>> -> memref<80x128xi32, #tpu.memory_space<hbm>>
    %dma_wait3A_40 = tpu.memref_slice %arg13[%dma_wait3A] : memref<2x!tpu.dma_semaphore, #tpu.memory_space<semaphore_mem>> -> memref<1x!tpu.dma_semaphore, #tpu.memory_space<semaphore_mem>>
    %dma_wait3A_41 = tpu.memref_squeeze %dma_wait3A_40 : memref<1x!tpu.dma_semaphore, #tpu.memory_space<semaphore_mem>> -> memref<!tpu.dma_semaphore, #tpu.memory_space<semaphore_mem>>
    %dma_wait3A_42 = arith.constant 0 : i32
    %dma_wait3A_43 = tpu.memref_slice %arg3[%mul3A_37, %dma_wait3A_42] : memref<2560x128xi32, #tpu.memory_space<hbm>> -> memref<80x128xi32, #tpu.memory_space<hbm>>
    tpu.wait_dma2 semaphore(%dma_wait3A_41 : memref<!tpu.dma_semaphore, #tpu.memory_space<semaphore_mem>>) src(%dma_wait3A_43 : memref<80x128xi32, #tpu.memory_space<hbm>>) dst(%arg6 : memref<80x128xi32, #tpu.memory_space<vmem>>)
    %mul3A_44 = arith.constant 80 : i32
    %mul3A_45 = arith.muli %add3A, %mul3A_44 : i32
    %dma_wait3A_46 = arith.constant 1 : i32
    %dma_wait3A_47 = arith.constant 0 : i32
    %dma_wait3A_48 = tpu.memref_slice %arg4[%mul3A_45, %dma_wait3A_47] : memref<2560x128xi32, #tpu.memory_space<hbm>> -> memref<80x128xi32, #tpu.memory_space<hbm>>
    %dma_wait3A_49 = tpu.memref_slice %arg13[%dma_wait3A_46] : memref<2x!tpu.dma_semaphore, #tpu.memory_space<semaphore_mem>> -> memref<1x!tpu.dma_semaphore, #tpu.memory_space<semaphore_mem>>
    %dma_wait3A_50 = tpu.memref_squeeze %dma_wait3A_49 : memref<1x!tpu.dma_semaphore, #tpu.memory_space<semaphore_mem>> -> memref<!tpu.dma_semaphore, #tpu.memory_space<semaphore_mem>>
    %dma_wait3A_51 = arith.constant 0 : i32
    %dma_wait3A_52 = tpu.memref_slice %arg4[%mul3A_45, %dma_wait3A_51] : memref<2560x128xi32, #tpu.memory_space<hbm>> -> memref<80x128xi32, #tpu.memory_space<hbm>>
    tpu.wait_dma2 semaphore(%dma_wait3A_50 : memref<!tpu.dma_semaphore, #tpu.memory_space<semaphore_mem>>) src(%dma_wait3A_52 : memref<80x128xi32, #tpu.memory_space<hbm>>) dst(%arg7 : memref<80x128xi32, #tpu.memory_space<vmem>>)
    %barrier3A = arith.constant 0 : index
    tpu.barrier barrier_id(%barrier3A)
    %dma_start3A_53 = arith.constant 0 : i32
    %dma_start3A_54 = arith.constant 0 : i32
    %dma_start3A_55 = arith.constant 0 : i32
    %dma_start3A_56 = arith.constant 0 : i32
    %dma_start3A_57 = tpu.memref_slice %arg8[%dma_start3A_55, %dma_start3A_56] : memref<256x64xf32, #tpu.memory_space<vmem>> -> memref<128x64xf32, #tpu.memory_space<vmem>>
    %dma_start3A_58 = arith.constant 0 : i32
    %dma_start3A_59 = tpu.memref_slice %arg6[%dma_start3A_53, %dma_start3A_58] : memref<80x128xi32, #tpu.memory_space<vmem>> -> memref<1x128xi32, #tpu.memory_space<vmem>>
    %dma_start3A_60 = tpu.memref_squeeze %dma_start3A_59 : memref<1x128xi32, #tpu.memory_space<vmem>> -> memref<128xi32, #tpu.memory_space<vmem>>
    %dma_start3A_61 = arith.constant 0 : i32
    %dma_start3A_62 = arith.constant 0 : i32
    %dma_start3A_63 = tpu.memref_slice %arg10[%dma_start3A_61, %dma_start3A_62] : memref<10240x64xf32, #tpu.memory_space<vmem_shared>> -> memref<10240x64xf32, #tpu.memory_space<vmem_shared>>
    %dma_start3A_64 = tpu.memref_slice %arg11[%dma_start3A_54] : memref<2x!tpu.dma_semaphore, #tpu.memory_space<semaphore_mem>> -> memref<1x!tpu.dma_semaphore, #tpu.memory_space<semaphore_mem>>
    %dma_start3A_65 = tpu.memref_squeeze %dma_start3A_64 : memref<1x!tpu.dma_semaphore, #tpu.memory_space<semaphore_mem>> -> memref<!tpu.dma_semaphore, #tpu.memory_space<semaphore_mem>>
    tpu.enqueue_indirect_dma source(%dma_start3A_63 : memref<10240x64xf32, #tpu.memory_space<vmem_shared>>) target(%dma_start3A_57 : memref<128x64xf32, #tpu.memory_space<vmem>>) offsets(%dma_start3A_60 : memref<128xi32, #tpu.memory_space<vmem>>) semaphore(%dma_start3A_65 : memref<!tpu.dma_semaphore, #tpu.memory_space<semaphore_mem>>)
    %dma_start3A_66 = arith.constant 1 : i32
    %dma_start3A_67 = arith.constant 1 : i32
    %dma_start3A_68 = arith.constant 128 : i32
    %dma_start3A_69 = arith.constant 0 : i32
    %dma_start3A_70 = tpu.memref_slice %arg8[%dma_start3A_68, %dma_start3A_69] : memref<256x64xf32, #tpu.memory_space<vmem>> -> memref<128x64xf32, #tpu.memory_space<vmem>>
    %dma_start3A_71 = arith.constant 0 : i32
    %dma_start3A_72 = tpu.memref_slice %arg6[%dma_start3A_66, %dma_start3A_71] : memref<80x128xi32, #tpu.memory_space<vmem>> -> memref<1x128xi32, #tpu.memory_space<vmem>>
    %dma_start3A_73 = tpu.memref_squeeze %dma_start3A_72 : memref<1x128xi32, #tpu.memory_space<vmem>> -> memref<128xi32, #tpu.memory_space<vmem>>
    %dma_start3A_74 = arith.constant 0 : i32
    %dma_start3A_75 = arith.constant 0 : i32
    %dma_start3A_76 = tpu.memref_slice %arg10[%dma_start3A_74, %dma_start3A_75] : memref<10240x64xf32, #tpu.memory_space<vmem_shared>> -> memref<10240x64xf32, #tpu.memory_space<vmem_shared>>
    %dma_start3A_77 = tpu.memref_slice %arg11[%dma_start3A_67] : memref<2x!tpu.dma_semaphore, #tpu.memory_space<semaphore_mem>> -> memref<1x!tpu.dma_semaphore, #tpu.memory_space<semaphore_mem>>
    %dma_start3A_78 = tpu.memref_squeeze %dma_start3A_77 : memref<1x!tpu.dma_semaphore, #tpu.memory_space<semaphore_mem>> -> memref<!tpu.dma_semaphore, #tpu.memory_space<semaphore_mem>>
    tpu.enqueue_indirect_dma source(%dma_start3A_76 : memref<10240x64xf32, #tpu.memory_space<vmem_shared>>) target(%dma_start3A_70 : memref<128x64xf32, #tpu.memory_space<vmem>>) offsets(%dma_start3A_73 : memref<128xi32, #tpu.memory_space<vmem>>) semaphore(%dma_start3A_78 : memref<!tpu.dma_semaphore, #tpu.memory_space<semaphore_mem>>)
    %scan3A_79 = arith.constant 0 : i32
    %scan3A_80 = arith.constant 0 : i32
    %scan3A_81 = arith.constant 40 : i32
    %scan3A_82 = arith.addi %scan3A_80, %scan3A_81 : i32
    %scan3A_83 = arith.constant 1 : i32
    %scan3A_84 = scf.for %scan3A_100 = %scan3A_80 to %scan3A_82 step %scan3A_83 iter_args(%scan3A_101 = %scan3A_79) -> (i32)  : i32 {
      %mul3A_102 = arith.constant 2 : i32
      %mul3A_103 = arith.muli %mul3A_102, %scan3A_100 : i32
      %dma_wait3A_104 = arith.constant 0 : i32
      %dma_wait3A_105 = arith.constant 0 : i32
      %dma_wait3A_106 = arith.constant 0 : i32
      %dma_wait3A_107 = tpu.memref_slice %arg8[%dma_wait3A_105, %dma_wait3A_106] : memref<256x64xf32, #tpu.memory_space<vmem>> -> memref<128x64xf32, #tpu.memory_space<vmem>>
      %dma_wait3A_108 = arith.constant 0 : i32
      %dma_wait3A_109 = tpu.memref_slice %arg6[%mul3A_103, %dma_wait3A_108] : memref<80x128xi32, #tpu.memory_space<vmem>> -> memref<1x128xi32, #tpu.memory_space<vmem>>
      %dma_wait3A_110 = tpu.memref_squeeze %dma_wait3A_109 : memref<1x128xi32, #tpu.memory_space<vmem>> -> memref<128xi32, #tpu.memory_space<vmem>>
      %dma_wait3A_111 = arith.constant 0 : i32
      %dma_wait3A_112 = arith.constant 0 : i32
      %dma_wait3A_113 = tpu.memref_slice %arg10[%dma_wait3A_111, %dma_wait3A_112] : memref<10240x64xf32, #tpu.memory_space<vmem_shared>> -> memref<10240x64xf32, #tpu.memory_space<vmem_shared>>
      %dma_wait3A_114 = tpu.memref_slice %arg11[%dma_wait3A_104] : memref<2x!tpu.dma_semaphore, #tpu.memory_space<semaphore_mem>> -> memref<1x!tpu.dma_semaphore, #tpu.memory_space<semaphore_mem>>
      %dma_wait3A_115 = tpu.memref_squeeze %dma_wait3A_114 : memref<1x!tpu.dma_semaphore, #tpu.memory_space<semaphore_mem>> -> memref<!tpu.dma_semaphore, #tpu.memory_space<semaphore_mem>>
      tpu.wait_indirect_dma semaphore(%dma_wait3A_115 : memref<!tpu.dma_semaphore, #tpu.memory_space<semaphore_mem>>) src(%dma_wait3A_113 : memref<10240x64xf32, #tpu.memory_space<vmem_shared>>) dst(%dma_wait3A_107 : memref<128x64xf32, #tpu.memory_space<vmem>>)
      %dma_start3A_116 = arith.constant 0 : i32
      %dma_start3A_117 = arith.constant 0 : i32
      %dma_start3A_118 = arith.constant 0 : i32
      %dma_start3A_119 = tpu.memref_slice %arg8[%dma_start3A_117, %dma_start3A_118] : memref<256x64xf32, #tpu.memory_space<vmem>> -> memref<128x64xf32, #tpu.memory_space<vmem>>
      %dma_start3A_120 = arith.constant 0 : i32
      %dma_start3A_121 = tpu.memref_slice %arg7[%mul3A_103, %dma_start3A_120] : memref<80x128xi32, #tpu.memory_space<vmem>> -> memref<1x128xi32, #tpu.memory_space<vmem>>
      %dma_start3A_122 = tpu.memref_squeeze %dma_start3A_121 : memref<1x128xi32, #tpu.memory_space<vmem>> -> memref<128xi32, #tpu.memory_space<vmem>>
      %dma_start3A_123 = arith.constant 0 : i32
      %dma_start3A_124 = arith.constant 0 : i32
      %dma_start3A_125 = tpu.memref_slice %arg9[%dma_start3A_123, %dma_start3A_124] : memref<10240x64xf32, #tpu.memory_space<vmem_shared>> -> memref<10240x64xf32, #tpu.memory_space<vmem_shared>>
      %dma_start3A_126 = tpu.memref_slice %arg12[%dma_start3A_116] : memref<2x!tpu.dma_semaphore, #tpu.memory_space<semaphore_mem>> -> memref<1x!tpu.dma_semaphore, #tpu.memory_space<semaphore_mem>>
      %dma_start3A_127 = tpu.memref_squeeze %dma_start3A_126 : memref<1x!tpu.dma_semaphore, #tpu.memory_space<semaphore_mem>> -> memref<!tpu.dma_semaphore, #tpu.memory_space<semaphore_mem>>
      tpu.enqueue_indirect_dma source(%dma_start3A_119 : memref<128x64xf32, #tpu.memory_space<vmem>>) target(%dma_start3A_125 : memref<10240x64xf32, #tpu.memory_space<vmem_shared>>) offsets(%dma_start3A_122 : memref<128xi32, #tpu.memory_space<vmem>>) semaphore(%dma_start3A_127 : memref<!tpu.dma_semaphore, #tpu.memory_space<semaphore_mem>>) {add = true}
      %gt3A = arith.constant 0 : i32
      %gt3A_128 = arith.cmpi sgt, %scan3A_100, %gt3A : i32
      %convert_element_type3A = arith.extui %gt3A_128 : i1 to i32
      %cond3A = arith.constant 0 : i32
      %cond3A_129 = arith.cmpi ne, %convert_element_type3A, %cond3A : i32
      scf.if %cond3A_129 {
        %sub3A = arith.constant 1 : i32
        %sub3A_175 = arith.subi %mul3A_103, %sub3A : i32
        %dma_wait3A_176 = arith.constant 1 : i32
        %dma_wait3A_177 = arith.constant 128 : i32
        %dma_wait3A_178 = arith.constant 0 : i32
        %dma_wait3A_179 = tpu.memref_slice %arg8[%dma_wait3A_177, %dma_wait3A_178] : memref<256x64xf32, #tpu.memory_space<vmem>> -> memref<128x64xf32, #tpu.memory_space<vmem>>
        %dma_wait3A_180 = arith.constant 0 : i32
        %dma_wait3A_181 = tpu.memref_slice %arg7[%sub3A_175, %dma_wait3A_180] : memref<80x128xi32, #tpu.memory_space<vmem>> -> memref<1x128xi32, #tpu.memory_space<vmem>>
        %dma_wait3A_182 = tpu.memref_squeeze %dma_wait3A_181 : memref<1x128xi32, #tpu.memory_space<vmem>> -> memref<128xi32, #tpu.memory_space<vmem>>
        %dma_wait3A_183 = arith.constant 0 : i32
        %dma_wait3A_184 = arith.constant 0 : i32
        %dma_wait3A_185 = tpu.memref_slice %arg9[%dma_wait3A_183, %dma_wait3A_184] : memref<10240x64xf32, #tpu.memory_space<vmem_shared>> -> memref<10240x64xf32, #tpu.memory_space<vmem_shared>>
        %dma_wait3A_186 = tpu.memref_slice %arg12[%dma_wait3A_176] : memref<2x!tpu.dma_semaphore, #tpu.memory_space<semaphore_mem>> -> memref<1x!tpu.dma_semaphore, #tpu.memory_space<semaphore_mem>>
        %dma_wait3A_187 = tpu.memref_squeeze %dma_wait3A_186 : memref<1x!tpu.dma_semaphore, #tpu.memory_space<semaphore_mem>> -> memref<!tpu.dma_semaphore, #tpu.memory_space<semaphore_mem>>
        tpu.wait_indirect_dma semaphore(%dma_wait3A_187 : memref<!tpu.dma_semaphore, #tpu.memory_space<semaphore_mem>>) src(%dma_wait3A_179 : memref<128x64xf32, #tpu.memory_space<vmem>>) dst(%dma_wait3A_185 : memref<10240x64xf32, #tpu.memory_space<vmem_shared>>)
        %add3A_188 = arith.constant 1 : i32
        %add3A_189 = arith.addi %mul3A_103, %add3A_188 : i32
        %dma_start3A_190 = arith.constant 1 : i32
        %dma_start3A_191 = arith.constant 128 : i32
        %dma_start3A_192 = arith.constant 0 : i32
        %dma_start3A_193 = tpu.memref_slice %arg8[%dma_start3A_191, %dma_start3A_192] : memref<256x64xf32, #tpu.memory_space<vmem>> -> memref<128x64xf32, #tpu.memory_space<vmem>>
        %dma_start3A_194 = arith.constant 0 : i32
        %dma_start3A_195 = tpu.memref_slice %arg6[%add3A_189, %dma_start3A_194] : memref<80x128xi32, #tpu.memory_space<vmem>> -> memref<1x128xi32, #tpu.memory_space<vmem>>
        %dma_start3A_196 = tpu.memref_squeeze %dma_start3A_195 : memref<1x128xi32, #tpu.memory_space<vmem>> -> memref<128xi32, #tpu.memory_space<vmem>>
        %dma_start3A_197 = arith.constant 0 : i32
        %dma_start3A_198 = arith.constant 0 : i32
        %dma_start3A_199 = tpu.memref_slice %arg10[%dma_start3A_197, %dma_start3A_198] : memref<10240x64xf32, #tpu.memory_space<vmem_shared>> -> memref<10240x64xf32, #tpu.memory_space<vmem_shared>>
        %dma_start3A_200 = tpu.memref_slice %arg11[%dma_start3A_190] : memref<2x!tpu.dma_semaphore, #tpu.memory_space<semaphore_mem>> -> memref<1x!tpu.dma_semaphore, #tpu.memory_space<semaphore_mem>>
        %dma_start3A_201 = tpu.memref_squeeze %dma_start3A_200 : memref<1x!tpu.dma_semaphore, #tpu.memory_space<semaphore_mem>> -> memref<!tpu.dma_semaphore, #tpu.memory_space<semaphore_mem>>
        tpu.enqueue_indirect_dma source(%dma_start3A_199 : memref<10240x64xf32, #tpu.memory_space<vmem_shared>>) target(%dma_start3A_193 : memref<128x64xf32, #tpu.memory_space<vmem>>) offsets(%dma_start3A_196 : memref<128xi32, #tpu.memory_space<vmem>>) semaphore(%dma_start3A_201 : memref<!tpu.dma_semaphore, #tpu.memory_space<semaphore_mem>>)
      } else {
      }
      %mul3A_130 = arith.constant 2 : i32
      %mul3A_131 = arith.muli %mul3A_130, %scan3A_100 : i32
      %add3A_132 = arith.constant 1 : i32
      %add3A_133 = arith.addi %mul3A_131, %add3A_132 : i32
      %dma_wait3A_134 = arith.constant 1 : i32
      %dma_wait3A_135 = arith.constant 128 : i32
      %dma_wait3A_136 = arith.constant 0 : i32
      %dma_wait3A_137 = tpu.memref_slice %arg8[%dma_wait3A_135, %dma_wait3A_136] : memref<256x64xf32, #tpu.memory_space<vmem>> -> memref<128x64xf32, #tpu.memory_space<vmem>>
      %dma_wait3A_138 = arith.constant 0 : i32
      %dma_wait3A_139 = tpu.memref_slice %arg6[%add3A_133, %dma_wait3A_138] : memref<80x128xi32, #tpu.memory_space<vmem>> -> memref<1x128xi32, #tpu.memory_space<vmem>>
      %dma_wait3A_140 = tpu.memref_squeeze %dma_wait3A_139 : memref<1x128xi32, #tpu.memory_space<vmem>> -> memref<128xi32, #tpu.memory_space<vmem>>
      %dma_wait3A_141 = arith.constant 0 : i32
      %dma_wait3A_142 = arith.constant 0 : i32
      %dma_wait3A_143 = tpu.memref_slice %arg10[%dma_wait3A_141, %dma_wait3A_142] : memref<10240x64xf32, #tpu.memory_space<vmem_shared>> -> memref<10240x64xf32, #tpu.memory_space<vmem_shared>>
      %dma_wait3A_144 = tpu.memref_slice %arg11[%dma_wait3A_134] : memref<2x!tpu.dma_semaphore, #tpu.memory_space<semaphore_mem>> -> memref<1x!tpu.dma_semaphore, #tpu.memory_space<semaphore_mem>>
      %dma_wait3A_145 = tpu.memref_squeeze %dma_wait3A_144 : memref<1x!tpu.dma_semaphore, #tpu.memory_space<semaphore_mem>> -> memref<!tpu.dma_semaphore, #tpu.memory_space<semaphore_mem>>
      tpu.wait_indirect_dma semaphore(%dma_wait3A_145 : memref<!tpu.dma_semaphore, #tpu.memory_space<semaphore_mem>>) src(%dma_wait3A_143 : memref<10240x64xf32, #tpu.memory_space<vmem_shared>>) dst(%dma_wait3A_137 : memref<128x64xf32, #tpu.memory_space<vmem>>)
      %dma_start3A_146 = arith.constant 1 : i32
      %dma_start3A_147 = arith.constant 128 : i32
      %dma_start3A_148 = arith.constant 0 : i32
      %dma_start3A_149 = tpu.memref_slice %arg8[%dma_start3A_147, %dma_start3A_148] : memref<256x64xf32, #tpu.memory_space<vmem>> -> memref<128x64xf32, #tpu.memory_space<vmem>>
      %dma_start3A_150 = arith.constant 0 : i32
      %dma_start3A_151 = tpu.memref_slice %arg7[%add3A_133, %dma_start3A_150] : memref<80x128xi32, #tpu.memory_space<vmem>> -> memref<1x128xi32, #tpu.memory_space<vmem>>
      %dma_start3A_152 = tpu.memref_squeeze %dma_start3A_151 : memref<1x128xi32, #tpu.memory_space<vmem>> -> memref<128xi32, #tpu.memory_space<vmem>>
      %dma_start3A_153 = arith.constant 0 : i32
      %dma_start3A_154 = arith.constant 0 : i32
      %dma_start3A_155 = tpu.memref_slice %arg9[%dma_start3A_153, %dma_start3A_154] : memref<10240x64xf32, #tpu.memory_space<vmem_shared>> -> memref<10240x64xf32, #tpu.memory_space<vmem_shared>>
      %dma_start3A_156 = tpu.memref_slice %arg12[%dma_start3A_146] : memref<2x!tpu.dma_semaphore, #tpu.memory_space<semaphore_mem>> -> memref<1x!tpu.dma_semaphore, #tpu.memory_space<semaphore_mem>>
      %dma_start3A_157 = tpu.memref_squeeze %dma_start3A_156 : memref<1x!tpu.dma_semaphore, #tpu.memory_space<semaphore_mem>> -> memref<!tpu.dma_semaphore, #tpu.memory_space<semaphore_mem>>
      tpu.enqueue_indirect_dma source(%dma_start3A_149 : memref<128x64xf32, #tpu.memory_space<vmem>>) target(%dma_start3A_155 : memref<10240x64xf32, #tpu.memory_space<vmem_shared>>) offsets(%dma_start3A_152 : memref<128xi32, #tpu.memory_space<vmem>>) semaphore(%dma_start3A_157 : memref<!tpu.dma_semaphore, #tpu.memory_space<semaphore_mem>>) {add = true}
      %dma_wait3A_158 = arith.constant 0 : i32
      %dma_wait3A_159 = arith.constant 0 : i32
      %dma_wait3A_160 = arith.constant 0 : i32
      %dma_wait3A_161 = tpu.memref_slice %arg8[%dma_wait3A_159, %dma_wait3A_160] : memref<256x64xf32, #tpu.memory_space<vmem>> -> memref<128x64xf32, #tpu.memory_space<vmem>>
      %dma_wait3A_162 = arith.constant 0 : i32
      %dma_wait3A_163 = tpu.memref_slice %arg7[%mul3A_103, %dma_wait3A_162] : memref<80x128xi32, #tpu.memory_space<vmem>> -> memref<1x128xi32, #tpu.memory_space<vmem>>
      %dma_wait3A_164 = tpu.memref_squeeze %dma_wait3A_163 : memref<1x128xi32, #tpu.memory_space<vmem>> -> memref<128xi32, #tpu.memory_space<vmem>>
      %dma_wait3A_165 = arith.constant 0 : i32
      %dma_wait3A_166 = arith.constant 0 : i32
      %dma_wait3A_167 = tpu.memref_slice %arg9[%dma_wait3A_165, %dma_wait3A_166] : memref<10240x64xf32, #tpu.memory_space<vmem_shared>> -> memref<10240x64xf32, #tpu.memory_space<vmem_shared>>
      %dma_wait3A_168 = tpu.memref_slice %arg12[%dma_wait3A_158] : memref<2x!tpu.dma_semaphore, #tpu.memory_space<semaphore_mem>> -> memref<1x!tpu.dma_semaphore, #tpu.memory_space<semaphore_mem>>
      %dma_wait3A_169 = tpu.memref_squeeze %dma_wait3A_168 : memref<1x!tpu.dma_semaphore, #tpu.memory_space<semaphore_mem>> -> memref<!tpu.dma_semaphore, #tpu.memory_space<semaphore_mem>>
      tpu.wait_indirect_dma semaphore(%dma_wait3A_169 : memref<!tpu.dma_semaphore, #tpu.memory_space<semaphore_mem>>) src(%dma_wait3A_161 : memref<128x64xf32, #tpu.memory_space<vmem>>) dst(%dma_wait3A_167 : memref<10240x64xf32, #tpu.memory_space<vmem_shared>>)
      %lt3A = arith.constant 39 : i32
      %lt3A_170 = arith.cmpi slt, %scan3A_100, %lt3A : i32
      %convert_element_type3A_171 = arith.extui %lt3A_170 : i1 to i32
      %cond3A_172 = arith.constant 0 : i32
      %cond3A_173 = arith.cmpi ne, %convert_element_type3A_171, %cond3A_172 : i32
      scf.if %cond3A_173 {
        %add3A_175 = arith.constant 1 : i32
        %add3A_176 = arith.addi %add3A_133, %add3A_175 : i32
        %dma_start3A_177 = arith.constant 0 : i32
        %dma_start3A_178 = arith.constant 0 : i32
        %dma_start3A_179 = arith.constant 0 : i32
        %dma_start3A_180 = tpu.memref_slice %arg8[%dma_start3A_178, %dma_start3A_179] : memref<256x64xf32, #tpu.memory_space<vmem>> -> memref<128x64xf32, #tpu.memory_space<vmem>>
        %dma_start3A_181 = arith.constant 0 : i32
        %dma_start3A_182 = tpu.memref_slice %arg6[%add3A_176, %dma_start3A_181] : memref<80x128xi32, #tpu.memory_space<vmem>> -> memref<1x128xi32, #tpu.memory_space<vmem>>
        %dma_start3A_183 = tpu.memref_squeeze %dma_start3A_182 : memref<1x128xi32, #tpu.memory_space<vmem>> -> memref<128xi32, #tpu.memory_space<vmem>>
        %dma_start3A_184 = arith.constant 0 : i32
        %dma_start3A_185 = arith.constant 0 : i32
        %dma_start3A_186 = tpu.memref_slice %arg10[%dma_start3A_184, %dma_start3A_185] : memref<10240x64xf32, #tpu.memory_space<vmem_shared>> -> memref<10240x64xf32, #tpu.memory_space<vmem_shared>>
        %dma_start3A_187 = tpu.memref_slice %arg11[%dma_start3A_177] : memref<2x!tpu.dma_semaphore, #tpu.memory_space<semaphore_mem>> -> memref<1x!tpu.dma_semaphore, #tpu.memory_space<semaphore_mem>>
        %dma_start3A_188 = tpu.memref_squeeze %dma_start3A_187 : memref<1x!tpu.dma_semaphore, #tpu.memory_space<semaphore_mem>> -> memref<!tpu.dma_semaphore, #tpu.memory_space<semaphore_mem>>
        tpu.enqueue_indirect_dma source(%dma_start3A_186 : memref<10240x64xf32, #tpu.memory_space<vmem_shared>>) target(%dma_start3A_180 : memref<128x64xf32, #tpu.memory_space<vmem>>) offsets(%dma_start3A_183 : memref<128xi32, #tpu.memory_space<vmem>>) semaphore(%dma_start3A_188 : memref<!tpu.dma_semaphore, #tpu.memory_space<semaphore_mem>>)
      } else {
      }
      %scan3A_174 = arith.constant 0 : i32
      scf.yield %scan3A_174 : i32
    }
    %scan3A_85 = arith.constant 40 : i32
    %dma_wait3A_86 = arith.constant 79 : i32
    %dma_wait3A_87 = arith.constant 1 : i32
    %dma_wait3A_88 = arith.constant 128 : i32
    %dma_wait3A_89 = arith.constant 0 : i32
    %dma_wait3A_90 = tpu.memref_slice %arg8[%dma_wait3A_88, %dma_wait3A_89] : memref<256x64xf32, #tpu.memory_space<vmem>> -> memref<128x64xf32, #tpu.memory_space<vmem>>
    %dma_wait3A_91 = arith.constant 0 : i32
    %dma_wait3A_92 = tpu.memref_slice %arg7[%dma_wait3A_86, %dma_wait3A_91] : memref<80x128xi32, #tpu.memory_space<vmem>> -> memref<1x128xi32, #tpu.memory_space<vmem>>
    %dma_wait3A_93 = tpu.memref_squeeze %dma_wait3A_92 : memref<1x128xi32, #tpu.memory_space<vmem>> -> memref<128xi32, #tpu.memory_space<vmem>>
    %dma_wait3A_94 = arith.constant 0 : i32
    %dma_wait3A_95 = arith.constant 0 : i32
    %dma_wait3A_96 = tpu.memref_slice %arg9[%dma_wait3A_94, %dma_wait3A_95] : memref<10240x64xf32, #tpu.memory_space<vmem_shared>> -> memref<10240x64xf32, #tpu.memory_space<vmem_shared>>
    %dma_wait3A_97 = tpu.memref_slice %arg12[%dma_wait3A_87] : memref<2x!tpu.dma_semaphore, #tpu.memory_space<semaphore_mem>> -> memref<1x!tpu.dma_semaphore, #tpu.memory_space<semaphore_mem>>
    %dma_wait3A_98 = tpu.memref_squeeze %dma_wait3A_97 : memref<1x!tpu.dma_semaphore, #tpu.memory_space<semaphore_mem>> -> memref<!tpu.dma_semaphore, #tpu.memory_space<semaphore_mem>>
    tpu.wait_indirect_dma semaphore(%dma_wait3A_98 : memref<!tpu.dma_semaphore, #tpu.memory_space<semaphore_mem>>) src(%dma_wait3A_90 : memref<128x64xf32, #tpu.memory_space<vmem>>) dst(%dma_wait3A_96 : memref<10240x64xf32, #tpu.memory_space<vmem_shared>>)
    %barrier3A_99 = arith.constant 0 : index
    tpu.barrier barrier_id(%barrier3A_99)
    "tpu.region"() ({
      %run_scoped3A = tpu.sem_alloc : memref<!tpu.dma_semaphore, #tpu.memory_space<semaphore_mem>>
      %dma_start3A_100 = arith.constant 0 : i32
      %dma_start3A_101 = tpu.memref_slice %arg5[%arg0, %mul3A_2, %dma_start3A_100] : memref<2x10240x64xf32, #tpu.memory_space<hbm>> -> memref<1x640x64xf32, #tpu.memory_space<hbm>>
      %dma_start3A_102 = tpu.memref_squeeze %dma_start3A_101 : memref<1x640x64xf32, #tpu.memory_space<hbm>> -> memref<640x64xf32, #tpu.memory_space<hbm>>
      %dma_start3A_103 = arith.constant 0 : i32
      %dma_start3A_104 = tpu.memref_slice %arg9[%mul3A_2, %dma_start3A_103] : memref<10240x64xf32, #tpu.memory_space<vmem_shared>> -> memref<640x64xf32, #tpu.memory_space<vmem_shared>>
      tpu.enqueue_dma source(%dma_start3A_104 : memref<640x64xf32, #tpu.memory_space<vmem_shared>>) target(%dma_start3A_102 : memref<640x64xf32, #tpu.memory_space<hbm>>) target_semaphore(%run_scoped3A : memref<!tpu.dma_semaphore, #tpu.memory_space<semaphore_mem>>)
      %dma_wait3A_105 = arith.constant 0 : i32
      %dma_wait3A_106 = tpu.memref_slice %arg5[%arg0, %mul3A_2, %dma_wait3A_105] : memref<2x10240x64xf32, #tpu.memory_space<hbm>> -> memref<1x640x64xf32, #tpu.memory_space<hbm>>
      %dma_wait3A_107 = tpu.memref_squeeze %dma_wait3A_106 : memref<1x640x64xf32, #tpu.memory_space<hbm>> -> memref<640x64xf32, #tpu.memory_space<hbm>>
      %dma_wait3A_108 = arith.constant 0 : i32
      %dma_wait3A_109 = tpu.memref_slice %arg9[%mul3A_2, %dma_wait3A_108] : memref<10240x64xf32, #tpu.memory_space<vmem_shared>> -> memref<640x64xf32, #tpu.memory_space<vmem_shared>>
      tpu.wait_dma2 semaphore(%run_scoped3A : memref<!tpu.dma_semaphore, #tpu.memory_space<semaphore_mem>>) src(%dma_wait3A_109 : memref<640x64xf32, #tpu.memory_space<vmem_shared>>) dst(%dma_wait3A_107 : memref<640x64xf32, #tpu.memory_space<hbm>>)
      tpu.yield
    }) : () -> ()
    return
  }
}

#map = affine_map<(d0, d1) -> (0, 0)>
#map1 = affine_map<(d0, d1) -> (0, 0, 0)>
module attributes {stable_mosaic.version = 14 : i64} {
  func.func @_sc_degree_body(%arg0: i32, %arg1: i32, %arg2: memref<2560x128xi32, #tpu.memory_space<hbm>>, %arg3: memref<2x10240x16xf32, #tpu.memory_space<hbm>>, %arg4: memref<80x128xi32, #tpu.memory_space<vmem>>, %arg5: memref<128x16xf32, #tpu.memory_space<vmem>>, %arg6: memref<128x16xf32, #tpu.memory_space<vmem>>, %arg7: memref<10240x16xf32, #tpu.memory_space<vmem_shared>>, %arg8: memref<!tpu.dma_semaphore, #tpu.memory_space<semaphore_mem>>) attributes {dimension_semantics = [#tpu.dimension_semantics<core_parallel>, #tpu.dimension_semantics<subcore_parallel>], iteration_bounds = array<i64: 2, 16>, scalar_prefetch = 0 : i64, scratch_operands = 5 : i64, tpu.core_type = #tpu.core_type<sc_vector_subcore>, window_params = [{transform_indices = #map}, {transform_indices = #map1}]} {
    %mul3A = arith.constant 16 : i32
    %mul3A_0 = arith.muli %arg0, %mul3A : i32
    %add3A = arith.addi %mul3A_0, %arg1 : i32
    %mul3A_1 = arith.constant 640 : i32
    %mul3A_2 = arith.muli %arg1, %mul3A_1 : i32
    %scan3A = arith.constant 0 : i32
    %scan3A_3 = arith.constant 0 : i32
    %scan3A_4 = arith.constant 128 : i32
    %scan3A_5 = arith.addi %scan3A_3, %scan3A_4 : i32
    %scan3A_6 = arith.constant 1 : i32
    %scan3A_7 = scf.for %scan3A_36 = %scan3A_3 to %scan3A_5 step %scan3A_6 iter_args(%scan3A_37 = %scan3A) -> (i32)  : i32 {
      %broadcast_in_dim3A = arith.constant 0.000000e+00 : f32
      %broadcast_in_dim3A_38 = vector.broadcast %broadcast_in_dim3A : f32 to vector<16xf32>
      %swap3A = arith.index_cast %scan3A_36 : i32 to index
      %swap3A_39 = arith.constant 0 : index
      %swap3A_40 = tpu.vector_load %arg6[%swap3A, %swap3A_39] {strides = array<i32>} : memref<128x16xf32, #tpu.memory_space<vmem>>, vector<1x16xf32>,
      %swap3A_41 = vector.shape_cast %swap3A_40 : vector<1x16xf32> to vector<16xf32>
      %swap3A_42 = vector.shape_cast %broadcast_in_dim3A_38 : vector<16xf32> to vector<1x16xf32>
      tpu.vector_store %arg6[%swap3A, %swap3A_39], %swap3A_42 {strides = array<i32>} : memref<128x16xf32, #tpu.memory_space<vmem>>, vector<1x16xf32>,
      %broadcast_in_dim3A_43 = arith.constant 1.000000e+00 : f32
      %broadcast_in_dim3A_44 = vector.broadcast %broadcast_in_dim3A_43 : f32 to vector<16xf32>
      %swap3A_45 = arith.index_cast %scan3A_36 : i32 to index
      %swap3A_46 = arith.constant 0 : index
      %swap3A_47 = tpu.vector_load %arg5[%swap3A_45, %swap3A_46] {strides = array<i32>} : memref<128x16xf32, #tpu.memory_space<vmem>>, vector<1x16xf32>,
      %swap3A_48 = vector.shape_cast %swap3A_47 : vector<1x16xf32> to vector<16xf32>
      %swap3A_49 = vector.shape_cast %broadcast_in_dim3A_44 : vector<16xf32> to vector<1x16xf32>
      tpu.vector_store %arg5[%swap3A_45, %swap3A_46], %swap3A_49 {strides = array<i32>} : memref<128x16xf32, #tpu.memory_space<vmem>>, vector<1x16xf32>,
      %scan3A_50 = arith.constant 0 : i32
      scf.yield %scan3A_50 : i32
    }
    %scan3A_8 = arith.constant 128 : i32
    %add3A_9 = arith.constant 0 : i32
    %add3A_10 = arith.addi %mul3A_2, %add3A_9 : i32
    "tpu.region"() ({
      %run_scoped3A = tpu.sem_alloc : memref<!tpu.dma_semaphore, #tpu.memory_space<semaphore_mem>>
      %dma_start3A = arith.constant 0 : i32
      %dma_start3A_36 = tpu.memref_slice %arg7[%add3A_10, %dma_start3A] : memref<10240x16xf32, #tpu.memory_space<vmem_shared>> -> memref<128x16xf32, #tpu.memory_space<vmem_shared>>
      %dma_start3A_37 = arith.constant 0 : i32
      %dma_start3A_38 = tpu.memref_slice %arg7[%add3A_10, %dma_start3A_37] : memref<10240x16xf32, #tpu.memory_space<vmem_shared>> -> memref<128x16xf32, #tpu.memory_space<vmem_shared>>
      tpu.enqueue_dma source(%arg6 : memref<128x16xf32, #tpu.memory_space<vmem>>) target(%dma_start3A_38 : memref<128x16xf32, #tpu.memory_space<vmem_shared>>) target_semaphore(%run_scoped3A : memref<!tpu.dma_semaphore, #tpu.memory_space<semaphore_mem>>)
      %dma_wait3A = arith.constant 0 : i32
      %dma_wait3A_39 = tpu.memref_slice %arg7[%add3A_10, %dma_wait3A] : memref<10240x16xf32, #tpu.memory_space<vmem_shared>> -> memref<128x16xf32, #tpu.memory_space<vmem_shared>>
      %dma_wait3A_40 = arith.constant 0 : i32
      %dma_wait3A_41 = tpu.memref_slice %arg7[%add3A_10, %dma_wait3A_40] : memref<10240x16xf32, #tpu.memory_space<vmem_shared>> -> memref<128x16xf32, #tpu.memory_space<vmem_shared>>
      tpu.wait_dma2 semaphore(%run_scoped3A : memref<!tpu.dma_semaphore, #tpu.memory_space<semaphore_mem>>) src(%arg6 : memref<128x16xf32, #tpu.memory_space<vmem>>) dst(%dma_wait3A_41 : memref<128x16xf32, #tpu.memory_space<vmem_shared>>)
      tpu.yield
    }) : () -> ()
    %add3A_11 = arith.constant 128 : i32
    %add3A_12 = arith.addi %mul3A_2, %add3A_11 : i32
    "tpu.region"() ({
      %run_scoped3A = tpu.sem_alloc : memref<!tpu.dma_semaphore, #tpu.memory_space<semaphore_mem>>
      %dma_start3A = arith.constant 0 : i32
      %dma_start3A_36 = tpu.memref_slice %arg7[%add3A_12, %dma_start3A] : memref<10240x16xf32, #tpu.memory_space<vmem_shared>> -> memref<128x16xf32, #tpu.memory_space<vmem_shared>>
      %dma_start3A_37 = arith.constant 0 : i32
      %dma_start3A_38 = tpu.memref_slice %arg7[%add3A_12, %dma_start3A_37] : memref<10240x16xf32, #tpu.memory_space<vmem_shared>> -> memref<128x16xf32, #tpu.memory_space<vmem_shared>>
      tpu.enqueue_dma source(%arg6 : memref<128x16xf32, #tpu.memory_space<vmem>>) target(%dma_start3A_38 : memref<128x16xf32, #tpu.memory_space<vmem_shared>>) target_semaphore(%run_scoped3A : memref<!tpu.dma_semaphore, #tpu.memory_space<semaphore_mem>>)
      %dma_wait3A = arith.constant 0 : i32
      %dma_wait3A_39 = tpu.memref_slice %arg7[%add3A_12, %dma_wait3A] : memref<10240x16xf32, #tpu.memory_space<vmem_shared>> -> memref<128x16xf32, #tpu.memory_space<vmem_shared>>
      %dma_wait3A_40 = arith.constant 0 : i32
      %dma_wait3A_41 = tpu.memref_slice %arg7[%add3A_12, %dma_wait3A_40] : memref<10240x16xf32, #tpu.memory_space<vmem_shared>> -> memref<128x16xf32, #tpu.memory_space<vmem_shared>>
      tpu.wait_dma2 semaphore(%run_scoped3A : memref<!tpu.dma_semaphore, #tpu.memory_space<semaphore_mem>>) src(%arg6 : memref<128x16xf32, #tpu.memory_space<vmem>>) dst(%dma_wait3A_41 : memref<128x16xf32, #tpu.memory_space<vmem_shared>>)
      tpu.yield
    }) : () -> ()
    %add3A_13 = arith.constant 256 : i32
    %add3A_14 = arith.addi %mul3A_2, %add3A_13 : i32
    "tpu.region"() ({
      %run_scoped3A = tpu.sem_alloc : memref<!tpu.dma_semaphore, #tpu.memory_space<semaphore_mem>>
      %dma_start3A = arith.constant 0 : i32
      %dma_start3A_36 = tpu.memref_slice %arg7[%add3A_14, %dma_start3A] : memref<10240x16xf32, #tpu.memory_space<vmem_shared>> -> memref<128x16xf32, #tpu.memory_space<vmem_shared>>
      %dma_start3A_37 = arith.constant 0 : i32
      %dma_start3A_38 = tpu.memref_slice %arg7[%add3A_14, %dma_start3A_37] : memref<10240x16xf32, #tpu.memory_space<vmem_shared>> -> memref<128x16xf32, #tpu.memory_space<vmem_shared>>
      tpu.enqueue_dma source(%arg6 : memref<128x16xf32, #tpu.memory_space<vmem>>) target(%dma_start3A_38 : memref<128x16xf32, #tpu.memory_space<vmem_shared>>) target_semaphore(%run_scoped3A : memref<!tpu.dma_semaphore, #tpu.memory_space<semaphore_mem>>)
      %dma_wait3A = arith.constant 0 : i32
      %dma_wait3A_39 = tpu.memref_slice %arg7[%add3A_14, %dma_wait3A] : memref<10240x16xf32, #tpu.memory_space<vmem_shared>> -> memref<128x16xf32, #tpu.memory_space<vmem_shared>>
      %dma_wait3A_40 = arith.constant 0 : i32
      %dma_wait3A_41 = tpu.memref_slice %arg7[%add3A_14, %dma_wait3A_40] : memref<10240x16xf32, #tpu.memory_space<vmem_shared>> -> memref<128x16xf32, #tpu.memory_space<vmem_shared>>
      tpu.wait_dma2 semaphore(%run_scoped3A : memref<!tpu.dma_semaphore, #tpu.memory_space<semaphore_mem>>) src(%arg6 : memref<128x16xf32, #tpu.memory_space<vmem>>) dst(%dma_wait3A_41 : memref<128x16xf32, #tpu.memory_space<vmem_shared>>)
      tpu.yield
    }) : () -> ()
    %add3A_15 = arith.constant 384 : i32
    %add3A_16 = arith.addi %mul3A_2, %add3A_15 : i32
    "tpu.region"() ({
      %run_scoped3A = tpu.sem_alloc : memref<!tpu.dma_semaphore, #tpu.memory_space<semaphore_mem>>
      %dma_start3A = arith.constant 0 : i32
      %dma_start3A_36 = tpu.memref_slice %arg7[%add3A_16, %dma_start3A] : memref<10240x16xf32, #tpu.memory_space<vmem_shared>> -> memref<128x16xf32, #tpu.memory_space<vmem_shared>>
      %dma_start3A_37 = arith.constant 0 : i32
      %dma_start3A_38 = tpu.memref_slice %arg7[%add3A_16, %dma_start3A_37] : memref<10240x16xf32, #tpu.memory_space<vmem_shared>> -> memref<128x16xf32, #tpu.memory_space<vmem_shared>>
      tpu.enqueue_dma source(%arg6 : memref<128x16xf32, #tpu.memory_space<vmem>>) target(%dma_start3A_38 : memref<128x16xf32, #tpu.memory_space<vmem_shared>>) target_semaphore(%run_scoped3A : memref<!tpu.dma_semaphore, #tpu.memory_space<semaphore_mem>>)
      %dma_wait3A = arith.constant 0 : i32
      %dma_wait3A_39 = tpu.memref_slice %arg7[%add3A_16, %dma_wait3A] : memref<10240x16xf32, #tpu.memory_space<vmem_shared>> -> memref<128x16xf32, #tpu.memory_space<vmem_shared>>
      %dma_wait3A_40 = arith.constant 0 : i32
      %dma_wait3A_41 = tpu.memref_slice %arg7[%add3A_16, %dma_wait3A_40] : memref<10240x16xf32, #tpu.memory_space<vmem_shared>> -> memref<128x16xf32, #tpu.memory_space<vmem_shared>>
      tpu.wait_dma2 semaphore(%run_scoped3A : memref<!tpu.dma_semaphore, #tpu.memory_space<semaphore_mem>>) src(%arg6 : memref<128x16xf32, #tpu.memory_space<vmem>>) dst(%dma_wait3A_41 : memref<128x16xf32, #tpu.memory_space<vmem_shared>>)
      tpu.yield
    }) : () -> ()
    %add3A_17 = arith.constant 512 : i32
    %add3A_18 = arith.addi %mul3A_2, %add3A_17 : i32
    "tpu.region"() ({
      %run_scoped3A = tpu.sem_alloc : memref<!tpu.dma_semaphore, #tpu.memory_space<semaphore_mem>>
      %dma_start3A = arith.constant 0 : i32
      %dma_start3A_36 = tpu.memref_slice %arg7[%add3A_18, %dma_start3A] : memref<10240x16xf32, #tpu.memory_space<vmem_shared>> -> memref<128x16xf32, #tpu.memory_space<vmem_shared>>
      %dma_start3A_37 = arith.constant 0 : i32
      %dma_start3A_38 = tpu.memref_slice %arg7[%add3A_18, %dma_start3A_37] : memref<10240x16xf32, #tpu.memory_space<vmem_shared>> -> memref<128x16xf32, #tpu.memory_space<vmem_shared>>
      tpu.enqueue_dma source(%arg6 : memref<128x16xf32, #tpu.memory_space<vmem>>) target(%dma_start3A_38 : memref<128x16xf32, #tpu.memory_space<vmem_shared>>) target_semaphore(%run_scoped3A : memref<!tpu.dma_semaphore, #tpu.memory_space<semaphore_mem>>)
      %dma_wait3A = arith.constant 0 : i32
      %dma_wait3A_39 = tpu.memref_slice %arg7[%add3A_18, %dma_wait3A] : memref<10240x16xf32, #tpu.memory_space<vmem_shared>> -> memref<128x16xf32, #tpu.memory_space<vmem_shared>>
      %dma_wait3A_40 = arith.constant 0 : i32
      %dma_wait3A_41 = tpu.memref_slice %arg7[%add3A_18, %dma_wait3A_40] : memref<10240x16xf32, #tpu.memory_space<vmem_shared>> -> memref<128x16xf32, #tpu.memory_space<vmem_shared>>
      tpu.wait_dma2 semaphore(%run_scoped3A : memref<!tpu.dma_semaphore, #tpu.memory_space<semaphore_mem>>) src(%arg6 : memref<128x16xf32, #tpu.memory_space<vmem>>) dst(%dma_wait3A_41 : memref<128x16xf32, #tpu.memory_space<vmem_shared>>)
      tpu.yield
    }) : () -> ()
    %mul3A_19 = arith.constant 80 : i32
    %mul3A_20 = arith.muli %add3A, %mul3A_19 : i32
    "tpu.region"() ({
      %run_scoped3A = tpu.sem_alloc : memref<!tpu.dma_semaphore, #tpu.memory_space<semaphore_mem>>
      %dma_start3A = arith.constant 0 : i32
      %dma_start3A_36 = tpu.memref_slice %arg2[%mul3A_20, %dma_start3A] : memref<2560x128xi32, #tpu.memory_space<hbm>> -> memref<80x128xi32, #tpu.memory_space<hbm>>
      %dma_start3A_37 = arith.constant 0 : i32
      %dma_start3A_38 = tpu.memref_slice %arg2[%mul3A_20, %dma_start3A_37] : memref<2560x128xi32, #tpu.memory_space<hbm>> -> memref<80x128xi32, #tpu.memory_space<hbm>>
      tpu.enqueue_dma source(%dma_start3A_38 : memref<80x128xi32, #tpu.memory_space<hbm>>) target(%arg4 : memref<80x128xi32, #tpu.memory_space<vmem>>) target_semaphore(%run_scoped3A : memref<!tpu.dma_semaphore, #tpu.memory_space<semaphore_mem>>)
      %dma_wait3A = arith.constant 0 : i32
      %dma_wait3A_39 = tpu.memref_slice %arg2[%mul3A_20, %dma_wait3A] : memref<2560x128xi32, #tpu.memory_space<hbm>> -> memref<80x128xi32, #tpu.memory_space<hbm>>
      %dma_wait3A_40 = arith.constant 0 : i32
      %dma_wait3A_41 = tpu.memref_slice %arg2[%mul3A_20, %dma_wait3A_40] : memref<2560x128xi32, #tpu.memory_space<hbm>> -> memref<80x128xi32, #tpu.memory_space<hbm>>
      tpu.wait_dma2 semaphore(%run_scoped3A : memref<!tpu.dma_semaphore, #tpu.memory_space<semaphore_mem>>) src(%dma_wait3A_41 : memref<80x128xi32, #tpu.memory_space<hbm>>) dst(%arg4 : memref<80x128xi32, #tpu.memory_space<vmem>>)
      tpu.yield
    }) : () -> ()
    %barrier3A = arith.constant 0 : index
    tpu.barrier barrier_id(%barrier3A)
    %scan3A_21 = arith.constant 0 : i32
    %scan3A_22 = arith.constant 0 : i32
    %scan3A_23 = arith.constant 80 : i32
    %scan3A_24 = arith.addi %scan3A_22, %scan3A_23 : i32
    %scan3A_25 = arith.constant 1 : i32
    %scan3A_26 = scf.for %scan3A_36 = %scan3A_22 to %scan3A_24 step %scan3A_25 iter_args(%scan3A_37 = %scan3A_21) -> (i32)  : i32 {
      %dma_start3A = arith.constant 0 : i32
      %dma_start3A_38 = tpu.memref_slice %arg4[%scan3A_36, %dma_start3A] : memref<80x128xi32, #tpu.memory_space<vmem>> -> memref<1x128xi32, #tpu.memory_space<vmem>>
      %dma_start3A_39 = tpu.memref_squeeze %dma_start3A_38 : memref<1x128xi32, #tpu.memory_space<vmem>> -> memref<128xi32, #tpu.memory_space<vmem>>
      %dma_start3A_40 = arith.constant 0 : i32
      %dma_start3A_41 = arith.constant 0 : i32
      %dma_start3A_42 = tpu.memref_slice %arg7[%dma_start3A_40, %dma_start3A_41] : memref<10240x16xf32, #tpu.memory_space<vmem_shared>> -> memref<10240x16xf32, #tpu.memory_space<vmem_shared>>
      tpu.enqueue_indirect_dma source(%arg5 : memref<128x16xf32, #tpu.memory_space<vmem>>) target(%dma_start3A_42 : memref<10240x16xf32, #tpu.memory_space<vmem_shared>>) offsets(%dma_start3A_39 : memref<128xi32, #tpu.memory_space<vmem>>) semaphore(%arg8 : memref<!tpu.dma_semaphore, #tpu.memory_space<semaphore_mem>>) {add = true}
      %scan3A_43 = arith.constant 0 : i32
      scf.yield %scan3A_43 : i32
    }
    %scan3A_27 = arith.constant 80 : i32
    %scan3A_28 = arith.constant 0 : i32
    %scan3A_29 = arith.constant 0 : i32
    %scan3A_30 = arith.constant 80 : i32
    %scan3A_31 = arith.addi %scan3A_29, %scan3A_30 : i32
    %scan3A_32 = arith.constant 1 : i32
    %scan3A_33 = scf.for %scan3A_36 = %scan3A_29 to %scan3A_31 step %scan3A_32 iter_args(%scan3A_37 = %scan3A_28) -> (i32)  : i32 {
      %dma_wait3A = arith.constant 0 : i32
      %dma_wait3A_38 = tpu.memref_slice %arg4[%scan3A_36, %dma_wait3A] : memref<80x128xi32, #tpu.memory_space<vmem>> -> memref<1x128xi32, #tpu.memory_space<vmem>>
      %dma_wait3A_39 = tpu.memref_squeeze %dma_wait3A_38 : memref<1x128xi32, #tpu.memory_space<vmem>> -> memref<128xi32, #tpu.memory_space<vmem>>
      %dma_wait3A_40 = arith.constant 0 : i32
      %dma_wait3A_41 = arith.constant 0 : i32
      %dma_wait3A_42 = tpu.memref_slice %arg7[%dma_wait3A_40, %dma_wait3A_41] : memref<10240x16xf32, #tpu.memory_space<vmem_shared>> -> memref<10240x16xf32, #tpu.memory_space<vmem_shared>>
      tpu.wait_indirect_dma semaphore(%arg8 : memref<!tpu.dma_semaphore, #tpu.memory_space<semaphore_mem>>) src(%arg5 : memref<128x16xf32, #tpu.memory_space<vmem>>) dst(%dma_wait3A_42 : memref<10240x16xf32, #tpu.memory_space<vmem_shared>>)
      %scan3A_43 = arith.constant 0 : i32
      scf.yield %scan3A_43 : i32
    }
    %scan3A_34 = arith.constant 80 : i32
    %barrier3A_35 = arith.constant 0 : index
    tpu.barrier barrier_id(%barrier3A_35)
    "tpu.region"() ({
      %run_scoped3A = tpu.sem_alloc : memref<!tpu.dma_semaphore, #tpu.memory_space<semaphore_mem>>
      %dma_start3A = arith.constant 0 : i32
      %dma_start3A_36 = tpu.memref_slice %arg3[%arg0, %mul3A_2, %dma_start3A] : memref<2x10240x16xf32, #tpu.memory_space<hbm>> -> memref<1x640x16xf32, #tpu.memory_space<hbm>>
      %dma_start3A_37 = tpu.memref_squeeze %dma_start3A_36 : memref<1x640x16xf32, #tpu.memory_space<hbm>> -> memref<640x16xf32, #tpu.memory_space<hbm>>
      %dma_start3A_38 = arith.constant 0 : i32
      %dma_start3A_39 = tpu.memref_slice %arg7[%mul3A_2, %dma_start3A_38] : memref<10240x16xf32, #tpu.memory_space<vmem_shared>> -> memref<640x16xf32, #tpu.memory_space<vmem_shared>>
      tpu.enqueue_dma source(%dma_start3A_39 : memref<640x16xf32, #tpu.memory_space<vmem_shared>>) target(%dma_start3A_37 : memref<640x16xf32, #tpu.memory_space<hbm>>) target_semaphore(%run_scoped3A : memref<!tpu.dma_semaphore, #tpu.memory_space<semaphore_mem>>)
      %dma_wait3A = arith.constant 0 : i32
      %dma_wait3A_40 = tpu.memref_slice %arg3[%arg0, %mul3A_2, %dma_wait3A] : memref<2x10240x16xf32, #tpu.memory_space<hbm>> -> memref<1x640x16xf32, #tpu.memory_space<hbm>>
      %dma_wait3A_41 = tpu.memref_squeeze %dma_wait3A_40 : memref<1x640x16xf32, #tpu.memory_space<hbm>> -> memref<640x16xf32, #tpu.memory_space<hbm>>
      %dma_wait3A_42 = arith.constant 0 : i32
      %dma_wait3A_43 = tpu.memref_slice %arg7[%mul3A_2, %dma_wait3A_42] : memref<10240x16xf32, #tpu.memory_space<vmem_shared>> -> memref<640x16xf32, #tpu.memory_space<vmem_shared>>
      tpu.wait_dma2 semaphore(%run_scoped3A : memref<!tpu.dma_semaphore, #tpu.memory_space<semaphore_mem>>) src(%dma_wait3A_43 : memref<640x16xf32, #tpu.memory_space<vmem_shared>>) dst(%dma_wait3A_41 : memref<640x16xf32, #tpu.memory_space<hbm>>)
      tpu.yield
    }) : () -> ()
    return
  }
}

#map = affine_map<(d0, d1) -> (0, 0)>
#map1 = affine_map<(d0, d1) -> (0, 0, 0)>
module attributes {stable_mosaic.version = 14 : i64} {
  func.func @_sc_spmm_body(%arg0: i32, %arg1: i32, %arg2: memref<10240x64xf32, #tpu.memory_space<hbm>>, %arg3: memref<2560x128xi32, #tpu.memory_space<hbm>>, %arg4: memref<2560x128xi32, #tpu.memory_space<hbm>>, %arg5: memref<2x10240x64xf32, #tpu.memory_space<hbm>>, %arg6: memref<80x128xi32, #tpu.memory_space<vmem>>, %arg7: memref<80x128xi32, #tpu.memory_space<vmem>>, %arg8: memref<256x64xf32, #tpu.memory_space<vmem>>, %arg9: memref<10240x64xf32, #tpu.memory_space<vmem_shared>>, %arg10: memref<10240x64xf32, #tpu.memory_space<vmem_shared>>, %arg11: memref<2x!tpu.dma_semaphore, #tpu.memory_space<semaphore_mem>>, %arg12: memref<2x!tpu.dma_semaphore, #tpu.memory_space<semaphore_mem>>, %arg13: memref<2x!tpu.dma_semaphore, #tpu.memory_space<semaphore_mem>>) attributes {dimension_semantics = [#tpu.dimension_semantics<core_parallel>, #tpu.dimension_semantics<subcore_parallel>], iteration_bounds = array<i64: 2, 16>, scalar_prefetch = 0 : i64, scratch_operands = 8 : i64, tpu.core_type = #tpu.core_type<sc_vector_subcore>, window_params = [{transform_indices = #map}, {transform_indices = #map}, {transform_indices = #map}, {transform_indices = #map1}]} {
    %mul3A = arith.constant 16 : i32
    %mul3A_0 = arith.muli %arg0, %mul3A : i32
    %add3A = arith.addi %mul3A_0, %arg1 : i32
    %mul3A_1 = arith.constant 640 : i32
    %mul3A_2 = arith.muli %arg1, %mul3A_1 : i32
    %mul3A_3 = arith.constant 80 : i32
    %mul3A_4 = arith.muli %add3A, %mul3A_3 : i32
    %dma_start3A = arith.constant 0 : i32
    %dma_start3A_5 = arith.constant 0 : i32
    %dma_start3A_6 = tpu.memref_slice %arg3[%mul3A_4, %dma_start3A_5] : memref<2560x128xi32, #tpu.memory_space<hbm>> -> memref<80x128xi32, #tpu.memory_space<hbm>>
    %dma_start3A_7 = tpu.memref_slice %arg13[%dma_start3A] : memref<2x!tpu.dma_semaphore, #tpu.memory_space<semaphore_mem>> -> memref<1x!tpu.dma_semaphore, #tpu.memory_space<semaphore_mem>>
    %dma_start3A_8 = tpu.memref_squeeze %dma_start3A_7 : memref<1x!tpu.dma_semaphore, #tpu.memory_space<semaphore_mem>> -> memref<!tpu.dma_semaphore, #tpu.memory_space<semaphore_mem>>
    %dma_start3A_9 = arith.constant 0 : i32
    %dma_start3A_10 = tpu.memref_slice %arg3[%mul3A_4, %dma_start3A_9] : memref<2560x128xi32, #tpu.memory_space<hbm>> -> memref<80x128xi32, #tpu.memory_space<hbm>>
    tpu.enqueue_dma source(%dma_start3A_10 : memref<80x128xi32, #tpu.memory_space<hbm>>) target(%arg6 : memref<80x128xi32, #tpu.memory_space<vmem>>) target_semaphore(%dma_start3A_8 : memref<!tpu.dma_semaphore, #tpu.memory_space<semaphore_mem>>)
    %mul3A_11 = arith.constant 80 : i32
    %mul3A_12 = arith.muli %add3A, %mul3A_11 : i32
    %dma_start3A_13 = arith.constant 1 : i32
    %dma_start3A_14 = arith.constant 0 : i32
    %dma_start3A_15 = tpu.memref_slice %arg4[%mul3A_12, %dma_start3A_14] : memref<2560x128xi32, #tpu.memory_space<hbm>> -> memref<80x128xi32, #tpu.memory_space<hbm>>
    %dma_start3A_16 = tpu.memref_slice %arg13[%dma_start3A_13] : memref<2x!tpu.dma_semaphore, #tpu.memory_space<semaphore_mem>> -> memref<1x!tpu.dma_semaphore, #tpu.memory_space<semaphore_mem>>
    %dma_start3A_17 = tpu.memref_squeeze %dma_start3A_16 : memref<1x!tpu.dma_semaphore, #tpu.memory_space<semaphore_mem>> -> memref<!tpu.dma_semaphore, #tpu.memory_space<semaphore_mem>>
    %dma_start3A_18 = arith.constant 0 : i32
    %dma_start3A_19 = tpu.memref_slice %arg4[%mul3A_12, %dma_start3A_18] : memref<2560x128xi32, #tpu.memory_space<hbm>> -> memref<80x128xi32, #tpu.memory_space<hbm>>
    tpu.enqueue_dma source(%dma_start3A_19 : memref<80x128xi32, #tpu.memory_space<hbm>>) target(%arg7 : memref<80x128xi32, #tpu.memory_space<vmem>>) target_semaphore(%dma_start3A_17 : memref<!tpu.dma_semaphore, #tpu.memory_space<semaphore_mem>>)
    %scan3A = arith.constant 0 : i32
    %scan3A_20 = arith.constant 0 : i32
    %scan3A_21 = arith.constant 128 : i32
    %scan3A_22 = arith.addi %scan3A_20, %scan3A_21 : i32
    %scan3A_23 = arith.constant 1 : i32
    %scan3A_24 = scf.for %scan3A_100 = %scan3A_20 to %scan3A_22 step %scan3A_23 iter_args(%scan3A_101 = %scan3A) -> (i32)  : i32 {
      %broadcast_in_dim3A = arith.constant 0.000000e+00 : f32
      %broadcast_in_dim3A_102 = vector.broadcast %broadcast_in_dim3A : f32 to vector<16xf32>
      %swap3A = arith.index_cast %scan3A_100 : i32 to index
      %swap3A_103 = arith.constant 0 : index
      %swap3A_104 = tpu.vector_load %arg8[%swap3A, %swap3A_103] {strides = array<i32>} : memref<256x64xf32, #tpu.memory_space<vmem>>, vector<1x16xf32>,
      %swap3A_105 = vector.shape_cast %swap3A_104 : vector<1x16xf32> to vector<16xf32>
      %swap3A_106 = vector.shape_cast %broadcast_in_dim3A_102 : vector<16xf32> to vector<1x16xf32>
      tpu.vector_store %arg8[%swap3A, %swap3A_103], %swap3A_106 {strides = array<i32>} : memref<256x64xf32, #tpu.memory_space<vmem>>, vector<1x16xf32>,
      %broadcast_in_dim3A_107 = arith.constant 0.000000e+00 : f32
      %broadcast_in_dim3A_108 = vector.broadcast %broadcast_in_dim3A_107 : f32 to vector<16xf32>
      %swap3A_109 = arith.index_cast %scan3A_100 : i32 to index
      %swap3A_110 = arith.constant 16 : index
      %swap3A_111 = tpu.vector_load %arg8[%swap3A_109, %swap3A_110] {strides = array<i32>} : memref<256x64xf32, #tpu.memory_space<vmem>>, vector<1x16xf32>,
      %swap3A_112 = vector.shape_cast %swap3A_111 : vector<1x16xf32> to vector<16xf32>
      %swap3A_113 = vector.shape_cast %broadcast_in_dim3A_108 : vector<16xf32> to vector<1x16xf32>
      tpu.vector_store %arg8[%swap3A_109, %swap3A_110], %swap3A_113 {strides = array<i32>} : memref<256x64xf32, #tpu.memory_space<vmem>>, vector<1x16xf32>,
      %broadcast_in_dim3A_114 = arith.constant 0.000000e+00 : f32
      %broadcast_in_dim3A_115 = vector.broadcast %broadcast_in_dim3A_114 : f32 to vector<16xf32>
      %swap3A_116 = arith.index_cast %scan3A_100 : i32 to index
      %swap3A_117 = arith.constant 32 : index
      %swap3A_118 = tpu.vector_load %arg8[%swap3A_116, %swap3A_117] {strides = array<i32>} : memref<256x64xf32, #tpu.memory_space<vmem>>, vector<1x16xf32>,
      %swap3A_119 = vector.shape_cast %swap3A_118 : vector<1x16xf32> to vector<16xf32>
      %swap3A_120 = vector.shape_cast %broadcast_in_dim3A_115 : vector<16xf32> to vector<1x16xf32>
      tpu.vector_store %arg8[%swap3A_116, %swap3A_117], %swap3A_120 {strides = array<i32>} : memref<256x64xf32, #tpu.memory_space<vmem>>, vector<1x16xf32>,
      %broadcast_in_dim3A_121 = arith.constant 0.000000e+00 : f32
      %broadcast_in_dim3A_122 = vector.broadcast %broadcast_in_dim3A_121 : f32 to vector<16xf32>
      %swap3A_123 = arith.index_cast %scan3A_100 : i32 to index
      %swap3A_124 = arith.constant 48 : index
      %swap3A_125 = tpu.vector_load %arg8[%swap3A_123, %swap3A_124] {strides = array<i32>} : memref<256x64xf32, #tpu.memory_space<vmem>>, vector<1x16xf32>,
      %swap3A_126 = vector.shape_cast %swap3A_125 : vector<1x16xf32> to vector<16xf32>
      %swap3A_127 = vector.shape_cast %broadcast_in_dim3A_122 : vector<16xf32> to vector<1x16xf32>
      tpu.vector_store %arg8[%swap3A_123, %swap3A_124], %swap3A_127 {strides = array<i32>} : memref<256x64xf32, #tpu.memory_space<vmem>>, vector<1x16xf32>,
      %scan3A_128 = arith.constant 0 : i32
      scf.yield %scan3A_128 : i32
    }
    %scan3A_25 = arith.constant 128 : i32
    "tpu.region"() ({
      %run_scoped3A = tpu.sem_alloc : memref<!tpu.dma_semaphore, #tpu.memory_space<semaphore_mem>>
      %dma_start3A_100 = arith.constant 0 : i32
      %dma_start3A_101 = tpu.memref_slice %arg10[%mul3A_2, %dma_start3A_100] : memref<10240x64xf32, #tpu.memory_space<vmem_shared>> -> memref<640x64xf32, #tpu.memory_space<vmem_shared>>
      %dma_start3A_102 = arith.constant 0 : i32
      %dma_start3A_103 = tpu.memref_slice %arg2[%mul3A_2, %dma_start3A_102] : memref<10240x64xf32, #tpu.memory_space<hbm>> -> memref<640x64xf32, #tpu.memory_space<hbm>>
      tpu.enqueue_dma source(%dma_start3A_103 : memref<640x64xf32, #tpu.memory_space<hbm>>) target(%dma_start3A_101 : memref<640x64xf32, #tpu.memory_space<vmem_shared>>) target_semaphore(%run_scoped3A : memref<!tpu.dma_semaphore, #tpu.memory_space<semaphore_mem>>)
      %dma_wait3A_104 = arith.constant 0 : i32
      %dma_wait3A_105 = tpu.memref_slice %arg10[%mul3A_2, %dma_wait3A_104] : memref<10240x64xf32, #tpu.memory_space<vmem_shared>> -> memref<640x64xf32, #tpu.memory_space<vmem_shared>>
      %dma_wait3A_106 = arith.constant 0 : i32
      %dma_wait3A_107 = tpu.memref_slice %arg2[%mul3A_2, %dma_wait3A_106] : memref<10240x64xf32, #tpu.memory_space<hbm>> -> memref<640x64xf32, #tpu.memory_space<hbm>>
      tpu.wait_dma2 semaphore(%run_scoped3A : memref<!tpu.dma_semaphore, #tpu.memory_space<semaphore_mem>>) src(%dma_wait3A_107 : memref<640x64xf32, #tpu.memory_space<hbm>>) dst(%dma_wait3A_105 : memref<640x64xf32, #tpu.memory_space<vmem_shared>>)
      tpu.yield
    }) : () -> ()
    %add3A_26 = arith.constant 0 : i32
    %add3A_27 = arith.addi %mul3A_2, %add3A_26 : i32
    "tpu.region"() ({
      %run_scoped3A = tpu.sem_alloc : memref<!tpu.dma_semaphore, #tpu.memory_space<semaphore_mem>>
      %dma_start3A_100 = arith.constant 0 : i32
      %dma_start3A_101 = arith.constant 0 : i32
      %dma_start3A_102 = tpu.memref_slice %arg8[%dma_start3A_100, %dma_start3A_101] : memref<256x64xf32, #tpu.memory_space<vmem>> -> memref<128x64xf32, #tpu.memory_space<vmem>>
      %dma_start3A_103 = arith.constant 0 : i32
      %dma_start3A_104 = tpu.memref_slice %arg9[%add3A_27, %dma_start3A_103] : memref<10240x64xf32, #tpu.memory_space<vmem_shared>> -> memref<128x64xf32, #tpu.memory_space<vmem_shared>>
      %dma_start3A_105 = arith.constant 0 : i32
      %dma_start3A_106 = tpu.memref_slice %arg9[%add3A_27, %dma_start3A_105] : memref<10240x64xf32, #tpu.memory_space<vmem_shared>> -> memref<128x64xf32, #tpu.memory_space<vmem_shared>>
      %dma_start3A_107 = arith.constant 0 : i32
      %dma_start3A_108 = arith.constant 0 : i32
      %dma_start3A_109 = tpu.memref_slice %arg8[%dma_start3A_107, %dma_start3A_108] : memref<256x64xf32, #tpu.memory_space<vmem>> -> memref<128x64xf32, #tpu.memory_space<vmem>>
      tpu.enqueue_dma source(%dma_start3A_109 : memref<128x64xf32, #tpu.memory_space<vmem>>) target(%dma_start3A_106 : memref<128x64xf32, #tpu.memory_space<vmem_shared>>) target_semaphore(%run_scoped3A : memref<!tpu.dma_semaphore, #tpu.memory_space<semaphore_mem>>)
      %dma_wait3A_110 = arith.constant 0 : i32
      %dma_wait3A_111 = arith.constant 0 : i32
      %dma_wait3A_112 = tpu.memref_slice %arg8[%dma_wait3A_110, %dma_wait3A_111] : memref<256x64xf32, #tpu.memory_space<vmem>> -> memref<128x64xf32, #tpu.memory_space<vmem>>
      %dma_wait3A_113 = arith.constant 0 : i32
      %dma_wait3A_114 = tpu.memref_slice %arg9[%add3A_27, %dma_wait3A_113] : memref<10240x64xf32, #tpu.memory_space<vmem_shared>> -> memref<128x64xf32, #tpu.memory_space<vmem_shared>>
      %dma_wait3A_115 = arith.constant 0 : i32
      %dma_wait3A_116 = tpu.memref_slice %arg9[%add3A_27, %dma_wait3A_115] : memref<10240x64xf32, #tpu.memory_space<vmem_shared>> -> memref<128x64xf32, #tpu.memory_space<vmem_shared>>
      %dma_wait3A_117 = arith.constant 0 : i32
      %dma_wait3A_118 = arith.constant 0 : i32
      %dma_wait3A_119 = tpu.memref_slice %arg8[%dma_wait3A_117, %dma_wait3A_118] : memref<256x64xf32, #tpu.memory_space<vmem>> -> memref<128x64xf32, #tpu.memory_space<vmem>>
      tpu.wait_dma2 semaphore(%run_scoped3A : memref<!tpu.dma_semaphore, #tpu.memory_space<semaphore_mem>>) src(%dma_wait3A_119 : memref<128x64xf32, #tpu.memory_space<vmem>>) dst(%dma_wait3A_116 : memref<128x64xf32, #tpu.memory_space<vmem_shared>>)
      tpu.yield
    }) : () -> ()
    %add3A_28 = arith.constant 128 : i32
    %add3A_29 = arith.addi %mul3A_2, %add3A_28 : i32
    "tpu.region"() ({
      %run_scoped3A = tpu.sem_alloc : memref<!tpu.dma_semaphore, #tpu.memory_space<semaphore_mem>>
      %dma_start3A_100 = arith.constant 0 : i32
      %dma_start3A_101 = arith.constant 0 : i32
      %dma_start3A_102 = tpu.memref_slice %arg8[%dma_start3A_100, %dma_start3A_101] : memref<256x64xf32, #tpu.memory_space<vmem>> -> memref<128x64xf32, #tpu.memory_space<vmem>>
      %dma_start3A_103 = arith.constant 0 : i32
      %dma_start3A_104 = tpu.memref_slice %arg9[%add3A_29, %dma_start3A_103] : memref<10240x64xf32, #tpu.memory_space<vmem_shared>> -> memref<128x64xf32, #tpu.memory_space<vmem_shared>>
      %dma_start3A_105 = arith.constant 0 : i32
      %dma_start3A_106 = tpu.memref_slice %arg9[%add3A_29, %dma_start3A_105] : memref<10240x64xf32, #tpu.memory_space<vmem_shared>> -> memref<128x64xf32, #tpu.memory_space<vmem_shared>>
      %dma_start3A_107 = arith.constant 0 : i32
      %dma_start3A_108 = arith.constant 0 : i32
      %dma_start3A_109 = tpu.memref_slice %arg8[%dma_start3A_107, %dma_start3A_108] : memref<256x64xf32, #tpu.memory_space<vmem>> -> memref<128x64xf32, #tpu.memory_space<vmem>>
      tpu.enqueue_dma source(%dma_start3A_109 : memref<128x64xf32, #tpu.memory_space<vmem>>) target(%dma_start3A_106 : memref<128x64xf32, #tpu.memory_space<vmem_shared>>) target_semaphore(%run_scoped3A : memref<!tpu.dma_semaphore, #tpu.memory_space<semaphore_mem>>)
      %dma_wait3A_110 = arith.constant 0 : i32
      %dma_wait3A_111 = arith.constant 0 : i32
      %dma_wait3A_112 = tpu.memref_slice %arg8[%dma_wait3A_110, %dma_wait3A_111] : memref<256x64xf32, #tpu.memory_space<vmem>> -> memref<128x64xf32, #tpu.memory_space<vmem>>
      %dma_wait3A_113 = arith.constant 0 : i32
      %dma_wait3A_114 = tpu.memref_slice %arg9[%add3A_29, %dma_wait3A_113] : memref<10240x64xf32, #tpu.memory_space<vmem_shared>> -> memref<128x64xf32, #tpu.memory_space<vmem_shared>>
      %dma_wait3A_115 = arith.constant 0 : i32
      %dma_wait3A_116 = tpu.memref_slice %arg9[%add3A_29, %dma_wait3A_115] : memref<10240x64xf32, #tpu.memory_space<vmem_shared>> -> memref<128x64xf32, #tpu.memory_space<vmem_shared>>
      %dma_wait3A_117 = arith.constant 0 : i32
      %dma_wait3A_118 = arith.constant 0 : i32
      %dma_wait3A_119 = tpu.memref_slice %arg8[%dma_wait3A_117, %dma_wait3A_118] : memref<256x64xf32, #tpu.memory_space<vmem>> -> memref<128x64xf32, #tpu.memory_space<vmem>>
      tpu.wait_dma2 semaphore(%run_scoped3A : memref<!tpu.dma_semaphore, #tpu.memory_space<semaphore_mem>>) src(%dma_wait3A_119 : memref<128x64xf32, #tpu.memory_space<vmem>>) dst(%dma_wait3A_116 : memref<128x64xf32, #tpu.memory_space<vmem_shared>>)
      tpu.yield
    }) : () -> ()
    %add3A_30 = arith.constant 256 : i32
    %add3A_31 = arith.addi %mul3A_2, %add3A_30 : i32
    "tpu.region"() ({
      %run_scoped3A = tpu.sem_alloc : memref<!tpu.dma_semaphore, #tpu.memory_space<semaphore_mem>>
      %dma_start3A_100 = arith.constant 0 : i32
      %dma_start3A_101 = arith.constant 0 : i32
      %dma_start3A_102 = tpu.memref_slice %arg8[%dma_start3A_100, %dma_start3A_101] : memref<256x64xf32, #tpu.memory_space<vmem>> -> memref<128x64xf32, #tpu.memory_space<vmem>>
      %dma_start3A_103 = arith.constant 0 : i32
      %dma_start3A_104 = tpu.memref_slice %arg9[%add3A_31, %dma_start3A_103] : memref<10240x64xf32, #tpu.memory_space<vmem_shared>> -> memref<128x64xf32, #tpu.memory_space<vmem_shared>>
      %dma_start3A_105 = arith.constant 0 : i32
      %dma_start3A_106 = tpu.memref_slice %arg9[%add3A_31, %dma_start3A_105] : memref<10240x64xf32, #tpu.memory_space<vmem_shared>> -> memref<128x64xf32, #tpu.memory_space<vmem_shared>>
      %dma_start3A_107 = arith.constant 0 : i32
      %dma_start3A_108 = arith.constant 0 : i32
      %dma_start3A_109 = tpu.memref_slice %arg8[%dma_start3A_107, %dma_start3A_108] : memref<256x64xf32, #tpu.memory_space<vmem>> -> memref<128x64xf32, #tpu.memory_space<vmem>>
      tpu.enqueue_dma source(%dma_start3A_109 : memref<128x64xf32, #tpu.memory_space<vmem>>) target(%dma_start3A_106 : memref<128x64xf32, #tpu.memory_space<vmem_shared>>) target_semaphore(%run_scoped3A : memref<!tpu.dma_semaphore, #tpu.memory_space<semaphore_mem>>)
      %dma_wait3A_110 = arith.constant 0 : i32
      %dma_wait3A_111 = arith.constant 0 : i32
      %dma_wait3A_112 = tpu.memref_slice %arg8[%dma_wait3A_110, %dma_wait3A_111] : memref<256x64xf32, #tpu.memory_space<vmem>> -> memref<128x64xf32, #tpu.memory_space<vmem>>
      %dma_wait3A_113 = arith.constant 0 : i32
      %dma_wait3A_114 = tpu.memref_slice %arg9[%add3A_31, %dma_wait3A_113] : memref<10240x64xf32, #tpu.memory_space<vmem_shared>> -> memref<128x64xf32, #tpu.memory_space<vmem_shared>>
      %dma_wait3A_115 = arith.constant 0 : i32
      %dma_wait3A_116 = tpu.memref_slice %arg9[%add3A_31, %dma_wait3A_115] : memref<10240x64xf32, #tpu.memory_space<vmem_shared>> -> memref<128x64xf32, #tpu.memory_space<vmem_shared>>
      %dma_wait3A_117 = arith.constant 0 : i32
      %dma_wait3A_118 = arith.constant 0 : i32
      %dma_wait3A_119 = tpu.memref_slice %arg8[%dma_wait3A_117, %dma_wait3A_118] : memref<256x64xf32, #tpu.memory_space<vmem>> -> memref<128x64xf32, #tpu.memory_space<vmem>>
      tpu.wait_dma2 semaphore(%run_scoped3A : memref<!tpu.dma_semaphore, #tpu.memory_space<semaphore_mem>>) src(%dma_wait3A_119 : memref<128x64xf32, #tpu.memory_space<vmem>>) dst(%dma_wait3A_116 : memref<128x64xf32, #tpu.memory_space<vmem_shared>>)
      tpu.yield
    }) : () -> ()
    %add3A_32 = arith.constant 384 : i32
    %add3A_33 = arith.addi %mul3A_2, %add3A_32 : i32
    "tpu.region"() ({
      %run_scoped3A = tpu.sem_alloc : memref<!tpu.dma_semaphore, #tpu.memory_space<semaphore_mem>>
      %dma_start3A_100 = arith.constant 0 : i32
      %dma_start3A_101 = arith.constant 0 : i32
      %dma_start3A_102 = tpu.memref_slice %arg8[%dma_start3A_100, %dma_start3A_101] : memref<256x64xf32, #tpu.memory_space<vmem>> -> memref<128x64xf32, #tpu.memory_space<vmem>>
      %dma_start3A_103 = arith.constant 0 : i32
      %dma_start3A_104 = tpu.memref_slice %arg9[%add3A_33, %dma_start3A_103] : memref<10240x64xf32, #tpu.memory_space<vmem_shared>> -> memref<128x64xf32, #tpu.memory_space<vmem_shared>>
      %dma_start3A_105 = arith.constant 0 : i32
      %dma_start3A_106 = tpu.memref_slice %arg9[%add3A_33, %dma_start3A_105] : memref<10240x64xf32, #tpu.memory_space<vmem_shared>> -> memref<128x64xf32, #tpu.memory_space<vmem_shared>>
      %dma_start3A_107 = arith.constant 0 : i32
      %dma_start3A_108 = arith.constant 0 : i32
      %dma_start3A_109 = tpu.memref_slice %arg8[%dma_start3A_107, %dma_start3A_108] : memref<256x64xf32, #tpu.memory_space<vmem>> -> memref<128x64xf32, #tpu.memory_space<vmem>>
      tpu.enqueue_dma source(%dma_start3A_109 : memref<128x64xf32, #tpu.memory_space<vmem>>) target(%dma_start3A_106 : memref<128x64xf32, #tpu.memory_space<vmem_shared>>) target_semaphore(%run_scoped3A : memref<!tpu.dma_semaphore, #tpu.memory_space<semaphore_mem>>)
      %dma_wait3A_110 = arith.constant 0 : i32
      %dma_wait3A_111 = arith.constant 0 : i32
      %dma_wait3A_112 = tpu.memref_slice %arg8[%dma_wait3A_110, %dma_wait3A_111] : memref<256x64xf32, #tpu.memory_space<vmem>> -> memref<128x64xf32, #tpu.memory_space<vmem>>
      %dma_wait3A_113 = arith.constant 0 : i32
      %dma_wait3A_114 = tpu.memref_slice %arg9[%add3A_33, %dma_wait3A_113] : memref<10240x64xf32, #tpu.memory_space<vmem_shared>> -> memref<128x64xf32, #tpu.memory_space<vmem_shared>>
      %dma_wait3A_115 = arith.constant 0 : i32
      %dma_wait3A_116 = tpu.memref_slice %arg9[%add3A_33, %dma_wait3A_115] : memref<10240x64xf32, #tpu.memory_space<vmem_shared>> -> memref<128x64xf32, #tpu.memory_space<vmem_shared>>
      %dma_wait3A_117 = arith.constant 0 : i32
      %dma_wait3A_118 = arith.constant 0 : i32
      %dma_wait3A_119 = tpu.memref_slice %arg8[%dma_wait3A_117, %dma_wait3A_118] : memref<256x64xf32, #tpu.memory_space<vmem>> -> memref<128x64xf32, #tpu.memory_space<vmem>>
      tpu.wait_dma2 semaphore(%run_scoped3A : memref<!tpu.dma_semaphore, #tpu.memory_space<semaphore_mem>>) src(%dma_wait3A_119 : memref<128x64xf32, #tpu.memory_space<vmem>>) dst(%dma_wait3A_116 : memref<128x64xf32, #tpu.memory_space<vmem_shared>>)
      tpu.yield
    }) : () -> ()
    %add3A_34 = arith.constant 512 : i32
    %add3A_35 = arith.addi %mul3A_2, %add3A_34 : i32
    "tpu.region"() ({
      %run_scoped3A = tpu.sem_alloc : memref<!tpu.dma_semaphore, #tpu.memory_space<semaphore_mem>>
      %dma_start3A_100 = arith.constant 0 : i32
      %dma_start3A_101 = arith.constant 0 : i32
      %dma_start3A_102 = tpu.memref_slice %arg8[%dma_start3A_100, %dma_start3A_101] : memref<256x64xf32, #tpu.memory_space<vmem>> -> memref<128x64xf32, #tpu.memory_space<vmem>>
      %dma_start3A_103 = arith.constant 0 : i32
      %dma_start3A_104 = tpu.memref_slice %arg9[%add3A_35, %dma_start3A_103] : memref<10240x64xf32, #tpu.memory_space<vmem_shared>> -> memref<128x64xf32, #tpu.memory_space<vmem_shared>>
      %dma_start3A_105 = arith.constant 0 : i32
      %dma_start3A_106 = tpu.memref_slice %arg9[%add3A_35, %dma_start3A_105] : memref<10240x64xf32, #tpu.memory_space<vmem_shared>> -> memref<128x64xf32, #tpu.memory_space<vmem_shared>>
      %dma_start3A_107 = arith.constant 0 : i32
      %dma_start3A_108 = arith.constant 0 : i32
      %dma_start3A_109 = tpu.memref_slice %arg8[%dma_start3A_107, %dma_start3A_108] : memref<256x64xf32, #tpu.memory_space<vmem>> -> memref<128x64xf32, #tpu.memory_space<vmem>>
      tpu.enqueue_dma source(%dma_start3A_109 : memref<128x64xf32, #tpu.memory_space<vmem>>) target(%dma_start3A_106 : memref<128x64xf32, #tpu.memory_space<vmem_shared>>) target_semaphore(%run_scoped3A : memref<!tpu.dma_semaphore, #tpu.memory_space<semaphore_mem>>)
      %dma_wait3A_110 = arith.constant 0 : i32
      %dma_wait3A_111 = arith.constant 0 : i32
      %dma_wait3A_112 = tpu.memref_slice %arg8[%dma_wait3A_110, %dma_wait3A_111] : memref<256x64xf32, #tpu.memory_space<vmem>> -> memref<128x64xf32, #tpu.memory_space<vmem>>
      %dma_wait3A_113 = arith.constant 0 : i32
      %dma_wait3A_114 = tpu.memref_slice %arg9[%add3A_35, %dma_wait3A_113] : memref<10240x64xf32, #tpu.memory_space<vmem_shared>> -> memref<128x64xf32, #tpu.memory_space<vmem_shared>>
      %dma_wait3A_115 = arith.constant 0 : i32
      %dma_wait3A_116 = tpu.memref_slice %arg9[%add3A_35, %dma_wait3A_115] : memref<10240x64xf32, #tpu.memory_space<vmem_shared>> -> memref<128x64xf32, #tpu.memory_space<vmem_shared>>
      %dma_wait3A_117 = arith.constant 0 : i32
      %dma_wait3A_118 = arith.constant 0 : i32
      %dma_wait3A_119 = tpu.memref_slice %arg8[%dma_wait3A_117, %dma_wait3A_118] : memref<256x64xf32, #tpu.memory_space<vmem>> -> memref<128x64xf32, #tpu.memory_space<vmem>>
      tpu.wait_dma2 semaphore(%run_scoped3A : memref<!tpu.dma_semaphore, #tpu.memory_space<semaphore_mem>>) src(%dma_wait3A_119 : memref<128x64xf32, #tpu.memory_space<vmem>>) dst(%dma_wait3A_116 : memref<128x64xf32, #tpu.memory_space<vmem_shared>>)
      tpu.yield
    }) : () -> ()
    %mul3A_36 = arith.constant 80 : i32
    %mul3A_37 = arith.muli %add3A, %mul3A_36 : i32
    %dma_wait3A = arith.constant 0 : i32
    %dma_wait3A_38 = arith.constant 0 : i32
    %dma_wait3A_39 = tpu.memref_slice %arg3[%mul3A_37, %dma_wait3A_38] : memref<2560x128xi32, #tpu.memory_space<hbm>> -> memref<80x128xi32, #tpu.memory_space<hbm>>
    %dma_wait3A_40 = tpu.memref_slice %arg13[%dma_wait3A] : memref<2x!tpu.dma_semaphore, #tpu.memory_space<semaphore_mem>> -> memref<1x!tpu.dma_semaphore, #tpu.memory_space<semaphore_mem>>
    %dma_wait3A_41 = tpu.memref_squeeze %dma_wait3A_40 : memref<1x!tpu.dma_semaphore, #tpu.memory_space<semaphore_mem>> -> memref<!tpu.dma_semaphore, #tpu.memory_space<semaphore_mem>>
    %dma_wait3A_42 = arith.constant 0 : i32
    %dma_wait3A_43 = tpu.memref_slice %arg3[%mul3A_37, %dma_wait3A_42] : memref<2560x128xi32, #tpu.memory_space<hbm>> -> memref<80x128xi32, #tpu.memory_space<hbm>>
    tpu.wait_dma2 semaphore(%dma_wait3A_41 : memref<!tpu.dma_semaphore, #tpu.memory_space<semaphore_mem>>) src(%dma_wait3A_43 : memref<80x128xi32, #tpu.memory_space<hbm>>) dst(%arg6 : memref<80x128xi32, #tpu.memory_space<vmem>>)
    %mul3A_44 = arith.constant 80 : i32
    %mul3A_45 = arith.muli %add3A, %mul3A_44 : i32
    %dma_wait3A_46 = arith.constant 1 : i32
    %dma_wait3A_47 = arith.constant 0 : i32
    %dma_wait3A_48 = tpu.memref_slice %arg4[%mul3A_45, %dma_wait3A_47] : memref<2560x128xi32, #tpu.memory_space<hbm>> -> memref<80x128xi32, #tpu.memory_space<hbm>>
    %dma_wait3A_49 = tpu.memref_slice %arg13[%dma_wait3A_46] : memref<2x!tpu.dma_semaphore, #tpu.memory_space<semaphore_mem>> -> memref<1x!tpu.dma_semaphore, #tpu.memory_space<semaphore_mem>>
    %dma_wait3A_50 = tpu.memref_squeeze %dma_wait3A_49 : memref<1x!tpu.dma_semaphore, #tpu.memory_space<semaphore_mem>> -> memref<!tpu.dma_semaphore, #tpu.memory_space<semaphore_mem>>
    %dma_wait3A_51 = arith.constant 0 : i32
    %dma_wait3A_52 = tpu.memref_slice %arg4[%mul3A_45, %dma_wait3A_51] : memref<2560x128xi32, #tpu.memory_space<hbm>> -> memref<80x128xi32, #tpu.memory_space<hbm>>
    tpu.wait_dma2 semaphore(%dma_wait3A_50 : memref<!tpu.dma_semaphore, #tpu.memory_space<semaphore_mem>>) src(%dma_wait3A_52 : memref<80x128xi32, #tpu.memory_space<hbm>>) dst(%arg7 : memref<80x128xi32, #tpu.memory_space<vmem>>)
    %barrier3A = arith.constant 0 : index
    tpu.barrier barrier_id(%barrier3A)
    %dma_start3A_53 = arith.constant 0 : i32
    %dma_start3A_54 = arith.constant 0 : i32
    %dma_start3A_55 = arith.constant 0 : i32
    %dma_start3A_56 = arith.constant 0 : i32
    %dma_start3A_57 = tpu.memref_slice %arg8[%dma_start3A_55, %dma_start3A_56] : memref<256x64xf32, #tpu.memory_space<vmem>> -> memref<128x64xf32, #tpu.memory_space<vmem>>
    %dma_start3A_58 = arith.constant 0 : i32
    %dma_start3A_59 = tpu.memref_slice %arg6[%dma_start3A_53, %dma_start3A_58] : memref<80x128xi32, #tpu.memory_space<vmem>> -> memref<1x128xi32, #tpu.memory_space<vmem>>
    %dma_start3A_60 = tpu.memref_squeeze %dma_start3A_59 : memref<1x128xi32, #tpu.memory_space<vmem>> -> memref<128xi32, #tpu.memory_space<vmem>>
    %dma_start3A_61 = arith.constant 0 : i32
    %dma_start3A_62 = arith.constant 0 : i32
    %dma_start3A_63 = tpu.memref_slice %arg10[%dma_start3A_61, %dma_start3A_62] : memref<10240x64xf32, #tpu.memory_space<vmem_shared>> -> memref<10240x64xf32, #tpu.memory_space<vmem_shared>>
    %dma_start3A_64 = tpu.memref_slice %arg11[%dma_start3A_54] : memref<2x!tpu.dma_semaphore, #tpu.memory_space<semaphore_mem>> -> memref<1x!tpu.dma_semaphore, #tpu.memory_space<semaphore_mem>>
    %dma_start3A_65 = tpu.memref_squeeze %dma_start3A_64 : memref<1x!tpu.dma_semaphore, #tpu.memory_space<semaphore_mem>> -> memref<!tpu.dma_semaphore, #tpu.memory_space<semaphore_mem>>
    tpu.enqueue_indirect_dma source(%dma_start3A_63 : memref<10240x64xf32, #tpu.memory_space<vmem_shared>>) target(%dma_start3A_57 : memref<128x64xf32, #tpu.memory_space<vmem>>) offsets(%dma_start3A_60 : memref<128xi32, #tpu.memory_space<vmem>>) semaphore(%dma_start3A_65 : memref<!tpu.dma_semaphore, #tpu.memory_space<semaphore_mem>>)
    %dma_start3A_66 = arith.constant 1 : i32
    %dma_start3A_67 = arith.constant 1 : i32
    %dma_start3A_68 = arith.constant 128 : i32
    %dma_start3A_69 = arith.constant 0 : i32
    %dma_start3A_70 = tpu.memref_slice %arg8[%dma_start3A_68, %dma_start3A_69] : memref<256x64xf32, #tpu.memory_space<vmem>> -> memref<128x64xf32, #tpu.memory_space<vmem>>
    %dma_start3A_71 = arith.constant 0 : i32
    %dma_start3A_72 = tpu.memref_slice %arg6[%dma_start3A_66, %dma_start3A_71] : memref<80x128xi32, #tpu.memory_space<vmem>> -> memref<1x128xi32, #tpu.memory_space<vmem>>
    %dma_start3A_73 = tpu.memref_squeeze %dma_start3A_72 : memref<1x128xi32, #tpu.memory_space<vmem>> -> memref<128xi32, #tpu.memory_space<vmem>>
    %dma_start3A_74 = arith.constant 0 : i32
    %dma_start3A_75 = arith.constant 0 : i32
    %dma_start3A_76 = tpu.memref_slice %arg10[%dma_start3A_74, %dma_start3A_75] : memref<10240x64xf32, #tpu.memory_space<vmem_shared>> -> memref<10240x64xf32, #tpu.memory_space<vmem_shared>>
    %dma_start3A_77 = tpu.memref_slice %arg11[%dma_start3A_67] : memref<2x!tpu.dma_semaphore, #tpu.memory_space<semaphore_mem>> -> memref<1x!tpu.dma_semaphore, #tpu.memory_space<semaphore_mem>>
    %dma_start3A_78 = tpu.memref_squeeze %dma_start3A_77 : memref<1x!tpu.dma_semaphore, #tpu.memory_space<semaphore_mem>> -> memref<!tpu.dma_semaphore, #tpu.memory_space<semaphore_mem>>
    tpu.enqueue_indirect_dma source(%dma_start3A_76 : memref<10240x64xf32, #tpu.memory_space<vmem_shared>>) target(%dma_start3A_70 : memref<128x64xf32, #tpu.memory_space<vmem>>) offsets(%dma_start3A_73 : memref<128xi32, #tpu.memory_space<vmem>>) semaphore(%dma_start3A_78 : memref<!tpu.dma_semaphore, #tpu.memory_space<semaphore_mem>>)
    %scan3A_79 = arith.constant 0 : i32
    %scan3A_80 = arith.constant 0 : i32
    %scan3A_81 = arith.constant 40 : i32
    %scan3A_82 = arith.addi %scan3A_80, %scan3A_81 : i32
    %scan3A_83 = arith.constant 1 : i32
    %scan3A_84 = scf.for %scan3A_100 = %scan3A_80 to %scan3A_82 step %scan3A_83 iter_args(%scan3A_101 = %scan3A_79) -> (i32)  : i32 {
      %mul3A_102 = arith.constant 2 : i32
      %mul3A_103 = arith.muli %mul3A_102, %scan3A_100 : i32
      %dma_wait3A_104 = arith.constant 0 : i32
      %dma_wait3A_105 = arith.constant 0 : i32
      %dma_wait3A_106 = arith.constant 0 : i32
      %dma_wait3A_107 = tpu.memref_slice %arg8[%dma_wait3A_105, %dma_wait3A_106] : memref<256x64xf32, #tpu.memory_space<vmem>> -> memref<128x64xf32, #tpu.memory_space<vmem>>
      %dma_wait3A_108 = arith.constant 0 : i32
      %dma_wait3A_109 = tpu.memref_slice %arg6[%mul3A_103, %dma_wait3A_108] : memref<80x128xi32, #tpu.memory_space<vmem>> -> memref<1x128xi32, #tpu.memory_space<vmem>>
      %dma_wait3A_110 = tpu.memref_squeeze %dma_wait3A_109 : memref<1x128xi32, #tpu.memory_space<vmem>> -> memref<128xi32, #tpu.memory_space<vmem>>
      %dma_wait3A_111 = arith.constant 0 : i32
      %dma_wait3A_112 = arith.constant 0 : i32
      %dma_wait3A_113 = tpu.memref_slice %arg10[%dma_wait3A_111, %dma_wait3A_112] : memref<10240x64xf32, #tpu.memory_space<vmem_shared>> -> memref<10240x64xf32, #tpu.memory_space<vmem_shared>>
      %dma_wait3A_114 = tpu.memref_slice %arg11[%dma_wait3A_104] : memref<2x!tpu.dma_semaphore, #tpu.memory_space<semaphore_mem>> -> memref<1x!tpu.dma_semaphore, #tpu.memory_space<semaphore_mem>>
      %dma_wait3A_115 = tpu.memref_squeeze %dma_wait3A_114 : memref<1x!tpu.dma_semaphore, #tpu.memory_space<semaphore_mem>> -> memref<!tpu.dma_semaphore, #tpu.memory_space<semaphore_mem>>
      tpu.wait_indirect_dma semaphore(%dma_wait3A_115 : memref<!tpu.dma_semaphore, #tpu.memory_space<semaphore_mem>>) src(%dma_wait3A_113 : memref<10240x64xf32, #tpu.memory_space<vmem_shared>>) dst(%dma_wait3A_107 : memref<128x64xf32, #tpu.memory_space<vmem>>)
      %dma_start3A_116 = arith.constant 0 : i32
      %dma_start3A_117 = arith.constant 0 : i32
      %dma_start3A_118 = arith.constant 0 : i32
      %dma_start3A_119 = tpu.memref_slice %arg8[%dma_start3A_117, %dma_start3A_118] : memref<256x64xf32, #tpu.memory_space<vmem>> -> memref<128x64xf32, #tpu.memory_space<vmem>>
      %dma_start3A_120 = arith.constant 0 : i32
      %dma_start3A_121 = tpu.memref_slice %arg7[%mul3A_103, %dma_start3A_120] : memref<80x128xi32, #tpu.memory_space<vmem>> -> memref<1x128xi32, #tpu.memory_space<vmem>>
      %dma_start3A_122 = tpu.memref_squeeze %dma_start3A_121 : memref<1x128xi32, #tpu.memory_space<vmem>> -> memref<128xi32, #tpu.memory_space<vmem>>
      %dma_start3A_123 = arith.constant 0 : i32
      %dma_start3A_124 = arith.constant 0 : i32
      %dma_start3A_125 = tpu.memref_slice %arg9[%dma_start3A_123, %dma_start3A_124] : memref<10240x64xf32, #tpu.memory_space<vmem_shared>> -> memref<10240x64xf32, #tpu.memory_space<vmem_shared>>
      %dma_start3A_126 = tpu.memref_slice %arg12[%dma_start3A_116] : memref<2x!tpu.dma_semaphore, #tpu.memory_space<semaphore_mem>> -> memref<1x!tpu.dma_semaphore, #tpu.memory_space<semaphore_mem>>
      %dma_start3A_127 = tpu.memref_squeeze %dma_start3A_126 : memref<1x!tpu.dma_semaphore, #tpu.memory_space<semaphore_mem>> -> memref<!tpu.dma_semaphore, #tpu.memory_space<semaphore_mem>>
      tpu.enqueue_indirect_dma source(%dma_start3A_119 : memref<128x64xf32, #tpu.memory_space<vmem>>) target(%dma_start3A_125 : memref<10240x64xf32, #tpu.memory_space<vmem_shared>>) offsets(%dma_start3A_122 : memref<128xi32, #tpu.memory_space<vmem>>) semaphore(%dma_start3A_127 : memref<!tpu.dma_semaphore, #tpu.memory_space<semaphore_mem>>) {add = true}
      %gt3A = arith.constant 0 : i32
      %gt3A_128 = arith.cmpi sgt, %scan3A_100, %gt3A : i32
      %convert_element_type3A = arith.extui %gt3A_128 : i1 to i32
      %cond3A = arith.constant 0 : i32
      %cond3A_129 = arith.cmpi ne, %convert_element_type3A, %cond3A : i32
      scf.if %cond3A_129 {
        %sub3A = arith.constant 1 : i32
        %sub3A_175 = arith.subi %mul3A_103, %sub3A : i32
        %dma_wait3A_176 = arith.constant 1 : i32
        %dma_wait3A_177 = arith.constant 128 : i32
        %dma_wait3A_178 = arith.constant 0 : i32
        %dma_wait3A_179 = tpu.memref_slice %arg8[%dma_wait3A_177, %dma_wait3A_178] : memref<256x64xf32, #tpu.memory_space<vmem>> -> memref<128x64xf32, #tpu.memory_space<vmem>>
        %dma_wait3A_180 = arith.constant 0 : i32
        %dma_wait3A_181 = tpu.memref_slice %arg7[%sub3A_175, %dma_wait3A_180] : memref<80x128xi32, #tpu.memory_space<vmem>> -> memref<1x128xi32, #tpu.memory_space<vmem>>
        %dma_wait3A_182 = tpu.memref_squeeze %dma_wait3A_181 : memref<1x128xi32, #tpu.memory_space<vmem>> -> memref<128xi32, #tpu.memory_space<vmem>>
        %dma_wait3A_183 = arith.constant 0 : i32
        %dma_wait3A_184 = arith.constant 0 : i32
        %dma_wait3A_185 = tpu.memref_slice %arg9[%dma_wait3A_183, %dma_wait3A_184] : memref<10240x64xf32, #tpu.memory_space<vmem_shared>> -> memref<10240x64xf32, #tpu.memory_space<vmem_shared>>
        %dma_wait3A_186 = tpu.memref_slice %arg12[%dma_wait3A_176] : memref<2x!tpu.dma_semaphore, #tpu.memory_space<semaphore_mem>> -> memref<1x!tpu.dma_semaphore, #tpu.memory_space<semaphore_mem>>
        %dma_wait3A_187 = tpu.memref_squeeze %dma_wait3A_186 : memref<1x!tpu.dma_semaphore, #tpu.memory_space<semaphore_mem>> -> memref<!tpu.dma_semaphore, #tpu.memory_space<semaphore_mem>>
        tpu.wait_indirect_dma semaphore(%dma_wait3A_187 : memref<!tpu.dma_semaphore, #tpu.memory_space<semaphore_mem>>) src(%dma_wait3A_179 : memref<128x64xf32, #tpu.memory_space<vmem>>) dst(%dma_wait3A_185 : memref<10240x64xf32, #tpu.memory_space<vmem_shared>>)
        %add3A_188 = arith.constant 1 : i32
        %add3A_189 = arith.addi %mul3A_103, %add3A_188 : i32
        %dma_start3A_190 = arith.constant 1 : i32
        %dma_start3A_191 = arith.constant 128 : i32
        %dma_start3A_192 = arith.constant 0 : i32
        %dma_start3A_193 = tpu.memref_slice %arg8[%dma_start3A_191, %dma_start3A_192] : memref<256x64xf32, #tpu.memory_space<vmem>> -> memref<128x64xf32, #tpu.memory_space<vmem>>
        %dma_start3A_194 = arith.constant 0 : i32
        %dma_start3A_195 = tpu.memref_slice %arg6[%add3A_189, %dma_start3A_194] : memref<80x128xi32, #tpu.memory_space<vmem>> -> memref<1x128xi32, #tpu.memory_space<vmem>>
        %dma_start3A_196 = tpu.memref_squeeze %dma_start3A_195 : memref<1x128xi32, #tpu.memory_space<vmem>> -> memref<128xi32, #tpu.memory_space<vmem>>
        %dma_start3A_197 = arith.constant 0 : i32
        %dma_start3A_198 = arith.constant 0 : i32
        %dma_start3A_199 = tpu.memref_slice %arg10[%dma_start3A_197, %dma_start3A_198] : memref<10240x64xf32, #tpu.memory_space<vmem_shared>> -> memref<10240x64xf32, #tpu.memory_space<vmem_shared>>
        %dma_start3A_200 = tpu.memref_slice %arg11[%dma_start3A_190] : memref<2x!tpu.dma_semaphore, #tpu.memory_space<semaphore_mem>> -> memref<1x!tpu.dma_semaphore, #tpu.memory_space<semaphore_mem>>
        %dma_start3A_201 = tpu.memref_squeeze %dma_start3A_200 : memref<1x!tpu.dma_semaphore, #tpu.memory_space<semaphore_mem>> -> memref<!tpu.dma_semaphore, #tpu.memory_space<semaphore_mem>>
        tpu.enqueue_indirect_dma source(%dma_start3A_199 : memref<10240x64xf32, #tpu.memory_space<vmem_shared>>) target(%dma_start3A_193 : memref<128x64xf32, #tpu.memory_space<vmem>>) offsets(%dma_start3A_196 : memref<128xi32, #tpu.memory_space<vmem>>) semaphore(%dma_start3A_201 : memref<!tpu.dma_semaphore, #tpu.memory_space<semaphore_mem>>)
      } else {
      }
      %mul3A_130 = arith.constant 2 : i32
      %mul3A_131 = arith.muli %mul3A_130, %scan3A_100 : i32
      %add3A_132 = arith.constant 1 : i32
      %add3A_133 = arith.addi %mul3A_131, %add3A_132 : i32
      %dma_wait3A_134 = arith.constant 1 : i32
      %dma_wait3A_135 = arith.constant 128 : i32
      %dma_wait3A_136 = arith.constant 0 : i32
      %dma_wait3A_137 = tpu.memref_slice %arg8[%dma_wait3A_135, %dma_wait3A_136] : memref<256x64xf32, #tpu.memory_space<vmem>> -> memref<128x64xf32, #tpu.memory_space<vmem>>
      %dma_wait3A_138 = arith.constant 0 : i32
      %dma_wait3A_139 = tpu.memref_slice %arg6[%add3A_133, %dma_wait3A_138] : memref<80x128xi32, #tpu.memory_space<vmem>> -> memref<1x128xi32, #tpu.memory_space<vmem>>
      %dma_wait3A_140 = tpu.memref_squeeze %dma_wait3A_139 : memref<1x128xi32, #tpu.memory_space<vmem>> -> memref<128xi32, #tpu.memory_space<vmem>>
      %dma_wait3A_141 = arith.constant 0 : i32
      %dma_wait3A_142 = arith.constant 0 : i32
      %dma_wait3A_143 = tpu.memref_slice %arg10[%dma_wait3A_141, %dma_wait3A_142] : memref<10240x64xf32, #tpu.memory_space<vmem_shared>> -> memref<10240x64xf32, #tpu.memory_space<vmem_shared>>
      %dma_wait3A_144 = tpu.memref_slice %arg11[%dma_wait3A_134] : memref<2x!tpu.dma_semaphore, #tpu.memory_space<semaphore_mem>> -> memref<1x!tpu.dma_semaphore, #tpu.memory_space<semaphore_mem>>
      %dma_wait3A_145 = tpu.memref_squeeze %dma_wait3A_144 : memref<1x!tpu.dma_semaphore, #tpu.memory_space<semaphore_mem>> -> memref<!tpu.dma_semaphore, #tpu.memory_space<semaphore_mem>>
      tpu.wait_indirect_dma semaphore(%dma_wait3A_145 : memref<!tpu.dma_semaphore, #tpu.memory_space<semaphore_mem>>) src(%dma_wait3A_143 : memref<10240x64xf32, #tpu.memory_space<vmem_shared>>) dst(%dma_wait3A_137 : memref<128x64xf32, #tpu.memory_space<vmem>>)
      %dma_start3A_146 = arith.constant 1 : i32
      %dma_start3A_147 = arith.constant 128 : i32
      %dma_start3A_148 = arith.constant 0 : i32
      %dma_start3A_149 = tpu.memref_slice %arg8[%dma_start3A_147, %dma_start3A_148] : memref<256x64xf32, #tpu.memory_space<vmem>> -> memref<128x64xf32, #tpu.memory_space<vmem>>
      %dma_start3A_150 = arith.constant 0 : i32
      %dma_start3A_151 = tpu.memref_slice %arg7[%add3A_133, %dma_start3A_150] : memref<80x128xi32, #tpu.memory_space<vmem>> -> memref<1x128xi32, #tpu.memory_space<vmem>>
      %dma_start3A_152 = tpu.memref_squeeze %dma_start3A_151 : memref<1x128xi32, #tpu.memory_space<vmem>> -> memref<128xi32, #tpu.memory_space<vmem>>
      %dma_start3A_153 = arith.constant 0 : i32
      %dma_start3A_154 = arith.constant 0 : i32
      %dma_start3A_155 = tpu.memref_slice %arg9[%dma_start3A_153, %dma_start3A_154] : memref<10240x64xf32, #tpu.memory_space<vmem_shared>> -> memref<10240x64xf32, #tpu.memory_space<vmem_shared>>
      %dma_start3A_156 = tpu.memref_slice %arg12[%dma_start3A_146] : memref<2x!tpu.dma_semaphore, #tpu.memory_space<semaphore_mem>> -> memref<1x!tpu.dma_semaphore, #tpu.memory_space<semaphore_mem>>
      %dma_start3A_157 = tpu.memref_squeeze %dma_start3A_156 : memref<1x!tpu.dma_semaphore, #tpu.memory_space<semaphore_mem>> -> memref<!tpu.dma_semaphore, #tpu.memory_space<semaphore_mem>>
      tpu.enqueue_indirect_dma source(%dma_start3A_149 : memref<128x64xf32, #tpu.memory_space<vmem>>) target(%dma_start3A_155 : memref<10240x64xf32, #tpu.memory_space<vmem_shared>>) offsets(%dma_start3A_152 : memref<128xi32, #tpu.memory_space<vmem>>) semaphore(%dma_start3A_157 : memref<!tpu.dma_semaphore, #tpu.memory_space<semaphore_mem>>) {add = true}
      %dma_wait3A_158 = arith.constant 0 : i32
      %dma_wait3A_159 = arith.constant 0 : i32
      %dma_wait3A_160 = arith.constant 0 : i32
      %dma_wait3A_161 = tpu.memref_slice %arg8[%dma_wait3A_159, %dma_wait3A_160] : memref<256x64xf32, #tpu.memory_space<vmem>> -> memref<128x64xf32, #tpu.memory_space<vmem>>
      %dma_wait3A_162 = arith.constant 0 : i32
      %dma_wait3A_163 = tpu.memref_slice %arg7[%mul3A_103, %dma_wait3A_162] : memref<80x128xi32, #tpu.memory_space<vmem>> -> memref<1x128xi32, #tpu.memory_space<vmem>>
      %dma_wait3A_164 = tpu.memref_squeeze %dma_wait3A_163 : memref<1x128xi32, #tpu.memory_space<vmem>> -> memref<128xi32, #tpu.memory_space<vmem>>
      %dma_wait3A_165 = arith.constant 0 : i32
      %dma_wait3A_166 = arith.constant 0 : i32
      %dma_wait3A_167 = tpu.memref_slice %arg9[%dma_wait3A_165, %dma_wait3A_166] : memref<10240x64xf32, #tpu.memory_space<vmem_shared>> -> memref<10240x64xf32, #tpu.memory_space<vmem_shared>>
      %dma_wait3A_168 = tpu.memref_slice %arg12[%dma_wait3A_158] : memref<2x!tpu.dma_semaphore, #tpu.memory_space<semaphore_mem>> -> memref<1x!tpu.dma_semaphore, #tpu.memory_space<semaphore_mem>>
      %dma_wait3A_169 = tpu.memref_squeeze %dma_wait3A_168 : memref<1x!tpu.dma_semaphore, #tpu.memory_space<semaphore_mem>> -> memref<!tpu.dma_semaphore, #tpu.memory_space<semaphore_mem>>
      tpu.wait_indirect_dma semaphore(%dma_wait3A_169 : memref<!tpu.dma_semaphore, #tpu.memory_space<semaphore_mem>>) src(%dma_wait3A_161 : memref<128x64xf32, #tpu.memory_space<vmem>>) dst(%dma_wait3A_167 : memref<10240x64xf32, #tpu.memory_space<vmem_shared>>)
      %lt3A = arith.constant 39 : i32
      %lt3A_170 = arith.cmpi slt, %scan3A_100, %lt3A : i32
      %convert_element_type3A_171 = arith.extui %lt3A_170 : i1 to i32
      %cond3A_172 = arith.constant 0 : i32
      %cond3A_173 = arith.cmpi ne, %convert_element_type3A_171, %cond3A_172 : i32
      scf.if %cond3A_173 {
        %add3A_175 = arith.constant 1 : i32
        %add3A_176 = arith.addi %add3A_133, %add3A_175 : i32
        %dma_start3A_177 = arith.constant 0 : i32
        %dma_start3A_178 = arith.constant 0 : i32
        %dma_start3A_179 = arith.constant 0 : i32
        %dma_start3A_180 = tpu.memref_slice %arg8[%dma_start3A_178, %dma_start3A_179] : memref<256x64xf32, #tpu.memory_space<vmem>> -> memref<128x64xf32, #tpu.memory_space<vmem>>
        %dma_start3A_181 = arith.constant 0 : i32
        %dma_start3A_182 = tpu.memref_slice %arg6[%add3A_176, %dma_start3A_181] : memref<80x128xi32, #tpu.memory_space<vmem>> -> memref<1x128xi32, #tpu.memory_space<vmem>>
        %dma_start3A_183 = tpu.memref_squeeze %dma_start3A_182 : memref<1x128xi32, #tpu.memory_space<vmem>> -> memref<128xi32, #tpu.memory_space<vmem>>
        %dma_start3A_184 = arith.constant 0 : i32
        %dma_start3A_185 = arith.constant 0 : i32
        %dma_start3A_186 = tpu.memref_slice %arg10[%dma_start3A_184, %dma_start3A_185] : memref<10240x64xf32, #tpu.memory_space<vmem_shared>> -> memref<10240x64xf32, #tpu.memory_space<vmem_shared>>
        %dma_start3A_187 = tpu.memref_slice %arg11[%dma_start3A_177] : memref<2x!tpu.dma_semaphore, #tpu.memory_space<semaphore_mem>> -> memref<1x!tpu.dma_semaphore, #tpu.memory_space<semaphore_mem>>
        %dma_start3A_188 = tpu.memref_squeeze %dma_start3A_187 : memref<1x!tpu.dma_semaphore, #tpu.memory_space<semaphore_mem>> -> memref<!tpu.dma_semaphore, #tpu.memory_space<semaphore_mem>>
        tpu.enqueue_indirect_dma source(%dma_start3A_186 : memref<10240x64xf32, #tpu.memory_space<vmem_shared>>) target(%dma_start3A_180 : memref<128x64xf32, #tpu.memory_space<vmem>>) offsets(%dma_start3A_183 : memref<128xi32, #tpu.memory_space<vmem>>) semaphore(%dma_start3A_188 : memref<!tpu.dma_semaphore, #tpu.memory_space<semaphore_mem>>)
      } else {
      }
      %scan3A_174 = arith.constant 0 : i32
      scf.yield %scan3A_174 : i32
    }
    %scan3A_85 = arith.constant 40 : i32
    %dma_wait3A_86 = arith.constant 79 : i32
    %dma_wait3A_87 = arith.constant 1 : i32
    %dma_wait3A_88 = arith.constant 128 : i32
    %dma_wait3A_89 = arith.constant 0 : i32
    %dma_wait3A_90 = tpu.memref_slice %arg8[%dma_wait3A_88, %dma_wait3A_89] : memref<256x64xf32, #tpu.memory_space<vmem>> -> memref<128x64xf32, #tpu.memory_space<vmem>>
    %dma_wait3A_91 = arith.constant 0 : i32
    %dma_wait3A_92 = tpu.memref_slice %arg7[%dma_wait3A_86, %dma_wait3A_91] : memref<80x128xi32, #tpu.memory_space<vmem>> -> memref<1x128xi32, #tpu.memory_space<vmem>>
    %dma_wait3A_93 = tpu.memref_squeeze %dma_wait3A_92 : memref<1x128xi32, #tpu.memory_space<vmem>> -> memref<128xi32, #tpu.memory_space<vmem>>
    %dma_wait3A_94 = arith.constant 0 : i32
    %dma_wait3A_95 = arith.constant 0 : i32
    %dma_wait3A_96 = tpu.memref_slice %arg9[%dma_wait3A_94, %dma_wait3A_95] : memref<10240x64xf32, #tpu.memory_space<vmem_shared>> -> memref<10240x64xf32, #tpu.memory_space<vmem_shared>>
    %dma_wait3A_97 = tpu.memref_slice %arg12[%dma_wait3A_87] : memref<2x!tpu.dma_semaphore, #tpu.memory_space<semaphore_mem>> -> memref<1x!tpu.dma_semaphore, #tpu.memory_space<semaphore_mem>>
    %dma_wait3A_98 = tpu.memref_squeeze %dma_wait3A_97 : memref<1x!tpu.dma_semaphore, #tpu.memory_space<semaphore_mem>> -> memref<!tpu.dma_semaphore, #tpu.memory_space<semaphore_mem>>
    tpu.wait_indirect_dma semaphore(%dma_wait3A_98 : memref<!tpu.dma_semaphore, #tpu.memory_space<semaphore_mem>>) src(%dma_wait3A_90 : memref<128x64xf32, #tpu.memory_space<vmem>>) dst(%dma_wait3A_96 : memref<10240x64xf32, #tpu.memory_space<vmem_shared>>)
    %barrier3A_99 = arith.constant 0 : index
    tpu.barrier barrier_id(%barrier3A_99)
    "tpu.region"() ({
      %run_scoped3A = tpu.sem_alloc : memref<!tpu.dma_semaphore, #tpu.memory_space<semaphore_mem>>
      %dma_start3A_100 = arith.constant 0 : i32
      %dma_start3A_101 = tpu.memref_slice %arg5[%arg0, %mul3A_2, %dma_start3A_100] : memref<2x10240x64xf32, #tpu.memory_space<hbm>> -> memref<1x640x64xf32, #tpu.memory_space<hbm>>
      %dma_start3A_102 = tpu.memref_squeeze %dma_start3A_101 : memref<1x640x64xf32, #tpu.memory_space<hbm>> -> memref<640x64xf32, #tpu.memory_space<hbm>>
      %dma_start3A_103 = arith.constant 0 : i32
      %dma_start3A_104 = tpu.memref_slice %arg9[%mul3A_2, %dma_start3A_103] : memref<10240x64xf32, #tpu.memory_space<vmem_shared>> -> memref<640x64xf32, #tpu.memory_space<vmem_shared>>
      tpu.enqueue_dma source(%dma_start3A_104 : memref<640x64xf32, #tpu.memory_space<vmem_shared>>) target(%dma_start3A_102 : memref<640x64xf32, #tpu.memory_space<hbm>>) target_semaphore(%run_scoped3A : memref<!tpu.dma_semaphore, #tpu.memory_space<semaphore_mem>>)
      %dma_wait3A_105 = arith.constant 0 : i32
      %dma_wait3A_106 = tpu.memref_slice %arg5[%arg0, %mul3A_2, %dma_wait3A_105] : memref<2x10240x64xf32, #tpu.memory_space<hbm>> -> memref<1x640x64xf32, #tpu.memory_space<hbm>>
      %dma_wait3A_107 = tpu.memref_squeeze %dma_wait3A_106 : memref<1x640x64xf32, #tpu.memory_space<hbm>> -> memref<640x64xf32, #tpu.memory_space<hbm>>
      %dma_wait3A_108 = arith.constant 0 : i32
      %dma_wait3A_109 = tpu.memref_slice %arg9[%mul3A_2, %dma_wait3A_108] : memref<10240x64xf32, #tpu.memory_space<vmem_shared>> -> memref<640x64xf32, #tpu.memory_space<vmem_shared>>
      tpu.wait_dma2 semaphore(%run_scoped3A : memref<!tpu.dma_semaphore, #tpu.memory_space<semaphore_mem>>) src(%dma_wait3A_109 : memref<640x64xf32, #tpu.memory_space<vmem_shared>>) dst(%dma_wait3A_107 : memref<640x64xf32, #tpu.memory_space<hbm>>)
      tpu.yield
    }) : () -> ()
    return
  }
}

#map = affine_map<(d0, d1) -> (0, 0)>
#map1 = affine_map<(d0, d1) -> (0, 0, 0)>
module attributes {stable_mosaic.version = 14 : i64} {
  func.func @_sc_spmm_body(%arg0: i32, %arg1: i32, %arg2: memref<10240x64xf32, #tpu.memory_space<hbm>>, %arg3: memref<2560x128xi32, #tpu.memory_space<hbm>>, %arg4: memref<2560x128xi32, #tpu.memory_space<hbm>>, %arg5: memref<2x10240x64xf32, #tpu.memory_space<hbm>>, %arg6: memref<80x128xi32, #tpu.memory_space<vmem>>, %arg7: memref<80x128xi32, #tpu.memory_space<vmem>>, %arg8: memref<256x64xf32, #tpu.memory_space<vmem>>, %arg9: memref<10240x64xf32, #tpu.memory_space<vmem_shared>>, %arg10: memref<10240x64xf32, #tpu.memory_space<vmem_shared>>, %arg11: memref<2x!tpu.dma_semaphore, #tpu.memory_space<semaphore_mem>>, %arg12: memref<2x!tpu.dma_semaphore, #tpu.memory_space<semaphore_mem>>, %arg13: memref<2x!tpu.dma_semaphore, #tpu.memory_space<semaphore_mem>>) attributes {dimension_semantics = [#tpu.dimension_semantics<core_parallel>, #tpu.dimension_semantics<subcore_parallel>], iteration_bounds = array<i64: 2, 16>, scalar_prefetch = 0 : i64, scratch_operands = 8 : i64, tpu.core_type = #tpu.core_type<sc_vector_subcore>, window_params = [{transform_indices = #map}, {transform_indices = #map}, {transform_indices = #map}, {transform_indices = #map1}]} {
    %mul3A = arith.constant 16 : i32
    %mul3A_0 = arith.muli %arg0, %mul3A : i32
    %add3A = arith.addi %mul3A_0, %arg1 : i32
    %mul3A_1 = arith.constant 640 : i32
    %mul3A_2 = arith.muli %arg1, %mul3A_1 : i32
    %mul3A_3 = arith.constant 80 : i32
    %mul3A_4 = arith.muli %add3A, %mul3A_3 : i32
    %dma_start3A = arith.constant 0 : i32
    %dma_start3A_5 = arith.constant 0 : i32
    %dma_start3A_6 = tpu.memref_slice %arg3[%mul3A_4, %dma_start3A_5] : memref<2560x128xi32, #tpu.memory_space<hbm>> -> memref<80x128xi32, #tpu.memory_space<hbm>>
    %dma_start3A_7 = tpu.memref_slice %arg13[%dma_start3A] : memref<2x!tpu.dma_semaphore, #tpu.memory_space<semaphore_mem>> -> memref<1x!tpu.dma_semaphore, #tpu.memory_space<semaphore_mem>>
    %dma_start3A_8 = tpu.memref_squeeze %dma_start3A_7 : memref<1x!tpu.dma_semaphore, #tpu.memory_space<semaphore_mem>> -> memref<!tpu.dma_semaphore, #tpu.memory_space<semaphore_mem>>
    %dma_start3A_9 = arith.constant 0 : i32
    %dma_start3A_10 = tpu.memref_slice %arg3[%mul3A_4, %dma_start3A_9] : memref<2560x128xi32, #tpu.memory_space<hbm>> -> memref<80x128xi32, #tpu.memory_space<hbm>>
    tpu.enqueue_dma source(%dma_start3A_10 : memref<80x128xi32, #tpu.memory_space<hbm>>) target(%arg6 : memref<80x128xi32, #tpu.memory_space<vmem>>) target_semaphore(%dma_start3A_8 : memref<!tpu.dma_semaphore, #tpu.memory_space<semaphore_mem>>)
    %mul3A_11 = arith.constant 80 : i32
    %mul3A_12 = arith.muli %add3A, %mul3A_11 : i32
    %dma_start3A_13 = arith.constant 1 : i32
    %dma_start3A_14 = arith.constant 0 : i32
    %dma_start3A_15 = tpu.memref_slice %arg4[%mul3A_12, %dma_start3A_14] : memref<2560x128xi32, #tpu.memory_space<hbm>> -> memref<80x128xi32, #tpu.memory_space<hbm>>
    %dma_start3A_16 = tpu.memref_slice %arg13[%dma_start3A_13] : memref<2x!tpu.dma_semaphore, #tpu.memory_space<semaphore_mem>> -> memref<1x!tpu.dma_semaphore, #tpu.memory_space<semaphore_mem>>
    %dma_start3A_17 = tpu.memref_squeeze %dma_start3A_16 : memref<1x!tpu.dma_semaphore, #tpu.memory_space<semaphore_mem>> -> memref<!tpu.dma_semaphore, #tpu.memory_space<semaphore_mem>>
    %dma_start3A_18 = arith.constant 0 : i32
    %dma_start3A_19 = tpu.memref_slice %arg4[%mul3A_12, %dma_start3A_18] : memref<2560x128xi32, #tpu.memory_space<hbm>> -> memref<80x128xi32, #tpu.memory_space<hbm>>
    tpu.enqueue_dma source(%dma_start3A_19 : memref<80x128xi32, #tpu.memory_space<hbm>>) target(%arg7 : memref<80x128xi32, #tpu.memory_space<vmem>>) target_semaphore(%dma_start3A_17 : memref<!tpu.dma_semaphore, #tpu.memory_space<semaphore_mem>>)
    %scan3A = arith.constant 0 : i32
    %scan3A_20 = arith.constant 0 : i32
    %scan3A_21 = arith.constant 128 : i32
    %scan3A_22 = arith.addi %scan3A_20, %scan3A_21 : i32
    %scan3A_23 = arith.constant 1 : i32
    %scan3A_24 = scf.for %scan3A_100 = %scan3A_20 to %scan3A_22 step %scan3A_23 iter_args(%scan3A_101 = %scan3A) -> (i32)  : i32 {
      %broadcast_in_dim3A = arith.constant 0.000000e+00 : f32
      %broadcast_in_dim3A_102 = vector.broadcast %broadcast_in_dim3A : f32 to vector<16xf32>
      %swap3A = arith.index_cast %scan3A_100 : i32 to index
      %swap3A_103 = arith.constant 0 : index
      %swap3A_104 = tpu.vector_load %arg8[%swap3A, %swap3A_103] {strides = array<i32>} : memref<256x64xf32, #tpu.memory_space<vmem>>, vector<1x16xf32>,
      %swap3A_105 = vector.shape_cast %swap3A_104 : vector<1x16xf32> to vector<16xf32>
      %swap3A_106 = vector.shape_cast %broadcast_in_dim3A_102 : vector<16xf32> to vector<1x16xf32>
      tpu.vector_store %arg8[%swap3A, %swap3A_103], %swap3A_106 {strides = array<i32>} : memref<256x64xf32, #tpu.memory_space<vmem>>, vector<1x16xf32>,
      %broadcast_in_dim3A_107 = arith.constant 0.000000e+00 : f32
      %broadcast_in_dim3A_108 = vector.broadcast %broadcast_in_dim3A_107 : f32 to vector<16xf32>
      %swap3A_109 = arith.index_cast %scan3A_100 : i32 to index
      %swap3A_110 = arith.constant 16 : index
      %swap3A_111 = tpu.vector_load %arg8[%swap3A_109, %swap3A_110] {strides = array<i32>} : memref<256x64xf32, #tpu.memory_space<vmem>>, vector<1x16xf32>,
      %swap3A_112 = vector.shape_cast %swap3A_111 : vector<1x16xf32> to vector<16xf32>
      %swap3A_113 = vector.shape_cast %broadcast_in_dim3A_108 : vector<16xf32> to vector<1x16xf32>
      tpu.vector_store %arg8[%swap3A_109, %swap3A_110], %swap3A_113 {strides = array<i32>} : memref<256x64xf32, #tpu.memory_space<vmem>>, vector<1x16xf32>,
      %broadcast_in_dim3A_114 = arith.constant 0.000000e+00 : f32
      %broadcast_in_dim3A_115 = vector.broadcast %broadcast_in_dim3A_114 : f32 to vector<16xf32>
      %swap3A_116 = arith.index_cast %scan3A_100 : i32 to index
      %swap3A_117 = arith.constant 32 : index
      %swap3A_118 = tpu.vector_load %arg8[%swap3A_116, %swap3A_117] {strides = array<i32>} : memref<256x64xf32, #tpu.memory_space<vmem>>, vector<1x16xf32>,
      %swap3A_119 = vector.shape_cast %swap3A_118 : vector<1x16xf32> to vector<16xf32>
      %swap3A_120 = vector.shape_cast %broadcast_in_dim3A_115 : vector<16xf32> to vector<1x16xf32>
      tpu.vector_store %arg8[%swap3A_116, %swap3A_117], %swap3A_120 {strides = array<i32>} : memref<256x64xf32, #tpu.memory_space<vmem>>, vector<1x16xf32>,
      %broadcast_in_dim3A_121 = arith.constant 0.000000e+00 : f32
      %broadcast_in_dim3A_122 = vector.broadcast %broadcast_in_dim3A_121 : f32 to vector<16xf32>
      %swap3A_123 = arith.index_cast %scan3A_100 : i32 to index
      %swap3A_124 = arith.constant 48 : index
      %swap3A_125 = tpu.vector_load %arg8[%swap3A_123, %swap3A_124] {strides = array<i32>} : memref<256x64xf32, #tpu.memory_space<vmem>>, vector<1x16xf32>,
      %swap3A_126 = vector.shape_cast %swap3A_125 : vector<1x16xf32> to vector<16xf32>
      %swap3A_127 = vector.shape_cast %broadcast_in_dim3A_122 : vector<16xf32> to vector<1x16xf32>
      tpu.vector_store %arg8[%swap3A_123, %swap3A_124], %swap3A_127 {strides = array<i32>} : memref<256x64xf32, #tpu.memory_space<vmem>>, vector<1x16xf32>,
      %scan3A_128 = arith.constant 0 : i32
      scf.yield %scan3A_128 : i32
    }
    %scan3A_25 = arith.constant 128 : i32
    "tpu.region"() ({
      %run_scoped3A = tpu.sem_alloc : memref<!tpu.dma_semaphore, #tpu.memory_space<semaphore_mem>>
      %dma_start3A_100 = arith.constant 0 : i32
      %dma_start3A_101 = tpu.memref_slice %arg10[%mul3A_2, %dma_start3A_100] : memref<10240x64xf32, #tpu.memory_space<vmem_shared>> -> memref<640x64xf32, #tpu.memory_space<vmem_shared>>
      %dma_start3A_102 = arith.constant 0 : i32
      %dma_start3A_103 = tpu.memref_slice %arg2[%mul3A_2, %dma_start3A_102] : memref<10240x64xf32, #tpu.memory_space<hbm>> -> memref<640x64xf32, #tpu.memory_space<hbm>>
      tpu.enqueue_dma source(%dma_start3A_103 : memref<640x64xf32, #tpu.memory_space<hbm>>) target(%dma_start3A_101 : memref<640x64xf32, #tpu.memory_space<vmem_shared>>) target_semaphore(%run_scoped3A : memref<!tpu.dma_semaphore, #tpu.memory_space<semaphore_mem>>)
      %dma_wait3A_104 = arith.constant 0 : i32
      %dma_wait3A_105 = tpu.memref_slice %arg10[%mul3A_2, %dma_wait3A_104] : memref<10240x64xf32, #tpu.memory_space<vmem_shared>> -> memref<640x64xf32, #tpu.memory_space<vmem_shared>>
      %dma_wait3A_106 = arith.constant 0 : i32
      %dma_wait3A_107 = tpu.memref_slice %arg2[%mul3A_2, %dma_wait3A_106] : memref<10240x64xf32, #tpu.memory_space<hbm>> -> memref<640x64xf32, #tpu.memory_space<hbm>>
      tpu.wait_dma2 semaphore(%run_scoped3A : memref<!tpu.dma_semaphore, #tpu.memory_space<semaphore_mem>>) src(%dma_wait3A_107 : memref<640x64xf32, #tpu.memory_space<hbm>>) dst(%dma_wait3A_105 : memref<640x64xf32, #tpu.memory_space<vmem_shared>>)
      tpu.yield
    }) : () -> ()
    %add3A_26 = arith.constant 0 : i32
    %add3A_27 = arith.addi %mul3A_2, %add3A_26 : i32
    "tpu.region"() ({
      %run_scoped3A = tpu.sem_alloc : memref<!tpu.dma_semaphore, #tpu.memory_space<semaphore_mem>>
      %dma_start3A_100 = arith.constant 0 : i32
      %dma_start3A_101 = arith.constant 0 : i32
      %dma_start3A_102 = tpu.memref_slice %arg8[%dma_start3A_100, %dma_start3A_101] : memref<256x64xf32, #tpu.memory_space<vmem>> -> memref<128x64xf32, #tpu.memory_space<vmem>>
      %dma_start3A_103 = arith.constant 0 : i32
      %dma_start3A_104 = tpu.memref_slice %arg9[%add3A_27, %dma_start3A_103] : memref<10240x64xf32, #tpu.memory_space<vmem_shared>> -> memref<128x64xf32, #tpu.memory_space<vmem_shared>>
      %dma_start3A_105 = arith.constant 0 : i32
      %dma_start3A_106 = tpu.memref_slice %arg9[%add3A_27, %dma_start3A_105] : memref<10240x64xf32, #tpu.memory_space<vmem_shared>> -> memref<128x64xf32, #tpu.memory_space<vmem_shared>>
      %dma_start3A_107 = arith.constant 0 : i32
      %dma_start3A_108 = arith.constant 0 : i32
      %dma_start3A_109 = tpu.memref_slice %arg8[%dma_start3A_107, %dma_start3A_108] : memref<256x64xf32, #tpu.memory_space<vmem>> -> memref<128x64xf32, #tpu.memory_space<vmem>>
      tpu.enqueue_dma source(%dma_start3A_109 : memref<128x64xf32, #tpu.memory_space<vmem>>) target(%dma_start3A_106 : memref<128x64xf32, #tpu.memory_space<vmem_shared>>) target_semaphore(%run_scoped3A : memref<!tpu.dma_semaphore, #tpu.memory_space<semaphore_mem>>)
      %dma_wait3A_110 = arith.constant 0 : i32
      %dma_wait3A_111 = arith.constant 0 : i32
      %dma_wait3A_112 = tpu.memref_slice %arg8[%dma_wait3A_110, %dma_wait3A_111] : memref<256x64xf32, #tpu.memory_space<vmem>> -> memref<128x64xf32, #tpu.memory_space<vmem>>
      %dma_wait3A_113 = arith.constant 0 : i32
      %dma_wait3A_114 = tpu.memref_slice %arg9[%add3A_27, %dma_wait3A_113] : memref<10240x64xf32, #tpu.memory_space<vmem_shared>> -> memref<128x64xf32, #tpu.memory_space<vmem_shared>>
      %dma_wait3A_115 = arith.constant 0 : i32
      %dma_wait3A_116 = tpu.memref_slice %arg9[%add3A_27, %dma_wait3A_115] : memref<10240x64xf32, #tpu.memory_space<vmem_shared>> -> memref<128x64xf32, #tpu.memory_space<vmem_shared>>
      %dma_wait3A_117 = arith.constant 0 : i32
      %dma_wait3A_118 = arith.constant 0 : i32
      %dma_wait3A_119 = tpu.memref_slice %arg8[%dma_wait3A_117, %dma_wait3A_118] : memref<256x64xf32, #tpu.memory_space<vmem>> -> memref<128x64xf32, #tpu.memory_space<vmem>>
      tpu.wait_dma2 semaphore(%run_scoped3A : memref<!tpu.dma_semaphore, #tpu.memory_space<semaphore_mem>>) src(%dma_wait3A_119 : memref<128x64xf32, #tpu.memory_space<vmem>>) dst(%dma_wait3A_116 : memref<128x64xf32, #tpu.memory_space<vmem_shared>>)
      tpu.yield
    }) : () -> ()
    %add3A_28 = arith.constant 128 : i32
    %add3A_29 = arith.addi %mul3A_2, %add3A_28 : i32
    "tpu.region"() ({
      %run_scoped3A = tpu.sem_alloc : memref<!tpu.dma_semaphore, #tpu.memory_space<semaphore_mem>>
      %dma_start3A_100 = arith.constant 0 : i32
      %dma_start3A_101 = arith.constant 0 : i32
      %dma_start3A_102 = tpu.memref_slice %arg8[%dma_start3A_100, %dma_start3A_101] : memref<256x64xf32, #tpu.memory_space<vmem>> -> memref<128x64xf32, #tpu.memory_space<vmem>>
      %dma_start3A_103 = arith.constant 0 : i32
      %dma_start3A_104 = tpu.memref_slice %arg9[%add3A_29, %dma_start3A_103] : memref<10240x64xf32, #tpu.memory_space<vmem_shared>> -> memref<128x64xf32, #tpu.memory_space<vmem_shared>>
      %dma_start3A_105 = arith.constant 0 : i32
      %dma_start3A_106 = tpu.memref_slice %arg9[%add3A_29, %dma_start3A_105] : memref<10240x64xf32, #tpu.memory_space<vmem_shared>> -> memref<128x64xf32, #tpu.memory_space<vmem_shared>>
      %dma_start3A_107 = arith.constant 0 : i32
      %dma_start3A_108 = arith.constant 0 : i32
      %dma_start3A_109 = tpu.memref_slice %arg8[%dma_start3A_107, %dma_start3A_108] : memref<256x64xf32, #tpu.memory_space<vmem>> -> memref<128x64xf32, #tpu.memory_space<vmem>>
      tpu.enqueue_dma source(%dma_start3A_109 : memref<128x64xf32, #tpu.memory_space<vmem>>) target(%dma_start3A_106 : memref<128x64xf32, #tpu.memory_space<vmem_shared>>) target_semaphore(%run_scoped3A : memref<!tpu.dma_semaphore, #tpu.memory_space<semaphore_mem>>)
      %dma_wait3A_110 = arith.constant 0 : i32
      %dma_wait3A_111 = arith.constant 0 : i32
      %dma_wait3A_112 = tpu.memref_slice %arg8[%dma_wait3A_110, %dma_wait3A_111] : memref<256x64xf32, #tpu.memory_space<vmem>> -> memref<128x64xf32, #tpu.memory_space<vmem>>
      %dma_wait3A_113 = arith.constant 0 : i32
      %dma_wait3A_114 = tpu.memref_slice %arg9[%add3A_29, %dma_wait3A_113] : memref<10240x64xf32, #tpu.memory_space<vmem_shared>> -> memref<128x64xf32, #tpu.memory_space<vmem_shared>>
      %dma_wait3A_115 = arith.constant 0 : i32
      %dma_wait3A_116 = tpu.memref_slice %arg9[%add3A_29, %dma_wait3A_115] : memref<10240x64xf32, #tpu.memory_space<vmem_shared>> -> memref<128x64xf32, #tpu.memory_space<vmem_shared>>
      %dma_wait3A_117 = arith.constant 0 : i32
      %dma_wait3A_118 = arith.constant 0 : i32
      %dma_wait3A_119 = tpu.memref_slice %arg8[%dma_wait3A_117, %dma_wait3A_118] : memref<256x64xf32, #tpu.memory_space<vmem>> -> memref<128x64xf32, #tpu.memory_space<vmem>>
      tpu.wait_dma2 semaphore(%run_scoped3A : memref<!tpu.dma_semaphore, #tpu.memory_space<semaphore_mem>>) src(%dma_wait3A_119 : memref<128x64xf32, #tpu.memory_space<vmem>>) dst(%dma_wait3A_116 : memref<128x64xf32, #tpu.memory_space<vmem_shared>>)
      tpu.yield
    }) : () -> ()
    %add3A_30 = arith.constant 256 : i32
    %add3A_31 = arith.addi %mul3A_2, %add3A_30 : i32
    "tpu.region"() ({
      %run_scoped3A = tpu.sem_alloc : memref<!tpu.dma_semaphore, #tpu.memory_space<semaphore_mem>>
      %dma_start3A_100 = arith.constant 0 : i32
      %dma_start3A_101 = arith.constant 0 : i32
      %dma_start3A_102 = tpu.memref_slice %arg8[%dma_start3A_100, %dma_start3A_101] : memref<256x64xf32, #tpu.memory_space<vmem>> -> memref<128x64xf32, #tpu.memory_space<vmem>>
      %dma_start3A_103 = arith.constant 0 : i32
      %dma_start3A_104 = tpu.memref_slice %arg9[%add3A_31, %dma_start3A_103] : memref<10240x64xf32, #tpu.memory_space<vmem_shared>> -> memref<128x64xf32, #tpu.memory_space<vmem_shared>>
      %dma_start3A_105 = arith.constant 0 : i32
      %dma_start3A_106 = tpu.memref_slice %arg9[%add3A_31, %dma_start3A_105] : memref<10240x64xf32, #tpu.memory_space<vmem_shared>> -> memref<128x64xf32, #tpu.memory_space<vmem_shared>>
      %dma_start3A_107 = arith.constant 0 : i32
      %dma_start3A_108 = arith.constant 0 : i32
      %dma_start3A_109 = tpu.memref_slice %arg8[%dma_start3A_107, %dma_start3A_108] : memref<256x64xf32, #tpu.memory_space<vmem>> -> memref<128x64xf32, #tpu.memory_space<vmem>>
      tpu.enqueue_dma source(%dma_start3A_109 : memref<128x64xf32, #tpu.memory_space<vmem>>) target(%dma_start3A_106 : memref<128x64xf32, #tpu.memory_space<vmem_shared>>) target_semaphore(%run_scoped3A : memref<!tpu.dma_semaphore, #tpu.memory_space<semaphore_mem>>)
      %dma_wait3A_110 = arith.constant 0 : i32
      %dma_wait3A_111 = arith.constant 0 : i32
      %dma_wait3A_112 = tpu.memref_slice %arg8[%dma_wait3A_110, %dma_wait3A_111] : memref<256x64xf32, #tpu.memory_space<vmem>> -> memref<128x64xf32, #tpu.memory_space<vmem>>
      %dma_wait3A_113 = arith.constant 0 : i32
      %dma_wait3A_114 = tpu.memref_slice %arg9[%add3A_31, %dma_wait3A_113] : memref<10240x64xf32, #tpu.memory_space<vmem_shared>> -> memref<128x64xf32, #tpu.memory_space<vmem_shared>>
      %dma_wait3A_115 = arith.constant 0 : i32
      %dma_wait3A_116 = tpu.memref_slice %arg9[%add3A_31, %dma_wait3A_115] : memref<10240x64xf32, #tpu.memory_space<vmem_shared>> -> memref<128x64xf32, #tpu.memory_space<vmem_shared>>
      %dma_wait3A_117 = arith.constant 0 : i32
      %dma_wait3A_118 = arith.constant 0 : i32
      %dma_wait3A_119 = tpu.memref_slice %arg8[%dma_wait3A_117, %dma_wait3A_118] : memref<256x64xf32, #tpu.memory_space<vmem>> -> memref<128x64xf32, #tpu.memory_space<vmem>>
      tpu.wait_dma2 semaphore(%run_scoped3A : memref<!tpu.dma_semaphore, #tpu.memory_space<semaphore_mem>>) src(%dma_wait3A_119 : memref<128x64xf32, #tpu.memory_space<vmem>>) dst(%dma_wait3A_116 : memref<128x64xf32, #tpu.memory_space<vmem_shared>>)
      tpu.yield
    }) : () -> ()
    %add3A_32 = arith.constant 384 : i32
    %add3A_33 = arith.addi %mul3A_2, %add3A_32 : i32
    "tpu.region"() ({
      %run_scoped3A = tpu.sem_alloc : memref<!tpu.dma_semaphore, #tpu.memory_space<semaphore_mem>>
      %dma_start3A_100 = arith.constant 0 : i32
      %dma_start3A_101 = arith.constant 0 : i32
      %dma_start3A_102 = tpu.memref_slice %arg8[%dma_start3A_100, %dma_start3A_101] : memref<256x64xf32, #tpu.memory_space<vmem>> -> memref<128x64xf32, #tpu.memory_space<vmem>>
      %dma_start3A_103 = arith.constant 0 : i32
      %dma_start3A_104 = tpu.memref_slice %arg9[%add3A_33, %dma_start3A_103] : memref<10240x64xf32, #tpu.memory_space<vmem_shared>> -> memref<128x64xf32, #tpu.memory_space<vmem_shared>>
      %dma_start3A_105 = arith.constant 0 : i32
      %dma_start3A_106 = tpu.memref_slice %arg9[%add3A_33, %dma_start3A_105] : memref<10240x64xf32, #tpu.memory_space<vmem_shared>> -> memref<128x64xf32, #tpu.memory_space<vmem_shared>>
      %dma_start3A_107 = arith.constant 0 : i32
      %dma_start3A_108 = arith.constant 0 : i32
      %dma_start3A_109 = tpu.memref_slice %arg8[%dma_start3A_107, %dma_start3A_108] : memref<256x64xf32, #tpu.memory_space<vmem>> -> memref<128x64xf32, #tpu.memory_space<vmem>>
      tpu.enqueue_dma source(%dma_start3A_109 : memref<128x64xf32, #tpu.memory_space<vmem>>) target(%dma_start3A_106 : memref<128x64xf32, #tpu.memory_space<vmem_shared>>) target_semaphore(%run_scoped3A : memref<!tpu.dma_semaphore, #tpu.memory_space<semaphore_mem>>)
      %dma_wait3A_110 = arith.constant 0 : i32
      %dma_wait3A_111 = arith.constant 0 : i32
      %dma_wait3A_112 = tpu.memref_slice %arg8[%dma_wait3A_110, %dma_wait3A_111] : memref<256x64xf32, #tpu.memory_space<vmem>> -> memref<128x64xf32, #tpu.memory_space<vmem>>
      %dma_wait3A_113 = arith.constant 0 : i32
      %dma_wait3A_114 = tpu.memref_slice %arg9[%add3A_33, %dma_wait3A_113] : memref<10240x64xf32, #tpu.memory_space<vmem_shared>> -> memref<128x64xf32, #tpu.memory_space<vmem_shared>>
      %dma_wait3A_115 = arith.constant 0 : i32
      %dma_wait3A_116 = tpu.memref_slice %arg9[%add3A_33, %dma_wait3A_115] : memref<10240x64xf32, #tpu.memory_space<vmem_shared>> -> memref<128x64xf32, #tpu.memory_space<vmem_shared>>
      %dma_wait3A_117 = arith.constant 0 : i32
      %dma_wait3A_118 = arith.constant 0 : i32
      %dma_wait3A_119 = tpu.memref_slice %arg8[%dma_wait3A_117, %dma_wait3A_118] : memref<256x64xf32, #tpu.memory_space<vmem>> -> memref<128x64xf32, #tpu.memory_space<vmem>>
      tpu.wait_dma2 semaphore(%run_scoped3A : memref<!tpu.dma_semaphore, #tpu.memory_space<semaphore_mem>>) src(%dma_wait3A_119 : memref<128x64xf32, #tpu.memory_space<vmem>>) dst(%dma_wait3A_116 : memref<128x64xf32, #tpu.memory_space<vmem_shared>>)
      tpu.yield
    }) : () -> ()
    %add3A_34 = arith.constant 512 : i32
    %add3A_35 = arith.addi %mul3A_2, %add3A_34 : i32
    "tpu.region"() ({
      %run_scoped3A = tpu.sem_alloc : memref<!tpu.dma_semaphore, #tpu.memory_space<semaphore_mem>>
      %dma_start3A_100 = arith.constant 0 : i32
      %dma_start3A_101 = arith.constant 0 : i32
      %dma_start3A_102 = tpu.memref_slice %arg8[%dma_start3A_100, %dma_start3A_101] : memref<256x64xf32, #tpu.memory_space<vmem>> -> memref<128x64xf32, #tpu.memory_space<vmem>>
      %dma_start3A_103 = arith.constant 0 : i32
      %dma_start3A_104 = tpu.memref_slice %arg9[%add3A_35, %dma_start3A_103] : memref<10240x64xf32, #tpu.memory_space<vmem_shared>> -> memref<128x64xf32, #tpu.memory_space<vmem_shared>>
      %dma_start3A_105 = arith.constant 0 : i32
      %dma_start3A_106 = tpu.memref_slice %arg9[%add3A_35, %dma_start3A_105] : memref<10240x64xf32, #tpu.memory_space<vmem_shared>> -> memref<128x64xf32, #tpu.memory_space<vmem_shared>>
      %dma_start3A_107 = arith.constant 0 : i32
      %dma_start3A_108 = arith.constant 0 : i32
      %dma_start3A_109 = tpu.memref_slice %arg8[%dma_start3A_107, %dma_start3A_108] : memref<256x64xf32, #tpu.memory_space<vmem>> -> memref<128x64xf32, #tpu.memory_space<vmem>>
      tpu.enqueue_dma source(%dma_start3A_109 : memref<128x64xf32, #tpu.memory_space<vmem>>) target(%dma_start3A_106 : memref<128x64xf32, #tpu.memory_space<vmem_shared>>) target_semaphore(%run_scoped3A : memref<!tpu.dma_semaphore, #tpu.memory_space<semaphore_mem>>)
      %dma_wait3A_110 = arith.constant 0 : i32
      %dma_wait3A_111 = arith.constant 0 : i32
      %dma_wait3A_112 = tpu.memref_slice %arg8[%dma_wait3A_110, %dma_wait3A_111] : memref<256x64xf32, #tpu.memory_space<vmem>> -> memref<128x64xf32, #tpu.memory_space<vmem>>
      %dma_wait3A_113 = arith.constant 0 : i32
      %dma_wait3A_114 = tpu.memref_slice %arg9[%add3A_35, %dma_wait3A_113] : memref<10240x64xf32, #tpu.memory_space<vmem_shared>> -> memref<128x64xf32, #tpu.memory_space<vmem_shared>>
      %dma_wait3A_115 = arith.constant 0 : i32
      %dma_wait3A_116 = tpu.memref_slice %arg9[%add3A_35, %dma_wait3A_115] : memref<10240x64xf32, #tpu.memory_space<vmem_shared>> -> memref<128x64xf32, #tpu.memory_space<vmem_shared>>
      %dma_wait3A_117 = arith.constant 0 : i32
      %dma_wait3A_118 = arith.constant 0 : i32
      %dma_wait3A_119 = tpu.memref_slice %arg8[%dma_wait3A_117, %dma_wait3A_118] : memref<256x64xf32, #tpu.memory_space<vmem>> -> memref<128x64xf32, #tpu.memory_space<vmem>>
      tpu.wait_dma2 semaphore(%run_scoped3A : memref<!tpu.dma_semaphore, #tpu.memory_space<semaphore_mem>>) src(%dma_wait3A_119 : memref<128x64xf32, #tpu.memory_space<vmem>>) dst(%dma_wait3A_116 : memref<128x64xf32, #tpu.memory_space<vmem_shared>>)
      tpu.yield
    }) : () -> ()
    %mul3A_36 = arith.constant 80 : i32
    %mul3A_37 = arith.muli %add3A, %mul3A_36 : i32
    %dma_wait3A = arith.constant 0 : i32
    %dma_wait3A_38 = arith.constant 0 : i32
    %dma_wait3A_39 = tpu.memref_slice %arg3[%mul3A_37, %dma_wait3A_38] : memref<2560x128xi32, #tpu.memory_space<hbm>> -> memref<80x128xi32, #tpu.memory_space<hbm>>
    %dma_wait3A_40 = tpu.memref_slice %arg13[%dma_wait3A] : memref<2x!tpu.dma_semaphore, #tpu.memory_space<semaphore_mem>> -> memref<1x!tpu.dma_semaphore, #tpu.memory_space<semaphore_mem>>
    %dma_wait3A_41 = tpu.memref_squeeze %dma_wait3A_40 : memref<1x!tpu.dma_semaphore, #tpu.memory_space<semaphore_mem>> -> memref<!tpu.dma_semaphore, #tpu.memory_space<semaphore_mem>>
    %dma_wait3A_42 = arith.constant 0 : i32
    %dma_wait3A_43 = tpu.memref_slice %arg3[%mul3A_37, %dma_wait3A_42] : memref<2560x128xi32, #tpu.memory_space<hbm>> -> memref<80x128xi32, #tpu.memory_space<hbm>>
    tpu.wait_dma2 semaphore(%dma_wait3A_41 : memref<!tpu.dma_semaphore, #tpu.memory_space<semaphore_mem>>) src(%dma_wait3A_43 : memref<80x128xi32, #tpu.memory_space<hbm>>) dst(%arg6 : memref<80x128xi32, #tpu.memory_space<vmem>>)
    %mul3A_44 = arith.constant 80 : i32
    %mul3A_45 = arith.muli %add3A, %mul3A_44 : i32
    %dma_wait3A_46 = arith.constant 1 : i32
    %dma_wait3A_47 = arith.constant 0 : i32
    %dma_wait3A_48 = tpu.memref_slice %arg4[%mul3A_45, %dma_wait3A_47] : memref<2560x128xi32, #tpu.memory_space<hbm>> -> memref<80x128xi32, #tpu.memory_space<hbm>>
    %dma_wait3A_49 = tpu.memref_slice %arg13[%dma_wait3A_46] : memref<2x!tpu.dma_semaphore, #tpu.memory_space<semaphore_mem>> -> memref<1x!tpu.dma_semaphore, #tpu.memory_space<semaphore_mem>>
    %dma_wait3A_50 = tpu.memref_squeeze %dma_wait3A_49 : memref<1x!tpu.dma_semaphore, #tpu.memory_space<semaphore_mem>> -> memref<!tpu.dma_semaphore, #tpu.memory_space<semaphore_mem>>
    %dma_wait3A_51 = arith.constant 0 : i32
    %dma_wait3A_52 = tpu.memref_slice %arg4[%mul3A_45, %dma_wait3A_51] : memref<2560x128xi32, #tpu.memory_space<hbm>> -> memref<80x128xi32, #tpu.memory_space<hbm>>
    tpu.wait_dma2 semaphore(%dma_wait3A_50 : memref<!tpu.dma_semaphore, #tpu.memory_space<semaphore_mem>>) src(%dma_wait3A_52 : memref<80x128xi32, #tpu.memory_space<hbm>>) dst(%arg7 : memref<80x128xi32, #tpu.memory_space<vmem>>)
    %barrier3A = arith.constant 0 : index
    tpu.barrier barrier_id(%barrier3A)
    %dma_start3A_53 = arith.constant 0 : i32
    %dma_start3A_54 = arith.constant 0 : i32
    %dma_start3A_55 = arith.constant 0 : i32
    %dma_start3A_56 = arith.constant 0 : i32
    %dma_start3A_57 = tpu.memref_slice %arg8[%dma_start3A_55, %dma_start3A_56] : memref<256x64xf32, #tpu.memory_space<vmem>> -> memref<128x64xf32, #tpu.memory_space<vmem>>
    %dma_start3A_58 = arith.constant 0 : i32
    %dma_start3A_59 = tpu.memref_slice %arg6[%dma_start3A_53, %dma_start3A_58] : memref<80x128xi32, #tpu.memory_space<vmem>> -> memref<1x128xi32, #tpu.memory_space<vmem>>
    %dma_start3A_60 = tpu.memref_squeeze %dma_start3A_59 : memref<1x128xi32, #tpu.memory_space<vmem>> -> memref<128xi32, #tpu.memory_space<vmem>>
    %dma_start3A_61 = arith.constant 0 : i32
    %dma_start3A_62 = arith.constant 0 : i32
    %dma_start3A_63 = tpu.memref_slice %arg10[%dma_start3A_61, %dma_start3A_62] : memref<10240x64xf32, #tpu.memory_space<vmem_shared>> -> memref<10240x64xf32, #tpu.memory_space<vmem_shared>>
    %dma_start3A_64 = tpu.memref_slice %arg11[%dma_start3A_54] : memref<2x!tpu.dma_semaphore, #tpu.memory_space<semaphore_mem>> -> memref<1x!tpu.dma_semaphore, #tpu.memory_space<semaphore_mem>>
    %dma_start3A_65 = tpu.memref_squeeze %dma_start3A_64 : memref<1x!tpu.dma_semaphore, #tpu.memory_space<semaphore_mem>> -> memref<!tpu.dma_semaphore, #tpu.memory_space<semaphore_mem>>
    tpu.enqueue_indirect_dma source(%dma_start3A_63 : memref<10240x64xf32, #tpu.memory_space<vmem_shared>>) target(%dma_start3A_57 : memref<128x64xf32, #tpu.memory_space<vmem>>) offsets(%dma_start3A_60 : memref<128xi32, #tpu.memory_space<vmem>>) semaphore(%dma_start3A_65 : memref<!tpu.dma_semaphore, #tpu.memory_space<semaphore_mem>>)
    %dma_start3A_66 = arith.constant 1 : i32
    %dma_start3A_67 = arith.constant 1 : i32
    %dma_start3A_68 = arith.constant 128 : i32
    %dma_start3A_69 = arith.constant 0 : i32
    %dma_start3A_70 = tpu.memref_slice %arg8[%dma_start3A_68, %dma_start3A_69] : memref<256x64xf32, #tpu.memory_space<vmem>> -> memref<128x64xf32, #tpu.memory_space<vmem>>
    %dma_start3A_71 = arith.constant 0 : i32
    %dma_start3A_72 = tpu.memref_slice %arg6[%dma_start3A_66, %dma_start3A_71] : memref<80x128xi32, #tpu.memory_space<vmem>> -> memref<1x128xi32, #tpu.memory_space<vmem>>
    %dma_start3A_73 = tpu.memref_squeeze %dma_start3A_72 : memref<1x128xi32, #tpu.memory_space<vmem>> -> memref<128xi32, #tpu.memory_space<vmem>>
    %dma_start3A_74 = arith.constant 0 : i32
    %dma_start3A_75 = arith.constant 0 : i32
    %dma_start3A_76 = tpu.memref_slice %arg10[%dma_start3A_74, %dma_start3A_75] : memref<10240x64xf32, #tpu.memory_space<vmem_shared>> -> memref<10240x64xf32, #tpu.memory_space<vmem_shared>>
    %dma_start3A_77 = tpu.memref_slice %arg11[%dma_start3A_67] : memref<2x!tpu.dma_semaphore, #tpu.memory_space<semaphore_mem>> -> memref<1x!tpu.dma_semaphore, #tpu.memory_space<semaphore_mem>>
    %dma_start3A_78 = tpu.memref_squeeze %dma_start3A_77 : memref<1x!tpu.dma_semaphore, #tpu.memory_space<semaphore_mem>> -> memref<!tpu.dma_semaphore, #tpu.memory_space<semaphore_mem>>
    tpu.enqueue_indirect_dma source(%dma_start3A_76 : memref<10240x64xf32, #tpu.memory_space<vmem_shared>>) target(%dma_start3A_70 : memref<128x64xf32, #tpu.memory_space<vmem>>) offsets(%dma_start3A_73 : memref<128xi32, #tpu.memory_space<vmem>>) semaphore(%dma_start3A_78 : memref<!tpu.dma_semaphore, #tpu.memory_space<semaphore_mem>>)
    %scan3A_79 = arith.constant 0 : i32
    %scan3A_80 = arith.constant 0 : i32
    %scan3A_81 = arith.constant 40 : i32
    %scan3A_82 = arith.addi %scan3A_80, %scan3A_81 : i32
    %scan3A_83 = arith.constant 1 : i32
    %scan3A_84 = scf.for %scan3A_100 = %scan3A_80 to %scan3A_82 step %scan3A_83 iter_args(%scan3A_101 = %scan3A_79) -> (i32)  : i32 {
      %mul3A_102 = arith.constant 2 : i32
      %mul3A_103 = arith.muli %mul3A_102, %scan3A_100 : i32
      %dma_wait3A_104 = arith.constant 0 : i32
      %dma_wait3A_105 = arith.constant 0 : i32
      %dma_wait3A_106 = arith.constant 0 : i32
      %dma_wait3A_107 = tpu.memref_slice %arg8[%dma_wait3A_105, %dma_wait3A_106] : memref<256x64xf32, #tpu.memory_space<vmem>> -> memref<128x64xf32, #tpu.memory_space<vmem>>
      %dma_wait3A_108 = arith.constant 0 : i32
      %dma_wait3A_109 = tpu.memref_slice %arg6[%mul3A_103, %dma_wait3A_108] : memref<80x128xi32, #tpu.memory_space<vmem>> -> memref<1x128xi32, #tpu.memory_space<vmem>>
      %dma_wait3A_110 = tpu.memref_squeeze %dma_wait3A_109 : memref<1x128xi32, #tpu.memory_space<vmem>> -> memref<128xi32, #tpu.memory_space<vmem>>
      %dma_wait3A_111 = arith.constant 0 : i32
      %dma_wait3A_112 = arith.constant 0 : i32
      %dma_wait3A_113 = tpu.memref_slice %arg10[%dma_wait3A_111, %dma_wait3A_112] : memref<10240x64xf32, #tpu.memory_space<vmem_shared>> -> memref<10240x64xf32, #tpu.memory_space<vmem_shared>>
      %dma_wait3A_114 = tpu.memref_slice %arg11[%dma_wait3A_104] : memref<2x!tpu.dma_semaphore, #tpu.memory_space<semaphore_mem>> -> memref<1x!tpu.dma_semaphore, #tpu.memory_space<semaphore_mem>>
      %dma_wait3A_115 = tpu.memref_squeeze %dma_wait3A_114 : memref<1x!tpu.dma_semaphore, #tpu.memory_space<semaphore_mem>> -> memref<!tpu.dma_semaphore, #tpu.memory_space<semaphore_mem>>
      tpu.wait_indirect_dma semaphore(%dma_wait3A_115 : memref<!tpu.dma_semaphore, #tpu.memory_space<semaphore_mem>>) src(%dma_wait3A_113 : memref<10240x64xf32, #tpu.memory_space<vmem_shared>>) dst(%dma_wait3A_107 : memref<128x64xf32, #tpu.memory_space<vmem>>)
      %dma_start3A_116 = arith.constant 0 : i32
      %dma_start3A_117 = arith.constant 0 : i32
      %dma_start3A_118 = arith.constant 0 : i32
      %dma_start3A_119 = tpu.memref_slice %arg8[%dma_start3A_117, %dma_start3A_118] : memref<256x64xf32, #tpu.memory_space<vmem>> -> memref<128x64xf32, #tpu.memory_space<vmem>>
      %dma_start3A_120 = arith.constant 0 : i32
      %dma_start3A_121 = tpu.memref_slice %arg7[%mul3A_103, %dma_start3A_120] : memref<80x128xi32, #tpu.memory_space<vmem>> -> memref<1x128xi32, #tpu.memory_space<vmem>>
      %dma_start3A_122 = tpu.memref_squeeze %dma_start3A_121 : memref<1x128xi32, #tpu.memory_space<vmem>> -> memref<128xi32, #tpu.memory_space<vmem>>
      %dma_start3A_123 = arith.constant 0 : i32
      %dma_start3A_124 = arith.constant 0 : i32
      %dma_start3A_125 = tpu.memref_slice %arg9[%dma_start3A_123, %dma_start3A_124] : memref<10240x64xf32, #tpu.memory_space<vmem_shared>> -> memref<10240x64xf32, #tpu.memory_space<vmem_shared>>
      %dma_start3A_126 = tpu.memref_slice %arg12[%dma_start3A_116] : memref<2x!tpu.dma_semaphore, #tpu.memory_space<semaphore_mem>> -> memref<1x!tpu.dma_semaphore, #tpu.memory_space<semaphore_mem>>
      %dma_start3A_127 = tpu.memref_squeeze %dma_start3A_126 : memref<1x!tpu.dma_semaphore, #tpu.memory_space<semaphore_mem>> -> memref<!tpu.dma_semaphore, #tpu.memory_space<semaphore_mem>>
      tpu.enqueue_indirect_dma source(%dma_start3A_119 : memref<128x64xf32, #tpu.memory_space<vmem>>) target(%dma_start3A_125 : memref<10240x64xf32, #tpu.memory_space<vmem_shared>>) offsets(%dma_start3A_122 : memref<128xi32, #tpu.memory_space<vmem>>) semaphore(%dma_start3A_127 : memref<!tpu.dma_semaphore, #tpu.memory_space<semaphore_mem>>) {add = true}
      %gt3A = arith.constant 0 : i32
      %gt3A_128 = arith.cmpi sgt, %scan3A_100, %gt3A : i32
      %convert_element_type3A = arith.extui %gt3A_128 : i1 to i32
      %cond3A = arith.constant 0 : i32
      %cond3A_129 = arith.cmpi ne, %convert_element_type3A, %cond3A : i32
      scf.if %cond3A_129 {
        %sub3A = arith.constant 1 : i32
        %sub3A_175 = arith.subi %mul3A_103, %sub3A : i32
        %dma_wait3A_176 = arith.constant 1 : i32
        %dma_wait3A_177 = arith.constant 128 : i32
        %dma_wait3A_178 = arith.constant 0 : i32
        %dma_wait3A_179 = tpu.memref_slice %arg8[%dma_wait3A_177, %dma_wait3A_178] : memref<256x64xf32, #tpu.memory_space<vmem>> -> memref<128x64xf32, #tpu.memory_space<vmem>>
        %dma_wait3A_180 = arith.constant 0 : i32
        %dma_wait3A_181 = tpu.memref_slice %arg7[%sub3A_175, %dma_wait3A_180] : memref<80x128xi32, #tpu.memory_space<vmem>> -> memref<1x128xi32, #tpu.memory_space<vmem>>
        %dma_wait3A_182 = tpu.memref_squeeze %dma_wait3A_181 : memref<1x128xi32, #tpu.memory_space<vmem>> -> memref<128xi32, #tpu.memory_space<vmem>>
        %dma_wait3A_183 = arith.constant 0 : i32
        %dma_wait3A_184 = arith.constant 0 : i32
        %dma_wait3A_185 = tpu.memref_slice %arg9[%dma_wait3A_183, %dma_wait3A_184] : memref<10240x64xf32, #tpu.memory_space<vmem_shared>> -> memref<10240x64xf32, #tpu.memory_space<vmem_shared>>
        %dma_wait3A_186 = tpu.memref_slice %arg12[%dma_wait3A_176] : memref<2x!tpu.dma_semaphore, #tpu.memory_space<semaphore_mem>> -> memref<1x!tpu.dma_semaphore, #tpu.memory_space<semaphore_mem>>
        %dma_wait3A_187 = tpu.memref_squeeze %dma_wait3A_186 : memref<1x!tpu.dma_semaphore, #tpu.memory_space<semaphore_mem>> -> memref<!tpu.dma_semaphore, #tpu.memory_space<semaphore_mem>>
        tpu.wait_indirect_dma semaphore(%dma_wait3A_187 : memref<!tpu.dma_semaphore, #tpu.memory_space<semaphore_mem>>) src(%dma_wait3A_179 : memref<128x64xf32, #tpu.memory_space<vmem>>) dst(%dma_wait3A_185 : memref<10240x64xf32, #tpu.memory_space<vmem_shared>>)
        %add3A_188 = arith.constant 1 : i32
        %add3A_189 = arith.addi %mul3A_103, %add3A_188 : i32
        %dma_start3A_190 = arith.constant 1 : i32
        %dma_start3A_191 = arith.constant 128 : i32
        %dma_start3A_192 = arith.constant 0 : i32
        %dma_start3A_193 = tpu.memref_slice %arg8[%dma_start3A_191, %dma_start3A_192] : memref<256x64xf32, #tpu.memory_space<vmem>> -> memref<128x64xf32, #tpu.memory_space<vmem>>
        %dma_start3A_194 = arith.constant 0 : i32
        %dma_start3A_195 = tpu.memref_slice %arg6[%add3A_189, %dma_start3A_194] : memref<80x128xi32, #tpu.memory_space<vmem>> -> memref<1x128xi32, #tpu.memory_space<vmem>>
        %dma_start3A_196 = tpu.memref_squeeze %dma_start3A_195 : memref<1x128xi32, #tpu.memory_space<vmem>> -> memref<128xi32, #tpu.memory_space<vmem>>
        %dma_start3A_197 = arith.constant 0 : i32
        %dma_start3A_198 = arith.constant 0 : i32
        %dma_start3A_199 = tpu.memref_slice %arg10[%dma_start3A_197, %dma_start3A_198] : memref<10240x64xf32, #tpu.memory_space<vmem_shared>> -> memref<10240x64xf32, #tpu.memory_space<vmem_shared>>
        %dma_start3A_200 = tpu.memref_slice %arg11[%dma_start3A_190] : memref<2x!tpu.dma_semaphore, #tpu.memory_space<semaphore_mem>> -> memref<1x!tpu.dma_semaphore, #tpu.memory_space<semaphore_mem>>
        %dma_start3A_201 = tpu.memref_squeeze %dma_start3A_200 : memref<1x!tpu.dma_semaphore, #tpu.memory_space<semaphore_mem>> -> memref<!tpu.dma_semaphore, #tpu.memory_space<semaphore_mem>>
        tpu.enqueue_indirect_dma source(%dma_start3A_199 : memref<10240x64xf32, #tpu.memory_space<vmem_shared>>) target(%dma_start3A_193 : memref<128x64xf32, #tpu.memory_space<vmem>>) offsets(%dma_start3A_196 : memref<128xi32, #tpu.memory_space<vmem>>) semaphore(%dma_start3A_201 : memref<!tpu.dma_semaphore, #tpu.memory_space<semaphore_mem>>)
      } else {
      }
      %mul3A_130 = arith.constant 2 : i32
      %mul3A_131 = arith.muli %mul3A_130, %scan3A_100 : i32
      %add3A_132 = arith.constant 1 : i32
      %add3A_133 = arith.addi %mul3A_131, %add3A_132 : i32
      %dma_wait3A_134 = arith.constant 1 : i32
      %dma_wait3A_135 = arith.constant 128 : i32
      %dma_wait3A_136 = arith.constant 0 : i32
      %dma_wait3A_137 = tpu.memref_slice %arg8[%dma_wait3A_135, %dma_wait3A_136] : memref<256x64xf32, #tpu.memory_space<vmem>> -> memref<128x64xf32, #tpu.memory_space<vmem>>
      %dma_wait3A_138 = arith.constant 0 : i32
      %dma_wait3A_139 = tpu.memref_slice %arg6[%add3A_133, %dma_wait3A_138] : memref<80x128xi32, #tpu.memory_space<vmem>> -> memref<1x128xi32, #tpu.memory_space<vmem>>
      %dma_wait3A_140 = tpu.memref_squeeze %dma_wait3A_139 : memref<1x128xi32, #tpu.memory_space<vmem>> -> memref<128xi32, #tpu.memory_space<vmem>>
      %dma_wait3A_141 = arith.constant 0 : i32
      %dma_wait3A_142 = arith.constant 0 : i32
      %dma_wait3A_143 = tpu.memref_slice %arg10[%dma_wait3A_141, %dma_wait3A_142] : memref<10240x64xf32, #tpu.memory_space<vmem_shared>> -> memref<10240x64xf32, #tpu.memory_space<vmem_shared>>
      %dma_wait3A_144 = tpu.memref_slice %arg11[%dma_wait3A_134] : memref<2x!tpu.dma_semaphore, #tpu.memory_space<semaphore_mem>> -> memref<1x!tpu.dma_semaphore, #tpu.memory_space<semaphore_mem>>
      %dma_wait3A_145 = tpu.memref_squeeze %dma_wait3A_144 : memref<1x!tpu.dma_semaphore, #tpu.memory_space<semaphore_mem>> -> memref<!tpu.dma_semaphore, #tpu.memory_space<semaphore_mem>>
      tpu.wait_indirect_dma semaphore(%dma_wait3A_145 : memref<!tpu.dma_semaphore, #tpu.memory_space<semaphore_mem>>) src(%dma_wait3A_143 : memref<10240x64xf32, #tpu.memory_space<vmem_shared>>) dst(%dma_wait3A_137 : memref<128x64xf32, #tpu.memory_space<vmem>>)
      %dma_start3A_146 = arith.constant 1 : i32
      %dma_start3A_147 = arith.constant 128 : i32
      %dma_start3A_148 = arith.constant 0 : i32
      %dma_start3A_149 = tpu.memref_slice %arg8[%dma_start3A_147, %dma_start3A_148] : memref<256x64xf32, #tpu.memory_space<vmem>> -> memref<128x64xf32, #tpu.memory_space<vmem>>
      %dma_start3A_150 = arith.constant 0 : i32
      %dma_start3A_151 = tpu.memref_slice %arg7[%add3A_133, %dma_start3A_150] : memref<80x128xi32, #tpu.memory_space<vmem>> -> memref<1x128xi32, #tpu.memory_space<vmem>>
      %dma_start3A_152 = tpu.memref_squeeze %dma_start3A_151 : memref<1x128xi32, #tpu.memory_space<vmem>> -> memref<128xi32, #tpu.memory_space<vmem>>
      %dma_start3A_153 = arith.constant 0 : i32
      %dma_start3A_154 = arith.constant 0 : i32
      %dma_start3A_155 = tpu.memref_slice %arg9[%dma_start3A_153, %dma_start3A_154] : memref<10240x64xf32, #tpu.memory_space<vmem_shared>> -> memref<10240x64xf32, #tpu.memory_space<vmem_shared>>
      %dma_start3A_156 = tpu.memref_slice %arg12[%dma_start3A_146] : memref<2x!tpu.dma_semaphore, #tpu.memory_space<semaphore_mem>> -> memref<1x!tpu.dma_semaphore, #tpu.memory_space<semaphore_mem>>
      %dma_start3A_157 = tpu.memref_squeeze %dma_start3A_156 : memref<1x!tpu.dma_semaphore, #tpu.memory_space<semaphore_mem>> -> memref<!tpu.dma_semaphore, #tpu.memory_space<semaphore_mem>>
      tpu.enqueue_indirect_dma source(%dma_start3A_149 : memref<128x64xf32, #tpu.memory_space<vmem>>) target(%dma_start3A_155 : memref<10240x64xf32, #tpu.memory_space<vmem_shared>>) offsets(%dma_start3A_152 : memref<128xi32, #tpu.memory_space<vmem>>) semaphore(%dma_start3A_157 : memref<!tpu.dma_semaphore, #tpu.memory_space<semaphore_mem>>) {add = true}
      %dma_wait3A_158 = arith.constant 0 : i32
      %dma_wait3A_159 = arith.constant 0 : i32
      %dma_wait3A_160 = arith.constant 0 : i32
      %dma_wait3A_161 = tpu.memref_slice %arg8[%dma_wait3A_159, %dma_wait3A_160] : memref<256x64xf32, #tpu.memory_space<vmem>> -> memref<128x64xf32, #tpu.memory_space<vmem>>
      %dma_wait3A_162 = arith.constant 0 : i32
      %dma_wait3A_163 = tpu.memref_slice %arg7[%mul3A_103, %dma_wait3A_162] : memref<80x128xi32, #tpu.memory_space<vmem>> -> memref<1x128xi32, #tpu.memory_space<vmem>>
      %dma_wait3A_164 = tpu.memref_squeeze %dma_wait3A_163 : memref<1x128xi32, #tpu.memory_space<vmem>> -> memref<128xi32, #tpu.memory_space<vmem>>
      %dma_wait3A_165 = arith.constant 0 : i32
      %dma_wait3A_166 = arith.constant 0 : i32
      %dma_wait3A_167 = tpu.memref_slice %arg9[%dma_wait3A_165, %dma_wait3A_166] : memref<10240x64xf32, #tpu.memory_space<vmem_shared>> -> memref<10240x64xf32, #tpu.memory_space<vmem_shared>>
      %dma_wait3A_168 = tpu.memref_slice %arg12[%dma_wait3A_158] : memref<2x!tpu.dma_semaphore, #tpu.memory_space<semaphore_mem>> -> memref<1x!tpu.dma_semaphore, #tpu.memory_space<semaphore_mem>>
      %dma_wait3A_169 = tpu.memref_squeeze %dma_wait3A_168 : memref<1x!tpu.dma_semaphore, #tpu.memory_space<semaphore_mem>> -> memref<!tpu.dma_semaphore, #tpu.memory_space<semaphore_mem>>
      tpu.wait_indirect_dma semaphore(%dma_wait3A_169 : memref<!tpu.dma_semaphore, #tpu.memory_space<semaphore_mem>>) src(%dma_wait3A_161 : memref<128x64xf32, #tpu.memory_space<vmem>>) dst(%dma_wait3A_167 : memref<10240x64xf32, #tpu.memory_space<vmem_shared>>)
      %lt3A = arith.constant 39 : i32
      %lt3A_170 = arith.cmpi slt, %scan3A_100, %lt3A : i32
      %convert_element_type3A_171 = arith.extui %lt3A_170 : i1 to i32
      %cond3A_172 = arith.constant 0 : i32
      %cond3A_173 = arith.cmpi ne, %convert_element_type3A_171, %cond3A_172 : i32
      scf.if %cond3A_173 {
        %add3A_175 = arith.constant 1 : i32
        %add3A_176 = arith.addi %add3A_133, %add3A_175 : i32
        %dma_start3A_177 = arith.constant 0 : i32
        %dma_start3A_178 = arith.constant 0 : i32
        %dma_start3A_179 = arith.constant 0 : i32
        %dma_start3A_180 = tpu.memref_slice %arg8[%dma_start3A_178, %dma_start3A_179] : memref<256x64xf32, #tpu.memory_space<vmem>> -> memref<128x64xf32, #tpu.memory_space<vmem>>
        %dma_start3A_181 = arith.constant 0 : i32
        %dma_start3A_182 = tpu.memref_slice %arg6[%add3A_176, %dma_start3A_181] : memref<80x128xi32, #tpu.memory_space<vmem>> -> memref<1x128xi32, #tpu.memory_space<vmem>>
        %dma_start3A_183 = tpu.memref_squeeze %dma_start3A_182 : memref<1x128xi32, #tpu.memory_space<vmem>> -> memref<128xi32, #tpu.memory_space<vmem>>
        %dma_start3A_184 = arith.constant 0 : i32
        %dma_start3A_185 = arith.constant 0 : i32
        %dma_start3A_186 = tpu.memref_slice %arg10[%dma_start3A_184, %dma_start3A_185] : memref<10240x64xf32, #tpu.memory_space<vmem_shared>> -> memref<10240x64xf32, #tpu.memory_space<vmem_shared>>
        %dma_start3A_187 = tpu.memref_slice %arg11[%dma_start3A_177] : memref<2x!tpu.dma_semaphore, #tpu.memory_space<semaphore_mem>> -> memref<1x!tpu.dma_semaphore, #tpu.memory_space<semaphore_mem>>
        %dma_start3A_188 = tpu.memref_squeeze %dma_start3A_187 : memref<1x!tpu.dma_semaphore, #tpu.memory_space<semaphore_mem>> -> memref<!tpu.dma_semaphore, #tpu.memory_space<semaphore_mem>>
        tpu.enqueue_indirect_dma source(%dma_start3A_186 : memref<10240x64xf32, #tpu.memory_space<vmem_shared>>) target(%dma_start3A_180 : memref<128x64xf32, #tpu.memory_space<vmem>>) offsets(%dma_start3A_183 : memref<128xi32, #tpu.memory_space<vmem>>) semaphore(%dma_start3A_188 : memref<!tpu.dma_semaphore, #tpu.memory_space<semaphore_mem>>)
      } else {
      }
      %scan3A_174 = arith.constant 0 : i32
      scf.yield %scan3A_174 : i32
    }
    %scan3A_85 = arith.constant 40 : i32
    %dma_wait3A_86 = arith.constant 79 : i32
    %dma_wait3A_87 = arith.constant 1 : i32
    %dma_wait3A_88 = arith.constant 128 : i32
    %dma_wait3A_89 = arith.constant 0 : i32
    %dma_wait3A_90 = tpu.memref_slice %arg8[%dma_wait3A_88, %dma_wait3A_89] : memref<256x64xf32, #tpu.memory_space<vmem>> -> memref<128x64xf32, #tpu.memory_space<vmem>>
    %dma_wait3A_91 = arith.constant 0 : i32
    %dma_wait3A_92 = tpu.memref_slice %arg7[%dma_wait3A_86, %dma_wait3A_91] : memref<80x128xi32, #tpu.memory_space<vmem>> -> memref<1x128xi32, #tpu.memory_space<vmem>>
    %dma_wait3A_93 = tpu.memref_squeeze %dma_wait3A_92 : memref<1x128xi32, #tpu.memory_space<vmem>> -> memref<128xi32, #tpu.memory_space<vmem>>
    %dma_wait3A_94 = arith.constant 0 : i32
    %dma_wait3A_95 = arith.constant 0 : i32
    %dma_wait3A_96 = tpu.memref_slice %arg9[%dma_wait3A_94, %dma_wait3A_95] : memref<10240x64xf32, #tpu.memory_space<vmem_shared>> -> memref<10240x64xf32, #tpu.memory_space<vmem_shared>>
    %dma_wait3A_97 = tpu.memref_slice %arg12[%dma_wait3A_87] : memref<2x!tpu.dma_semaphore, #tpu.memory_space<semaphore_mem>> -> memref<1x!tpu.dma_semaphore, #tpu.memory_space<semaphore_mem>>
    %dma_wait3A_98 = tpu.memref_squeeze %dma_wait3A_97 : memref<1x!tpu.dma_semaphore, #tpu.memory_space<semaphore_mem>> -> memref<!tpu.dma_semaphore, #tpu.memory_space<semaphore_mem>>
    tpu.wait_indirect_dma semaphore(%dma_wait3A_98 : memref<!tpu.dma_semaphore, #tpu.memory_space<semaphore_mem>>) src(%dma_wait3A_90 : memref<128x64xf32, #tpu.memory_space<vmem>>) dst(%dma_wait3A_96 : memref<10240x64xf32, #tpu.memory_space<vmem_shared>>)
    %barrier3A_99 = arith.constant 0 : index
    tpu.barrier barrier_id(%barrier3A_99)
    "tpu.region"() ({
      %run_scoped3A = tpu.sem_alloc : memref<!tpu.dma_semaphore, #tpu.memory_space<semaphore_mem>>
      %dma_start3A_100 = arith.constant 0 : i32
      %dma_start3A_101 = tpu.memref_slice %arg5[%arg0, %mul3A_2, %dma_start3A_100] : memref<2x10240x64xf32, #tpu.memory_space<hbm>> -> memref<1x640x64xf32, #tpu.memory_space<hbm>>
      %dma_start3A_102 = tpu.memref_squeeze %dma_start3A_101 : memref<1x640x64xf32, #tpu.memory_space<hbm>> -> memref<640x64xf32, #tpu.memory_space<hbm>>
      %dma_start3A_103 = arith.constant 0 : i32
      %dma_start3A_104 = tpu.memref_slice %arg9[%mul3A_2, %dma_start3A_103] : memref<10240x64xf32, #tpu.memory_space<vmem_shared>> -> memref<640x64xf32, #tpu.memory_space<vmem_shared>>
      tpu.enqueue_dma source(%dma_start3A_104 : memref<640x64xf32, #tpu.memory_space<vmem_shared>>) target(%dma_start3A_102 : memref<640x64xf32, #tpu.memory_space<hbm>>) target_semaphore(%run_scoped3A : memref<!tpu.dma_semaphore, #tpu.memory_space<semaphore_mem>>)
      %dma_wait3A_105 = arith.constant 0 : i32
      %dma_wait3A_106 = tpu.memref_slice %arg5[%arg0, %mul3A_2, %dma_wait3A_105] : memref<2x10240x64xf32, #tpu.memory_space<hbm>> -> memref<1x640x64xf32, #tpu.memory_space<hbm>>
      %dma_wait3A_107 = tpu.memref_squeeze %dma_wait3A_106 : memref<1x640x64xf32, #tpu.memory_space<hbm>> -> memref<640x64xf32, #tpu.memory_space<hbm>>
      %dma_wait3A_108 = arith.constant 0 : i32
      %dma_wait3A_109 = tpu.memref_slice %arg9[%mul3A_2, %dma_wait3A_108] : memref<10240x64xf32, #tpu.memory_space<vmem_shared>> -> memref<640x64xf32, #tpu.memory_space<vmem_shared>>
      tpu.wait_dma2 semaphore(%run_scoped3A : memref<!tpu.dma_semaphore, #tpu.memory_space<semaphore_mem>>) src(%dma_wait3A_109 : memref<640x64xf32, #tpu.memory_space<vmem_shared>>) dst(%dma_wait3A_107 : memref<640x64xf32, #tpu.memory_space<hbm>>)
      tpu.yield
    }) : () -> ()
    return
  }
}

module attributes {stable_mosaic.version = 14 : i64} {
  func.func @_mm1_body(%arg0: i32, %arg1: memref<512x128xf32, #tpu.memory_space<vmem>>, %arg2: memref<128x64xf32, #tpu.memory_space<vmem>>, %arg3: memref<512x64xf32, #tpu.memory_space<vmem>>) attributes {dimension_semantics = [#tpu.dimension_semantics<arbitrary>], iteration_bounds = array<i64: 20>, scalar_prefetch = 0 : i64, scratch_operands = 0 : i64, tpu.core_type = #tpu.core_type<tc>, window_params = [{transform_indices = @transform_0, window_bounds = array<i64: 512, 128>}, {pipeline_mode = #tpu.pipeline_mode<synchronous>, transform_indices = @transform_1, window_bounds = array<i64: 128, 64>}, {transform_indices = @transform_2, window_bounds = array<i64: 512, 64>}]} {
    %get3A = arith.constant 0 : index
    %get3A_0 = arith.constant 0 : index
    %get3A_1 = vector.load %arg1[%get3A, %get3A_0] : memref<512x128xf32, #tpu.memory_space<vmem>>, vector<512x128xf32>
    %get3A_2 = arith.constant 0 : index
    %get3A_3 = arith.constant 0 : index
    %get3A_4 = vector.load %arg2[%get3A_2, %get3A_3] : memref<128x64xf32, #tpu.memory_space<vmem>>, vector<128x64xf32>
    %dot_general3A = arith.constant dense<0.000000e+00> : vector<512x64xf32>
    %dot_general3A_5 = tpu.matmul %get3A_1, %get3A_4, %dot_general3A {dimension_numbers = #tpu.dot_dimension_numbers<[1], [0], [0], [1], [0, 0, 1, 1], [], []>, transpose_lhs_hint = false} : vector<512x128xf32>, vector<128x64xf32>, vector<512x64xf32> -> vector<512x64xf32>
    %swap3A = arith.constant 0 : index
    %swap3A_6 = arith.constant 0 : index
    %swap3A_7 = vector.load %arg3[%swap3A, %swap3A_6] : memref<512x64xf32, #tpu.memory_space<vmem>>, vector<512x64xf32>
    tpu.vector_store %arg3[%swap3A, %swap3A_6], %dot_general3A_5 {strides = array<i32>} : memref<512x64xf32, #tpu.memory_space<vmem>>, vector<512x64xf32>,
    return
  }
  func.func @transform_0(%arg0: i32) -> (i32, i32) {
    %c0_i32 = arith.constant 0 : i32
    %c0_i32_0 = arith.constant 0 : i32
    return %arg0, %c0_i32 : i32, i32
  }
  func.func @transform_1(%arg0: i32) -> (i32, i32) {
    %c0_i32 = arith.constant 0 : i32
    %c0_i32_0 = arith.constant 0 : i32
    %c0_i32_1 = arith.constant 0 : i32
    return %c0_i32, %c0_i32_0 : i32, i32
  }
  func.func @transform_2(%arg0: i32) -> (i32, i32) {
    %c0_i32 = arith.constant 0 : i32
    %c0_i32_0 = arith.constant 0 : i32
    return %arg0, %c0_i32 : i32, i32
  }
}

module attributes {stable_mosaic.version = 14 : i64} {
  func.func @_head_body(%arg0: i32, %arg1: memref<512x64xf32, #tpu.memory_space<vmem>>, %arg2: memref<2x512x16xf32, #tpu.memory_space<vmem>>, %arg3: memref<512x1xf32, #tpu.memory_space<vmem>>, %arg4: memref<512x64xf32, #tpu.memory_space<vmem>>) attributes {dimension_semantics = [#tpu.dimension_semantics<arbitrary>], iteration_bounds = array<i64: 20>, scalar_prefetch = 0 : i64, scratch_operands = 0 : i64, tpu.core_type = #tpu.core_type<tc>, window_params = [{transform_indices = @transform_0, window_bounds = array<i64: 512, 64>}, {transform_indices = @transform_1, window_bounds = array<i64: 2, 512, 16>}, {transform_indices = @transform_2, window_bounds = array<i64: 512, 1>}, {transform_indices = @transform_3, window_bounds = array<i64: 512, 64>}]} {
    %get3A = arith.constant 0 : index
    %get3A_0 = arith.constant 0 : index
    %get3A_1 = arith.constant 0 : index
    %get3A_2 = vector.load %arg2[%get3A, %get3A_0, %get3A_1] : memref<2x512x16xf32, #tpu.memory_space<vmem>>, vector<1x512x1xf32>
    %get3A_3 = vector.shape_cast %get3A_2 : vector<1x512x1xf32> to vector<512x1xf32>
    %get3A_4 = arith.constant 1 : index
    %get3A_5 = arith.constant 0 : index
    %get3A_6 = arith.constant 0 : index
    %get3A_7 = vector.load %arg2[%get3A_4, %get3A_5, %get3A_6] : memref<2x512x16xf32, #tpu.memory_space<vmem>>, vector<1x512x1xf32>
    %get3A_8 = vector.shape_cast %get3A_7 : vector<1x512x1xf32> to vector<512x1xf32>
    %add3A = arith.addf %get3A_3, %get3A_8 : vector<512x1xf32>
    %add3A_9 = arith.constant 1.000000e+00 : f32
    %add3A_10 = vector.broadcast %add3A_9 : f32 to vector<512x1xf32>
    %add3A_11 = arith.addf %add3A, %add3A_10 : vector<512x1xf32>
    %rsqrt3A = math.rsqrt %add3A_11 : vector<512x1xf32>
    %swap3A = arith.constant 0 : index
    %swap3A_12 = arith.constant 0 : index
    %swap3A_13 = vector.load %arg3[%swap3A, %swap3A_12] : memref<512x1xf32, #tpu.memory_space<vmem>>, vector<512x1xf32>
    tpu.vector_store %arg3[%swap3A, %swap3A_12], %rsqrt3A {strides = array<i32>} : memref<512x1xf32, #tpu.memory_space<vmem>>, vector<512x1xf32>,
    %get3A_14 = arith.constant 0 : index
    %get3A_15 = arith.constant 0 : index
    %get3A_16 = vector.load %arg1[%get3A_14, %get3A_15] : memref<512x64xf32, #tpu.memory_space<vmem>>, vector<512x64xf32>
    %mul3A = vector.broadcast %rsqrt3A : vector<512x1xf32> to vector<512x64xf32>
    %mul3A_17 = arith.mulf %mul3A, %get3A_16 : vector<512x64xf32>
    %swap3A_18 = arith.constant 0 : index
    %swap3A_19 = arith.constant 0 : index
    %swap3A_20 = vector.load %arg4[%swap3A_18, %swap3A_19] : memref<512x64xf32, #tpu.memory_space<vmem>>, vector<512x64xf32>
    tpu.vector_store %arg4[%swap3A_18, %swap3A_19], %mul3A_17 {strides = array<i32>} : memref<512x64xf32, #tpu.memory_space<vmem>>, vector<512x64xf32>,
    return
  }
  func.func @transform_0(%arg0: i32) -> (i32, i32) {
    %c0_i32 = arith.constant 0 : i32
    %c0_i32_0 = arith.constant 0 : i32
    return %arg0, %c0_i32 : i32, i32
  }
  func.func @transform_1(%arg0: i32) -> (i32, i32, i32) {
    %c0_i32 = arith.constant 0 : i32
    %c0_i32_0 = arith.constant 0 : i32
    %c0_i32_1 = arith.constant 0 : i32
    return %c0_i32, %arg0, %c0_i32_0 : i32, i32, i32
  }
  func.func @transform_2(%arg0: i32) -> (i32, i32) {
    %c0_i32 = arith.constant 0 : i32
    %c0_i32_0 = arith.constant 0 : i32
    return %arg0, %c0_i32 : i32, i32
  }
  func.func @transform_3(%arg0: i32) -> (i32, i32) {
    %c0_i32 = arith.constant 0 : i32
    %c0_i32_0 = arith.constant 0 : i32
    return %arg0, %c0_i32 : i32, i32
  }
}

module attributes {stable_mosaic.version = 14 : i64} {
  func.func @_combine_body(%arg0: i32, %arg1: memref<2x512x64xf32, #tpu.memory_space<vmem>>, %arg2: memref<512x64xf32, #tpu.memory_space<vmem>>, %arg3: memref<512x1xf32, #tpu.memory_space<vmem>>, %arg4: memref<1x64xf32, #tpu.memory_space<vmem>>, %arg5: memref<64x64xf32, #tpu.memory_space<vmem>>, %arg6: memref<512x64xf32, #tpu.memory_space<vmem>>) attributes {dimension_semantics = [#tpu.dimension_semantics<arbitrary>], iteration_bounds = array<i64: 20>, scalar_prefetch = 0 : i64, scratch_operands = 0 : i64, tpu.core_type = #tpu.core_type<tc>, window_params = [{transform_indices = @transform_0, window_bounds = array<i64: 2, 512, 64>}, {transform_indices = @transform_1, window_bounds = array<i64: 512, 64>}, {transform_indices = @transform_2, window_bounds = array<i64: 512, 1>}, {pipeline_mode = #tpu.pipeline_mode<synchronous>, transform_indices = @transform_3, window_bounds = array<i64: 1, 64>}, {pipeline_mode = #tpu.pipeline_mode<synchronous>, transform_indices = @transform_4, window_bounds = array<i64: 64, 64>}, {transform_indices = @transform_5, window_bounds = array<i64: 512, 64>}]} {
    %get3A = arith.constant 0 : index
    %get3A_0 = arith.constant 0 : index
    %get3A_1 = vector.load %arg3[%get3A, %get3A_0] : memref<512x1xf32, #tpu.memory_space<vmem>>, vector<512x1xf32>
    %get3A_2 = arith.constant 0 : index
    %get3A_3 = arith.constant 0 : index
    %get3A_4 = arith.constant 0 : index
    %get3A_5 = vector.load %arg1[%get3A_2, %get3A_3, %get3A_4] : memref<2x512x64xf32, #tpu.memory_space<vmem>>, vector<1x512x64xf32>
    %get3A_6 = vector.shape_cast %get3A_5 : vector<1x512x64xf32> to vector<512x64xf32>
    %get3A_7 = arith.constant 1 : index
    %get3A_8 = arith.constant 0 : index
    %get3A_9 = arith.constant 0 : index
    %get3A_10 = vector.load %arg1[%get3A_7, %get3A_8, %get3A_9] : memref<2x512x64xf32, #tpu.memory_space<vmem>>, vector<1x512x64xf32>
    %get3A_11 = vector.shape_cast %get3A_10 : vector<1x512x64xf32> to vector<512x64xf32>
    %add3A = arith.addf %get3A_6, %get3A_11 : vector<512x64xf32>
    %get3A_12 = arith.constant 0 : index
    %get3A_13 = arith.constant 0 : index
    %get3A_14 = vector.load %arg2[%get3A_12, %get3A_13] : memref<512x64xf32, #tpu.memory_space<vmem>>, vector<512x64xf32>
    %add3A_15 = arith.addf %add3A, %get3A_14 : vector<512x64xf32>
    %mul3A = vector.broadcast %get3A_1 : vector<512x1xf32> to vector<512x64xf32>
    %mul3A_16 = arith.mulf %mul3A, %add3A_15 : vector<512x64xf32>
    %get3A_17 = arith.constant 0 : index
    %get3A_18 = arith.constant 0 : index
    %get3A_19 = vector.load %arg4[%get3A_17, %get3A_18] : memref<1x64xf32, #tpu.memory_space<vmem>>, vector<1x64xf32>
    %add3A_20 = vector.broadcast %get3A_19 : vector<1x64xf32> to vector<512x64xf32>
    %add3A_21 = arith.addf %mul3A_16, %add3A_20 : vector<512x64xf32>
    %max3A = arith.constant 0.000000e+00 : f32
    %max3A_22 = vector.broadcast %max3A : f32 to vector<512x64xf32>
    %max3A_23 = arith.maximumf %add3A_21, %max3A_22 : vector<512x64xf32>
    %get3A_24 = arith.constant 0 : index
    %get3A_25 = arith.constant 0 : index
    %get3A_26 = vector.load %arg5[%get3A_24, %get3A_25] : memref<64x64xf32, #tpu.memory_space<vmem>>, vector<64x64xf32>
    %dot_general3A = arith.constant dense<0.000000e+00> : vector<512x64xf32>
    %dot_general3A_27 = tpu.matmul %max3A_23, %get3A_26, %dot_general3A {dimension_numbers = #tpu.dot_dimension_numbers<[1], [0], [0], [1], [0, 0, 1, 1], [], []>, transpose_lhs_hint = false} : vector<512x64xf32>, vector<64x64xf32>, vector<512x64xf32> -> vector<512x64xf32>
    %mul3A_28 = vector.broadcast %get3A_1 : vector<512x1xf32> to vector<512x64xf32>
    %mul3A_29 = arith.mulf %mul3A_28, %dot_general3A_27 : vector<512x64xf32>
    %swap3A = arith.constant 0 : index
    %swap3A_30 = arith.constant 0 : index
    %swap3A_31 = vector.load %arg6[%swap3A, %swap3A_30] : memref<512x64xf32, #tpu.memory_space<vmem>>, vector<512x64xf32>
    tpu.vector_store %arg6[%swap3A, %swap3A_30], %mul3A_29 {strides = array<i32>} : memref<512x64xf32, #tpu.memory_space<vmem>>, vector<512x64xf32>,
    return
  }
  func.func @transform_0(%arg0: i32) -> (i32, i32, i32) {
    %c0_i32 = arith.constant 0 : i32
    %c0_i32_0 = arith.constant 0 : i32
    %c0_i32_1 = arith.constant 0 : i32
    return %c0_i32, %arg0, %c0_i32_0 : i32, i32, i32
  }
  func.func @transform_1(%arg0: i32) -> (i32, i32) {
    %c0_i32 = arith.constant 0 : i32
    %c0_i32_0 = arith.constant 0 : i32
    return %arg0, %c0_i32 : i32, i32
  }
  func.func @transform_2(%arg0: i32) -> (i32, i32) {
    %c0_i32 = arith.constant 0 : i32
    %c0_i32_0 = arith.constant 0 : i32
    return %arg0, %c0_i32 : i32, i32
  }
  func.func @transform_3(%arg0: i32) -> (i32, i32) {
    %c0_i32 = arith.constant 0 : i32
    %c0_i32_0 = arith.constant 0 : i32
    %c0_i32_1 = arith.constant 0 : i32
    return %c0_i32, %c0_i32_0 : i32, i32
  }
  func.func @transform_4(%arg0: i32) -> (i32, i32) {
    %c0_i32 = arith.constant 0 : i32
    %c0_i32_0 = arith.constant 0 : i32
    %c0_i32_1 = arith.constant 0 : i32
    return %c0_i32, %c0_i32_0 : i32, i32
  }
  func.func @transform_5(%arg0: i32) -> (i32, i32) {
    %c0_i32 = arith.constant 0 : i32
    %c0_i32_0 = arith.constant 0 : i32
    return %arg0, %c0_i32 : i32, i32
  }
}

module attributes {stable_mosaic.version = 14 : i64} {
  func.func @_dec_body(%arg0: i32, %arg1: memref<2x512x64xf32, #tpu.memory_space<vmem>>, %arg2: memref<512x64xf32, #tpu.memory_space<vmem>>, %arg3: memref<512x1xf32, #tpu.memory_space<vmem>>, %arg4: memref<64x64xf32, #tpu.memory_space<vmem>>, %arg5: memref<1x64xf32, #tpu.memory_space<vmem>>, %arg6: memref<64x64xf32, #tpu.memory_space<vmem>>, %arg7: memref<1x64xf32, #tpu.memory_space<vmem>>, %arg8: memref<512x64xbf16, #tpu.memory_space<vmem>>, %arg9: memref<512x64xf32, #tpu.memory_space<vmem>>) attributes {dimension_semantics = [#tpu.dimension_semantics<arbitrary>], iteration_bounds = array<i64: 20>, scalar_prefetch = 0 : i64, scratch_operands = 0 : i64, tpu.core_type = #tpu.core_type<tc>, window_params = [{transform_indices = @transform_0, window_bounds = array<i64: 2, 512, 64>}, {transform_indices = @transform_1, window_bounds = array<i64: 512, 64>}, {transform_indices = @transform_2, window_bounds = array<i64: 512, 1>}, {pipeline_mode = #tpu.pipeline_mode<synchronous>, transform_indices = @transform_3, window_bounds = array<i64: 64, 64>}, {pipeline_mode = #tpu.pipeline_mode<synchronous>, transform_indices = @transform_4, window_bounds = array<i64: 1, 64>}, {pipeline_mode = #tpu.pipeline_mode<synchronous>, transform_indices = @transform_5, window_bounds = array<i64: 64, 64>}, {pipeline_mode = #tpu.pipeline_mode<synchronous>, transform_indices = @transform_6, window_bounds = array<i64: 1, 64>}, {transform_indices = @transform_7, window_bounds = array<i64: 512, 64>}, {transform_indices = @transform_8, window_bounds = array<i64: 512, 64>}]} {
    %get3A = arith.constant 0 : index
    %get3A_0 = arith.constant 0 : index
    %get3A_1 = vector.load %arg3[%get3A, %get3A_0] : memref<512x1xf32, #tpu.memory_space<vmem>>, vector<512x1xf32>
    %get3A_2 = arith.constant 0 : index
    %get3A_3 = arith.constant 0 : index
    %get3A_4 = arith.constant 0 : index
    %get3A_5 = vector.load %arg1[%get3A_2, %get3A_3, %get3A_4] : memref<2x512x64xf32, #tpu.memory_space<vmem>>, vector<1x512x64xf32>
    %get3A_6 = vector.shape_cast %get3A_5 : vector<1x512x64xf32> to vector<512x64xf32>
    %get3A_7 = arith.constant 1 : index
    %get3A_8 = arith.constant 0 : index
    %get3A_9 = arith.constant 0 : index
    %get3A_10 = vector.load %arg1[%get3A_7, %get3A_8, %get3A_9] : memref<2x512x64xf32, #tpu.memory_space<vmem>>, vector<1x512x64xf32>
    %get3A_11 = vector.shape_cast %get3A_10 : vector<1x512x64xf32> to vector<512x64xf32>
    %add3A = arith.addf %get3A_6, %get3A_11 : vector<512x64xf32>
    %get3A_12 = arith.constant 0 : index
    %get3A_13 = arith.constant 0 : index
    %get3A_14 = vector.load %arg2[%get3A_12, %get3A_13] : memref<512x64xf32, #tpu.memory_space<vmem>>, vector<512x64xf32>
    %add3A_15 = arith.addf %add3A, %get3A_14 : vector<512x64xf32>
    %mul3A = vector.broadcast %get3A_1 : vector<512x1xf32> to vector<512x64xf32>
    %mul3A_16 = arith.mulf %mul3A, %add3A_15 : vector<512x64xf32>
    %get3A_17 = arith.constant 0 : index
    %get3A_18 = arith.constant 0 : index
    %get3A_19 = vector.load %arg4[%get3A_17, %get3A_18] : memref<64x64xf32, #tpu.memory_space<vmem>>, vector<64x64xf32>
    %dot_general3A = arith.constant dense<0.000000e+00> : vector<512x64xf32>
    %dot_general3A_20 = tpu.matmul %mul3A_16, %get3A_19, %dot_general3A {dimension_numbers = #tpu.dot_dimension_numbers<[1], [0], [0], [1], [0, 0, 1, 1], [], []>, transpose_lhs_hint = false} : vector<512x64xf32>, vector<64x64xf32>, vector<512x64xf32> -> vector<512x64xf32>
    %get3A_21 = arith.constant 0 : index
    %get3A_22 = arith.constant 0 : index
    %get3A_23 = vector.load %arg5[%get3A_21, %get3A_22] : memref<1x64xf32, #tpu.memory_space<vmem>>, vector<1x64xf32>
    %add3A_24 = vector.broadcast %get3A_23 : vector<1x64xf32> to vector<512x64xf32>
    %add3A_25 = arith.addf %dot_general3A_20, %add3A_24 : vector<512x64xf32>
    %convert_element_type3A = arith.truncf %add3A_25 : vector<512x64xf32> to vector<512x64xbf16>
    %swap3A = arith.constant 0 : index
    %swap3A_26 = arith.constant 0 : index
    %swap3A_27 = vector.load %arg8[%swap3A, %swap3A_26] : memref<512x64xbf16, #tpu.memory_space<vmem>>, vector<512x64xbf16>
    tpu.vector_store %arg8[%swap3A, %swap3A_26], %convert_element_type3A {strides = array<i32>} : memref<512x64xbf16, #tpu.memory_space<vmem>>, vector<512x64xbf16>,
    %get3A_28 = arith.constant 0 : index
    %get3A_29 = arith.constant 0 : index
    %get3A_30 = vector.load %arg6[%get3A_28, %get3A_29] : memref<64x64xf32, #tpu.memory_space<vmem>>, vector<64x64xf32>
    %dot_general3A_31 = arith.constant dense<0.000000e+00> : vector<512x64xf32>
    %dot_general3A_32 = tpu.matmul %mul3A_16, %get3A_30, %dot_general3A_31 {dimension_numbers = #tpu.dot_dimension_numbers<[1], [0], [0], [1], [0, 0, 1, 1], [], []>, transpose_lhs_hint = false} : vector<512x64xf32>, vector<64x64xf32>, vector<512x64xf32> -> vector<512x64xf32>
    %get3A_33 = arith.constant 0 : index
    %get3A_34 = arith.constant 0 : index
    %get3A_35 = vector.load %arg7[%get3A_33, %get3A_34] : memref<1x64xf32, #tpu.memory_space<vmem>>, vector<1x64xf32>
    %add3A_36 = vector.broadcast %get3A_35 : vector<1x64xf32> to vector<512x64xf32>
    %add3A_37 = arith.addf %dot_general3A_32, %add3A_36 : vector<512x64xf32>
    %max3A = arith.constant 0.000000e+00 : f32
    %max3A_38 = vector.broadcast %max3A : f32 to vector<512x64xf32>
    %max3A_39 = arith.maximumf %add3A_37, %max3A_38 : vector<512x64xf32>
    %mul3A_40 = vector.broadcast %get3A_1 : vector<512x1xf32> to vector<512x64xf32>
    %mul3A_41 = arith.mulf %mul3A_40, %max3A_39 : vector<512x64xf32>
    %swap3A_42 = arith.constant 0 : index
    %swap3A_43 = arith.constant 0 : index
    %swap3A_44 = vector.load %arg9[%swap3A_42, %swap3A_43] : memref<512x64xf32, #tpu.memory_space<vmem>>, vector<512x64xf32>
    tpu.vector_store %arg9[%swap3A_42, %swap3A_43], %mul3A_41 {strides = array<i32>} : memref<512x64xf32, #tpu.memory_space<vmem>>, vector<512x64xf32>,
    return
  }
  func.func @transform_0(%arg0: i32) -> (i32, i32, i32) {
    %c0_i32 = arith.constant 0 : i32
    %c0_i32_0 = arith.constant 0 : i32
    %c0_i32_1 = arith.constant 0 : i32
    return %c0_i32, %arg0, %c0_i32_0 : i32, i32, i32
  }
  func.func @transform_1(%arg0: i32) -> (i32, i32) {
    %c0_i32 = arith.constant 0 : i32
    %c0_i32_0 = arith.constant 0 : i32
    return %arg0, %c0_i32 : i32, i32
  }
  func.func @transform_2(%arg0: i32) -> (i32, i32) {
    %c0_i32 = arith.constant 0 : i32
    %c0_i32_0 = arith.constant 0 : i32
    return %arg0, %c0_i32 : i32, i32
  }
  func.func @transform_3(%arg0: i32) -> (i32, i32) {
    %c0_i32 = arith.constant 0 : i32
    %c0_i32_0 = arith.constant 0 : i32
    %c0_i32_1 = arith.constant 0 : i32
    return %c0_i32, %c0_i32_0 : i32, i32
  }
  func.func @transform_4(%arg0: i32) -> (i32, i32) {
    %c0_i32 = arith.constant 0 : i32
    %c0_i32_0 = arith.constant 0 : i32
    %c0_i32_1 = arith.constant 0 : i32
    return %c0_i32, %c0_i32_0 : i32, i32
  }
  func.func @transform_5(%arg0: i32) -> (i32, i32) {
    %c0_i32 = arith.constant 0 : i32
    %c0_i32_0 = arith.constant 0 : i32
    %c0_i32_1 = arith.constant 0 : i32
    return %c0_i32, %c0_i32_0 : i32, i32
  }
  func.func @transform_6(%arg0: i32) -> (i32, i32) {
    %c0_i32 = arith.constant 0 : i32
    %c0_i32_0 = arith.constant 0 : i32
    %c0_i32_1 = arith.constant 0 : i32
    return %c0_i32, %c0_i32_0 : i32, i32
  }
  func.func @transform_7(%arg0: i32) -> (i32, i32) {
    %c0_i32 = arith.constant 0 : i32
    %c0_i32_0 = arith.constant 0 : i32
    return %arg0, %c0_i32 : i32, i32
  }
  func.func @transform_8(%arg0: i32) -> (i32, i32) {
    %c0_i32 = arith.constant 0 : i32
    %c0_i32_0 = arith.constant 0 : i32
    return %arg0, %c0_i32 : i32, i32
  }
}

module attributes {stable_mosaic.version = 14 : i64} {
  func.func @_combine_body(%arg0: i32, %arg1: memref<2x512x64xf32, #tpu.memory_space<vmem>>, %arg2: memref<512x64xf32, #tpu.memory_space<vmem>>, %arg3: memref<512x1xf32, #tpu.memory_space<vmem>>, %arg4: memref<1x64xf32, #tpu.memory_space<vmem>>, %arg5: memref<512x64xf32, #tpu.memory_space<vmem>>) attributes {dimension_semantics = [#tpu.dimension_semantics<arbitrary>], iteration_bounds = array<i64: 20>, scalar_prefetch = 0 : i64, scratch_operands = 0 : i64, tpu.core_type = #tpu.core_type<tc>, window_params = [{transform_indices = @transform_0, window_bounds = array<i64: 2, 512, 64>}, {transform_indices = @transform_1, window_bounds = array<i64: 512, 64>}, {transform_indices = @transform_2, window_bounds = array<i64: 512, 1>}, {pipeline_mode = #tpu.pipeline_mode<synchronous>, transform_indices = @transform_3, window_bounds = array<i64: 1, 64>}, {transform_indices = @transform_4, window_bounds = array<i64: 512, 64>}]} {
    %get3A = arith.constant 0 : index
    %get3A_0 = arith.constant 0 : index
    %get3A_1 = vector.load %arg3[%get3A, %get3A_0] : memref<512x1xf32, #tpu.memory_space<vmem>>, vector<512x1xf32>
    %get3A_2 = arith.constant 0 : index
    %get3A_3 = arith.constant 0 : index
    %get3A_4 = arith.constant 0 : index
    %get3A_5 = vector.load %arg1[%get3A_2, %get3A_3, %get3A_4] : memref<2x512x64xf32, #tpu.memory_space<vmem>>, vector<1x512x64xf32>
    %get3A_6 = vector.shape_cast %get3A_5 : vector<1x512x64xf32> to vector<512x64xf32>
    %get3A_7 = arith.constant 1 : index
    %get3A_8 = arith.constant 0 : index
    %get3A_9 = arith.constant 0 : index
    %get3A_10 = vector.load %arg1[%get3A_7, %get3A_8, %get3A_9] : memref<2x512x64xf32, #tpu.memory_space<vmem>>, vector<1x512x64xf32>
    %get3A_11 = vector.shape_cast %get3A_10 : vector<1x512x64xf32> to vector<512x64xf32>
    %add3A = arith.addf %get3A_6, %get3A_11 : vector<512x64xf32>
    %get3A_12 = arith.constant 0 : index
    %get3A_13 = arith.constant 0 : index
    %get3A_14 = vector.load %arg2[%get3A_12, %get3A_13] : memref<512x64xf32, #tpu.memory_space<vmem>>, vector<512x64xf32>
    %add3A_15 = arith.addf %add3A, %get3A_14 : vector<512x64xf32>
    %mul3A = vector.broadcast %get3A_1 : vector<512x1xf32> to vector<512x64xf32>
    %mul3A_16 = arith.mulf %mul3A, %add3A_15 : vector<512x64xf32>
    %get3A_17 = arith.constant 0 : index
    %get3A_18 = arith.constant 0 : index
    %get3A_19 = vector.load %arg4[%get3A_17, %get3A_18] : memref<1x64xf32, #tpu.memory_space<vmem>>, vector<1x64xf32>
    %add3A_20 = vector.broadcast %get3A_19 : vector<1x64xf32> to vector<512x64xf32>
    %add3A_21 = arith.addf %mul3A_16, %add3A_20 : vector<512x64xf32>
    %mul3A_22 = vector.broadcast %get3A_1 : vector<512x1xf32> to vector<512x64xf32>
    %mul3A_23 = arith.mulf %mul3A_22, %add3A_21 : vector<512x64xf32>
    %swap3A = arith.constant 0 : index
    %swap3A_24 = arith.constant 0 : index
    %swap3A_25 = vector.load %arg5[%swap3A, %swap3A_24] : memref<512x64xf32, #tpu.memory_space<vmem>>, vector<512x64xf32>
    tpu.vector_store %arg5[%swap3A, %swap3A_24], %mul3A_23 {strides = array<i32>} : memref<512x64xf32, #tpu.memory_space<vmem>>, vector<512x64xf32>,
    return
  }
  func.func @transform_0(%arg0: i32) -> (i32, i32, i32) {
    %c0_i32 = arith.constant 0 : i32
    %c0_i32_0 = arith.constant 0 : i32
    %c0_i32_1 = arith.constant 0 : i32
    return %c0_i32, %arg0, %c0_i32_0 : i32, i32, i32
  }
  func.func @transform_1(%arg0: i32) -> (i32, i32) {
    %c0_i32 = arith.constant 0 : i32
    %c0_i32_0 = arith.constant 0 : i32
    return %arg0, %c0_i32 : i32, i32
  }
  func.func @transform_2(%arg0: i32) -> (i32, i32) {
    %c0_i32 = arith.constant 0 : i32
    %c0_i32_0 = arith.constant 0 : i32
    return %arg0, %c0_i32 : i32, i32
  }
  func.func @transform_3(%arg0: i32) -> (i32, i32) {
    %c0_i32 = arith.constant 0 : i32
    %c0_i32_0 = arith.constant 0 : i32
    %c0_i32_1 = arith.constant 0 : i32
    return %c0_i32, %c0_i32_0 : i32, i32
  }
  func.func @transform_4(%arg0: i32) -> (i32, i32) {
    %c0_i32 = arith.constant 0 : i32
    %c0_i32_0 = arith.constant 0 : i32
    return %arg0, %c0_i32 : i32, i32
  }
}

module attributes {stable_mosaic.version = 14 : i64} {
  func.func @_gram_body(%arg0: i32, %arg1: memref<256x64xbf16, #tpu.memory_space<vmem>>, %arg2: memref<10240x64xbf16, #tpu.memory_space<vmem>>, %arg3: memref<256x10000xf32, #tpu.memory_space<vmem>>) attributes {dimension_semantics = [#tpu.dimension_semantics<arbitrary>], iteration_bounds = array<i64: 40>, scalar_prefetch = 0 : i64, scratch_operands = 0 : i64, tpu.core_type = #tpu.core_type<tc>, window_params = [{transform_indices = @transform_0, window_bounds = array<i64: 256, 64>}, {pipeline_mode = #tpu.pipeline_mode<synchronous>, transform_indices = @transform_1, window_bounds = array<i64: 10240, 64>}, {transform_indices = @transform_2, window_bounds = array<i64: 256, 10000>}]} {
    %get3A = arith.constant 0 : index
    %get3A_0 = arith.constant 0 : index
    %get3A_1 = vector.load %arg1[%get3A, %get3A_0] : memref<256x64xbf16, #tpu.memory_space<vmem>>, vector<256x64xbf16>
    %get3A_2 = arith.constant 0 : index
    %get3A_3 = arith.constant 0 : index
    %get3A_4 = vector.load %arg2[%get3A_2, %get3A_3] : memref<10240x64xbf16, #tpu.memory_space<vmem>>, vector<10240x64xbf16>
    %dot_general3A = arith.constant dense<0.000000e+00> : vector<256x10240xf32>
    %dot_general3A_5 = tpu.matmul %get3A_1, %get3A_4, %dot_general3A {dimension_numbers = #tpu.dot_dimension_numbers<[1], [1], [0], [0], [0, 0, 1, 0], [], []>, transpose_lhs_hint = false} : vector<256x64xbf16>, vector<10240x64xbf16>, vector<256x10240xf32> -> vector<256x10240xf32>
    %slice3A = vector.extract_strided_slice %dot_general3A_5 {offsets = [0, 0], sizes = [256, 10000], strides = [1, 1]} : vector<256x10240xf32> to vector<256x10000xf32>
    %swap3A = arith.constant 0 : index
    %swap3A_6 = arith.constant 0 : index
    %swap3A_7 = vector.load %arg3[%swap3A, %swap3A_6] : memref<256x10000xf32, #tpu.memory_space<vmem>>, vector<256x10000xf32>
    tpu.vector_store %arg3[%swap3A, %swap3A_6], %slice3A {strides = array<i32>} : memref<256x10000xf32, #tpu.memory_space<vmem>>, vector<256x10000xf32>,
    return
  }
  func.func @transform_0(%arg0: i32) -> (i32, i32) {
    %c0_i32 = arith.constant 0 : i32
    %c0_i32_0 = arith.constant 0 : i32
    return %arg0, %c0_i32 : i32, i32
  }
  func.func @transform_1(%arg0: i32) -> (i32, i32) {
    %c0_i32 = arith.constant 0 : i32
    %c0_i32_0 = arith.constant 0 : i32
    %c0_i32_1 = arith.constant 0 : i32
    return %c0_i32, %c0_i32_0 : i32, i32
  }
  func.func @transform_2(%arg0: i32) -> (i32, i32) {
    %c0_i32 = arith.constant 0 : i32
    %c0_i32_0 = arith.constant 0 : i32
    return %arg0, %c0_i32 : i32, i32
  }
}

module attributes {stable_mosaic.version = 14 : i64} {
  func.func @_combine_body(%arg0: i32, %arg1: memref<2x512x64xf32, #tpu.memory_space<vmem>>, %arg2: memref<512x64xf32, #tpu.memory_space<vmem>>, %arg3: memref<512x1xf32, #tpu.memory_space<vmem>>, %arg4: memref<64x128xf32, #tpu.memory_space<vmem>>, %arg5: memref<1x128xf32, #tpu.memory_space<vmem>>, %arg6: memref<512x128xf32, #tpu.memory_space<vmem>>) attributes {dimension_semantics = [#tpu.dimension_semantics<arbitrary>], iteration_bounds = array<i64: 20>, scalar_prefetch = 0 : i64, scratch_operands = 0 : i64, tpu.core_type = #tpu.core_type<tc>, window_params = [{transform_indices = @transform_0, window_bounds = array<i64: 2, 512, 64>}, {transform_indices = @transform_1, window_bounds = array<i64: 512, 64>}, {transform_indices = @transform_2, window_bounds = array<i64: 512, 1>}, {pipeline_mode = #tpu.pipeline_mode<synchronous>, transform_indices = @transform_3, window_bounds = array<i64: 64, 128>}, {pipeline_mode = #tpu.pipeline_mode<synchronous>, transform_indices = @transform_4, window_bounds = array<i64: 1, 128>}, {transform_indices = @transform_5, window_bounds = array<i64: 512, 128>}]} {
    %get3A = arith.constant 0 : index
    %get3A_0 = arith.constant 0 : index
    %get3A_1 = vector.load %arg3[%get3A, %get3A_0] : memref<512x1xf32, #tpu.memory_space<vmem>>, vector<512x1xf32>
    %get3A_2 = arith.constant 0 : index
    %get3A_3 = arith.constant 0 : index
    %get3A_4 = arith.constant 0 : index
    %get3A_5 = vector.load %arg1[%get3A_2, %get3A_3, %get3A_4] : memref<2x512x64xf32, #tpu.memory_space<vmem>>, vector<1x512x64xf32>
    %get3A_6 = vector.shape_cast %get3A_5 : vector<1x512x64xf32> to vector<512x64xf32>
    %get3A_7 = arith.constant 1 : index
    %get3A_8 = arith.constant 0 : index
    %get3A_9 = arith.constant 0 : index
    %get3A_10 = vector.load %arg1[%get3A_7, %get3A_8, %get3A_9] : memref<2x512x64xf32, #tpu.memory_space<vmem>>, vector<1x512x64xf32>
    %get3A_11 = vector.shape_cast %get3A_10 : vector<1x512x64xf32> to vector<512x64xf32>
    %add3A = arith.addf %get3A_6, %get3A_11 : vector<512x64xf32>
    %get3A_12 = arith.constant 0 : index
    %get3A_13 = arith.constant 0 : index
    %get3A_14 = vector.load %arg2[%get3A_12, %get3A_13] : memref<512x64xf32, #tpu.memory_space<vmem>>, vector<512x64xf32>
    %add3A_15 = arith.addf %add3A, %get3A_14 : vector<512x64xf32>
    %mul3A = vector.broadcast %get3A_1 : vector<512x1xf32> to vector<512x64xf32>
    %mul3A_16 = arith.mulf %mul3A, %add3A_15 : vector<512x64xf32>
    %get3A_17 = arith.constant 0 : index
    %get3A_18 = arith.constant 0 : index
    %get3A_19 = vector.load %arg4[%get3A_17, %get3A_18] : memref<64x128xf32, #tpu.memory_space<vmem>>, vector<64x128xf32>
    %dot_general3A = arith.constant dense<0.000000e+00> : vector<512x128xf32>
    %dot_general3A_20 = tpu.matmul %mul3A_16, %get3A_19, %dot_general3A {dimension_numbers = #tpu.dot_dimension_numbers<[1], [0], [0], [1], [0, 0, 1, 1], [], []>, transpose_lhs_hint = false} : vector<512x64xf32>, vector<64x128xf32>, vector<512x128xf32> -> vector<512x128xf32>
    %get3A_21 = arith.constant 0 : index
    %get3A_22 = arith.constant 0 : index
    %get3A_23 = vector.load %arg5[%get3A_21, %get3A_22] : memref<1x128xf32, #tpu.memory_space<vmem>>, vector<1x128xf32>
    %add3A_24 = vector.broadcast %get3A_23 : vector<1x128xf32> to vector<512x128xf32>
    %add3A_25 = arith.addf %dot_general3A_20, %add3A_24 : vector<512x128xf32>
    %swap3A = arith.constant 0 : index
    %swap3A_26 = arith.constant 0 : index
    %swap3A_27 = vector.load %arg6[%swap3A, %swap3A_26] : memref<512x128xf32, #tpu.memory_space<vmem>>, vector<512x128xf32>
    tpu.vector_store %arg6[%swap3A, %swap3A_26], %add3A_25 {strides = array<i32>} : memref<512x128xf32, #tpu.memory_space<vmem>>, vector<512x128xf32>,
    return
  }
  func.func @transform_0(%arg0: i32) -> (i32, i32, i32) {
    %c0_i32 = arith.constant 0 : i32
    %c0_i32_0 = arith.constant 0 : i32
    %c0_i32_1 = arith.constant 0 : i32
    return %c0_i32, %arg0, %c0_i32_0 : i32, i32, i32
  }
  func.func @transform_1(%arg0: i32) -> (i32, i32) {
    %c0_i32 = arith.constant 0 : i32
    %c0_i32_0 = arith.constant 0 : i32
    return %arg0, %c0_i32 : i32, i32
  }
  func.func @transform_2(%arg0: i32) -> (i32, i32) {
    %c0_i32 = arith.constant 0 : i32
    %c0_i32_0 = arith.constant 0 : i32
    return %arg0, %c0_i32 : i32, i32
  }
  func.func @transform_3(%arg0: i32) -> (i32, i32) {
    %c0_i32 = arith.constant 0 : i32
    %c0_i32_0 = arith.constant 0 : i32
    %c0_i32_1 = arith.constant 0 : i32
    return %c0_i32, %c0_i32_0 : i32, i32
  }
  func.func @transform_4(%arg0: i32) -> (i32, i32) {
    %c0_i32 = arith.constant 0 : i32
    %c0_i32_0 = arith.constant 0 : i32
    %c0_i32_1 = arith.constant 0 : i32
    return %c0_i32, %c0_i32_0 : i32, i32
  }
  func.func @transform_5(%arg0: i32) -> (i32, i32) {
    %c0_i32 = arith.constant 0 : i32
    %c0_i32_0 = arith.constant 0 : i32
    return %arg0, %c0_i32 : i32, i32
  }
}

</mosaic_0001>

<sc_bundles>
// kernel: kernel.14.cloned.1.call-start
scs
__scs_entry_jumppad:
0x0: {  	(pc) =	sbr.rel $0x88, $3  }
0x1: {  	(tag) =	ssettag $0x0;
	lr =	simm.s32 $0x1  }
0x2: {  	[smem:$0x3F95] =	sst lr;
	_ =	strace $0xD0000000  }
0x3: {  	_ = 	snop  }
0x4: {  	_ = 	snop  }
0x5: {  	_ = 	snop  }
0x6: {  	_ = 	snop  }
0x7: {  	_ = 	snop  }
__scs_overlays_trampoline_lowered:
0x8: {  	[smem:$0x3FA4] =	sst s0  }
0x9: {  	[smem:$0x3FA5] =	sst s1  }
0xa: {  	[smem:$0x3FA6] =	sst s2  }
0xb: {  	[smem:$0x3FA7] =	sst s3  }
0xc: {  	[smem:$0x3FA8] =	sst s4  }
0xd: {  	[smem:$0x3FA9] =	sst s5  }
0xe: {  	[smem:$0x3FAA] =	sst s6  }
0xf: {  	[smem:$0x3FAB] =	sst s7  }
0x10: {  	[smem:$0x3FAC] =	sst s8  }
0x11: {  	[smem:$0x3FAD] =	sst s9;
	s0 =	simm.s32 @!p0 $0x0  }
0x12: {  	s1 =	sld [smem:$0x3F93];
	s0 =	simm.s32 @p0 $0x1  }
0x13: {  	[smem:$0x3FAE] =	sst s0;
	s0 =	simm.s32 @!p1 $0x0  }
0x14: {  	s2 =	sld [smem:$0x3F92];
	s0 =	simm.s32 @p1 $0x1  }
0x15: {  	[smem:$0x3FAF] =	sst s0;
	s0 =	simm.s32 @!p2 $0x0  }
0x16: {  	s3 =	sld [smem:$0x3FDB];
	s0 =	simm.s32 @p2 $0x1  }
0x17: {  	s4 =	simm.s32 $0x1BF5;
	[smem:$0x3FB1] =	sst s0  }
0x18: {  	s0 =	sld [smem:$0x3F94];
	_ =	swait.ge [sflag:s4], $0x0  }
0x19: {  	s7 =	sld [smem:$0x3F95]  }
0x1a: {  	s8 =	sadd.s32 $0xFFFFE003, lr  }
0x1b: {  	s9 =	sadd.s32 $0xFFFFFEF7, lr;
	s5 =	simm.s32 $0xFFFFFFFF;
	p2 =	slt.u32 s8, $0xFFFFF086  }
0x1c: {  	p1 =	slt.u32 s9, $0xF7A;
	s5 =	simm.s32 @!p2 $0x0  }
0x1d: {  	s5 =	simm.s32 @p1 $0x1;
	p0 =	seq.s32 s7, s2  }
0x1e: {  	s7 =	smul.u32 @!p0 $0xF7A, s2;
	p2 =	seq.s32 @!p0 s5, $0x0  }
0x1f: {  	s9 =	smul.u32 $0xF7A, s1;
	s8 =	simm.s32 @!p0 $0x1BF5;
	p2 =	por !p2, p0  }
0x20: {  	[sflag:s8] =	ssyncset.s32 @!p0 $0xFFFFF086;
	s6 =	sadd.s32 @!p0 s3, s7;
	s7 =	simm.s32 @!p0 $0x108  }
0x21: {  	s3 =	sadd.s32 s3, s9;
	s6 =	sadd.s32 @!p0 $0x88, s6;
	s7 =	simm.s32 @p2 $0x1082  }
0x22: {  	[simem:s7], [sflag:s8] =	dma.local @!p0 [hbm:s6], $0xF7A  }
0x23: {  	s9 =	sor.u32 $0xD0000000, s2;
	s6 =	simm.s32 $0x108;
	_ =	swait.ge @!p0 [sflag:s8], $0x0  }
0x24: {  	s3 =	sadd.s32 $0x88, s3;
	s6 =	simm.s32 @!p1 $0x1082;
	[sflag:s4] =	ssyncset.s32 $0xFFFFF086  }
0x25: {  	[simem:s6], [sflag:s4] =	dma.local [hbm:s3], $0xF7A  }
0x26: {  	[smem:$0x3F95] =	sst s1;
	(tag) =	ssettag s2;
	_ =	strace s9  }
0x27: {  	s1 =	sld [smem:$0x3FA5]  }
0x28: {  	s2 =	sld [smem:$0x3FA6]  }
0x29: {  	s4 =	sld [smem:$0x3FA8]  }
0x2a: {  	p0 =	seq.s32 s5, $0x0;
	s5 =	sld [smem:$0x3FA9]  }
0x2b: {  	s6 =	sld [smem:$0x3FAA]  }
0x2c: {  	s7 =	sld [smem:$0x3FAB]  }
0x2d: {  	s3 =	simm.s32 $0x108;
	s8 =	sld [smem:$0x3FAC]  }
0x2e: {  	s3 =	simm.s32 @!p0 $0x1082;
	s9 =	sld [smem:$0x3FAD]  }
0x2f: {  	lr =	sadd.s32 s0, s3;
	s0 =	sld [smem:$0x3FA4]  }
0x30: {  	s3 =	sld [smem:$0x3FA7]  }
0x31: {  	[smem:$0x3FB0] =	sst s10  }
0x32: {  	s10 =	sld [smem:$0x3FAE];
	_ =	sdelay $0x3  }
0x33: {  	p0 =	seq.s32 s10, $0x1;
	s10 =	sld [smem:$0x3FB0];
	_ =	sdelay $0x3  }
0x34: {  	[smem:$0x3FB0] =	sst s10  }
0x35: {  	s10 =	sld [smem:$0x3FAF];
	_ =	sdelay $0x3  }
0x36: {  	p1 =	seq.s32 s10, $0x1;
	s10 =	sld [smem:$0x3FB0];
	_ =	sdelay $0x3  }
0x37: {  	[smem:$0x3FB0] =	sst s10  }
0x38: {  	s10 =	sld [smem:$0x3FB1]  }
0x39: {  	_ = 	snop;
	(pc) =	sbr.ind lr, $3  }
0x3a: {  	_ = 	snop  }
0x3b: {  	_ = 	snop  }
0x3c: {  	p2 =	seq.s32 s10, $0x1;
	s10 =	sld [smem:$0x3FB0]  }
0x3d: {  	_ =	shalt  }
0x3e: {  	_ =	shalt  }
0x3f: {  	_ =	shalt  }
0x40: {  	_ =	shalt  }
0x41: {  	_ =	shalt  }
0x42: {  	_ =	shalt  }
0x43: {  	_ =	shalt  }
0x44: {  	_ =	shalt  }
0x45: {  	_ =	shalt  }
0x46: {  	_ =	shalt  }
0x47: {  	_ =	shalt  }
0x48: {  	_ =	shalt  }
0x49: {  	_ =	shalt  }
0x4a: {  	_ =	shalt  }
0x4b: {  	_ =	shalt  }
0x4c: {  	_ =	shalt  }
0x4d: {  	_ =	shalt  }
0x4e: {  	_ =	shalt  }
0x4f: {  	_ =	shalt  }
0x50: {  	_ =	shalt  }
0x51: {  	_ =	shalt  }
0x52: {  	_ =	shalt  }
0x53: {  	_ =	shalt  }
0x54: {  	_ =	shalt  }
0x55: {  	_ =	shalt  }
0x56: {  	_ =	shalt  }
0x57: {  	_ =	shalt  }
0x58: {  	_ =	shalt  }
0x59: {  	_ =	shalt  }
0x5a: {  	_ =	shalt  }
0x5b: {  	_ =	shalt  }
0x5c: {  	_ =	shalt  }
0x5d: {  	_ =	shalt  }
0x5e: {  	_ =	shalt  }
0x5f: {  	_ =	shalt  }
0x60: {  	_ =	shalt  }
0x61: {  	_ =	shalt  }
0x62: {  	_ =	shalt  }
0x63: {  	_ =	shalt  }
0x64: {  	_ =	shalt  }
0x65: {  	_ =	shalt  }
0x66: {  	_ =	shalt  }
0x67: {  	_ =	shalt  }
0x68: {  	_ =	shalt  }
0x69: {  	_ =	shalt  }
0x6a: {  	_ =	shalt  }
0x6b: {  	_ =	shalt  }
0x6c: {  	_ =	shalt  }
0x6d: {  	_ =	shalt  }
0x6e: {  	_ =	shalt  }
0x6f: {  	_ =	shalt  }
0x70: {  	_ =	shalt  }
0x71: {  	_ =	shalt  }
0x72: {  	_ =	shalt  }
0x73: {  	_ =	shalt  }
0x74: {  	_ =	shalt  }
0x75: {  	_ =	shalt  }
0x76: {  	_ =	shalt  }
0x77: {  	_ =	shalt  }
0x78: {  	_ =	shalt  }
0x79: {  	_ =	shalt  }
0x7a: {  	_ =	shalt  }
0x7b: {  	_ =	shalt  }
0x7c: {  	_ =	shalt  }
0x7d: {  	_ =	shalt  }
0x7e: {  	_ =	shalt  }
0x7f: {  	_ =	shalt  }
0x80: {  	_ =	shalt  }
0x81: {  	_ =	shalt  }
0x82: {  	_ =	shalt  }
0x83: {  	_ =	shalt  }
0x84: {  	_ =	shalt  }
0x85: {  	_ =	shalt  }
0x86: {  	_ =	shalt  }
0x87: {  	_ =	shalt  }
.Lfunc_end0:
.L_simem_size_0:
called_computation_lowered:
.L_overlay_start_0:
0x88: {  	s2 =	sld [smem:$0x3FD9]  }
0x89: {  	s3 =	sld [smem:$0x3FFE];
	_ =	sdelay $0x1  }
0x8a: {  	s1 =	srdreg.scid  }
0x8b: {  	s0 =	sand.u32 $0x1, s1  }
0x8c: {  	s14 =	sshll.u32 s0, $0xA;
	s2 =	sadd.s32 s3, s2  }
0x8d: {  	s2 =	sadd.s32 s2, s14  }
0x8e: {  	[smem:$0x3FBC] =	sst s2  }
0x8f: {  	_ = 	snop  }
0x90: {  	s2 =	sld [smem:$0x3FD0];
	_ =	sdelay $0x2  }
0x91: {  	s15 =	simm.s32 $0xA;
	s4 =	simm.s32 $0x10  }
0x92: {  	[smem:s4], [sflag:s15] =	dma.local [hbm:s2], $0x1  }
0x93: {  	_ =	swait.eq [sflag:s15], $0x1  }
0x94: {  	[sflag:s15] =	ssyncset.done $0x0  }
0x95: {  	[sflag:s15] =	ssyncadd.s32 $0xFFFFFFFF  }
0x96: {  	s16 =	sld [smem:$0x10];
	(tm) =	ssettm $0x1  }
0x97: {  	s17 =	sld [smem:$0x3FFB];
	_ =	sdelay $0x3  }
0x98: {  	_ =	strace s17  }
0x99: {  	s3 =	sld [smem:$0x3FFC];
	_ =	sdelay $0x3  }
0x9a: {  	_ =	strace s3  }
0x9b: {  	s3 =	sld [smem:$0x3FFD];
	_ =	sdelay $0x3  }
0x9c: {  	_ =	strace s3  }
0x9d: {  	_ =	strace $0x8FFFFFFF  }
0x9e: {  	s18 =	sld [smem:$0x3FDB];
	_ =	sdelay $0x1  }
0x9f: {  	s19 =	simm.s32 $_scs_section_size  }
0xa0: {  	s5 =	simm.s32 $_size__tile_overlayer_lowered;
	s6 =	simm.s32 $_tile_overlayer_lowered  }
0xa1: {  	s22 =	simm.s32 $0x1BFF;
	s21 =	sshll.u32 s6, $0x1;
	s3 =	sadd.s32 s19, s18  }
0xa2: {  	s7 =	simm.s32 $0x0;
	s20 =	sshll.u32 s5, $0x1;
	s5 =	sadd.s32 s21, s3  }
0xa3: {  	[timem:s7], [sflag:s22] =	dma.local [hbm:s5], s20  }
0xa4: {  	_ =	swait.ge [sflag:s22], s20  }
0xa5: {  	s4 =	ssub.s32 $0x0, s20;
	[sflag:s22] =	ssyncset.done $0x0  }
0xa6: {  	[sflag:s22] =	ssyncadd.s32 s4;
	_ =	sdelay $0x1  }
0xa7: {  	s23 =	simm.s32 $0x1B8B  }
0xa8: {  	_ =	swait.ge [sflag:s23], $0x1  }
0xa9: {  	[sflag:s23] =	ssyncset.done $0x0  }
0xaa: {  	s25 =	simm.s32 $0x1B8E;
	s24 =	sld [smem:$0x3FFE];
	[sflag:s23] =	ssyncadd.s32 $0xFFFFFFFF  }
0xab: {  	s26 =	simm.s32 $execute0_lowered;
	[smem:$0x3FD2] =	sst s25  }
0xac: {  	s5 =	sshll.u32 s26, $0x1;
	_ =	strace $0x80000046;
	[dreg:$0x1] =	wrdreg $0xFFFFFFFF  }
0xad: {  	s28 =	simm.s32 $_size_execute0_lowered;
	s3 =	sadd.s32 s3, s5;
	[dreg:$0x0] =	wrdreg $0x0  }
0xae: {  	s5 =	sshll.u32 s28, $0x1;
	[dreg:$0x2] =	wrdreg s3  }
0xaf: {  	[dreg:$0x3] =	wrdreg s5  }
0xb0: {  	[dreg:$0x4] =	wrdreg $0xC0  }
0xb1: {  	_ =	task [dreg:s7], $0x5FFFF  }
0xb2: {  	[dreg:$0x1] =	wrdreg $0xFFFFFFFF  }
0xb3: {  	[dreg:$0x0] =	wrdreg $0x60  }
0xb4: {  	[dreg:$0x2] =	wrdreg s24  }
0xb5: {  	[dreg:$0x3] =	wrdreg s16  }
0xb6: {  	[dreg:$0x4] =	wrdreg $0x38000  }
0xb7: {  	[dreg:$0x5] =	wrdreg $0x9  }
0xb8: {  	_ =	task.clear_ibuf [dreg:s7], $0x6FFFF;
	_ =	strace $0x90000046  }
0xb9: {  	s29 =	simm.s32 $0x9;
	_ =	strace $0x80000048  }
0xba: {  	_ =	swait.ge [sflag:s29], $0x1  }
0xbb: {  	[sflag:s29] =	ssyncadd.s32 $0xFFFFFFFF  }
0xbc: {  	_ =	strace $0x90000048  }
0xbd: {  	_ =	sfence  }
0xbe: {  	s30 =	sld [smem:$0x0];
	_ =	sdelay $0x2  }
0xbf: {  	s31 =	sshll.u32 s1, $0xD;
	s1 =	sshrl.u32 s1, $0x2  }
0xc0: {  	s3 =	sand.u32 $0x4000, s31;
	s1 =	sadd.s32 s1, s30  }
0xc1: {  	s0 =	sor.u32 s3, s0;
	s1 =	sshll.u32 s1, $0x11  }
0xc2: {  	s0 =	sor.u32 s1, s0  }
0xc3: {  	s0 =	sadd.s32 $0x8F2B, s0  }
0xc4: {  	[sflag:s0] =	ssyncadd.remote.s32 $0x1  }
0xc5: {  	_ =	sfence.sel $0xFFFF  }
0xc6: {  	[dreg:$0x0] =	wrdreg $0xFFFFFFFF;
	(pc) =	sbr.abs _section_cstart, $3  }
0xc7: {  	[dreg:$0x1] =	wrdreg $0xFFFFFFFF  }
0xc8: {  	_ =	task.clear_ibuf [dreg:s7], $0x2FFFF;
	_ =	strace $0x9FFFFFFF  }
0xc9: {  	(tm) =	ssettm $0x7FFFFFFF  }
tec
execute0_lowered:
.L_overlay_start_1:
0x0: {  	(tag) =	ssettag $0x1  }
0x1: {  	s4 =	rddreg [dreg:$0x0]  }
0x2: {  	s10 =	rddreg [dreg:$0x1]  }
0x3: {  	s0 =	srdreg.scid;
	s2 =	rddreg [dreg:$0x2]  }
0x4: {  	s3 =	simm.s32 $0x0;
	s5 =	sand.u32 $0x1, s0;
	s0 =	stileid.u32  }
0x5: {  	s14 =	simm.s32 $0x80;
	s15 =	simm.s32 $0x2800;
	s7 =	smul.u32 $0xA000, s0  }
0x6: {  	s16 =	simm.s32 $0x1;
	[smem:$0x7FF] =	sst s3;
	s9 =	smul.u32 $0x2800, s0  }
0x7: {  	s1 =	sshll.u32 s5, $0x4;
	s8 =	ssub.s32 $0x2, s5;
	s12 =	smul.u32 $0x28000, s5  }
0x8: {  	s17 =	sshll.u32 s0, $0x6;
	s6 =	sor.u32 s0, s1;
	s1 =	rddreg [dreg:$0x3]  }
0x9: {  	_ =	strace $0x80000047;
	s11 =	sshrl.u32 s8, $0x1;
	s6 =	smul.u32 $0x500, s6  }
0xa: {  	s17 =	sor.u32 $0x1C02, s17;
	s7 =	sshrl.u32 s7, $0x2;
	s11 =	ssub.s32 s8, s11  }
0xb: {  	s31 =	sadd.s32 s7, s2;
	s11 =	smax.u32 s11, $0x1;
	s13 =	sadd.s32 s6, s4  }
0xc: {  	s4 =	sadd.s32 s9, s2;
	s5 =	sadd.s32 $0x800, s31;
	s9 =	sadd.s32 s9, s12  }
0xd: {  	s6 =	sadd.s32 $0x1000, s31;
	s7 =	sadd.s32 $0x1800, s31;
	s8 =	sadd.s32 $0x2000, s31  }
0xe: {  	s12 =	sshrl.u32 s9, $0x3;
	s9 =	sadd.s32 $0x2C00, s13;
	s13 =	simm.s32 $0x2  }
0xf: {  	v0 =	vimm.f32 $0.0e+00;
	v1 =	vimm.f32 $1.000000000e+00;
	s18 =	sshrl.u32 s4, $0x3;
	s10 =	sadd.s32 s10, s12;
	s12 =	simm.s32 $0x3000  }
.LBB2_1:
0x10: {  	s19 =	simm.s32 $0x40;
	s20 =	simm.s32 $0x0  }
.LBB2_2:
0x11: {  	p0 =	sne.s32 s19, $0x1FC0;
	[tilespmem:s20+$0x3000] =	vst v0;
	s21 =	smov.u32 s19;
	s19 =	sadd.s32 $0x40, s19  }
.Ltmp0:
0x12: {  	[tilespmem:s20+$0x2800] =	vst v1;
	(pc) =	sbr.rel @p0 .LBB2_2-.Ltmp0, $2  }
0x13: {  	_ =	sdelay $0x2  }
0x14: {  	s20 =	sshra.s32 s21, $0x2  }
0x15: {  	[tilespmem:s20+$0x3000] =	vst v0  }
0x16: {  	[tilespmem:s20+$0x2800] =	vst v1  }
0x17: {  	[spmem:s4] =	stream.linear.scatter [tilespmem:s12], [sflag:$0x2], $0x800, $0x38;
	[tilespmem:$0x6000] =	vst v63  }
0x18: {  	_ =	swait.ge [sflag:s13], $0x800  }
0x19: {  	[sflag:s13] =	ssyncset.done $0x0  }
0x1a: {  	[sflag:s13] =	ssyncadd.s32 $0xFFFFF800  }
0x1b: {  	[spmem:s5] =	stream.linear.scatter [tilespmem:s12], [sflag:$0x2], $0x800, $0x38;
	[tilespmem:$0x6000] =	vst v63  }
0x1c: {  	_ =	swait.ge [sflag:s13], $0x800  }
0x1d: {  	[sflag:s13] =	ssyncset.done $0x0  }
0x1e: {  	[sflag:s13] =	ssyncadd.s32 $0xFFFFF800  }
0x1f: {  	[spmem:s6] =	stream.linear.scatter [tilespmem:s12], [sflag:$0x2], $0x800, $0x38;
	[tilespmem:$0x6000] =	vst v63  }
0x20: {  	_ =	swait.ge [sflag:s13], $0x800  }
0x21: {  	[sflag:s13] =	ssyncset.done $0x0  }
0x22: {  	[sflag:s13] =	ssyncadd.s32 $0xFFFFF800  }
0x23: {  	[spmem:s7] =	stream.linear.scatter [tilespmem:s12], [sflag:$0x2], $0x800, $0x38;
	[tilespmem:$0x6000] =	vst v63  }
0x24: {  	_ =	swait.ge [sflag:s13], $0x800  }
0x25: {  	[sflag:s13] =	ssyncset.done $0x0  }
0x26: {  	[sflag:s13] =	ssyncadd.s32 $0xFFFFF800  }
0x27: {  	[spmem:s8] =	stream.linear.scatter [tilespmem:s12], [sflag:$0x2], $0x800, $0x38;
	[tilespmem:$0x6000] =	vst v63  }
0x28: {  	_ =	swait.ge [sflag:s13], $0x800  }
0x29: {  	[sflag:s13] =	ssyncset.done $0x0  }
0x2a: {  	s19 =	simm.s32 $0x0;
	[sflag:s13] =	ssyncadd.s32 $0xFFFFF800  }
0x2b: {  	[tilespmem:s19], [sflag:$0x2] =	stream.linear.gather [hbm4b:s9+s19], $0x2800, $0x38;
	[tilespmem:$0x6000] =	vst v63  }
0x2c: {  	_ =	swait.ge [sflag:s13], $0x2800  }
0x2d: {  	[sflag:s13] =	ssyncset.done $0x0  }
0x2e: {  	[sflag:s13] =	ssyncadd.s32 $0xFFFFD800  }
0x2f: {  	[bflag:$0x0] =	sbarrier.arrive $0xFFFF  }
.LBB2_4:
0x30: {  	p0 =	sne.s32 s19, $0x9E00  }
.Ltmp1:
0x31: {  	_ = 	snop;
	(pc) =	sbr.rel @p0 .LBB2_4-.Ltmp1, $3  }
0x32: {  	_ =	sdelay $0x1  }
0x33: {  	s20 =	sshra.s32 s19, $0x2;
	s19 =	sadd.s32 $0x200, s19  }
0x34: {  	[spmem:s2] =	stream.indirect.scatter.add.f32 [tilespmem:s15], [sflag:$0x1], $0x10, s20, s14, $0xb8;
	[tilespmem:$0x6000] =	vst v63  }
0x35: {  	_ =	swait.ge [sflag:s16], $0x800  }
0x36: {  	s19 =	simm.s32 $0x4F;
	[sflag:s16] =	ssyncset.done $0x0  }
.LBB2_6:
0x37: {  	p0 =	sne.s32 s19, $0x1;
	s19 =	sadd.s32 $0xFFFFFFFF, s19;
	[sflag:s16] =	ssyncadd.s32 $0xFFFFF800  }
.Ltmp2:
0x38: {  	(pc) =	sbr.rel @p0 .LBB2_6-.Ltmp2, $3  }
0x39: {  	_ =	sdelay $0x1  }
0x3a: {  	_ =	swait.ge [sflag:s16], $0x800  }
0x3b: {  	[sflag:s16] =	ssyncset.done $0x0  }
0x3c: {  	s3 =	sadd.s32 $0x1, s3  }
0x3d: {  	[sflag:s16] =	ssyncadd.s32 $0xFFFFF800;
	p0 =	sne.s32 s3, s11  }
.Ltmp3:
0x3e: {  	[bflag:$0x0] =	sbarrier.arrive $0xFFFF;
	(pc) =	sbr.rel @p0 .LBB2_1-.Ltmp3, $4  }
0x3f: {  	[hbm:s10], [sflag:s17] =	dma.local [spmem:s18], $0x500  }
0x40: {  	_ =	swait.ge [sflag:s13], $0x500  }
0x41: {  	[sflag:s13] =	ssyncset.done $0x0  }
0x42: {  	[sflag:s13] =	ssyncadd.s32 $0xFFFFFB00  }
0x43: {  	_ =	sfence.sel $0x180000  }
0x44: {  	[bflag:$0x0] =	sbarrier.arrive $0xFFFF  }
0x45: {  	p0 =	sne.s32 s0, $0x0;
	_ =	strace $0x90000047  }
0x46: {  	s0 =	sadd.s32 @!p0 $0x100000, s1;
	[bflag:$0x2] =	sbarrier.arrive $0xFFFF  }
0x47: {  	[sflag:s0] =	ssyncadd.tile.s32 @!p0 $0x1;
	_ =	shalt  }
.Lfunc_end2:
_tile_overlayer_lowered:
.L_overlay_start_2:
0x48: {  	(tag) =	ssettag $0x2  }
0x49: {  	s0 =	rddreg [dreg:$0x0];
	s2 =	stileid.u32  }
0x4a: {  	s1 =	rddreg [dreg:$0x1];
	p0 =	sne.s32 s2, $0x0  }
0x4b: {  	s3 =	rddreg [dreg:$0x2];
	[bflag:$0x3] =	sbarrier.arrive $0xFFFF;
	s2 =	simm.s32 @!p0 $0x1C02  }
0x4c: {  	[timem:s3], [sflag:s2] =	dma.local @!p0 [hbm:s0], s1  }
0x4d: {  	s0 =	simm.s32 @!p0 $0x2  }
0x4e: {  	_ =	swait.ge @!p0 [sflag:s0], s1  }
0x4f: {  	s1 =	ssub.s32 @!p0 $0x0, s1;
	[sflag:s0] =	ssyncset.done @!p0 $0x0  }
0x50: {  	[sflag:s0] =	ssyncadd.s32 @!p0 s1  }
0x51: {  	[bflag:$0x3] =	sbarrier.arrive $0xFFFF  }
0x52: {  	_ =	shalt  }

// kernel: kernel.17.cloned.1.call-start
scs
__scs_entry_jumppad:
0x0: {  	(pc) =	sbr.rel $0x88, $3  }
0x1: {  	(tag) =	ssettag $0x0;
	lr =	simm.s32 $0x1  }
0x2: {  	[smem:$0x3F95] =	sst lr;
	_ =	strace $0xD0000000  }
0x3: {  	_ = 	snop  }
0x4: {  	_ = 	snop  }
0x5: {  	_ = 	snop  }
0x6: {  	_ = 	snop  }
0x7: {  	_ = 	snop  }
__scs_overlays_trampoline_lowered:
0x8: {  	[smem:$0x3FA4] =	sst s0  }
0x9: {  	[smem:$0x3FA5] =	sst s1  }
0xa: {  	[smem:$0x3FA6] =	sst s2  }
0xb: {  	[smem:$0x3FA7] =	sst s3  }
0xc: {  	[smem:$0x3FA8] =	sst s4  }
0xd: {  	[smem:$0x3FA9] =	sst s5  }
0xe: {  	[smem:$0x3FAA] =	sst s6  }
0xf: {  	[smem:$0x3FAB] =	sst s7  }
0x10: {  	[smem:$0x3FAC] =	sst s8  }
0x11: {  	[smem:$0x3FAD] =	sst s9;
	s0 =	simm.s32 @!p0 $0x0  }
0x12: {  	s1 =	sld [smem:$0x3F93];
	s0 =	simm.s32 @p0 $0x1  }
0x13: {  	[smem:$0x3FAE] =	sst s0;
	s0 =	simm.s32 @!p1 $0x0  }
0x14: {  	s2 =	sld [smem:$0x3F92];
	s0 =	simm.s32 @p1 $0x1  }
0x15: {  	[smem:$0x3FAF] =	sst s0;
	s0 =	simm.s32 @!p2 $0x0  }
0x16: {  	s3 =	sld [smem:$0x3FDB];
	s0 =	simm.s32 @p2 $0x1  }
0x17: {  	s4 =	simm.s32 $0x1BF5;
	[smem:$0x3FB1] =	sst s0  }
0x18: {  	s0 =	sld [smem:$0x3F94];
	_ =	swait.ge [sflag:s4], $0x0  }
0x19: {  	s7 =	sld [smem:$0x3F95]  }
0x1a: {  	s8 =	sadd.s32 $0xFFFFE003, lr  }
0x1b: {  	s9 =	sadd.s32 $0xFFFFFEF7, lr;
	s5 =	simm.s32 $0xFFFFFFFF;
	p2 =	slt.u32 s8, $0xFFFFF086  }
0x1c: {  	p1 =	slt.u32 s9, $0xF7A;
	s5 =	simm.s32 @!p2 $0x0  }
0x1d: {  	s5 =	simm.s32 @p1 $0x1;
	p0 =	seq.s32 s7, s2  }
0x1e: {  	s7 =	smul.u32 @!p0 $0xF7A, s2;
	p2 =	seq.s32 @!p0 s5, $0x0  }
0x1f: {  	s9 =	smul.u32 $0xF7A, s1;
	s8 =	simm.s32 @!p0 $0x1BF5;
	p2 =	por !p2, p0  }
0x20: {  	[sflag:s8] =	ssyncset.s32 @!p0 $0xFFFFF086;
	s6 =	sadd.s32 @!p0 s3, s7;
	s7 =	simm.s32 @!p0 $0x108  }
0x21: {  	s3 =	sadd.s32 s3, s9;
	s6 =	sadd.s32 @!p0 $0x88, s6;
	s7 =	simm.s32 @p2 $0x1082  }
0x22: {  	[simem:s7], [sflag:s8] =	dma.local @!p0 [hbm:s6], $0xF7A  }
0x23: {  	s9 =	sor.u32 $0xD0000000, s2;
	s6 =	simm.s32 $0x108;
	_ =	swait.ge @!p0 [sflag:s8], $0x0  }
0x24: {  	s3 =	sadd.s32 $0x88, s3;
	s6 =	simm.s32 @!p1 $0x1082;
	[sflag:s4] =	ssyncset.s32 $0xFFFFF086  }
0x25: {  	[simem:s6], [sflag:s4] =	dma.local [hbm:s3], $0xF7A  }
0x26: {  	[smem:$0x3F95] =	sst s1;
	(tag) =	ssettag s2;
	_ =	strace s9  }
0x27: {  	s1 =	sld [smem:$0x3FA5]  }
0x28: {  	s2 =	sld [smem:$0x3FA6]  }
0x29: {  	s4 =	sld [smem:$0x3FA8]  }
0x2a: {  	p0 =	seq.s32 s5, $0x0;
	s5 =	sld [smem:$0x3FA9]  }
0x2b: {  	s6 =	sld [smem:$0x3FAA]  }
0x2c: {  	s7 =	sld [smem:$0x3FAB]  }
0x2d: {  	s3 =	simm.s32 $0x108;
	s8 =	sld [smem:$0x3FAC]  }
0x2e: {  	s3 =	simm.s32 @!p0 $0x1082;
	s9 =	sld [smem:$0x3FAD]  }
0x2f: {  	lr =	sadd.s32 s0, s3;
	s0 =	sld [smem:$0x3FA4]  }
0x30: {  	s3 =	sld [smem:$0x3FA7]  }
0x31: {  	[smem:$0x3FB0] =	sst s10  }
0x32: {  	s10 =	sld [smem:$0x3FAE];
	_ =	sdelay $0x3  }
0x33: {  	p0 =	seq.s32 s10, $0x1;
	s10 =	sld [smem:$0x3FB0];
	_ =	sdelay $0x3  }
0x34: {  	[smem:$0x3FB0] =	sst s10  }
0x35: {  	s10 =	sld [smem:$0x3FAF];
	_ =	sdelay $0x3  }
0x36: {  	p1 =	seq.s32 s10, $0x1;
	s10 =	sld [smem:$0x3FB0];
	_ =	sdelay $0x3  }
0x37: {  	[smem:$0x3FB0] =	sst s10  }
0x38: {  	s10 =	sld [smem:$0x3FB1]  }
0x39: {  	_ = 	snop;
	(pc) =	sbr.ind lr, $3  }
0x3a: {  	_ = 	snop  }
0x3b: {  	_ = 	snop  }
0x3c: {  	p2 =	seq.s32 s10, $0x1;
	s10 =	sld [smem:$0x3FB0]  }
0x3d: {  	_ =	shalt  }
0x3e: {  	_ =	shalt  }
0x3f: {  	_ =	shalt  }
0x40: {  	_ =	shalt  }
0x41: {  	_ =	shalt  }
0x42: {  	_ =	shalt  }
0x43: {  	_ =	shalt  }
0x44: {  	_ =	shalt  }
0x45: {  	_ =	shalt  }
0x46: {  	_ =	shalt  }
0x47: {  	_ =	shalt  }
0x48: {  	_ =	shalt  }
0x49: {  	_ =	shalt  }
0x4a: {  	_ =	shalt  }
0x4b: {  	_ =	shalt  }
0x4c: {  	_ =	shalt  }
0x4d: {  	_ =	shalt  }
0x4e: {  	_ =	shalt  }
0x4f: {  	_ =	shalt  }
0x50: {  	_ =	shalt  }
0x51: {  	_ =	shalt  }
0x52: {  	_ =	shalt  }
0x53: {  	_ =	shalt  }
0x54: {  	_ =	shalt  }
0x55: {  	_ =	shalt  }
0x56: {  	_ =	shalt  }
0x57: {  	_ =	shalt  }
0x58: {  	_ =	shalt  }
0x59: {  	_ =	shalt  }
0x5a: {  	_ =	shalt  }
0x5b: {  	_ =	shalt  }
0x5c: {  	_ =	shalt  }
0x5d: {  	_ =	shalt  }
0x5e: {  	_ =	shalt  }
0x5f: {  	_ =	shalt  }
0x60: {  	_ =	shalt  }
0x61: {  	_ =	shalt  }
0x62: {  	_ =	shalt  }
0x63: {  	_ =	shalt  }
0x64: {  	_ =	shalt  }
0x65: {  	_ =	shalt  }
0x66: {  	_ =	shalt  }
0x67: {  	_ =	shalt  }
0x68: {  	_ =	shalt  }
0x69: {  	_ =	shalt  }
0x6a: {  	_ =	shalt  }
0x6b: {  	_ =	shalt  }
0x6c: {  	_ =	shalt  }
0x6d: {  	_ =	shalt  }
0x6e: {  	_ =	shalt  }
0x6f: {  	_ =	shalt  }
0x70: {  	_ =	shalt  }
0x71: {  	_ =	shalt  }
0x72: {  	_ =	shalt  }
0x73: {  	_ =	shalt  }
0x74: {  	_ =	shalt  }
0x75: {  	_ =	shalt  }
0x76: {  	_ =	shalt  }
0x77: {  	_ =	shalt  }
0x78: {  	_ =	shalt  }
0x79: {  	_ =	shalt  }
0x7a: {  	_ =	shalt  }
0x7b: {  	_ =	shalt  }
0x7c: {  	_ =	shalt  }
0x7d: {  	_ =	shalt  }
0x7e: {  	_ =	shalt  }
0x7f: {  	_ =	shalt  }
0x80: {  	_ =	shalt  }
0x81: {  	_ =	shalt  }
0x82: {  	_ =	shalt  }
0x83: {  	_ =	shalt  }
0x84: {  	_ =	shalt  }
0x85: {  	_ =	shalt  }
0x86: {  	_ =	shalt  }
0x87: {  	_ =	shalt  }
.Lfunc_end0:
.L_simem_size_0:
called_computation.1_lowered:
.L_overlay_start_0:
0x88: {  	s2 =	sld [smem:$0x3FD9]  }
0x89: {  	s3 =	sld [smem:$0x3FFE];
	_ =	sdelay $0x1  }
0x8a: {  	s1 =	srdreg.scid  }
0x8b: {  	s0 =	sand.u32 $0x1, s1  }
0x8c: {  	s14 =	sshll.u32 s0, $0xA;
	s2 =	sadd.s32 s3, s2  }
0x8d: {  	s2 =	sadd.s32 s2, s14  }
0x8e: {  	[smem:$0x3FBC] =	sst s2  }
0x8f: {  	_ = 	snop  }
0x90: {  	s2 =	sld [smem:$0x3FD0];
	_ =	sdelay $0x2  }
0x91: {  	s15 =	simm.s32 $0xA;
	s4 =	simm.s32 $0x10  }
0x92: {  	[smem:s4], [sflag:s15] =	dma.local [hbm:s2], $0x1  }
0x93: {  	_ =	swait.eq [sflag:s15], $0x1  }
0x94: {  	[sflag:s15] =	ssyncset.done $0x0  }
0x95: {  	[sflag:s15] =	ssyncadd.s32 $0xFFFFFFFF  }
0x96: {  	s16 =	sld [smem:$0x10];
	(tm) =	ssettm $0x1  }
0x97: {  	s17 =	sld [smem:$0x3FFB];
	_ =	sdelay $0x3  }
0x98: {  	_ =	strace s17  }
0x99: {  	s3 =	sld [smem:$0x3FFC];
	_ =	sdelay $0x3  }
0x9a: {  	_ =	strace s3  }
0x9b: {  	s3 =	sld [smem:$0x3FFD];
	_ =	sdelay $0x3  }
0x9c: {  	_ =	strace s3  }
0x9d: {  	_ =	strace $0x8FFFFFFF  }
0x9e: {  	s18 =	sld [smem:$0x3FDB];
	_ =	sdelay $0x1  }
0x9f: {  	s19 =	simm.s32 $_scs_section_size  }
0xa0: {  	s5 =	simm.s32 $_size__tile_overlayer_lowered;
	s6 =	simm.s32 $_tile_overlayer_lowered  }
0xa1: {  	s22 =	simm.s32 $0x1BFF;
	s21 =	sshll.u32 s6, $0x1;
	s3 =	sadd.s32 s19, s18  }
0xa2: {  	s7 =	simm.s32 $0x0;
	s20 =	sshll.u32 s5, $0x1;
	s5 =	sadd.s32 s21, s3  }
0xa3: {  	[timem:s7], [sflag:s22] =	dma.local [hbm:s5], s20  }
0xa4: {  	_ =	swait.ge [sflag:s22], s20  }
0xa5: {  	s4 =	ssub.s32 $0x0, s20;
	[sflag:s22] =	ssyncset.done $0x0  }
0xa6: {  	[sflag:s22] =	ssyncadd.s32 s4;
	_ =	sdelay $0x1  }
0xa7: {  	s23 =	simm.s32 $0x1B8B  }
0xa8: {  	_ =	swait.ge [sflag:s23], $0x1  }
0xa9: {  	[sflag:s23] =	ssyncset.done $0x0  }
0xaa: {  	s25 =	simm.s32 $0x1B8E;
	s24 =	sld [smem:$0x3FFE];
	[sflag:s23] =	ssyncadd.s32 $0xFFFFFFFF  }
0xab: {  	s26 =	simm.s32 $execute0_lowered;
	[smem:$0x3FD2] =	sst s25  }
0xac: {  	s5 =	sshll.u32 s26, $0x1;
	_ =	strace $0x80000049;
	[dreg:$0x1] =	wrdreg $0xFFFFFFFF  }
0xad: {  	s28 =	simm.s32 $_size_execute0_lowered;
	s3 =	sadd.s32 s3, s5;
	[dreg:$0x0] =	wrdreg $0x0  }
0xae: {  	s5 =	sshll.u32 s28, $0x1;
	[dreg:$0x2] =	wrdreg s3  }
0xaf: {  	[dreg:$0x3] =	wrdreg s5  }
0xb0: {  	[dreg:$0x4] =	wrdreg $0xC0  }
0xb1: {  	_ =	task [dreg:s7], $0x5FFFF  }
0xb2: {  	[dreg:$0x1] =	wrdreg $0xFFFFFFFF  }
0xb3: {  	[dreg:$0x0] =	wrdreg $0x60  }
0xb4: {  	[dreg:$0x2] =	wrdreg s16  }
0xb5: {  	[dreg:$0x3] =	wrdreg s24  }
0xb6: {  	[dreg:$0x4] =	wrdreg $0x130000  }
0xb7: {  	[dreg:$0x5] =	wrdreg $0x90000  }
0xb8: {  	[dreg:$0x6] =	wrdreg $0x9  }
0xb9: {  	_ =	task.clear_ibuf [dreg:s7], $0x7FFFF;
	_ =	strace $0x90000049  }
0xba: {  	s29 =	simm.s32 $0x9;
	_ =	strace $0x8000004B  }
0xbb: {  	_ =	swait.ge [sflag:s29], $0x1  }
0xbc: {  	[sflag:s29] =	ssyncadd.s32 $0xFFFFFFFF  }
0xbd: {  	_ =	strace $0x9000004B  }
0xbe: {  	_ =	sfence  }
0xbf: {  	s30 =	sld [smem:$0x0];
	_ =	sdelay $0x2  }
0xc0: {  	s31 =	sshll.u32 s1, $0xD;
	s1 =	sshrl.u32 s1, $0x2  }
0xc1: {  	s3 =	sand.u32 $0x4000, s31;
	s1 =	sadd.s32 s1, s30  }
0xc2: {  	s0 =	sor.u32 s3, s0;
	s1 =	sshll.u32 s1, $0x11  }
0xc3: {  	s0 =	sor.u32 s1, s0  }
0xc4: {  	s0 =	sadd.s32 $0x8F2B, s0  }
0xc5: {  	[sflag:s0] =	ssyncadd.remote.s32 $0x1  }
0xc6: {  	_ =	sfence.sel $0xFFFF  }
0xc7: {  	[dreg:$0x0] =	wrdreg $0xFFFFFFFF;
	(pc) =	sbr.abs _section_cstart, $3  }
0xc8: {  	[dreg:$0x1] =	wrdreg $0xFFFFFFFF  }
0xc9: {  	_ =	task.clear_ibuf [dreg:s7], $0x2FFFF;
	_ =	strace $0x9FFFFFFF  }
0xca: {  	(tm) =	ssettm $0x7FFFFFFF  }
0xcb: {  	_ =	shalt  }
tec
execute0_lowered:
.L_overlay_start_1:
0x0: {  	(tag) =	ssettag $0x1  }
0x1: {  	s0 =	rddreg [dreg:$0x0]  }
0x2: {  	s1 =	rddreg [dreg:$0x1];
	s3 =	srdreg.scid  }
0x3: {  	s10 =	stileid.u32;
	s2 =	rddreg [dreg:$0x2];
	s4 =	simm.s32 $0x0  }
0x4: {  	s16 =	simm.s32 $0x2800;
	s18 =	simm.s32 $0x7;
	s19 =	simm.s32 $0x5000  }
0x5: {  	s20 =	simm.s32 $0x5;
	s21 =	simm.s32 $0x6;
	s28 =	simm.s32 $0x3  }
0x6: {  	s29 =	simm.s32 $0x100;
	s30 =	simm.s32 $0x4;
	s31 =	simm.s32 $0x0  }
0x7: {  	s5 =	sand.u32 $0x1, s3;
	s9 =	smul.u32 $0xA000, s10;
	s3 =	rddreg [dreg:$0x3]  }
0x8: {  	[smem:$0x7FF] =	sst s4;
	s8 =	smul.u32 $0x28000, s10;
	s24 =	sshll.u32 s10, $0x6  }
0x9: {  	s6 =	sshll.u32 s5, $0x4;
	s7 =	smul.u32 $0xA0000, s5;
	s5 =	ssub.s32 $0x2, s5  }
0xa: {  	_ =	strace $0x8000004A;
	s6 =	sor.u32 s10, s6;
	s22 =	sshrl.u32 s5, $0x1  }
0xb: {  	s17 =	sadd.s32 s9, s2;
	s23 =	sshrl.u32 s9, $0x3;
	s25 =	sshrl.u32 s8, $0x2  }
0xc: {  	s8 =	sor.u32 $0x1C07, s24;
	s24 =	simm.s32 $0x1;
	s6 =	smul.u32 $0x500, s6  }
0xd: {  	s7 =	sadd.s32 s9, s7;
	s15 =	ssub.s32 s5, s22;
	s9 =	sadd.s32 s9, s3  }
0xe: {  	s26 =	sadd.s32 s25, s3;
	s17 =	sshrl.u32 s17, $0x3;
	s22 =	simm.s32 $0x80  }
.Ltmp0:
0xf: {  	s25 =	simm.s32 $0x2;
	s7 =	sshrl.u32 s7, $0x3;
	(pc) =	sbr.rel .LBB2_1-.Ltmp0, $4  }
0x10: {  	s10 =	sadd.s32 $0x2000, s26;
	s11 =	sadd.s32 $0x4000, s26;
	s12 =	sadd.s32 $0x6000, s26  }
0x11: {  	s13 =	sadd.s32 $0x8000, s26;
	s15 =	smax.u32 s15, $0x1;
	s6 =	sadd.s32 s6, s1  }
0x12: {  	s1 =	sadd.s32 s7, s1;
	s7 =	sadd.s32 s0, s23;
	s23 =	simm.s32 $0x7000  }
0x13: {  	v0 =	vimm.f32 $0.0e+00;
	s5 =	sadd.s32 $0xCC00, s6;
	s6 =	sadd.s32 $0x2C00, s6;
	s14 =	sadd.s32 $0x16C00, s1  }
.LBB2_6:
0x14: {  	_ =	swait.ge [sflag:s30], $0x2000  }
0x15: {  	s31 =	sadd.s32 $0x1, s31;
	[sflag:s30] =	ssyncset.done $0x0  }
0x16: {  	p0 =	sne.s32 s31, s15;
	[sflag:s30] =	ssyncadd.s32 $0xFFFFE000  }
.Ltmp1:
0x17: {  	s0 =	sshrl.u32 s9, $0x3;
	[bflag:$0x0] =	sbarrier.arrive $0xFFFF;
	(pc) =	sbr.rel @!p0 .LBB2_7-.Ltmp1, $4  }
0x18: {  	[hbm:s14], [sflag:s8] =	dma.local [spmem:s0], $0x1400  }
0x19: {  	_ =	swait.ge [sflag:s18], $0x1400  }
0x1a: {  	[sflag:s18] =	ssyncset.done $0x0  }
0x1b: {  	[sflag:s18] =	ssyncadd.s32 $0xFFFFEC00  }
.LBB2_1:
0x1c: {  	[tilespmem:s4], [sflag:$0x5] =	stream.linear.gather [hbm4b:s5+s4], $0x2800, $0x38;
	[tilespmem:$0x1D000] =	vst v63  }
0x1d: {  	s1 =	simm.s32 $0x100;
	s0 =	simm.s32 $0x0  }
0x1e: {  	[tilespmem:s16], [sflag:$0x6] =	stream.linear.gather [hbm4b:s6+s4], $0x2800, $0x38;
	[tilespmem:$0x1D000] =	vst v63  }
.LBB2_2:
0x1f: {  	p0 =	sne.s32 s1, $0x7F00;
	[tilespmem:s0+$0x5030] =	vst v0;
	s26 =	smov.u32 s1;
	s1 =	sadd.s32 $0x100, s1  }
.Ltmp2:
0x20: {  	[tilespmem:s0+$0x5020] =	vst v0;
	(pc) =	sbr.rel @p0 .LBB2_2-.Ltmp2, $3  }
0x21: {  	[tilespmem:s0+$0x5000] =	vst v0  }
0x22: {  	[tilespmem:s0+$0x5010] =	vst v0;
	_ =	sdelay $0x1  }
0x23: {  	s0 =	sshra.s32 s26, $0x2  }
0x24: {  	[tilespmem:s0+$0x5030] =	vst v0  }
0x25: {  	[tilespmem:s0+$0x5020] =	vst v0  }
0x26: {  	[tilespmem:s0+$0x5000] =	vst v0  }
0x27: {  	[tilespmem:s0+$0x5010] =	vst v0  }
0x28: {  	[spmem:s17], [sflag:s8] =	dma.local [hbm:s7], $0x1400  }
0x29: {  	_ =	swait.ge [sflag:s18], $0x1400  }
0x2a: {  	[sflag:s18] =	ssyncset.done $0x0  }
0x2b: {  	[sflag:s18] =	ssyncadd.s32 $0xFFFFEC00  }
0x2c: {  	[spmem:s9] =	stream.linear.scatter [tilespmem:s19], [sflag:$0x7], $0x2000, $0x38;
	[tilespmem:$0x1D000] =	vst v63  }
0x2d: {  	_ =	swait.ge [sflag:s18], $0x2000  }
0x2e: {  	[sflag:s18] =	ssyncset.done $0x0  }
0x2f: {  	[sflag:s18] =	ssyncadd.s32 $0xFFFFE000  }
0x30: {  	[spmem:s10] =	stream.linear.scatter [tilespmem:s19], [sflag:$0x7], $0x2000, $0x38;
	[tilespmem:$0x1D000] =	vst v63  }
0x31: {  	_ =	swait.ge [sflag:s18], $0x2000  }
0x32: {  	[sflag:s18] =	ssyncset.done $0x0  }
0x33: {  	[sflag:s18] =	ssyncadd.s32 $0xFFFFE000  }
0x34: {  	[spmem:s11] =	stream.linear.scatter [tilespmem:s19], [sflag:$0x7], $0x2000, $0x38;
	[tilespmem:$0x1D000] =	vst v63  }
0x35: {  	_ =	swait.ge [sflag:s18], $0x2000  }
0x36: {  	[sflag:s18] =	ssyncset.done $0x0  }
0x37: {  	[sflag:s18] =	ssyncadd.s32 $0xFFFFE000  }
0x38: {  	[spmem:s12] =	stream.linear.scatter [tilespmem:s19], [sflag:$0x7], $0x2000, $0x38;
	[tilespmem:$0x1D000] =	vst v63  }
0x39: {  	_ =	swait.ge [sflag:s18], $0x2000  }
0x3a: {  	[sflag:s18] =	ssyncset.done $0x0  }
0x3b: {  	[sflag:s18] =	ssyncadd.s32 $0xFFFFE000  }
0x3c: {  	[spmem:s13] =	stream.linear.scatter [tilespmem:s19], [sflag:$0x7], $0x2000, $0x38;
	[tilespmem:$0x1D000] =	vst v63  }
0x3d: {  	_ =	swait.ge [sflag:s18], $0x2000  }
0x3e: {  	[sflag:s18] =	ssyncset.done $0x0  }
0x3f: {  	[sflag:s18] =	ssyncadd.s32 $0xFFFFE000  }
0x40: {  	_ =	swait.ge [sflag:s20], $0x2800  }
0x41: {  	[sflag:s20] =	ssyncset.done $0x0  }
0x42: {  	[sflag:s20] =	ssyncadd.s32 $0xFFFFD800  }
0x43: {  	_ =	swait.ge [sflag:s21], $0x2800  }
0x44: {  	[sflag:s21] =	ssyncset.done $0x0  }
0x45: {  	[sflag:s21] =	ssyncadd.s32 $0xFFFFD800  }
0x46: {  	[bflag:$0x0] =	sbarrier.arrive $0xFFFF  }
0x47: {  	[tilespmem:s19], [sflag:$0x1] =	stream.indirect.gather [spmem:s2], $0x40, s4, s22, $0xb8;
	[tilespmem:$0x1D000] =	vst v63  }
0x48: {  	_ = 	snop  }
0x49: {  	[tilespmem:s23], [sflag:$0x2] =	stream.indirect.gather [spmem:s2], $0x40, s22, s22, $0xb8;
	[tilespmem:$0x1D000] =	vst v63  }
0x4a: {  	_ =	swait.ge [sflag:s24], $0x2000  }
0x4b: {  	[sflag:s24] =	ssyncset.done $0x0  }
0x4c: {  	[sflag:s24] =	ssyncadd.s32 $0xFFFFE000  }
0x4d: {  	[spmem:s3] =	stream.indirect.scatter.add.f32 [tilespmem:s19], [sflag:$0x3], $0x40, s16, s22, $0xb8;
	[tilespmem:$0x1D000] =	vst v63  }
0x4e: {  	_ =	swait.ge [sflag:s25], $0x2000  }
0x4f: {  	[sflag:s25] =	ssyncset.done $0x0  }
0x50: {  	s26 =	simm.s32 $0x2880;
	[sflag:s25] =	ssyncadd.s32 $0xFFFFE000  }
0x51: {  	[spmem:s3] =	stream.indirect.scatter.add.f32 [tilespmem:s23], [sflag:$0x4], $0x40, s26, s22, $0xb8;
	[tilespmem:$0x1D000] =	vst v63  }
0x52: {  	_ =	swait.ge [sflag:s28], $0x2000  }
0x53: {  	[sflag:s28] =	ssyncset.done $0x0  }
0x54: {  	s1 =	simm.s32 $0xFFFF6800;
	[sflag:s28] =	ssyncadd.s32 $0xFFFFE000  }
0x55: {  	[tilespmem:s19], [sflag:$0x1] =	stream.indirect.gather [spmem:s2], $0x40, s29, s22, $0xb8;
	[tilespmem:$0x1D000] =	vst v63  }
.LBB2_4:
0x56: {  	_ =	swait.ge [sflag:s24], $0x2000  }
0x57: {  	s0 =	sshra.s32 s1, $0x2;
	[sflag:s24] =	ssyncset.done $0x0  }
0x58: {  	s26 =	sadd.s32 $0x4F00, s0;
	[sflag:s24] =	ssyncadd.s32 $0xFFFFE000  }
0x59: {  	[spmem:s3] =	stream.indirect.scatter.add.f32 [tilespmem:s19], [sflag:$0x3], $0x40, s26, s22, $0xb8;
	[tilespmem:$0x1D000] =	vst v63  }
0x5a: {  	_ =	swait.ge [sflag:s30], $0x2000  }
0x5b: {  	[sflag:s30] =	ssyncset.done $0x0  }
0x5c: {  	s26 =	sadd.s32 $0x2780, s0;
	[sflag:s30] =	ssyncadd.s32 $0xFFFFE000  }
0x5d: {  	[tilespmem:s23], [sflag:$0x2] =	stream.indirect.gather [spmem:s2], $0x40, s26, s22, $0xb8;
	[tilespmem:$0x1D000] =	vst v63  }
0x5e: {  	_ =	swait.ge [sflag:s25], $0x2000  }
0x5f: {  	p0 =	seq.s32 s1, $0x0;
	[sflag:s25] =	ssyncset.done $0x0  }
.Ltmp3:
0x60: {  	s26 =	sadd.s32 $0x4F80, s0;
	[sflag:s25] =	ssyncadd.s32 $0xFFFFE000;
	(pc) =	sbr.rel @p0 .LBB2_6-.Ltmp3, $4  }
0x61: {  	[spmem:s3] =	stream.indirect.scatter.add.f32 [tilespmem:s23], [sflag:$0x4], $0x40, s26, s22, $0xb8;
	[tilespmem:$0x1D000] =	vst v63  }
0x62: {  	_ =	swait.ge [sflag:s28], $0x2000  }
0x63: {  	[sflag:s28] =	ssyncset.done $0x0  }
0x64: {  	[sflag:s28] =	ssyncadd.s32 $0xFFFFE000  }
.Ltmp4:
0x65: {  	(pc) =	sbr.rel .LBB2_4-.Ltmp4, $3  }
0x66: {  	_ =	sdelay $0x1  }
0x67: {  	s0 =	sadd.s32 $0x2800, s0;
	s1 =	sadd.s32 $0x400, s1  }
0x68: {  	[tilespmem:s19], [sflag:$0x1] =	stream.indirect.gather [spmem:s2], $0x40, s0, s22, $0xb8;
	[tilespmem:$0x1D000] =	vst v63  }
.LBB2_7:
0x69: {  	_ =	sfence.sel $0x180000  }
0x6a: {  	[bflag:$0x0] =	sbarrier.arrive $0xFFFF  }
0x6b: {  	_ =	strace $0x9000004A  }
0x6c: {  	s0 =	stileid.u32;
	[bflag:$0x2] =	sbarrier.arrive $0xFFFF  }
0x6d: {  	p0 =	sne.s32 s0, $0x0;
	s0 =	rddreg [dreg:$0x4]  }
0x6e: {  	s0 =	sadd.s32 @!p0 $0x100000, s0  }
0x6f: {  	[sflag:s0] =	ssyncadd.tile.s32 @!p0 $0x1;
	_ =	shalt  }
.Lfunc_end2:
_tile_overlayer_lowered:
.L_overlay_start_2:
0x70: {  	(tag) =	ssettag $0x2  }
0x71: {  	s0 =	rddreg [dreg:$0x0];
	s2 =	stileid.u32  }
0x72: {  	s1 =	rddreg [dreg:$0x1];
	p0 =	sne.s32 s2, $0x0  }
0x73: {  	s3 =	rddreg [dreg:$0x2];
	[bflag:$0x3] =	sbarrier.arrive $0xFFFF;
	s2 =	simm.s32 @!p0 $0x1C07  }
0x74: {  	[timem:s3], [sflag:s2] =	dma.local @!p0 [hbm:s0], s1  }
0x75: {  	s0 =	simm.s32 @!p0 $0x7  }
0x76: {  	_ =	swait.ge @!p0 [sflag:s0], s1  }
0x77: {  	s1 =	ssub.s32 @!p0 $0x0, s1;
	[sflag:s0] =	ssyncset.done @!p0 $0x0  }
0x78: {  	[sflag:s0] =	ssyncadd.s32 @!p0 s1  }
0x79: {  	[bflag:$0x3] =	sbarrier.arrive $0xFFFF  }
0x7a: {  	_ =	shalt  }

// kernel: kernel.20.cloned.1.call-start
scs
__scs_entry_jumppad:
0x0: {  	(pc) =	sbr.rel $0x88, $3  }
0x1: {  	(tag) =	ssettag $0x0;
	lr =	simm.s32 $0x1  }
0x2: {  	[smem:$0x3F95] =	sst lr;
	_ =	strace $0xD0000000  }
0x3: {  	_ = 	snop  }
0x4: {  	_ = 	snop  }
0x5: {  	_ = 	snop  }
0x6: {  	_ = 	snop  }
0x7: {  	_ = 	snop  }
__scs_overlays_trampoline_lowered:
0x8: {  	[smem:$0x3FA4] =	sst s0  }
0x9: {  	[smem:$0x3FA5] =	sst s1  }
0xa: {  	[smem:$0x3FA6] =	sst s2  }
0xb: {  	[smem:$0x3FA7] =	sst s3  }
0xc: {  	[smem:$0x3FA8] =	sst s4  }
0xd: {  	[smem:$0x3FA9] =	sst s5  }
0xe: {  	[smem:$0x3FAA] =	sst s6  }
0xf: {  	[smem:$0x3FAB] =	sst s7  }
0x10: {  	[smem:$0x3FAC] =	sst s8  }
0x11: {  	[smem:$0x3FAD] =	sst s9;
	s0 =	simm.s32 @!p0 $0x0  }
0x12: {  	s1 =	sld [smem:$0x3F93];
	s0 =	simm.s32 @p0 $0x1  }
0x13: {  	[smem:$0x3FAE] =	sst s0;
	s0 =	simm.s32 @!p1 $0x0  }
0x14: {  	s2 =	sld [smem:$0x3F92];
	s0 =	simm.s32 @p1 $0x1  }
0x15: {  	[smem:$0x3FAF] =	sst s0;
	s0 =	simm.s32 @!p2 $0x0  }
0x16: {  	s3 =	sld [smem:$0x3FDB];
	s0 =	simm.s32 @p2 $0x1  }
0x17: {  	s4 =	simm.s32 $0x1BF5;
	[smem:$0x3FB1] =	sst s0  }
0x18: {  	s0 =	sld [smem:$0x3F94];
	_ =	swait.ge [sflag:s4], $0x0  }
0x19: {  	s7 =	sld [smem:$0x3F95]  }
0x1a: {  	s8 =	sadd.s32 $0xFFFFE003, lr  }
0x1b: {  	s9 =	sadd.s32 $0xFFFFFEF7, lr;
	s5 =	simm.s32 $0xFFFFFFFF;
	p2 =	slt.u32 s8, $0xFFFFF086  }
0x1c: {  	p1 =	slt.u32 s9, $0xF7A;
	s5 =	simm.s32 @!p2 $0x0  }
0x1d: {  	s5 =	simm.s32 @p1 $0x1;
	p0 =	seq.s32 s7, s2  }
0x1e: {  	s7 =	smul.u32 @!p0 $0xF7A, s2;
	p2 =	seq.s32 @!p0 s5, $0x0  }
0x1f: {  	s9 =	smul.u32 $0xF7A, s1;
	s8 =	simm.s32 @!p0 $0x1BF5;
	p2 =	por !p2, p0  }
0x20: {  	[sflag:s8] =	ssyncset.s32 @!p0 $0xFFFFF086;
	s6 =	sadd.s32 @!p0 s3, s7;
	s7 =	simm.s32 @!p0 $0x108  }
0x21: {  	s3 =	sadd.s32 s3, s9;
	s6 =	sadd.s32 @!p0 $0x88, s6;
	s7 =	simm.s32 @p2 $0x1082  }
0x22: {  	[simem:s7], [sflag:s8] =	dma.local @!p0 [hbm:s6], $0xF7A  }
0x23: {  	s9 =	sor.u32 $0xD0000000, s2;
	s6 =	simm.s32 $0x108;
	_ =	swait.ge @!p0 [sflag:s8], $0x0  }
0x24: {  	s3 =	sadd.s32 $0x88, s3;
	s6 =	simm.s32 @!p1 $0x1082;
	[sflag:s4] =	ssyncset.s32 $0xFFFFF086  }
0x25: {  	[simem:s6], [sflag:s4] =	dma.local [hbm:s3], $0xF7A  }
0x26: {  	[smem:$0x3F95] =	sst s1;
	(tag) =	ssettag s2;
	_ =	strace s9  }
0x27: {  	s1 =	sld [smem:$0x3FA5]  }
0x28: {  	s2 =	sld [smem:$0x3FA6]  }
0x29: {  	s4 =	sld [smem:$0x3FA8]  }
0x2a: {  	p0 =	seq.s32 s5, $0x0;
	s5 =	sld [smem:$0x3FA9]  }
0x2b: {  	s6 =	sld [smem:$0x3FAA]  }
0x2c: {  	s7 =	sld [smem:$0x3FAB]  }
0x2d: {  	s3 =	simm.s32 $0x108;
	s8 =	sld [smem:$0x3FAC]  }
0x2e: {  	s3 =	simm.s32 @!p0 $0x1082;
	s9 =	sld [smem:$0x3FAD]  }
0x2f: {  	lr =	sadd.s32 s0, s3;
	s0 =	sld [smem:$0x3FA4]  }
0x30: {  	s3 =	sld [smem:$0x3FA7]  }
0x31: {  	[smem:$0x3FB0] =	sst s10  }
0x32: {  	s10 =	sld [smem:$0x3FAE];
	_ =	sdelay $0x3  }
0x33: {  	p0 =	seq.s32 s10, $0x1;
	s10 =	sld [smem:$0x3FB0];
	_ =	sdelay $0x3  }
0x34: {  	[smem:$0x3FB0] =	sst s10  }
0x35: {  	s10 =	sld [smem:$0x3FAF];
	_ =	sdelay $0x3  }
0x36: {  	p1 =	seq.s32 s10, $0x1;
	s10 =	sld [smem:$0x3FB0];
	_ =	sdelay $0x3  }
0x37: {  	[smem:$0x3FB0] =	sst s10  }
0x38: {  	s10 =	sld [smem:$0x3FB1]  }
0x39: {  	_ = 	snop;
	(pc) =	sbr.ind lr, $3  }
0x3a: {  	_ = 	snop  }
0x3b: {  	_ = 	snop  }
0x3c: {  	p2 =	seq.s32 s10, $0x1;
	s10 =	sld [smem:$0x3FB0]  }
0x3d: {  	_ =	shalt  }
0x3e: {  	_ =	shalt  }
0x3f: {  	_ =	shalt  }
0x40: {  	_ =	shalt  }
0x41: {  	_ =	shalt  }
0x42: {  	_ =	shalt  }
0x43: {  	_ =	shalt  }
0x44: {  	_ =	shalt  }
0x45: {  	_ =	shalt  }
0x46: {  	_ =	shalt  }
0x47: {  	_ =	shalt  }
0x48: {  	_ =	shalt  }
0x49: {  	_ =	shalt  }
0x4a: {  	_ =	shalt  }
0x4b: {  	_ =	shalt  }
0x4c: {  	_ =	shalt  }
0x4d: {  	_ =	shalt  }
0x4e: {  	_ =	shalt  }
0x4f: {  	_ =	shalt  }
0x50: {  	_ =	shalt  }
0x51: {  	_ =	shalt  }
0x52: {  	_ =	shalt  }
0x53: {  	_ =	shalt  }
0x54: {  	_ =	shalt  }
0x55: {  	_ =	shalt  }
0x56: {  	_ =	shalt  }
0x57: {  	_ =	shalt  }
0x58: {  	_ =	shalt  }
0x59: {  	_ =	shalt  }
0x5a: {  	_ =	shalt  }
0x5b: {  	_ =	shalt  }
0x5c: {  	_ =	shalt  }
0x5d: {  	_ =	shalt  }
0x5e: {  	_ =	shalt  }
0x5f: {  	_ =	shalt  }
0x60: {  	_ =	shalt  }
0x61: {  	_ =	shalt  }
0x62: {  	_ =	shalt  }
0x63: {  	_ =	shalt  }
0x64: {  	_ =	shalt  }
0x65: {  	_ =	shalt  }
0x66: {  	_ =	shalt  }
0x67: {  	_ =	shalt  }
0x68: {  	_ =	shalt  }
0x69: {  	_ =	shalt  }
0x6a: {  	_ =	shalt  }
0x6b: {  	_ =	shalt  }
0x6c: {  	_ =	shalt  }
0x6d: {  	_ =	shalt  }
0x6e: {  	_ =	shalt  }
0x6f: {  	_ =	shalt  }
0x70: {  	_ =	shalt  }
0x71: {  	_ =	shalt  }
0x72: {  	_ =	shalt  }
0x73: {  	_ =	shalt  }
0x74: {  	_ =	shalt  }
0x75: {  	_ =	shalt  }
0x76: {  	_ =	shalt  }
0x77: {  	_ =	shalt  }
0x78: {  	_ =	shalt  }
0x79: {  	_ =	shalt  }
0x7a: {  	_ =	shalt  }
0x7b: {  	_ =	shalt  }
0x7c: {  	_ =	shalt  }
0x7d: {  	_ =	shalt  }
0x7e: {  	_ =	shalt  }
0x7f: {  	_ =	shalt  }
0x80: {  	_ =	shalt  }
0x81: {  	_ =	shalt  }
0x82: {  	_ =	shalt  }
0x83: {  	_ =	shalt  }
0x84: {  	_ =	shalt  }
0x85: {  	_ =	shalt  }
0x86: {  	_ =	shalt  }
0x87: {  	_ =	shalt  }
.Lfunc_end0:
.L_simem_size_0:
called_computation.2_lowered:
.L_overlay_start_0:
0x88: {  	s2 =	sld [smem:$0x3FD9]  }
0x89: {  	s3 =	sld [smem:$0x3FFE];
	_ =	sdelay $0x1  }
0x8a: {  	s1 =	srdreg.scid  }
0x8b: {  	s0 =	sand.u32 $0x1, s1  }
0x8c: {  	s14 =	sshll.u32 s0, $0xA;
	s2 =	sadd.s32 s3, s2  }
0x8d: {  	s2 =	sadd.s32 s2, s14  }
0x8e: {  	[smem:$0x3FBC] =	sst s2  }
0x8f: {  	_ = 	snop  }
0x90: {  	s2 =	sld [smem:$0x3FD0];
	_ =	sdelay $0x2  }
0x91: {  	s15 =	simm.s32 $0xA;
	s4 =	simm.s32 $0x10  }
0x92: {  	[smem:s4], [sflag:s15] =	dma.local [hbm:s2], $0x1  }
0x93: {  	_ =	swait.eq [sflag:s15], $0x1  }
0x94: {  	[sflag:s15] =	ssyncset.done $0x0  }
0x95: {  	[sflag:s15] =	ssyncadd.s32 $0xFFFFFFFF  }
0x96: {  	s16 =	sld [smem:$0x10];
	(tm) =	ssettm $0x1  }
0x97: {  	s17 =	sld [smem:$0x3FFB];
	_ =	sdelay $0x3  }
0x98: {  	_ =	strace s17  }
0x99: {  	s3 =	sld [smem:$0x3FFC];
	_ =	sdelay $0x3  }
0x9a: {  	_ =	strace s3  }
0x9b: {  	s3 =	sld [smem:$0x3FFD];
	_ =	sdelay $0x3  }
0x9c: {  	_ =	strace s3  }
0x9d: {  	_ =	strace $0x8FFFFFFF  }
0x9e: {  	s18 =	sld [smem:$0x3FDB];
	_ =	sdelay $0x1  }
0x9f: {  	s19 =	simm.s32 $_scs_section_size  }
0xa0: {  	s5 =	simm.s32 $_size__tile_overlayer_lowered;
	s6 =	simm.s32 $_tile_overlayer_lowered  }
0xa1: {  	s22 =	simm.s32 $0x1BFF;
	s21 =	sshll.u32 s6, $0x1;
	s3 =	sadd.s32 s19, s18  }
0xa2: {  	s7 =	simm.s32 $0x0;
	s20 =	sshll.u32 s5, $0x1;
	s5 =	sadd.s32 s21, s3  }
0xa3: {  	[timem:s7], [sflag:s22] =	dma.local [hbm:s5], s20  }
0xa4: {  	_ =	swait.ge [sflag:s22], s20  }
0xa5: {  	s4 =	ssub.s32 $0x0, s20;
	[sflag:s22] =	ssyncset.done $0x0  }
0xa6: {  	[sflag:s22] =	ssyncadd.s32 s4;
	_ =	sdelay $0x1  }
0xa7: {  	s23 =	simm.s32 $0x1B8B  }
0xa8: {  	_ =	swait.ge [sflag:s23], $0x1  }
0xa9: {  	[sflag:s23] =	ssyncset.done $0x0  }
0xaa: {  	s25 =	simm.s32 $0x1B8E;
	s24 =	sld [smem:$0x3FFE];
	[sflag:s23] =	ssyncadd.s32 $0xFFFFFFFF  }
0xab: {  	s26 =	simm.s32 $execute0_lowered;
	[smem:$0x3FD2] =	sst s25  }
0xac: {  	s5 =	sshll.u32 s26, $0x1;
	_ =	strace $0x8000004C;
	[dreg:$0x1] =	wrdreg $0xFFFFFFFF  }
0xad: {  	s28 =	simm.s32 $_size_execute0_lowered;
	s3 =	sadd.s32 s3, s5;
	[dreg:$0x0] =	wrdreg $0x0  }
0xae: {  	s5 =	sshll.u32 s28, $0x1;
	[dreg:$0x2] =	wrdreg s3  }
0xaf: {  	[dreg:$0x3] =	wrdreg s5  }
0xb0: {  	[dreg:$0x4] =	wrdreg $0xC0  }
0xb1: {  	_ =	task [dreg:s7], $0x5FFFF  }
0xb2: {  	[dreg:$0x1] =	wrdreg $0xFFFFFFFF  }
0xb3: {  	[dreg:$0x0] =	wrdreg $0x60  }
0xb4: {  	[dreg:$0x2] =	wrdreg s16  }
0xb5: {  	[dreg:$0x3] =	wrdreg s24  }
0xb6: {  	[dreg:$0x4] =	wrdreg $0x130000  }
0xb7: {  	[dreg:$0x5] =	wrdreg $0x90000  }
0xb8: {  	[dreg:$0x6] =	wrdreg $0x9  }
0xb9: {  	_ =	task.clear_ibuf [dreg:s7], $0x7FFFF;
	_ =	strace $0x9000004C  }
0xba: {  	s29 =	simm.s32 $0x9;
	_ =	strace $0x8000004E  }
0xbb: {  	_ =	swait.ge [sflag:s29], $0x1  }
0xbc: {  	[sflag:s29] =	ssyncadd.s32 $0xFFFFFFFF  }
0xbd: {  	_ =	strace $0x9000004E  }
0xbe: {  	_ =	sfence  }
0xbf: {  	s30 =	sld [smem:$0x0];
	_ =	sdelay $0x2  }
0xc0: {  	s31 =	sshll.u32 s1, $0xD;
	s1 =	sshrl.u32 s1, $0x2  }
0xc1: {  	s3 =	sand.u32 $0x4000, s31;
	s1 =	sadd.s32 s1, s30  }
0xc2: {  	s0 =	sor.u32 s3, s0;
	s1 =	sshll.u32 s1, $0x11  }
0xc3: {  	s0 =	sor.u32 s1, s0  }
0xc4: {  	s0 =	sadd.s32 $0x8F2B, s0  }
0xc5: {  	[sflag:s0] =	ssyncadd.remote.s32 $0x1  }
0xc6: {  	_ =	sfence.sel $0xFFFF  }
0xc7: {  	[dreg:$0x0] =	wrdreg $0xFFFFFFFF;
	(pc) =	sbr.abs _section_cstart, $3  }
0xc8: {  	[dreg:$0x1] =	wrdreg $0xFFFFFFFF  }
0xc9: {  	_ =	task.clear_ibuf [dreg:s7], $0x2FFFF;
	_ =	strace $0x9FFFFFFF  }
0xca: {  	(tm) =	ssettm $0x7FFFFFFF  }
0xcb: {  	_ =	shalt  }
tec
execute0_lowered:
.L_overlay_start_1:
0x0: {  	(tag) =	ssettag $0x1  }
0x1: {  	s0 =	rddreg [dreg:$0x0]  }
0x2: {  	s1 =	rddreg [dreg:$0x1];
	s3 =	srdreg.scid  }
0x3: {  	s10 =	stileid.u32;
	s2 =	rddreg [dreg:$0x2];
	s4 =	simm.s32 $0x0  }
0x4: {  	s16 =	simm.s32 $0x2800;
	s18 =	simm.s32 $0x7;
	s19 =	simm.s32 $0x5000  }
0x5: {  	s20 =	simm.s32 $0x5;
	s21 =	simm.s32 $0x6;
	s28 =	simm.s32 $0x3  }
0x6: {  	s29 =	simm.s32 $0x100;
	s30 =	simm.s32 $0x4;
	s31 =	simm.s32 $0x0  }
0x7: {  	s5 =	sand.u32 $0x1, s3;
	s9 =	smul.u32 $0xA000, s10;
	s3 =	rddreg [dreg:$0x3]  }
0x8: {  	[smem:$0x7FF] =	sst s4;
	s8 =	smul.u32 $0x28000, s10;
	s24 =	sshll.u32 s10, $0x6  }
0x9: {  	s6 =	sshll.u32 s5, $0x4;
	s7 =	smul.u32 $0xA0000, s5;
	s5 =	ssub.s32 $0x2, s5  }
0xa: {  	_ =	strace $0x8000004D;
	s6 =	sor.u32 s10, s6;
	s22 =	sshrl.u32 s5, $0x1  }
0xb: {  	s17 =	sadd.s32 s9, s2;
	s23 =	sshrl.u32 s9, $0x3;
	s25 =	sshrl.u32 s8, $0x2  }
0xc: {  	s8 =	sor.u32 $0x1C07, s24;
	s24 =	simm.s32 $0x1;
	s6 =	smul.u32 $0x500, s6  }
0xd: {  	s7 =	sadd.s32 s9, s7;
	s15 =	ssub.s32 s5, s22;
	s9 =	sadd.s32 s9, s3  }
0xe: {  	s26 =	sadd.s32 s25, s3;
	s17 =	sshrl.u32 s17, $0x3;
	s22 =	simm.s32 $0x80  }
.Ltmp0:
0xf: {  	s25 =	simm.s32 $0x2;
	s7 =	sshrl.u32 s7, $0x3;
	(pc) =	sbr.rel .LBB2_1-.Ltmp0, $4  }
0x10: {  	s10 =	sadd.s32 $0x2000, s26;
	s11 =	sadd.s32 $0x4000, s26;
	s12 =	sadd.s32 $0x6000, s26  }
0x11: {  	s13 =	sadd.s32 $0x8000, s26;
	s15 =	smax.u32 s15, $0x1;
	s6 =	sadd.s32 s6, s1  }
0x12: {  	s1 =	sadd.s32 s7, s1;
	s7 =	sadd.s32 s0, s23;
	s23 =	simm.s32 $0x7000  }
0x13: {  	v0 =	vimm.f32 $0.0e+00;
	s5 =	sadd.s32 $0xCC00, s6;
	s6 =	sadd.s32 $0x2C00, s6;
	s14 =	sadd.s32 $0x16C00, s1  }
.LBB2_6:
0x14: {  	_ =	swait.ge [sflag:s30], $0x2000  }
0x15: {  	s31 =	sadd.s32 $0x1, s31;
	[sflag:s30] =	ssyncset.done $0x0  }
0x16: {  	p0 =	sne.s32 s31, s15;
	[sflag:s30] =	ssyncadd.s32 $0xFFFFE000  }
.Ltmp1:
0x17: {  	s0 =	sshrl.u32 s9, $0x3;
	[bflag:$0x0] =	sbarrier.arrive $0xFFFF;
	(pc) =	sbr.rel @!p0 .LBB2_7-.Ltmp1, $4  }
0x18: {  	[hbm:s14], [sflag:s8] =	dma.local [spmem:s0], $0x1400  }
0x19: {  	_ =	swait.ge [sflag:s18], $0x1400  }
0x1a: {  	[sflag:s18] =	ssyncset.done $0x0  }
0x1b: {  	[sflag:s18] =	ssyncadd.s32 $0xFFFFEC00  }
.LBB2_1:
0x1c: {  	[tilespmem:s4], [sflag:$0x5] =	stream.linear.gather [hbm4b:s5+s4], $0x2800, $0x38;
	[tilespmem:$0x1D000] =	vst v63  }
0x1d: {  	s1 =	simm.s32 $0x100;
	s0 =	simm.s32 $0x0  }
0x1e: {  	[tilespmem:s16], [sflag:$0x6] =	stream.linear.gather [hbm4b:s6+s4], $0x2800, $0x38;
	[tilespmem:$0x1D000] =	vst v63  }
.LBB2_2:
0x1f: {  	p0 =	sne.s32 s1, $0x7F00;
	[tilespmem:s0+$0x5030] =	vst v0;
	s26 =	smov.u32 s1;
	s1 =	sadd.s32 $0x100, s1  }
.Ltmp2:
0x20: {  	[tilespmem:s0+$0x5020] =	vst v0;
	(pc) =	sbr.rel @p0 .LBB2_2-.Ltmp2, $3  }
0x21: {  	[tilespmem:s0+$0x5000] =	vst v0  }
0x22: {  	[tilespmem:s0+$0x5010] =	vst v0;
	_ =	sdelay $0x1  }
0x23: {  	s0 =	sshra.s32 s26, $0x2  }
0x24: {  	[tilespmem:s0+$0x5030] =	vst v0  }
0x25: {  	[tilespmem:s0+$0x5020] =	vst v0  }
0x26: {  	[tilespmem:s0+$0x5000] =	vst v0  }
0x27: {  	[tilespmem:s0+$0x5010] =	vst v0  }
0x28: {  	[spmem:s17], [sflag:s8] =	dma.local [hbm:s7], $0x1400  }
0x29: {  	_ =	swait.ge [sflag:s18], $0x1400  }
0x2a: {  	[sflag:s18] =	ssyncset.done $0x0  }
0x2b: {  	[sflag:s18] =	ssyncadd.s32 $0xFFFFEC00  }
0x2c: {  	[spmem:s9] =	stream.linear.scatter [tilespmem:s19], [sflag:$0x7], $0x2000, $0x38;
	[tilespmem:$0x1D000] =	vst v63  }
0x2d: {  	_ =	swait.ge [sflag:s18], $0x2000  }
0x2e: {  	[sflag:s18] =	ssyncset.done $0x0  }
0x2f: {  	[sflag:s18] =	ssyncadd.s32 $0xFFFFE000  }
0x30: {  	[spmem:s10] =	stream.linear.scatter [tilespmem:s19], [sflag:$0x7], $0x2000, $0x38;
	[tilespmem:$0x1D000] =	vst v63  }
0x31: {  	_ =	swait.ge [sflag:s18], $0x2000  }
0x32: {  	[sflag:s18] =	ssyncset.done $0x0  }
0x33: {  	[sflag:s18] =	ssyncadd.s32 $0xFFFFE000  }
0x34: {  	[spmem:s11] =	stream.linear.scatter [tilespmem:s19], [sflag:$0x7], $0x2000, $0x38;
	[tilespmem:$0x1D000] =	vst v63  }
0x35: {  	_ =	swait.ge [sflag:s18], $0x2000  }
0x36: {  	[sflag:s18] =	ssyncset.done $0x0  }
0x37: {  	[sflag:s18] =	ssyncadd.s32 $0xFFFFE000  }
0x38: {  	[spmem:s12] =	stream.linear.scatter [tilespmem:s19], [sflag:$0x7], $0x2000, $0x38;
	[tilespmem:$0x1D000] =	vst v63  }
0x39: {  	_ =	swait.ge [sflag:s18], $0x2000  }
0x3a: {  	[sflag:s18] =	ssyncset.done $0x0  }
0x3b: {  	[sflag:s18] =	ssyncadd.s32 $0xFFFFE000  }
0x3c: {  	[spmem:s13] =	stream.linear.scatter [tilespmem:s19], [sflag:$0x7], $0x2000, $0x38;
	[tilespmem:$0x1D000] =	vst v63  }
0x3d: {  	_ =	swait.ge [sflag:s18], $0x2000  }
0x3e: {  	[sflag:s18] =	ssyncset.done $0x0  }
0x3f: {  	[sflag:s18] =	ssyncadd.s32 $0xFFFFE000  }
0x40: {  	_ =	swait.ge [sflag:s20], $0x2800  }
0x41: {  	[sflag:s20] =	ssyncset.done $0x0  }
0x42: {  	[sflag:s20] =	ssyncadd.s32 $0xFFFFD800  }
0x43: {  	_ =	swait.ge [sflag:s21], $0x2800  }
0x44: {  	[sflag:s21] =	ssyncset.done $0x0  }
0x45: {  	[sflag:s21] =	ssyncadd.s32 $0xFFFFD800  }
0x46: {  	[bflag:$0x0] =	sbarrier.arrive $0xFFFF  }
0x47: {  	[tilespmem:s19], [sflag:$0x1] =	stream.indirect.gather [spmem:s2], $0x40, s4, s22, $0xb8;
	[tilespmem:$0x1D000] =	vst v63  }
0x48: {  	_ = 	snop  }
0x49: {  	[tilespmem:s23], [sflag:$0x2] =	stream.indirect.gather [spmem:s2], $0x40, s22, s22, $0xb8;
	[tilespmem:$0x1D000] =	vst v63  }
0x4a: {  	_ =	swait.ge [sflag:s24], $0x2000  }
0x4b: {  	[sflag:s24] =	ssyncset.done $0x0  }
0x4c: {  	[sflag:s24] =	ssyncadd.s32 $0xFFFFE000  }
0x4d: {  	[spmem:s3] =	stream.indirect.scatter.add.f32 [tilespmem:s19], [sflag:$0x3], $0x40, s16, s22, $0xb8;
	[tilespmem:$0x1D000] =	vst v63  }
0x4e: {  	_ =	swait.ge [sflag:s25], $0x2000  }
0x4f: {  	[sflag:s25] =	ssyncset.done $0x0  }
0x50: {  	s26 =	simm.s32 $0x2880;
	[sflag:s25] =	ssyncadd.s32 $0xFFFFE000  }
0x51: {  	[spmem:s3] =	stream.indirect.scatter.add.f32 [tilespmem:s23], [sflag:$0x4], $0x40, s26, s22, $0xb8;
	[tilespmem:$0x1D000] =	vst v63  }
0x52: {  	_ =	swait.ge [sflag:s28], $0x2000  }
0x53: {  	[sflag:s28] =	ssyncset.done $0x0  }
0x54: {  	s1 =	simm.s32 $0xFFFF6800;
	[sflag:s28] =	ssyncadd.s32 $0xFFFFE000  }
0x55: {  	[tilespmem:s19], [sflag:$0x1] =	stream.indirect.gather [spmem:s2], $0x40, s29, s22, $0xb8;
	[tilespmem:$0x1D000] =	vst v63  }
.LBB2_4:
0x56: {  	_ =	swait.ge [sflag:s24], $0x2000  }
0x57: {  	s0 =	sshra.s32 s1, $0x2;
	[sflag:s24] =	ssyncset.done $0x0  }
0x58: {  	s26 =	sadd.s32 $0x4F00, s0;
	[sflag:s24] =	ssyncadd.s32 $0xFFFFE000  }
0x59: {  	[spmem:s3] =	stream.indirect.scatter.add.f32 [tilespmem:s19], [sflag:$0x3], $0x40, s26, s22, $0xb8;
	[tilespmem:$0x1D000] =	vst v63  }
0x5a: {  	_ =	swait.ge [sflag:s30], $0x2000  }
0x5b: {  	[sflag:s30] =	ssyncset.done $0x0  }
0x5c: {  	s26 =	sadd.s32 $0x2780, s0;
	[sflag:s30] =	ssyncadd.s32 $0xFFFFE000  }
0x5d: {  	[tilespmem:s23], [sflag:$0x2] =	stream.indirect.gather [spmem:s2], $0x40, s26, s22, $0xb8;
	[tilespmem:$0x1D000] =	vst v63  }
0x5e: {  	_ =	swait.ge [sflag:s25], $0x2000  }
0x5f: {  	p0 =	seq.s32 s1, $0x0;
	[sflag:s25] =	ssyncset.done $0x0  }
.Ltmp3:
0x60: {  	s26 =	sadd.s32 $0x4F80, s0;
	[sflag:s25] =	ssyncadd.s32 $0xFFFFE000;
	(pc) =	sbr.rel @p0 .LBB2_6-.Ltmp3, $4  }
0x61: {  	[spmem:s3] =	stream.indirect.scatter.add.f32 [tilespmem:s23], [sflag:$0x4], $0x40, s26, s22, $0xb8;
	[tilespmem:$0x1D000] =	vst v63  }
0x62: {  	_ =	swait.ge [sflag:s28], $0x2000  }
0x63: {  	[sflag:s28] =	ssyncset.done $0x0  }
0x64: {  	[sflag:s28] =	ssyncadd.s32 $0xFFFFE000  }
.Ltmp4:
0x65: {  	(pc) =	sbr.rel .LBB2_4-.Ltmp4, $3  }
0x66: {  	_ =	sdelay $0x1  }
0x67: {  	s0 =	sadd.s32 $0x2800, s0;
	s1 =	sadd.s32 $0x400, s1  }
0x68: {  	[tilespmem:s19], [sflag:$0x1] =	stream.indirect.gather [spmem:s2], $0x40, s0, s22, $0xb8;
	[tilespmem:$0x1D000] =	vst v63  }
.LBB2_7:
0x69: {  	_ =	sfence.sel $0x180000  }
0x6a: {  	[bflag:$0x0] =	sbarrier.arrive $0xFFFF  }
0x6b: {  	_ =	strace $0x9000004D  }
0x6c: {  	s0 =	stileid.u32;
	[bflag:$0x2] =	sbarrier.arrive $0xFFFF  }
0x6d: {  	p0 =	sne.s32 s0, $0x0;
	s0 =	rddreg [dreg:$0x4]  }
0x6e: {  	s0 =	sadd.s32 @!p0 $0x100000, s0  }
0x6f: {  	[sflag:s0] =	ssyncadd.tile.s32 @!p0 $0x1;
	_ =	shalt  }
.Lfunc_end2:
_tile_overlayer_lowered:
.L_overlay_start_2:
0x70: {  	(tag) =	ssettag $0x2  }
0x71: {  	s0 =	rddreg [dreg:$0x0];
	s2 =	stileid.u32  }
0x72: {  	s1 =	rddreg [dreg:$0x1];
	p0 =	sne.s32 s2, $0x0  }
0x73: {  	s3 =	rddreg [dreg:$0x2];
	[bflag:$0x3] =	sbarrier.arrive $0xFFFF;
	s2 =	simm.s32 @!p0 $0x1C07  }
0x74: {  	[timem:s3], [sflag:s2] =	dma.local @!p0 [hbm:s0], s1  }
0x75: {  	s0 =	simm.s32 @!p0 $0x7  }
0x76: {  	_ =	swait.ge @!p0 [sflag:s0], s1  }
0x77: {  	s1 =	ssub.s32 @!p0 $0x0, s1;
	[sflag:s0] =	ssyncset.done @!p0 $0x0  }
0x78: {  	[sflag:s0] =	ssyncadd.s32 @!p0 s1  }
0x79: {  	[bflag:$0x3] =	sbarrier.arrive $0xFFFF  }
0x7a: {  	_ =	shalt  }

// kernel: kernel.23.cloned.1.call-start
scs
__scs_entry_jumppad:
0x0: {  	(pc) =	sbr.rel $0x88, $3  }
0x1: {  	(tag) =	ssettag $0x0;
	lr =	simm.s32 $0x1  }
0x2: {  	[smem:$0x3F95] =	sst lr;
	_ =	strace $0xD0000000  }
0x3: {  	_ = 	snop  }
0x4: {  	_ = 	snop  }
0x5: {  	_ = 	snop  }
0x6: {  	_ = 	snop  }
0x7: {  	_ = 	snop  }
__scs_overlays_trampoline_lowered:
0x8: {  	[smem:$0x3FA4] =	sst s0  }
0x9: {  	[smem:$0x3FA5] =	sst s1  }
0xa: {  	[smem:$0x3FA6] =	sst s2  }
0xb: {  	[smem:$0x3FA7] =	sst s3  }
0xc: {  	[smem:$0x3FA8] =	sst s4  }
0xd: {  	[smem:$0x3FA9] =	sst s5  }
0xe: {  	[smem:$0x3FAA] =	sst s6  }
0xf: {  	[smem:$0x3FAB] =	sst s7  }
0x10: {  	[smem:$0x3FAC] =	sst s8  }
0x11: {  	[smem:$0x3FAD] =	sst s9;
	s0 =	simm.s32 @!p0 $0x0  }
0x12: {  	s1 =	sld [smem:$0x3F93];
	s0 =	simm.s32 @p0 $0x1  }
0x13: {  	[smem:$0x3FAE] =	sst s0;
	s0 =	simm.s32 @!p1 $0x0  }
0x14: {  	s2 =	sld [smem:$0x3F92];
	s0 =	simm.s32 @p1 $0x1  }
0x15: {  	[smem:$0x3FAF] =	sst s0;
	s0 =	simm.s32 @!p2 $0x0  }
0x16: {  	s3 =	sld [smem:$0x3FDB];
	s0 =	simm.s32 @p2 $0x1  }
0x17: {  	s4 =	simm.s32 $0x1BF5;
	[smem:$0x3FB1] =	sst s0  }
0x18: {  	s0 =	sld [smem:$0x3F94];
	_ =	swait.ge [sflag:s4], $0x0  }
0x19: {  	s7 =	sld [smem:$0x3F95]  }
0x1a: {  	s8 =	sadd.s32 $0xFFFFE003, lr  }
0x1b: {  	s9 =	sadd.s32 $0xFFFFFEF7, lr;
	s5 =	simm.s32 $0xFFFFFFFF;
	p2 =	slt.u32 s8, $0xFFFFF086  }
0x1c: {  	p1 =	slt.u32 s9, $0xF7A;
	s5 =	simm.s32 @!p2 $0x0  }
0x1d: {  	s5 =	simm.s32 @p1 $0x1;
	p0 =	seq.s32 s7, s2  }
0x1e: {  	s7 =	smul.u32 @!p0 $0xF7A, s2;
	p2 =	seq.s32 @!p0 s5, $0x0  }
0x1f: {  	s9 =	smul.u32 $0xF7A, s1;
	s8 =	simm.s32 @!p0 $0x1BF5;
	p2 =	por !p2, p0  }
0x20: {  	[sflag:s8] =	ssyncset.s32 @!p0 $0xFFFFF086;
	s6 =	sadd.s32 @!p0 s3, s7;
	s7 =	simm.s32 @!p0 $0x108  }
0x21: {  	s3 =	sadd.s32 s3, s9;
	s6 =	sadd.s32 @!p0 $0x88, s6;
	s7 =	simm.s32 @p2 $0x1082  }
0x22: {  	[simem:s7], [sflag:s8] =	dma.local @!p0 [hbm:s6], $0xF7A  }
0x23: {  	s9 =	sor.u32 $0xD0000000, s2;
	s6 =	simm.s32 $0x108;
	_ =	swait.ge @!p0 [sflag:s8], $0x0  }
0x24: {  	s3 =	sadd.s32 $0x88, s3;
	s6 =	simm.s32 @!p1 $0x1082;
	[sflag:s4] =	ssyncset.s32 $0xFFFFF086  }
0x25: {  	[simem:s6], [sflag:s4] =	dma.local [hbm:s3], $0xF7A  }
0x26: {  	[smem:$0x3F95] =	sst s1;
	(tag) =	ssettag s2;
	_ =	strace s9  }
0x27: {  	s1 =	sld [smem:$0x3FA5]  }
0x28: {  	s2 =	sld [smem:$0x3FA6]  }
0x29: {  	s4 =	sld [smem:$0x3FA8]  }
0x2a: {  	p0 =	seq.s32 s5, $0x0;
	s5 =	sld [smem:$0x3FA9]  }
0x2b: {  	s6 =	sld [smem:$0x3FAA]  }
0x2c: {  	s7 =	sld [smem:$0x3FAB]  }
0x2d: {  	s3 =	simm.s32 $0x108;
	s8 =	sld [smem:$0x3FAC]  }
0x2e: {  	s3 =	simm.s32 @!p0 $0x1082;
	s9 =	sld [smem:$0x3FAD]  }
0x2f: {  	lr =	sadd.s32 s0, s3;
	s0 =	sld [smem:$0x3FA4]  }
0x30: {  	s3 =	sld [smem:$0x3FA7]  }
0x31: {  	[smem:$0x3FB0] =	sst s10  }
0x32: {  	s10 =	sld [smem:$0x3FAE];
	_ =	sdelay $0x3  }
0x33: {  	p0 =	seq.s32 s10, $0x1;
	s10 =	sld [smem:$0x3FB0];
	_ =	sdelay $0x3  }
0x34: {  	[smem:$0x3FB0] =	sst s10  }
0x35: {  	s10 =	sld [smem:$0x3FAF];
	_ =	sdelay $0x3  }
0x36: {  	p1 =	seq.s32 s10, $0x1;
	s10 =	sld [smem:$0x3FB0];
	_ =	sdelay $0x3  }
0x37: {  	[smem:$0x3FB0] =	sst s10  }
0x38: {  	s10 =	sld [smem:$0x3FB1]  }
0x39: {  	_ = 	snop;
	(pc) =	sbr.ind lr, $3  }
0x3a: {  	_ = 	snop  }
0x3b: {  	_ = 	snop  }
0x3c: {  	p2 =	seq.s32 s10, $0x1;
	s10 =	sld [smem:$0x3FB0]  }
0x3d: {  	_ =	shalt  }
0x3e: {  	_ =	shalt  }
0x3f: {  	_ =	shalt  }
0x40: {  	_ =	shalt  }
0x41: {  	_ =	shalt  }
0x42: {  	_ =	shalt  }
0x43: {  	_ =	shalt  }
0x44: {  	_ =	shalt  }
0x45: {  	_ =	shalt  }
0x46: {  	_ =	shalt  }
0x47: {  	_ =	shalt  }
0x48: {  	_ =	shalt  }
0x49: {  	_ =	shalt  }
0x4a: {  	_ =	shalt  }
0x4b: {  	_ =	shalt  }
0x4c: {  	_ =	shalt  }
0x4d: {  	_ =	shalt  }
0x4e: {  	_ =	shalt  }
0x4f: {  	_ =	shalt  }
0x50: {  	_ =	shalt  }
0x51: {  	_ =	shalt  }
0x52: {  	_ =	shalt  }
0x53: {  	_ =	shalt  }
0x54: {  	_ =	shalt  }
0x55: {  	_ =	shalt  }
0x56: {  	_ =	shalt  }
0x57: {  	_ =	shalt  }
0x58: {  	_ =	shalt  }
0x59: {  	_ =	shalt  }
0x5a: {  	_ =	shalt  }
0x5b: {  	_ =	shalt  }
0x5c: {  	_ =	shalt  }
0x5d: {  	_ =	shalt  }
0x5e: {  	_ =	shalt  }
0x5f: {  	_ =	shalt  }
0x60: {  	_ =	shalt  }
0x61: {  	_ =	shalt  }
0x62: {  	_ =	shalt  }
0x63: {  	_ =	shalt  }
0x64: {  	_ =	shalt  }
0x65: {  	_ =	shalt  }
0x66: {  	_ =	shalt  }
0x67: {  	_ =	shalt  }
0x68: {  	_ =	shalt  }
0x69: {  	_ =	shalt  }
0x6a: {  	_ =	shalt  }
0x6b: {  	_ =	shalt  }
0x6c: {  	_ =	shalt  }
0x6d: {  	_ =	shalt  }
0x6e: {  	_ =	shalt  }
0x6f: {  	_ =	shalt  }
0x70: {  	_ =	shalt  }
0x71: {  	_ =	shalt  }
0x72: {  	_ =	shalt  }
0x73: {  	_ =	shalt  }
0x74: {  	_ =	shalt  }
0x75: {  	_ =	shalt  }
0x76: {  	_ =	shalt  }
0x77: {  	_ =	shalt  }
0x78: {  	_ =	shalt  }
0x79: {  	_ =	shalt  }
0x7a: {  	_ =	shalt  }
0x7b: {  	_ =	shalt  }
0x7c: {  	_ =	shalt  }
0x7d: {  	_ =	shalt  }
0x7e: {  	_ =	shalt  }
0x7f: {  	_ =	shalt  }
0x80: {  	_ =	shalt  }
0x81: {  	_ =	shalt  }
0x82: {  	_ =	shalt  }
0x83: {  	_ =	shalt  }
0x84: {  	_ =	shalt  }
0x85: {  	_ =	shalt  }
0x86: {  	_ =	shalt  }
0x87: {  	_ =	shalt  }
.Lfunc_end0:
.L_simem_size_0:
called_computation.3_lowered:
.L_overlay_start_0:
0x88: {  	s2 =	sld [smem:$0x3FD9]  }
0x89: {  	s3 =	sld [smem:$0x3FFE];
	_ =	sdelay $0x1  }
0x8a: {  	s1 =	srdreg.scid  }
0x8b: {  	s0 =	sand.u32 $0x1, s1  }
0x8c: {  	s14 =	sshll.u32 s0, $0xA;
	s2 =	sadd.s32 s3, s2  }
0x8d: {  	s2 =	sadd.s32 s2, s14  }
0x8e: {  	[smem:$0x3FBC] =	sst s2  }
0x8f: {  	_ = 	snop  }
0x90: {  	s2 =	sld [smem:$0x3FD0];
	_ =	sdelay $0x2  }
0x91: {  	s15 =	simm.s32 $0xA;
	s4 =	simm.s32 $0x10  }
0x92: {  	[smem:s4], [sflag:s15] =	dma.local [hbm:s2], $0x1  }
0x93: {  	_ =	swait.eq [sflag:s15], $0x1  }
0x94: {  	[sflag:s15] =	ssyncset.done $0x0  }
0x95: {  	[sflag:s15] =	ssyncadd.s32 $0xFFFFFFFF  }
0x96: {  	s16 =	sld [smem:$0x10];
	(tm) =	ssettm $0x1  }
0x97: {  	s17 =	sld [smem:$0x3FFB];
	_ =	sdelay $0x3  }
0x98: {  	_ =	strace s17  }
0x99: {  	s3 =	sld [smem:$0x3FFC];
	_ =	sdelay $0x3  }
0x9a: {  	_ =	strace s3  }
0x9b: {  	s3 =	sld [smem:$0x3FFD];
	_ =	sdelay $0x3  }
0x9c: {  	_ =	strace s3  }
0x9d: {  	_ =	strace $0x8FFFFFFF  }
0x9e: {  	s18 =	sld [smem:$0x3FDB];
	_ =	sdelay $0x1  }
0x9f: {  	s19 =	simm.s32 $_scs_section_size  }
0xa0: {  	s5 =	simm.s32 $_size__tile_overlayer_lowered;
	s6 =	simm.s32 $_tile_overlayer_lowered  }
0xa1: {  	s22 =	simm.s32 $0x1BFF;
	s21 =	sshll.u32 s6, $0x1;
	s3 =	sadd.s32 s19, s18  }
0xa2: {  	s7 =	simm.s32 $0x0;
	s20 =	sshll.u32 s5, $0x1;
	s5 =	sadd.s32 s21, s3  }
0xa3: {  	[timem:s7], [sflag:s22] =	dma.local [hbm:s5], s20  }
0xa4: {  	_ =	swait.ge [sflag:s22], s20  }
0xa5: {  	s4 =	ssub.s32 $0x0, s20;
	[sflag:s22] =	ssyncset.done $0x0  }
0xa6: {  	[sflag:s22] =	ssyncadd.s32 s4;
	_ =	sdelay $0x1  }
0xa7: {  	s23 =	simm.s32 $0x1B8B  }
0xa8: {  	_ =	swait.ge [sflag:s23], $0x1  }
0xa9: {  	[sflag:s23] =	ssyncset.done $0x0  }
0xaa: {  	s25 =	simm.s32 $0x1B8E;
	s24 =	sld [smem:$0x3FFE];
	[sflag:s23] =	ssyncadd.s32 $0xFFFFFFFF  }
0xab: {  	s26 =	simm.s32 $execute0_lowered;
	[smem:$0x3FD2] =	sst s25  }
0xac: {  	s5 =	sshll.u32 s26, $0x1;
	_ =	strace $0x8000004F;
	[dreg:$0x1] =	wrdreg $0xFFFFFFFF  }
0xad: {  	s28 =	simm.s32 $_size_execute0_lowered;
	s3 =	sadd.s32 s3, s5;
	[dreg:$0x0] =	wrdreg $0x0  }
0xae: {  	s5 =	sshll.u32 s28, $0x1;
	[dreg:$0x2] =	wrdreg s3  }
0xaf: {  	[dreg:$0x3] =	wrdreg s5  }
0xb0: {  	[dreg:$0x4] =	wrdreg $0xC0  }
0xb1: {  	_ =	task [dreg:s7], $0x5FFFF  }
0xb2: {  	[dreg:$0x1] =	wrdreg $0xFFFFFFFF  }
0xb3: {  	[dreg:$0x0] =	wrdreg $0x60  }
0xb4: {  	[dreg:$0x2] =	wrdreg s16  }
0xb5: {  	[dreg:$0x3] =	wrdreg s24  }
0xb6: {  	[dreg:$0x4] =	wrdreg $0x130000  }
0xb7: {  	[dreg:$0x5] =	wrdreg $0x90000  }
0xb8: {  	[dreg:$0x6] =	wrdreg $0x9  }
0xb9: {  	_ =	task.clear_ibuf [dreg:s7], $0x7FFFF;
	_ =	strace $0x9000004F  }
0xba: {  	s29 =	simm.s32 $0x9;
	_ =	strace $0x80000051  }
0xbb: {  	_ =	swait.ge [sflag:s29], $0x1  }
0xbc: {  	[sflag:s29] =	ssyncadd.s32 $0xFFFFFFFF  }
0xbd: {  	_ =	strace $0x90000051  }
0xbe: {  	_ =	sfence  }
0xbf: {  	s30 =	sld [smem:$0x0];
	_ =	sdelay $0x2  }
0xc0: {  	s31 =	sshll.u32 s1, $0xD;
	s1 =	sshrl.u32 s1, $0x2  }
0xc1: {  	s3 =	sand.u32 $0x4000, s31;
	s1 =	sadd.s32 s1, s30  }
0xc2: {  	s0 =	sor.u32 s3, s0;
	s1 =	sshll.u32 s1, $0x11  }
0xc3: {  	s0 =	sor.u32 s1, s0  }
0xc4: {  	s0 =	sadd.s32 $0x8F2B, s0  }
0xc5: {  	[sflag:s0] =	ssyncadd.remote.s32 $0x1  }
0xc6: {  	_ =	sfence.sel $0xFFFF  }
0xc7: {  	[dreg:$0x0] =	wrdreg $0xFFFFFFFF;
	(pc) =	sbr.abs _section_cstart, $3  }
0xc8: {  	[dreg:$0x1] =	wrdreg $0xFFFFFFFF  }
0xc9: {  	_ =	task.clear_ibuf [dreg:s7], $0x2FFFF;
	_ =	strace $0x9FFFFFFF  }
0xca: {  	(tm) =	ssettm $0x7FFFFFFF  }
0xcb: {  	_ =	shalt  }
tec
execute0_lowered:
.L_overlay_start_1:
0x0: {  	(tag) =	ssettag $0x1  }
0x1: {  	s0 =	rddreg [dreg:$0x0]  }
0x2: {  	s1 =	rddreg [dreg:$0x1];
	s3 =	srdreg.scid  }
0x3: {  	s10 =	stileid.u32;
	s2 =	rddreg [dreg:$0x2];
	s4 =	simm.s32 $0x0  }
0x4: {  	s16 =	simm.s32 $0x2800;
	s18 =	simm.s32 $0x7;
	s19 =	simm.s32 $0x5000  }
0x5: {  	s20 =	simm.s32 $0x5;
	s21 =	simm.s32 $0x6;
	s28 =	simm.s32 $0x3  }
0x6: {  	s29 =	simm.s32 $0x100;
	s30 =	simm.s32 $0x4;
	s31 =	simm.s32 $0x0  }
0x7: {  	s5 =	sand.u32 $0x1, s3;
	s9 =	smul.u32 $0xA000, s10;
	s3 =	rddreg [dreg:$0x3]  }
0x8: {  	[smem:$0x7FF] =	sst s4;
	s8 =	smul.u32 $0x28000, s10;
	s24 =	sshll.u32 s10, $0x6  }
0x9: {  	s6 =	sshll.u32 s5, $0x4;
	s7 =	smul.u32 $0xA0000, s5;
	s5 =	ssub.s32 $0x2, s5  }
0xa: {  	_ =	strace $0x80000050;
	s6 =	sor.u32 s10, s6;
	s22 =	sshrl.u32 s5, $0x1  }
0xb: {  	s17 =	sadd.s32 s9, s2;
	s23 =	sshrl.u32 s9, $0x3;
	s25 =	sshrl.u32 s8, $0x2  }
0xc: {  	s8 =	sor.u32 $0x1C07, s24;
	s24 =	simm.s32 $0x1;
	s6 =	smul.u32 $0x500, s6  }
0xd: {  	s7 =	sadd.s32 s9, s7;
	s15 =	ssub.s32 s5, s22;
	s9 =	sadd.s32 s9, s3  }
0xe: {  	s26 =	sadd.s32 s25, s3;
	s17 =	sshrl.u32 s17, $0x3;
	s22 =	simm.s32 $0x80  }
.Ltmp0:
0xf: {  	s25 =	simm.s32 $0x2;
	s7 =	sshrl.u32 s7, $0x3;
	(pc) =	sbr.rel .LBB2_1-.Ltmp0, $4  }
0x10: {  	s10 =	sadd.s32 $0x2000, s26;
	s11 =	sadd.s32 $0x4000, s26;
	s12 =	sadd.s32 $0x6000, s26  }
0x11: {  	s13 =	sadd.s32 $0x8000, s26;
	s15 =	smax.u32 s15, $0x1;
	s6 =	sadd.s32 s6, s1  }
0x12: {  	s1 =	sadd.s32 s7, s1;
	s7 =	sadd.s32 s0, s23;
	s23 =	simm.s32 $0x7000  }
0x13: {  	v0 =	vimm.f32 $0.0e+00;
	s5 =	sadd.s32 $0xCC00, s6;
	s6 =	sadd.s32 $0x2C00, s6;
	s14 =	sadd.s32 $0x16C00, s1  }
.LBB2_6:
0x14: {  	_ =	swait.ge [sflag:s30], $0x2000  }
0x15: {  	s31 =	sadd.s32 $0x1, s31;
	[sflag:s30] =	ssyncset.done $0x0  }
0x16: {  	p0 =	sne.s32 s31, s15;
	[sflag:s30] =	ssyncadd.s32 $0xFFFFE000  }
.Ltmp1:
0x17: {  	s0 =	sshrl.u32 s9, $0x3;
	[bflag:$0x0] =	sbarrier.arrive $0xFFFF;
	(pc) =	sbr.rel @!p0 .LBB2_7-.Ltmp1, $4  }
0x18: {  	[hbm:s14], [sflag:s8] =	dma.local [spmem:s0], $0x1400  }
0x19: {  	_ =	swait.ge [sflag:s18], $0x1400  }
0x1a: {  	[sflag:s18] =	ssyncset.done $0x0  }
0x1b: {  	[sflag:s18] =	ssyncadd.s32 $0xFFFFEC00  }
.LBB2_1:
0x1c: {  	[tilespmem:s4], [sflag:$0x5] =	stream.linear.gather [hbm4b:s5+s4], $0x2800, $0x38;
	[tilespmem:$0x1D000] =	vst v63  }
0x1d: {  	s1 =	simm.s32 $0x100;
	s0 =	simm.s32 $0x0  }
0x1e: {  	[tilespmem:s16], [sflag:$0x6] =	stream.linear.gather [hbm4b:s6+s4], $0x2800, $0x38;
	[tilespmem:$0x1D000] =	vst v63  }
.LBB2_2:
0x1f: {  	p0 =	sne.s32 s1, $0x7F00;
	[tilespmem:s0+$0x5030] =	vst v0;
	s26 =	smov.u32 s1;
	s1 =	sadd.s32 $0x100, s1  }
.Ltmp2:
0x20: {  	[tilespmem:s0+$0x5020] =	vst v0;
	(pc) =	sbr.rel @p0 .LBB2_2-.Ltmp2, $3  }
0x21: {  	[tilespmem:s0+$0x5000] =	vst v0  }
0x22: {  	[tilespmem:s0+$0x5010] =	vst v0;
	_ =	sdelay $0x1  }
0x23: {  	s0 =	sshra.s32 s26, $0x2  }
0x24: {  	[tilespmem:s0+$0x5030] =	vst v0  }
0x25: {  	[tilespmem:s0+$0x5020] =	vst v0  }
0x26: {  	[tilespmem:s0+$0x5000] =	vst v0  }
0x27: {  	[tilespmem:s0+$0x5010] =	vst v0  }
0x28: {  	[spmem:s17], [sflag:s8] =	dma.local [hbm:s7], $0x1400  }
0x29: {  	_ =	swait.ge [sflag:s18], $0x1400  }
0x2a: {  	[sflag:s18] =	ssyncset.done $0x0  }
0x2b: {  	[sflag:s18] =	ssyncadd.s32 $0xFFFFEC00  }
0x2c: {  	[spmem:s9] =	stream.linear.scatter [tilespmem:s19], [sflag:$0x7], $0x2000, $0x38;
	[tilespmem:$0x1D000] =	vst v63  }
0x2d: {  	_ =	swait.ge [sflag:s18], $0x2000  }
0x2e: {  	[sflag:s18] =	ssyncset.done $0x0  }
0x2f: {  	[sflag:s18] =	ssyncadd.s32 $0xFFFFE000  }
0x30: {  	[spmem:s10] =	stream.linear.scatter [tilespmem:s19], [sflag:$0x7], $0x2000, $0x38;
	[tilespmem:$0x1D000] =	vst v63  }
0x31: {  	_ =	swait.ge [sflag:s18], $0x2000  }
0x32: {  	[sflag:s18] =	ssyncset.done $0x0  }
0x33: {  	[sflag:s18] =	ssyncadd.s32 $0xFFFFE000  }
0x34: {  	[spmem:s11] =	stream.linear.scatter [tilespmem:s19], [sflag:$0x7], $0x2000, $0x38;
	[tilespmem:$0x1D000] =	vst v63  }
0x35: {  	_ =	swait.ge [sflag:s18], $0x2000  }
0x36: {  	[sflag:s18] =	ssyncset.done $0x0  }
0x37: {  	[sflag:s18] =	ssyncadd.s32 $0xFFFFE000  }
0x38: {  	[spmem:s12] =	stream.linear.scatter [tilespmem:s19], [sflag:$0x7], $0x2000, $0x38;
	[tilespmem:$0x1D000] =	vst v63  }
0x39: {  	_ =	swait.ge [sflag:s18], $0x2000  }
0x3a: {  	[sflag:s18] =	ssyncset.done $0x0  }
0x3b: {  	[sflag:s18] =	ssyncadd.s32 $0xFFFFE000  }
0x3c: {  	[spmem:s13] =	stream.linear.scatter [tilespmem:s19], [sflag:$0x7], $0x2000, $0x38;
	[tilespmem:$0x1D000] =	vst v63  }
0x3d: {  	_ =	swait.ge [sflag:s18], $0x2000  }
0x3e: {  	[sflag:s18] =	ssyncset.done $0x0  }
0x3f: {  	[sflag:s18] =	ssyncadd.s32 $0xFFFFE000  }
0x40: {  	_ =	swait.ge [sflag:s20], $0x2800  }
0x41: {  	[sflag:s20] =	ssyncset.done $0x0  }
0x42: {  	[sflag:s20] =	ssyncadd.s32 $0xFFFFD800  }
0x43: {  	_ =	swait.ge [sflag:s21], $0x2800  }
0x44: {  	[sflag:s21] =	ssyncset.done $0x0  }
0x45: {  	[sflag:s21] =	ssyncadd.s32 $0xFFFFD800  }
0x46: {  	[bflag:$0x0] =	sbarrier.arrive $0xFFFF  }
0x47: {  	[tilespmem:s19], [sflag:$0x1] =	stream.indirect.gather [spmem:s2], $0x40, s4, s22, $0xb8;
	[tilespmem:$0x1D000] =	vst v63  }
0x48: {  	_ = 	snop  }
0x49: {  	[tilespmem:s23], [sflag:$0x2] =	stream.indirect.gather [spmem:s2], $0x40, s22, s22, $0xb8;
	[tilespmem:$0x1D000] =	vst v63  }
0x4a: {  	_ =	swait.ge [sflag:s24], $0x2000  }
0x4b: {  	[sflag:s24] =	ssyncset.done $0x0  }
0x4c: {  	[sflag:s24] =	ssyncadd.s32 $0xFFFFE000  }
0x4d: {  	[spmem:s3] =	stream.indirect.scatter.add.f32 [tilespmem:s19], [sflag:$0x3], $0x40, s16, s22, $0xb8;
	[tilespmem:$0x1D000] =	vst v63  }
0x4e: {  	_ =	swait.ge [sflag:s25], $0x2000  }
0x4f: {  	[sflag:s25] =	ssyncset.done $0x0  }
0x50: {  	s26 =	simm.s32 $0x2880;
	[sflag:s25] =	ssyncadd.s32 $0xFFFFE000  }
0x51: {  	[spmem:s3] =	stream.indirect.scatter.add.f32 [tilespmem:s23], [sflag:$0x4], $0x40, s26, s22, $0xb8;
	[tilespmem:$0x1D000] =	vst v63  }
0x52: {  	_ =	swait.ge [sflag:s28], $0x2000  }
0x53: {  	[sflag:s28] =	ssyncset.done $0x0  }
0x54: {  	s1 =	simm.s32 $0xFFFF6800;
	[sflag:s28] =	ssyncadd.s32 $0xFFFFE000  }
0x55: {  	[tilespmem:s19], [sflag:$0x1] =	stream.indirect.gather [spmem:s2], $0x40, s29, s22, $0xb8;
	[tilespmem:$0x1D000] =	vst v63  }
.LBB2_4:
0x56: {  	_ =	swait.ge [sflag:s24], $0x2000  }
0x57: {  	s0 =	sshra.s32 s1, $0x2;
	[sflag:s24] =	ssyncset.done $0x0  }
0x58: {  	s26 =	sadd.s32 $0x4F00, s0;
	[sflag:s24] =	ssyncadd.s32 $0xFFFFE000  }
0x59: {  	[spmem:s3] =	stream.indirect.scatter.add.f32 [tilespmem:s19], [sflag:$0x3], $0x40, s26, s22, $0xb8;
	[tilespmem:$0x1D000] =	vst v63  }
0x5a: {  	_ =	swait.ge [sflag:s30], $0x2000  }
0x5b: {  	[sflag:s30] =	ssyncset.done $0x0  }
0x5c: {  	s26 =	sadd.s32 $0x2780, s0;
	[sflag:s30] =	ssyncadd.s32 $0xFFFFE000  }
0x5d: {  	[tilespmem:s23], [sflag:$0x2] =	stream.indirect.gather [spmem:s2], $0x40, s26, s22, $0xb8;
	[tilespmem:$0x1D000] =	vst v63  }
0x5e: {  	_ =	swait.ge [sflag:s25], $0x2000  }
0x5f: {  	p0 =	seq.s32 s1, $0x0;
	[sflag:s25] =	ssyncset.done $0x0  }
.Ltmp3:
0x60: {  	s26 =	sadd.s32 $0x4F80, s0;
	[sflag:s25] =	ssyncadd.s32 $0xFFFFE000;
	(pc) =	sbr.rel @p0 .LBB2_6-.Ltmp3, $4  }
0x61: {  	[spmem:s3] =	stream.indirect.scatter.add.f32 [tilespmem:s23], [sflag:$0x4], $0x40, s26, s22, $0xb8;
	[tilespmem:$0x1D000] =	vst v63  }
0x62: {  	_ =	swait.ge [sflag:s28], $0x2000  }
0x63: {  	[sflag:s28] =	ssyncset.done $0x0  }
0x64: {  	[sflag:s28] =	ssyncadd.s32 $0xFFFFE000  }
.Ltmp4:
0x65: {  	(pc) =	sbr.rel .LBB2_4-.Ltmp4, $3  }
0x66: {  	_ =	sdelay $0x1  }
0x67: {  	s0 =	sadd.s32 $0x2800, s0;
	s1 =	sadd.s32 $0x400, s1  }
0x68: {  	[tilespmem:s19], [sflag:$0x1] =	stream.indirect.gather [spmem:s2], $0x40, s0, s22, $0xb8;
	[tilespmem:$0x1D000] =	vst v63  }
.LBB2_7:
0x69: {  	_ =	sfence.sel $0x180000  }
0x6a: {  	[bflag:$0x0] =	sbarrier.arrive $0xFFFF  }
0x6b: {  	_ =	strace $0x90000050  }
0x6c: {  	s0 =	stileid.u32;
	[bflag:$0x2] =	sbarrier.arrive $0xFFFF  }
0x6d: {  	p0 =	sne.s32 s0, $0x0;
	s0 =	rddreg [dreg:$0x4]  }
0x6e: {  	s0 =	sadd.s32 @!p0 $0x100000, s0  }
0x6f: {  	[sflag:s0] =	ssyncadd.tile.s32 @!p0 $0x1;
	_ =	shalt  }
.Lfunc_end2:
_tile_overlayer_lowered:
.L_overlay_start_2:
0x70: {  	(tag) =	ssettag $0x2  }
0x71: {  	s0 =	rddreg [dreg:$0x0];
	s2 =	stileid.u32  }
0x72: {  	s1 =	rddreg [dreg:$0x1];
	p0 =	sne.s32 s2, $0x0  }
0x73: {  	s3 =	rddreg [dreg:$0x2];
	[bflag:$0x3] =	sbarrier.arrive $0xFFFF;
	s2 =	simm.s32 @!p0 $0x1C07  }
0x74: {  	[timem:s3], [sflag:s2] =	dma.local @!p0 [hbm:s0], s1  }
0x75: {  	s0 =	simm.s32 @!p0 $0x7  }
0x76: {  	_ =	swait.ge @!p0 [sflag:s0], s1  }
0x77: {  	s1 =	ssub.s32 @!p0 $0x0, s1;
	[sflag:s0] =	ssyncset.done @!p0 $0x0  }
0x78: {  	[sflag:s0] =	ssyncadd.s32 @!p0 s1  }
0x79: {  	[bflag:$0x3] =	sbarrier.arrive $0xFFFF  }
0x7a: {  	_ =	shalt  }

// kernel: kernel.26.cloned.1.call-start
scs
__scs_entry_jumppad:
0x0: {  	(pc) =	sbr.rel $0x88, $3  }
0x1: {  	(tag) =	ssettag $0x0;
	lr =	simm.s32 $0x1  }
0x2: {  	[smem:$0x3F95] =	sst lr;
	_ =	strace $0xD0000000  }
0x3: {  	_ = 	snop  }
0x4: {  	_ = 	snop  }
0x5: {  	_ = 	snop  }
0x6: {  	_ = 	snop  }
0x7: {  	_ = 	snop  }
__scs_overlays_trampoline_lowered:
0x8: {  	[smem:$0x3FA4] =	sst s0  }
0x9: {  	[smem:$0x3FA5] =	sst s1  }
0xa: {  	[smem:$0x3FA6] =	sst s2  }
0xb: {  	[smem:$0x3FA7] =	sst s3  }
0xc: {  	[smem:$0x3FA8] =	sst s4  }
0xd: {  	[smem:$0x3FA9] =	sst s5  }
0xe: {  	[smem:$0x3FAA] =	sst s6  }
0xf: {  	[smem:$0x3FAB] =	sst s7  }
0x10: {  	[smem:$0x3FAC] =	sst s8  }
0x11: {  	[smem:$0x3FAD] =	sst s9;
	s0 =	simm.s32 @!p0 $0x0  }
0x12: {  	s1 =	sld [smem:$0x3F93];
	s0 =	simm.s32 @p0 $0x1  }
0x13: {  	[smem:$0x3FAE] =	sst s0;
	s0 =	simm.s32 @!p1 $0x0  }
0x14: {  	s2 =	sld [smem:$0x3F92];
	s0 =	simm.s32 @p1 $0x1  }
0x15: {  	[smem:$0x3FAF] =	sst s0;
	s0 =	simm.s32 @!p2 $0x0  }
0x16: {  	s3 =	sld [smem:$0x3FDB];
	s0 =	simm.s32 @p2 $0x1  }
0x17: {  	s4 =	simm.s32 $0x1BF5;
	[smem:$0x3FB1] =	sst s0  }
0x18: {  	s0 =	sld [smem:$0x3F94];
	_ =	swait.ge [sflag:s4], $0x0  }
0x19: {  	s7 =	sld [smem:$0x3F95]  }
0x1a: {  	s8 =	sadd.s32 $0xFFFFE003, lr  }
0x1b: {  	s9 =	sadd.s32 $0xFFFFFEF7, lr;
	s5 =	simm.s32 $0xFFFFFFFF;
	p2 =	slt.u32 s8, $0xFFFFF086  }
0x1c: {  	p1 =	slt.u32 s9, $0xF7A;
	s5 =	simm.s32 @!p2 $0x0  }
0x1d: {  	s5 =	simm.s32 @p1 $0x1;
	p0 =	seq.s32 s7, s2  }
0x1e: {  	s7 =	smul.u32 @!p0 $0xF7A, s2;
	p2 =	seq.s32 @!p0 s5, $0x0  }
0x1f: {  	s9 =	smul.u32 $0xF7A, s1;
	s8 =	simm.s32 @!p0 $0x1BF5;
	p2 =	por !p2, p0  }
0x20: {  	[sflag:s8] =	ssyncset.s32 @!p0 $0xFFFFF086;
	s6 =	sadd.s32 @!p0 s3, s7;
	s7 =	simm.s32 @!p0 $0x108  }
0x21: {  	s3 =	sadd.s32 s3, s9;
	s6 =	sadd.s32 @!p0 $0x88, s6;
	s7 =	simm.s32 @p2 $0x1082  }
0x22: {  	[simem:s7], [sflag:s8] =	dma.local @!p0 [hbm:s6], $0xF7A  }
0x23: {  	s9 =	sor.u32 $0xD0000000, s2;
	s6 =	simm.s32 $0x108;
	_ =	swait.ge @!p0 [sflag:s8], $0x0  }
0x24: {  	s3 =	sadd.s32 $0x88, s3;
	s6 =	simm.s32 @!p1 $0x1082;
	[sflag:s4] =	ssyncset.s32 $0xFFFFF086  }
0x25: {  	[simem:s6], [sflag:s4] =	dma.local [hbm:s3], $0xF7A  }
0x26: {  	[smem:$0x3F95] =	sst s1;
	(tag) =	ssettag s2;
	_ =	strace s9  }
0x27: {  	s1 =	sld [smem:$0x3FA5]  }
0x28: {  	s2 =	sld [smem:$0x3FA6]  }
0x29: {  	s4 =	sld [smem:$0x3FA8]  }
0x2a: {  	p0 =	seq.s32 s5, $0x0;
	s5 =	sld [smem:$0x3FA9]  }
0x2b: {  	s6 =	sld [smem:$0x3FAA]  }
0x2c: {  	s7 =	sld [smem:$0x3FAB]  }
0x2d: {  	s3 =	simm.s32 $0x108;
	s8 =	sld [smem:$0x3FAC]  }
0x2e: {  	s3 =	simm.s32 @!p0 $0x1082;
	s9 =	sld [smem:$0x3FAD]  }
0x2f: {  	lr =	sadd.s32 s0, s3;
	s0 =	sld [smem:$0x3FA4]  }
0x30: {  	s3 =	sld [smem:$0x3FA7]  }
0x31: {  	[smem:$0x3FB0] =	sst s10  }
0x32: {  	s10 =	sld [smem:$0x3FAE];
	_ =	sdelay $0x3  }
0x33: {  	p0 =	seq.s32 s10, $0x1;
	s10 =	sld [smem:$0x3FB0];
	_ =	sdelay $0x3  }
0x34: {  	[smem:$0x3FB0] =	sst s10  }
0x35: {  	s10 =	sld [smem:$0x3FAF];
	_ =	sdelay $0x3  }
0x36: {  	p1 =	seq.s32 s10, $0x1;
	s10 =	sld [smem:$0x3FB0];
	_ =	sdelay $0x3  }
0x37: {  	[smem:$0x3FB0] =	sst s10  }
0x38: {  	s10 =	sld [smem:$0x3FB1]  }
0x39: {  	_ = 	snop;
	(pc) =	sbr.ind lr, $3  }
0x3a: {  	_ = 	snop  }
0x3b: {  	_ = 	snop  }
0x3c: {  	p2 =	seq.s32 s10, $0x1;
	s10 =	sld [smem:$0x3FB0]  }
0x3d: {  	_ =	shalt  }
0x3e: {  	_ =	shalt  }
0x3f: {  	_ =	shalt  }
0x40: {  	_ =	shalt  }
0x41: {  	_ =	shalt  }
0x42: {  	_ =	shalt  }
0x43: {  	_ =	shalt  }
0x44: {  	_ =	shalt  }
0x45: {  	_ =	shalt  }
0x46: {  	_ =	shalt  }
0x47: {  	_ =	shalt  }
0x48: {  	_ =	shalt  }
0x49: {  	_ =	shalt  }
0x4a: {  	_ =	shalt  }
0x4b: {  	_ =	shalt  }
0x4c: {  	_ =	shalt  }
0x4d: {  	_ =	shalt  }
0x4e: {  	_ =	shalt  }
0x4f: {  	_ =	shalt  }
0x50: {  	_ =	shalt  }
0x51: {  	_ =	shalt  }
0x52: {  	_ =	shalt  }
0x53: {  	_ =	shalt  }
0x54: {  	_ =	shalt  }
0x55: {  	_ =	shalt  }
0x56: {  	_ =	shalt  }
0x57: {  	_ =	shalt  }
0x58: {  	_ =	shalt  }
0x59: {  	_ =	shalt  }
0x5a: {  	_ =	shalt  }
0x5b: {  	_ =	shalt  }
0x5c: {  	_ =	shalt  }
0x5d: {  	_ =	shalt  }
0x5e: {  	_ =	shalt  }
0x5f: {  	_ =	shalt  }
0x60: {  	_ =	shalt  }
0x61: {  	_ =	shalt  }
0x62: {  	_ =	shalt  }
0x63: {  	_ =	shalt  }
0x64: {  	_ =	shalt  }
0x65: {  	_ =	shalt  }
0x66: {  	_ =	shalt  }
0x67: {  	_ =	shalt  }
0x68: {  	_ =	shalt  }
0x69: {  	_ =	shalt  }
0x6a: {  	_ =	shalt  }
0x6b: {  	_ =	shalt  }
0x6c: {  	_ =	shalt  }
0x6d: {  	_ =	shalt  }
0x6e: {  	_ =	shalt  }
0x6f: {  	_ =	shalt  }
0x70: {  	_ =	shalt  }
0x71: {  	_ =	shalt  }
0x72: {  	_ =	shalt  }
0x73: {  	_ =	shalt  }
0x74: {  	_ =	shalt  }
0x75: {  	_ =	shalt  }
0x76: {  	_ =	shalt  }
0x77: {  	_ =	shalt  }
0x78: {  	_ =	shalt  }
0x79: {  	_ =	shalt  }
0x7a: {  	_ =	shalt  }
0x7b: {  	_ =	shalt  }
0x7c: {  	_ =	shalt  }
0x7d: {  	_ =	shalt  }
0x7e: {  	_ =	shalt  }
0x7f: {  	_ =	shalt  }
0x80: {  	_ =	shalt  }
0x81: {  	_ =	shalt  }
0x82: {  	_ =	shalt  }
0x83: {  	_ =	shalt  }
0x84: {  	_ =	shalt  }
0x85: {  	_ =	shalt  }
0x86: {  	_ =	shalt  }
0x87: {  	_ =	shalt  }
.Lfunc_end0:
.L_simem_size_0:
called_computation.4_lowered:
.L_overlay_start_0:
0x88: {  	s2 =	sld [smem:$0x3FD9]  }
0x89: {  	s3 =	sld [smem:$0x3FFE];
	_ =	sdelay $0x1  }
0x8a: {  	s1 =	srdreg.scid  }
0x8b: {  	s0 =	sand.u32 $0x1, s1  }
0x8c: {  	s14 =	sshll.u32 s0, $0xA;
	s2 =	sadd.s32 s3, s2  }
0x8d: {  	s2 =	sadd.s32 s2, s14  }
0x8e: {  	[smem:$0x3FBC] =	sst s2  }
0x8f: {  	_ = 	snop  }
0x90: {  	s2 =	sld [smem:$0x3FD0];
	_ =	sdelay $0x2  }
0x91: {  	s15 =	simm.s32 $0xA;
	s4 =	simm.s32 $0x10  }
0x92: {  	[smem:s4], [sflag:s15] =	dma.local [hbm:s2], $0x1  }
0x93: {  	_ =	swait.eq [sflag:s15], $0x1  }
0x94: {  	[sflag:s15] =	ssyncset.done $0x0  }
0x95: {  	[sflag:s15] =	ssyncadd.s32 $0xFFFFFFFF  }
0x96: {  	s16 =	sld [smem:$0x10];
	(tm) =	ssettm $0x1  }
0x97: {  	s17 =	sld [smem:$0x3FFB];
	_ =	sdelay $0x3  }
0x98: {  	_ =	strace s17  }
0x99: {  	s3 =	sld [smem:$0x3FFC];
	_ =	sdelay $0x3  }
0x9a: {  	_ =	strace s3  }
0x9b: {  	s3 =	sld [smem:$0x3FFD];
	_ =	sdelay $0x3  }
0x9c: {  	_ =	strace s3  }
0x9d: {  	_ =	strace $0x8FFFFFFF  }
0x9e: {  	s18 =	sld [smem:$0x3FDB];
	_ =	sdelay $0x1  }
0x9f: {  	s19 =	simm.s32 $_scs_section_size  }
0xa0: {  	s5 =	simm.s32 $_size__tile_overlayer_lowered;
	s6 =	simm.s32 $_tile_overlayer_lowered  }
0xa1: {  	s22 =	simm.s32 $0x1BFF;
	s21 =	sshll.u32 s6, $0x1;
	s3 =	sadd.s32 s19, s18  }
0xa2: {  	s7 =	simm.s32 $0x0;
	s20 =	sshll.u32 s5, $0x1;
	s5 =	sadd.s32 s21, s3  }
0xa3: {  	[timem:s7], [sflag:s22] =	dma.local [hbm:s5], s20  }
0xa4: {  	_ =	swait.ge [sflag:s22], s20  }
0xa5: {  	s4 =	ssub.s32 $0x0, s20;
	[sflag:s22] =	ssyncset.done $0x0  }
0xa6: {  	[sflag:s22] =	ssyncadd.s32 s4;
	_ =	sdelay $0x1  }
0xa7: {  	s23 =	simm.s32 $0x1B8B  }
0xa8: {  	_ =	swait.ge [sflag:s23], $0x1  }
0xa9: {  	[sflag:s23] =	ssyncset.done $0x0  }
0xaa: {  	s25 =	simm.s32 $0x1B8E;
	s24 =	sld [smem:$0x3FFE];
	[sflag:s23] =	ssyncadd.s32 $0xFFFFFFFF  }
0xab: {  	s26 =	simm.s32 $execute0_lowered;
	[smem:$0x3FD2] =	sst s25  }
0xac: {  	s5 =	sshll.u32 s26, $0x1;
	_ =	strace $0x80000052;
	[dreg:$0x1] =	wrdreg $0xFFFFFFFF  }
0xad: {  	s28 =	simm.s32 $_size_execute0_lowered;
	s3 =	sadd.s32 s3, s5;
	[dreg:$0x0] =	wrdreg $0x0  }
0xae: {  	s5 =	sshll.u32 s28, $0x1;
	[dreg:$0x2] =	wrdreg s3  }
0xaf: {  	[dreg:$0x3] =	wrdreg s5  }
0xb0: {  	[dreg:$0x4] =	wrdreg $0xC0  }
0xb1: {  	_ =	task [dreg:s7], $0x5FFFF  }
0xb2: {  	[dreg:$0x1] =	wrdreg $0xFFFFFFFF  }
0xb3: {  	[dreg:$0x0] =	wrdreg $0x60  }
0xb4: {  	[dreg:$0x2] =	wrdreg s16  }
0xb5: {  	[dreg:$0x3] =	wrdreg s24  }
0xb6: {  	[dreg:$0x4] =	wrdreg $0x130000  }
0xb7: {  	[dreg:$0x5] =	wrdreg $0x90000  }
0xb8: {  	[dreg:$0x6] =	wrdreg $0x9  }
0xb9: {  	_ =	task.clear_ibuf [dreg:s7], $0x7FFFF;
	_ =	strace $0x90000052  }
0xba: {  	s29 =	simm.s32 $0x9;
	_ =	strace $0x80000054  }
0xbb: {  	_ =	swait.ge [sflag:s29], $0x1  }
0xbc: {  	[sflag:s29] =	ssyncadd.s32 $0xFFFFFFFF  }
0xbd: {  	_ =	strace $0x90000054  }
0xbe: {  	_ =	sfence  }
0xbf: {  	s30 =	sld [smem:$0x0];
	_ =	sdelay $0x2  }
0xc0: {  	s31 =	sshll.u32 s1, $0xD;
	s1 =	sshrl.u32 s1, $0x2  }
0xc1: {  	s3 =	sand.u32 $0x4000, s31;
	s1 =	sadd.s32 s1, s30  }
0xc2: {  	s0 =	sor.u32 s3, s0;
	s1 =	sshll.u32 s1, $0x11  }
0xc3: {  	s0 =	sor.u32 s1, s0  }
0xc4: {  	s0 =	sadd.s32 $0x8F2B, s0  }
0xc5: {  	[sflag:s0] =	ssyncadd.remote.s32 $0x1  }
0xc6: {  	_ =	sfence.sel $0xFFFF  }
0xc7: {  	[dreg:$0x0] =	wrdreg $0xFFFFFFFF;
	(pc) =	sbr.abs _section_cstart, $3  }
0xc8: {  	[dreg:$0x1] =	wrdreg $0xFFFFFFFF  }
0xc9: {  	_ =	task.clear_ibuf [dreg:s7], $0x2FFFF;
	_ =	strace $0x9FFFFFFF  }
0xca: {  	(tm) =	ssettm $0x7FFFFFFF  }
0xcb: {  	_ =	shalt  }
tec
execute0_lowered:
.L_overlay_start_1:
0x0: {  	(tag) =	ssettag $0x1  }
0x1: {  	s0 =	rddreg [dreg:$0x0]  }
0x2: {  	s1 =	rddreg [dreg:$0x1];
	s3 =	srdreg.scid  }
0x3: {  	s10 =	stileid.u32;
	s2 =	rddreg [dreg:$0x2];
	s4 =	simm.s32 $0x0  }
0x4: {  	s16 =	simm.s32 $0x2800;
	s18 =	simm.s32 $0x7;
	s19 =	simm.s32 $0x5000  }
0x5: {  	s20 =	simm.s32 $0x5;
	s21 =	simm.s32 $0x6;
	s28 =	simm.s32 $0x3  }
0x6: {  	s29 =	simm.s32 $0x100;
	s30 =	simm.s32 $0x4;
	s31 =	simm.s32 $0x0  }
0x7: {  	s5 =	sand.u32 $0x1, s3;
	s9 =	smul.u32 $0xA000, s10;
	s3 =	rddreg [dreg:$0x3]  }
0x8: {  	[smem:$0x7FF] =	sst s4;
	s8 =	smul.u32 $0x28000, s10;
	s24 =	sshll.u32 s10, $0x6  }
0x9: {  	s6 =	sshll.u32 s5, $0x4;
	s7 =	smul.u32 $0xA0000, s5;
	s5 =	ssub.s32 $0x2, s5  }
0xa: {  	_ =	strace $0x80000053;
	s6 =	sor.u32 s10, s6;
	s22 =	sshrl.u32 s5, $0x1  }
0xb: {  	s17 =	sadd.s32 s9, s2;
	s23 =	sshrl.u32 s9, $0x3;
	s25 =	sshrl.u32 s8, $0x2  }
0xc: {  	s8 =	sor.u32 $0x1C07, s24;
	s24 =	simm.s32 $0x1;
	s6 =	smul.u32 $0x500, s6  }
0xd: {  	s7 =	sadd.s32 s9, s7;
	s15 =	ssub.s32 s5, s22;
	s9 =	sadd.s32 s9, s3  }
0xe: {  	s26 =	sadd.s32 s25, s3;
	s17 =	sshrl.u32 s17, $0x3;
	s22 =	simm.s32 $0x80  }
.Ltmp0:
0xf: {  	s25 =	simm.s32 $0x2;
	s7 =	sshrl.u32 s7, $0x3;
	(pc) =	sbr.rel .LBB2_1-.Ltmp0, $4  }
0x10: {  	s10 =	sadd.s32 $0x2000, s26;
	s11 =	sadd.s32 $0x4000, s26;
	s12 =	sadd.s32 $0x6000, s26  }
0x11: {  	s13 =	sadd.s32 $0x8000, s26;
	s15 =	smax.u32 s15, $0x1;
	s6 =	sadd.s32 s6, s1  }
0x12: {  	s1 =	sadd.s32 s7, s1;
	s7 =	sadd.s32 s0, s23;
	s23 =	simm.s32 $0x7000  }
0x13: {  	v0 =	vimm.f32 $0.0e+00;
	s5 =	sadd.s32 $0xCC00, s6;
	s6 =	sadd.s32 $0x2C00, s6;
	s14 =	sadd.s32 $0x16C00, s1  }
.LBB2_6:
0x14: {  	_ =	swait.ge [sflag:s30], $0x2000  }
0x15: {  	s31 =	sadd.s32 $0x1, s31;
	[sflag:s30] =	ssyncset.done $0x0  }
0x16: {  	p0 =	sne.s32 s31, s15;
	[sflag:s30] =	ssyncadd.s32 $0xFFFFE000  }
.Ltmp1:
0x17: {  	s0 =	sshrl.u32 s9, $0x3;
	[bflag:$0x0] =	sbarrier.arrive $0xFFFF;
	(pc) =	sbr.rel @!p0 .LBB2_7-.Ltmp1, $4  }
0x18: {  	[hbm:s14], [sflag:s8] =	dma.local [spmem:s0], $0x1400  }
0x19: {  	_ =	swait.ge [sflag:s18], $0x1400  }
0x1a: {  	[sflag:s18] =	ssyncset.done $0x0  }
0x1b: {  	[sflag:s18] =	ssyncadd.s32 $0xFFFFEC00  }
.LBB2_1:
0x1c: {  	[tilespmem:s4], [sflag:$0x5] =	stream.linear.gather [hbm4b:s5+s4], $0x2800, $0x38;
	[tilespmem:$0x1D000] =	vst v63  }
0x1d: {  	s1 =	simm.s32 $0x100;
	s0 =	simm.s32 $0x0  }
0x1e: {  	[tilespmem:s16], [sflag:$0x6] =	stream.linear.gather [hbm4b:s6+s4], $0x2800, $0x38;
	[tilespmem:$0x1D000] =	vst v63  }
.LBB2_2:
0x1f: {  	p0 =	sne.s32 s1, $0x7F00;
	[tilespmem:s0+$0x5030] =	vst v0;
	s26 =	smov.u32 s1;
	s1 =	sadd.s32 $0x100, s1  }
.Ltmp2:
0x20: {  	[tilespmem:s0+$0x5020] =	vst v0;
	(pc) =	sbr.rel @p0 .LBB2_2-.Ltmp2, $3  }
0x21: {  	[tilespmem:s0+$0x5000] =	vst v0  }
0x22: {  	[tilespmem:s0+$0x5010] =	vst v0;
	_ =	sdelay $0x1  }
0x23: {  	s0 =	sshra.s32 s26, $0x2  }
0x24: {  	[tilespmem:s0+$0x5030] =	vst v0  }
0x25: {  	[tilespmem:s0+$0x5020] =	vst v0  }
0x26: {  	[tilespmem:s0+$0x5000] =	vst v0  }
0x27: {  	[tilespmem:s0+$0x5010] =	vst v0  }
0x28: {  	[spmem:s17], [sflag:s8] =	dma.local [hbm:s7], $0x1400  }
0x29: {  	_ =	swait.ge [sflag:s18], $0x1400  }
0x2a: {  	[sflag:s18] =	ssyncset.done $0x0  }
0x2b: {  	[sflag:s18] =	ssyncadd.s32 $0xFFFFEC00  }
0x2c: {  	[spmem:s9] =	stream.linear.scatter [tilespmem:s19], [sflag:$0x7], $0x2000, $0x38;
	[tilespmem:$0x1D000] =	vst v63  }
0x2d: {  	_ =	swait.ge [sflag:s18], $0x2000  }
0x2e: {  	[sflag:s18] =	ssyncset.done $0x0  }
0x2f: {  	[sflag:s18] =	ssyncadd.s32 $0xFFFFE000  }
0x30: {  	[spmem:s10] =	stream.linear.scatter [tilespmem:s19], [sflag:$0x7], $0x2000, $0x38;
	[tilespmem:$0x1D000] =	vst v63  }
0x31: {  	_ =	swait.ge [sflag:s18], $0x2000  }
0x32: {  	[sflag:s18] =	ssyncset.done $0x0  }
0x33: {  	[sflag:s18] =	ssyncadd.s32 $0xFFFFE000  }
0x34: {  	[spmem:s11] =	stream.linear.scatter [tilespmem:s19], [sflag:$0x7], $0x2000, $0x38;
	[tilespmem:$0x1D000] =	vst v63  }
0x35: {  	_ =	swait.ge [sflag:s18], $0x2000  }
0x36: {  	[sflag:s18] =	ssyncset.done $0x0  }
0x37: {  	[sflag:s18] =	ssyncadd.s32 $0xFFFFE000  }
0x38: {  	[spmem:s12] =	stream.linear.scatter [tilespmem:s19], [sflag:$0x7], $0x2000, $0x38;
	[tilespmem:$0x1D000] =	vst v63  }
0x39: {  	_ =	swait.ge [sflag:s18], $0x2000  }
0x3a: {  	[sflag:s18] =	ssyncset.done $0x0  }
0x3b: {  	[sflag:s18] =	ssyncadd.s32 $0xFFFFE000  }
0x3c: {  	[spmem:s13] =	stream.linear.scatter [tilespmem:s19], [sflag:$0x7], $0x2000, $0x38;
	[tilespmem:$0x1D000] =	vst v63  }
0x3d: {  	_ =	swait.ge [sflag:s18], $0x2000  }
0x3e: {  	[sflag:s18] =	ssyncset.done $0x0  }
0x3f: {  	[sflag:s18] =	ssyncadd.s32 $0xFFFFE000  }
0x40: {  	_ =	swait.ge [sflag:s20], $0x2800  }
0x41: {  	[sflag:s20] =	ssyncset.done $0x0  }
0x42: {  	[sflag:s20] =	ssyncadd.s32 $0xFFFFD800  }
0x43: {  	_ =	swait.ge [sflag:s21], $0x2800  }
0x44: {  	[sflag:s21] =	ssyncset.done $0x0  }
0x45: {  	[sflag:s21] =	ssyncadd.s32 $0xFFFFD800  }
0x46: {  	[bflag:$0x0] =	sbarrier.arrive $0xFFFF  }
0x47: {  	[tilespmem:s19], [sflag:$0x1] =	stream.indirect.gather [spmem:s2], $0x40, s4, s22, $0xb8;
	[tilespmem:$0x1D000] =	vst v63  }
0x48: {  	_ = 	snop  }
0x49: {  	[tilespmem:s23], [sflag:$0x2] =	stream.indirect.gather [spmem:s2], $0x40, s22, s22, $0xb8;
	[tilespmem:$0x1D000] =	vst v63  }
0x4a: {  	_ =	swait.ge [sflag:s24], $0x2000  }
0x4b: {  	[sflag:s24] =	ssyncset.done $0x0  }
0x4c: {  	[sflag:s24] =	ssyncadd.s32 $0xFFFFE000  }
0x4d: {  	[spmem:s3] =	stream.indirect.scatter.add.f32 [tilespmem:s19], [sflag:$0x3], $0x40, s16, s22, $0xb8;
	[tilespmem:$0x1D000] =	vst v63  }
0x4e: {  	_ =	swait.ge [sflag:s25], $0x2000  }
0x4f: {  	[sflag:s25] =	ssyncset.done $0x0  }
0x50: {  	s26 =	simm.s32 $0x2880;
	[sflag:s25] =	ssyncadd.s32 $0xFFFFE000  }
0x51: {  	[spmem:s3] =	stream.indirect.scatter.add.f32 [tilespmem:s23], [sflag:$0x4], $0x40, s26, s22, $0xb8;
	[tilespmem:$0x1D000] =	vst v63  }
0x52: {  	_ =	swait.ge [sflag:s28], $0x2000  }
0x53: {  	[sflag:s28] =	ssyncset.done $0x0  }
0x54: {  	s1 =	simm.s32 $0xFFFF6800;
	[sflag:s28] =	ssyncadd.s32 $0xFFFFE000  }
0x55: {  	[tilespmem:s19], [sflag:$0x1] =	stream.indirect.gather [spmem:s2], $0x40, s29, s22, $0xb8;
	[tilespmem:$0x1D000] =	vst v63  }
.LBB2_4:
0x56: {  	_ =	swait.ge [sflag:s24], $0x2000  }
0x57: {  	s0 =	sshra.s32 s1, $0x2;
	[sflag:s24] =	ssyncset.done $0x0  }
0x58: {  	s26 =	sadd.s32 $0x4F00, s0;
	[sflag:s24] =	ssyncadd.s32 $0xFFFFE000  }
0x59: {  	[spmem:s3] =	stream.indirect.scatter.add.f32 [tilespmem:s19], [sflag:$0x3], $0x40, s26, s22, $0xb8;
	[tilespmem:$0x1D000] =	vst v63  }
0x5a: {  	_ =	swait.ge [sflag:s30], $0x2000  }
0x5b: {  	[sflag:s30] =	ssyncset.done $0x0  }
0x5c: {  	s26 =	sadd.s32 $0x2780, s0;
	[sflag:s30] =	ssyncadd.s32 $0xFFFFE000  }
0x5d: {  	[tilespmem:s23], [sflag:$0x2] =	stream.indirect.gather [spmem:s2], $0x40, s26, s22, $0xb8;
	[tilespmem:$0x1D000] =	vst v63  }
0x5e: {  	_ =	swait.ge [sflag:s25], $0x2000  }
0x5f: {  	p0 =	seq.s32 s1, $0x0;
	[sflag:s25] =	ssyncset.done $0x0  }
.Ltmp3:
0x60: {  	s26 =	sadd.s32 $0x4F80, s0;
	[sflag:s25] =	ssyncadd.s32 $0xFFFFE000;
	(pc) =	sbr.rel @p0 .LBB2_6-.Ltmp3, $4  }
0x61: {  	[spmem:s3] =	stream.indirect.scatter.add.f32 [tilespmem:s23], [sflag:$0x4], $0x40, s26, s22, $0xb8;
	[tilespmem:$0x1D000] =	vst v63  }
0x62: {  	_ =	swait.ge [sflag:s28], $0x2000  }
0x63: {  	[sflag:s28] =	ssyncset.done $0x0  }
0x64: {  	[sflag:s28] =	ssyncadd.s32 $0xFFFFE000  }
.Ltmp4:
0x65: {  	(pc) =	sbr.rel .LBB2_4-.Ltmp4, $3  }
0x66: {  	_ =	sdelay $0x1  }
0x67: {  	s0 =	sadd.s32 $0x2800, s0;
	s1 =	sadd.s32 $0x400, s1  }
0x68: {  	[tilespmem:s19], [sflag:$0x1] =	stream.indirect.gather [spmem:s2], $0x40, s0, s22, $0xb8;
	[tilespmem:$0x1D000] =	vst v63  }
.LBB2_7:
0x69: {  	_ =	sfence.sel $0x180000  }
0x6a: {  	[bflag:$0x0] =	sbarrier.arrive $0xFFFF  }
0x6b: {  	_ =	strace $0x90000053  }
0x6c: {  	s0 =	stileid.u32;
	[bflag:$0x2] =	sbarrier.arrive $0xFFFF  }
0x6d: {  	p0 =	sne.s32 s0, $0x0;
	s0 =	rddreg [dreg:$0x4]  }
0x6e: {  	s0 =	sadd.s32 @!p0 $0x100000, s0  }
0x6f: {  	[sflag:s0] =	ssyncadd.tile.s32 @!p0 $0x1;
	_ =	shalt  }
.Lfunc_end2:
_tile_overlayer_lowered:
.L_overlay_start_2:
0x70: {  	(tag) =	ssettag $0x2  }
0x71: {  	s0 =	rddreg [dreg:$0x0];
	s2 =	stileid.u32  }
0x72: {  	s1 =	rddreg [dreg:$0x1];
	p0 =	sne.s32 s2, $0x0  }
0x73: {  	s3 =	rddreg [dreg:$0x2];
	[bflag:$0x3] =	sbarrier.arrive $0xFFFF;
	s2 =	simm.s32 @!p0 $0x1C07  }
0x74: {  	[timem:s3], [sflag:s2] =	dma.local @!p0 [hbm:s0], s1  }
0x75: {  	s0 =	simm.s32 @!p0 $0x7  }
0x76: {  	_ =	swait.ge @!p0 [sflag:s0], s1  }
0x77: {  	s1 =	ssub.s32 @!p0 $0x0, s1;
	[sflag:s0] =	ssyncset.done @!p0 $0x0  }
0x78: {  	[sflag:s0] =	ssyncadd.s32 @!p0 s1  }
0x79: {  	[bflag:$0x3] =	sbarrier.arrive $0xFFFF  }
0x7a: {  	_ =	shalt  }

</sc_bundles>
